<compile_context>
chip_gen: v7x
topology: tpu7x:2x2x1
jax: 0.10.2.dev20260603
libtpu: 0.0.44.dev20260713+nightly
codegen_flags: <defaults>
</compile_context>

<pallas_src>
import functools

import jax
import jax.numpy as jnp
from jax import lax
from jax.experimental import pallas as pl
from jax.experimental.pallas import tpu as pltpu
from jax.experimental.pallas import tpu_sc as plsc

OUT = 32
BIG = 3.0e38
ROW_BLK = 2000

NC, NS, L = 2, 16, 16
NW = NC * NS
MAXR = 6800
EDGE_CHUNK = 2400


def _embed_body(x_ref, w_ref, b_ref, o_ref):
    y = jnp.dot(x_ref[...], w_ref[...], preferred_element_type=jnp.float32)
    y = y + b_ref[...]
    o_ref[...] = jnp.maximum(y, 0.01 * y)


def _embed_body2(x_ref, w_ref, b_ref, o_ref, o16_ref):
    y = jnp.dot(x_ref[...], w_ref[...], preferred_element_type=jnp.float32)
    y = y + b_ref[...]
    y = jnp.maximum(y, 0.01 * y)
    o_ref[...] = y
    o16_ref[...] = y.astype(jnp.bfloat16)


def _embed(x, W, b, want_bf16=False):
    n, k = x.shape
    kp = 8
    x = jnp.pad(x, ((0, 0), (0, kp - k)))
    W = jnp.pad(W, ((0, kp - k), (0, 0)))
    grid = n // ROW_BLK
    blk = pl.BlockSpec((ROW_BLK, OUT), lambda i: (i, 0))
    in_specs = [
        pl.BlockSpec((ROW_BLK, kp), lambda i: (i, 0)),
        pl.BlockSpec((kp, OUT), lambda i: (0, 0)),
        pl.BlockSpec((1, OUT), lambda i: (0, 0)),
    ]
    if not want_bf16:
        return pl.pallas_call(
            _embed_body,
            grid=(grid,),
            in_specs=in_specs,
            out_specs=blk,
            out_shape=jax.ShapeDtypeStruct((n, OUT), jnp.float32),
        )(x, W, b.reshape(1, OUT))
    return pl.pallas_call(
        _embed_body2,
        grid=(grid,),
        in_specs=in_specs,
        out_specs=(blk, blk),
        out_shape=(jax.ShapeDtypeStruct((n, OUT), jnp.float32),
                   jax.ShapeDtypeStruct((n, OUT), jnp.bfloat16)),
    )(x, W, b.reshape(1, OUT))


def _fin_y(xd, m_ref, w1_ref, w2_ref, b_ref):
    m = m_ref[...].astype(jnp.float32)
    flag = m[:, 0:1] < 1e38
    mx = jnp.where(flag, xd - m, 0.0)
    y = jnp.dot(xd, w1_ref[...], preferred_element_type=jnp.float32)
    y = y + jnp.dot(mx, w2_ref[...], preferred_element_type=jnp.float32)
    y = y + b_ref[...]
    return jnp.maximum(y, 0.01 * y)


def _finalize_body(xd_ref, m_ref, w1_ref, w2_ref, b_ref, o_ref):
    xd = xd_ref[...]
    o_ref[...] = xd + _fin_y(xd, m_ref, w1_ref, w2_ref, b_ref)


def _finalize_body2(xd_ref, m_ref, w1_ref, w2_ref, b_ref, o_ref, o16_ref):
    xd = xd_ref[...]
    o = xd + _fin_y(xd, m_ref, w1_ref, w2_ref, b_ref)
    o_ref[...] = o
    o16_ref[...] = o.astype(jnp.bfloat16)


def _finalize(x_dst, m, W, b, want_bf16=False):
    n = x_dst.shape[0]
    grid = n // ROW_BLK
    blk = pl.BlockSpec((ROW_BLK, OUT), lambda i: (i, 0))
    in_specs = [
        blk,
        blk,
        pl.BlockSpec((OUT, OUT), lambda i: (0, 0)),
        pl.BlockSpec((OUT, OUT), lambda i: (0, 0)),
        pl.BlockSpec((1, OUT), lambda i: (0, 0)),
    ]
    args = (x_dst, m, W[:OUT], W[OUT:], b.reshape(1, OUT))
    if not want_bf16:
        return pl.pallas_call(
            _finalize_body,
            grid=(grid,),
            in_specs=in_specs,
            out_specs=blk,
            out_shape=jax.ShapeDtypeStruct((n, OUT), jnp.float32),
        )(*args)
    return pl.pallas_call(
        _finalize_body2,
        grid=(grid,),
        in_specs=in_specs,
        out_specs=(blk, blk),
        out_shape=(jax.ShapeDtypeStruct((n, OUT), jnp.float32),
                   jax.ShapeDtypeStruct((n, OUT), jnp.bfloat16)),
    )(*args)


@functools.partial(jax.jit, static_argnums=(3,))
def _segmin_sc_call(x_src, src, dst, n_dst):
    m_edges = src.shape[0]
    npass = -(-n_dst // (NW * MAXR))
    R = -(-n_dst // (NW * npass))
    R = -(-R // 8) * 8
    npad = NW * npass * R
    C = EDGE_CHUNK
    nchunk = -(-m_edges // C)
    if nchunk % 2:
        nchunk += 1
    if nchunk * C != m_edges:
        pad = nchunk * C - m_edges
        src = jnp.concatenate([src, jnp.zeros((pad,), jnp.int32)])
        dst = jnp.concatenate([dst, jnp.full((pad,), npad, jnp.int32)])
    npair = nchunk // 2

    mesh = plsc.VectorSubcoreMesh(core_axis_name="c", subcore_axis_name="s")

    def body(xsrc, srch, dsth, outh,
             accf, dstvA, srcvA, dstvB, srcvB, dlocA, sselA, dlocB, sselB,
             idx0, idx1, idx2, idx3, rows0, rows1, rows2, rows3,
             semA, semB, semg0, semg1, semg2, semg3):
        cix = lax.axis_index("c")
        six = lax.axis_index("s")
        wid = six * NC + cix

        def load_chunk(ci, dv, sv, sem):
            pltpu.async_copy(dsth.at[pl.ds(ci * C, C)], dv, sem)
            pltpu.async_copy(srch.at[pl.ds(ci * C, C)], sv, sem)

        def wait_chunk(ci, dv, sv, sem):
            pltpu.make_async_copy(dsth.at[pl.ds(ci * C, C)], dv, sem).wait()
            pltpu.make_async_copy(srch.at[pl.ds(ci * C, C)], sv, sem).wait()

        def start_gather(ssel, j, idxr, rowsr, semg):
            idxr[pl.ds(0, L)] = ssel[pl.ds(j * L, L)]
            pltpu.async_copy(xsrc.at[idxr], rowsr, semg)

        def wait_gather(idxr, rowsr, semg):
            pltpu.make_async_copy(xsrc.at[idxr], rowsr, semg).wait()

        def accum(dloc, j, rowsr):
            dlv = dloc[pl.ds(j * L, L)]
            for e in range(L):
                dle = dlv[e]
                g = rowsr[e, pl.ds(0, OUT)]
                accf[dle, pl.ds(0, OUT)] = jnp.minimum(accf[dle, pl.ds(0, OUT)], g)

        bufs = ((idx0, rows0, semg0), (idx1, rows1, semg1),
                (idx2, rows2, semg2), (idx3, rows3, semg3))

        def pass_body(p, _):
            rowbase = (wid * npass + p) * R
            load_chunk(0, dstvA, srcvA, semA)

            def init_body(i, _):
                big = jnp.full((OUT,), BIG, jnp.bfloat16)
                for q in range(4):
                    accf[4 * i + q, pl.ds(0, OUT)] = big
                return 0

            lax.fori_loop(0, (R + 8) // 4, init_body, 0)

            def scanph(dv, sv, dloc, ssel):
                def group_body(g2, cnt):
                    for u in range(2):
                        g = 2 * g2 + u
                        d = dv[pl.ds(g * L, L)]
                        sidx = sv[pl.ds(g * L, L)]
                        dl = d - rowbase
                        mask = (dl >= 0) & (dl < R)
                        plsc.store_compressed(dloc.at[pl.ds(cnt, L)], dl, mask=mask)
                        plsc.store_compressed(ssel.at[pl.ds(cnt, L)], sidx, mask=mask)
                        cnt = cnt + plsc.all_reduce_population_count(mask)[0]
                    return cnt

                cnt = lax.fori_loop(0, C // L // 2, group_body, 0)
                full_true = jnp.ones((L,), jnp.bool_)
                plsc.store_compressed(dloc.at[pl.ds(cnt, L)],
                                      jnp.full((L,), R, jnp.int32), mask=full_true)
                plsc.store_compressed(ssel.at[pl.ds(cnt, L)],
                                      jnp.zeros((L,), jnp.int32), mask=full_true)
                return (cnt + (L - 1)) // L

            def drain(dloc, ssel, ngr):
                def quad_body(tq, _):
                    for q in range(4):
                        j = 4 * tq + q

                        @pl.when(j < ngr)
                        def _(j=j, q=q):
                            idxr, rowsr, semg = bufs[q]
                            wait_gather(idxr, rowsr, semg)
                            accum(dloc, j, rowsr)

                            @pl.when(j + 4 < ngr)
                            def _(j=j, q=q):
                                start_gather(ssel, j + 4, *bufs[q])

                    return 0

                lax.fori_loop(0, (ngr + 3) // 4, quad_body, 0)

            def fire_first(ssel, ngr):
                for q in range(4):

                    @pl.when(q < ngr)
                    def _(q=q):
                        start_gather(ssel, q, *bufs[q])

            load_chunk(1, dstvB, srcvB, semB)
            wait_chunk(0, dstvA, srcvA, semA)
            ngrA0 = scanph(dstvA, srcvA, dlocA, sselA)
            fire_first(sselA, ngrA0)

            def pipe_body(t, ngrA):
                ci1 = 2 * t + 1
                wait_chunk(ci1, dstvB, srcvB, semB)

                @pl.when(ci1 + 1 < nchunk)
                def _():
                    load_chunk(ci1 + 1, dstvA, srcvA, semA)

                ngrB = scanph(dstvB, srcvB, dlocB, sselB)
                drain(dlocA, sselA, ngrA)
                fire_first(sselB, ngrB)

                @pl.when(ci1 + 2 < nchunk)
                def _():
                    load_chunk(ci1 + 2, dstvB, srcvB, semB)

                def scan_next():
                    wait_chunk(ci1 + 1, dstvA, srcvA, semA)
                    return scanph(dstvA, srcvA, dlocA, sselA)

                ngrA2 = lax.cond(ci1 + 1 < nchunk, scan_next, lambda: 0)
                drain(dlocB, sselB, ngrB)

                @pl.when(ci1 + 1 < nchunk)
                def _():
                    fire_first(sselA, ngrA2)

                return ngrA2

            lax.fori_loop(0, npair, pipe_body, ngrA0)
            pltpu.sync_copy(accf.at[pl.ds(0, R)], outh.at[pl.ds(rowbase, R)])
            return 0

        lax.fori_loop(0, npass, pass_body, 0)

    f = pl.kernel(
        body,
        out_type=jax.ShapeDtypeStruct((npad, OUT), jnp.bfloat16),
        mesh=mesh,
        scratch_types=[
            pltpu.VMEM((R + 8, OUT), jnp.bfloat16),
            pltpu.VMEM((C,), jnp.int32),
            pltpu.VMEM((C,), jnp.int32),
            pltpu.VMEM((C,), jnp.int32),
            pltpu.VMEM((C,), jnp.int32),
            pltpu.VMEM((C + L,), jnp.int32),
            pltpu.VMEM((C + L,), jnp.int32),
            pltpu.VMEM((C + L,), jnp.int32),
            pltpu.VMEM((C + L,), jnp.int32),
            pltpu.VMEM((L,), jnp.int32),
            pltpu.VMEM((L,), jnp.int32),
            pltpu.VMEM((L,), jnp.int32),
            pltpu.VMEM((L,), jnp.int32),
            pltpu.VMEM((L, OUT), jnp.bfloat16),
            pltpu.VMEM((L, OUT), jnp.bfloat16),
            pltpu.VMEM((L, OUT), jnp.bfloat16),
            pltpu.VMEM((L, OUT), jnp.bfloat16),
            pltpu.SemaphoreType.DMA,
            pltpu.SemaphoreType.DMA,
            pltpu.SemaphoreType.DMA,
            pltpu.SemaphoreType.DMA,
            pltpu.SemaphoreType.DMA,
            pltpu.SemaphoreType.DMA,
        ],
        compiler_params=pltpu.CompilerParams(
            needs_layout_passes=False, use_tc_tiling_on_sc=False),
    )
    out = f(x_src, src, dst)
    return out[:n_dst]


def _conv(x_src16, x_dst, e, W, b, want_bf16=False):
    m = _segmin_sc_call(x_src16, e[0], e[1], x_dst.shape[0])
    return _finalize(x_dst, m, W, b, want_bf16=want_bf16)


def kernel(x_f, x_e, x_v, e_fe, e_ev, e_ef, e_ve, Wf, bf, We, be, Wv, bv, Wfe, bfe, Wev, bev):
    x_f, x_f16 = _embed(x_f, Wf, bf, want_bf16=True)
    x_e = _embed(x_e, We, be)
    x_v = _embed(x_v, Wv, bv)
    x_e, x_e16 = _conv(x_f16, x_e, e_fe, Wfe, bfe, want_bf16=True)
    x_v, x_v16 = _conv(x_e16, x_v, e_ev, Wev, bev, want_bf16=True)
    x_f = _conv(x_e16, x_f, e_ef, Wfe, bfe)
    x_e = _conv(x_v16, x_e, e_ve, Wfe, bfe)
    return (x_f, x_e, x_v)

# --- scband reference (transcript-rebuilt; emitter-appended) ---
"""Pipeline reference for scband-face-edge-vertex-gcn-75187697484407 (READ-ONLY COPY).

The authoritative reference and input builder live on the scoring server;
editing this copy changes nothing except your own understanding.
"""

import jax, jax.numpy as jnp
import numpy as np

NF, NE, NV, M, OUT = 100000, 200000, 150000, 800000, 32


def _glorot(key, shape):
    fan_in = shape[0]
    return jax.random.normal(key, shape, jnp.float32) * (1.0 / np.sqrt(fan_in))


def setup_inputs(seed: int = 0) -> dict:
    key = jax.random.key(seed)
    ks = jax.random.split(key, 20)
    inp = {}
    inp['x_f'] = jax.random.normal(ks[0], (NF, 4), jnp.float32)
    inp['x_e'] = jax.random.normal(ks[1], (NE, 6), jnp.float32)
    inp['x_v'] = jax.random.normal(ks[2], (NV, 3), jnp.float32)
    inp['e_fe'] = jax.random.randint(ks[3], (2, M), 0, 100000, jnp.int32)
    inp['e_ev'] = jax.random.randint(ks[4], (2, M), 0, 150000, jnp.int32)
    inp['e_ef'] = jax.random.randint(ks[5], (2, M), 0, 100000, jnp.int32)
    inp['e_ve'] = jax.random.randint(ks[6], (2, M), 0, 150000, jnp.int32)
    # learned params: embed_f_in, embed_e_in, embed_v_in (Linear+LeakyReLU)
    inp['Wf'] = _glorot(ks[7], (4, OUT)); inp['bf'] = jnp.zeros((OUT,), jnp.float32)
    inp['We'] = _glorot(ks[8], (6, OUT)); inp['be'] = jnp.zeros((OUT,), jnp.float32)
    inp['Wv'] = _glorot(ks[9], (3, OUT)); inp['bv'] = jnp.zeros((OUT,), jnp.float32)
    # F2E conv mlp (reused 3x in the original forward, which is faithful to the torch code)
    inp['Wfe'] = _glorot(ks[10], (2 * OUT, OUT)); inp['bfe'] = jnp.zeros((OUT,), jnp.float32)
    # E2V conv mlp
    inp['Wev'] = _glorot(ks[11], (2 * OUT, OUT)); inp['bev'] = jnp.zeros((OUT,), jnp.float32)
    return inp


def _linblock(x, W, b):
    return jax.nn.leaky_relu(x @ W + b)  # default negative_slope=0.01, same as torch LeakyReLU


def _bipartite_res_mr_conv(x_src, x_dst, e, W, b):
    src = e[0]
    dst = e[1]
    diffs = x_dst[dst] - x_src[src]
    n_dst = x_dst.shape[0]
    maxes = jax.ops.segment_max(diffs, dst, num_segments=n_dst)
    counts = jax.ops.segment_sum(jnp.ones((diffs.shape[0],), jnp.float32), dst, num_segments=n_dst)
    # torch_scatter.scatter_max leaves unreferenced rows as 0
    maxes = jnp.where(counts[:, None] > 0, maxes, 0.0)
    return x_dst + _linblock(jnp.concatenate([x_dst, maxes], axis=1), W, b)


def reference(x_f, x_e, x_v, e_fe, e_ev, e_ef, e_ve, Wf, bf, We, be, Wv, bv, Wfe, bfe, Wev, bev):
    x_f = _linblock(x_f, Wf, bf)
    x_e = _linblock(x_e, We, be)
    x_v = _linblock(x_v, Wv, bv)
    # NOTE: the original torch forward reuses self.F2E for the E2F and V2E steps; we replicate that.
    x_e = _bipartite_res_mr_conv(x_f, x_e, e_fe, Wfe, bfe)
    x_v = _bipartite_res_mr_conv(x_e, x_v, e_ev, Wev, bev)
    x_f = _bipartite_res_mr_conv(x_e, x_f, e_ef, Wfe, bfe)
    x_e = _bipartite_res_mr_conv(x_v, x_e, e_ve, Wfe, bfe)
    return (x_f, x_e, x_v)

if __name__ == "__main__":
    import jax
    _d = setup_inputs()
    print(jax.jit(kernel)(*tuple(_d.values())))

</pallas_src>

<mosaic_0001>
#map = affine_map<(d0, d1) -> (0, 0)>
#map1 = affine_map<(d0, d1) -> (0)>
module attributes {stable_mosaic.version = 14 : i64} {
  func.func @body(%arg0: i32, %arg1: i32, %arg2: memref<100000x32xbf16, #tpu.memory_space<hbm>>, %arg3: memref<801600xi32, #tpu.memory_space<hbm>>, %arg4: memref<801600xi32, #tpu.memory_space<hbm>>, %arg5: memref<200192x32xbf16, #tpu.memory_space<hbm>>, %arg6: memref<6264x32xbf16, #tpu.memory_space<vmem>>, %arg7: memref<2400xi32, #tpu.memory_space<vmem>>, %arg8: memref<2400xi32, #tpu.memory_space<vmem>>, %arg9: memref<2400xi32, #tpu.memory_space<vmem>>, %arg10: memref<2400xi32, #tpu.memory_space<vmem>>, %arg11: memref<2416xi32, #tpu.memory_space<vmem>>, %arg12: memref<2416xi32, #tpu.memory_space<vmem>>, %arg13: memref<2416xi32, #tpu.memory_space<vmem>>, %arg14: memref<2416xi32, #tpu.memory_space<vmem>>, %arg15: memref<16xi32, #tpu.memory_space<vmem>>, %arg16: memref<16xi32, #tpu.memory_space<vmem>>, %arg17: memref<16xi32, #tpu.memory_space<vmem>>, %arg18: memref<16xi32, #tpu.memory_space<vmem>>, %arg19: memref<16x32xbf16, #tpu.memory_space<vmem>>, %arg20: memref<16x32xbf16, #tpu.memory_space<vmem>>, %arg21: memref<16x32xbf16, #tpu.memory_space<vmem>>, %arg22: memref<16x32xbf16, #tpu.memory_space<vmem>>, %arg23: memref<!tpu.dma_semaphore, #tpu.memory_space<semaphore_mem>>, %arg24: memref<!tpu.dma_semaphore, #tpu.memory_space<semaphore_mem>>, %arg25: memref<!tpu.dma_semaphore, #tpu.memory_space<semaphore_mem>>, %arg26: memref<!tpu.dma_semaphore, #tpu.memory_space<semaphore_mem>>, %arg27: memref<!tpu.dma_semaphore, #tpu.memory_space<semaphore_mem>>, %arg28: memref<!tpu.dma_semaphore, #tpu.memory_space<semaphore_mem>>) attributes {dimension_semantics = [#tpu.dimension_semantics<core_parallel>, #tpu.dimension_semantics<subcore_parallel>], iteration_bounds = array<i64: 2, 16>, scalar_prefetch = 0 : i64, scratch_operands = 23 : i64, tpu.core_type = #tpu.core_type<sc_vector_subcore>, window_params = [{transform_indices = #map}, {transform_indices = #map1}, {transform_indices = #map1}, {transform_indices = #map}]} {
    %mul3A = arith.constant 2 : i32
    %mul3A_0 = arith.muli %arg1, %mul3A : i32
    %add3A = arith.addi %mul3A_0, %arg0 : i32
    %scan3A = arith.constant 0 : i32
    %scan3A_1 = arith.constant 0 : i32
    %mul3A_2 = arith.constant 1 : i32
    %mul3A_3 = arith.muli %add3A, %mul3A_2 : i32
    %add3A_4 = arith.addi %mul3A_3, %scan3A_1 : i32
    %mul3A_5 = arith.constant 6256 : i32
    %mul3A_6 = arith.muli %add3A_4, %mul3A_5 : i32
    %dma_start3A = arith.constant 0 : i32
    %dma_start3A_7 = tpu.memref_slice %arg4[%dma_start3A] : memref<801600xi32, #tpu.memory_space<hbm>> -> memref<2400xi32, #tpu.memory_space<hbm>>
    %dma_start3A_8 = arith.constant 0 : i32
    %dma_start3A_9 = tpu.memref_slice %arg4[%dma_start3A_8] : memref<801600xi32, #tpu.memory_space<hbm>> -> memref<2400xi32, #tpu.memory_space<hbm>>
    tpu.enqueue_dma source(%dma_start3A_9 : memref<2400xi32, #tpu.memory_space<hbm>>) target(%arg7 : memref<2400xi32, #tpu.memory_space<vmem>>) target_semaphore(%arg23 : memref<!tpu.dma_semaphore, #tpu.memory_space<semaphore_mem>>)
    %dma_start3A_10 = arith.constant 0 : i32
    %dma_start3A_11 = tpu.memref_slice %arg3[%dma_start3A_10] : memref<801600xi32, #tpu.memory_space<hbm>> -> memref<2400xi32, #tpu.memory_space<hbm>>
    %dma_start3A_12 = arith.constant 0 : i32
    %dma_start3A_13 = tpu.memref_slice %arg3[%dma_start3A_12] : memref<801600xi32, #tpu.memory_space<hbm>> -> memref<2400xi32, #tpu.memory_space<hbm>>
    tpu.enqueue_dma source(%dma_start3A_13 : memref<2400xi32, #tpu.memory_space<hbm>>) target(%arg8 : memref<2400xi32, #tpu.memory_space<vmem>>) target_semaphore(%arg23 : memref<!tpu.dma_semaphore, #tpu.memory_space<semaphore_mem>>)
    %scan3A_14 = arith.constant 0 : i32
    %scan3A_15 = arith.constant 0 : i32
    %scan3A_16 = arith.constant 1566 : i32
    %scan3A_17 = arith.addi %scan3A_15, %scan3A_16 : i32
    %scan3A_18 = arith.constant 1 : i32
    %scan3A_19 = scf.for %scan3A_94 = %scan3A_15 to %scan3A_17 step %scan3A_18 iter_args(%scan3A_95 = %scan3A_14) -> (i32)  : i32 {
      %broadcast_in_dim3A_96 = arith.constant 3.004060e+38 : bf16
      %broadcast_in_dim3A_97 = vector.broadcast %broadcast_in_dim3A_96 : bf16 to vector<32xbf16>
      %mul3A_98 = arith.constant 4 : i32
      %mul3A_99 = arith.muli %mul3A_98, %scan3A_94 : i32
      %add3A_100 = arith.constant 0 : i32
      %add3A_101 = arith.addi %mul3A_99, %add3A_100 : i32
      %swap3A_102 = arith.index_cast %add3A_101 : i32 to index
      %swap3A_103 = arith.constant 0 : index
      %swap3A_104 = tpu.vector_load %arg6[%swap3A_102, %swap3A_103] {strides = array<i32>} : memref<6264x32xbf16, #tpu.memory_space<vmem>>, vector<32xbf16>,
      tpu.vector_store %arg6[%swap3A_102, %swap3A_103], %broadcast_in_dim3A_97 {strides = array<i32>} : memref<6264x32xbf16, #tpu.memory_space<vmem>>, vector<32xbf16>,
      %mul3A_105 = arith.constant 4 : i32
      %mul3A_106 = arith.muli %mul3A_105, %scan3A_94 : i32
      %add3A_107 = arith.constant 1 : i32
      %add3A_108 = arith.addi %mul3A_106, %add3A_107 : i32
      %swap3A_109 = arith.index_cast %add3A_108 : i32 to index
      %swap3A_110 = arith.constant 0 : index
      %swap3A_111 = tpu.vector_load %arg6[%swap3A_109, %swap3A_110] {strides = array<i32>} : memref<6264x32xbf16, #tpu.memory_space<vmem>>, vector<32xbf16>,
      tpu.vector_store %arg6[%swap3A_109, %swap3A_110], %broadcast_in_dim3A_97 {strides = array<i32>} : memref<6264x32xbf16, #tpu.memory_space<vmem>>, vector<32xbf16>,
      %mul3A_112 = arith.constant 4 : i32
      %mul3A_113 = arith.muli %mul3A_112, %scan3A_94 : i32
      %add3A_114 = arith.constant 2 : i32
      %add3A_115 = arith.addi %mul3A_113, %add3A_114 : i32
      %swap3A_116 = arith.index_cast %add3A_115 : i32 to index
      %swap3A_117 = arith.constant 0 : index
      %swap3A_118 = tpu.vector_load %arg6[%swap3A_116, %swap3A_117] {strides = array<i32>} : memref<6264x32xbf16, #tpu.memory_space<vmem>>, vector<32xbf16>,
      tpu.vector_store %arg6[%swap3A_116, %swap3A_117], %broadcast_in_dim3A_97 {strides = array<i32>} : memref<6264x32xbf16, #tpu.memory_space<vmem>>, vector<32xbf16>,
      %mul3A_119 = arith.constant 4 : i32
      %mul3A_120 = arith.muli %mul3A_119, %scan3A_94 : i32
      %add3A_121 = arith.constant 3 : i32
      %add3A_122 = arith.addi %mul3A_120, %add3A_121 : i32
      %swap3A_123 = arith.index_cast %add3A_122 : i32 to index
      %swap3A_124 = arith.constant 0 : index
      %swap3A_125 = tpu.vector_load %arg6[%swap3A_123, %swap3A_124] {strides = array<i32>} : memref<6264x32xbf16, #tpu.memory_space<vmem>>, vector<32xbf16>,
      tpu.vector_store %arg6[%swap3A_123, %swap3A_124], %broadcast_in_dim3A_97 {strides = array<i32>} : memref<6264x32xbf16, #tpu.memory_space<vmem>>, vector<32xbf16>,
      %scan3A_126 = arith.constant 0 : i32
      scf.yield %scan3A_126 : i32
    }
    %scan3A_20 = arith.constant 1566 : i32
    %dma_start3A_21 = arith.constant 2400 : i32
    %dma_start3A_22 = tpu.memref_slice %arg4[%dma_start3A_21] : memref<801600xi32, #tpu.memory_space<hbm>> -> memref<2400xi32, #tpu.memory_space<hbm>>
    %dma_start3A_23 = arith.constant 2400 : i32
    %dma_start3A_24 = tpu.memref_slice %arg4[%dma_start3A_23] : memref<801600xi32, #tpu.memory_space<hbm>> -> memref<2400xi32, #tpu.memory_space<hbm>>
    tpu.enqueue_dma source(%dma_start3A_24 : memref<2400xi32, #tpu.memory_space<hbm>>) target(%arg9 : memref<2400xi32, #tpu.memory_space<vmem>>) target_semaphore(%arg24 : memref<!tpu.dma_semaphore, #tpu.memory_space<semaphore_mem>>)
    %dma_start3A_25 = arith.constant 2400 : i32
    %dma_start3A_26 = tpu.memref_slice %arg3[%dma_start3A_25] : memref<801600xi32, #tpu.memory_space<hbm>> -> memref<2400xi32, #tpu.memory_space<hbm>>
    %dma_start3A_27 = arith.constant 2400 : i32
    %dma_start3A_28 = tpu.memref_slice %arg3[%dma_start3A_27] : memref<801600xi32, #tpu.memory_space<hbm>> -> memref<2400xi32, #tpu.memory_space<hbm>>
    tpu.enqueue_dma source(%dma_start3A_28 : memref<2400xi32, #tpu.memory_space<hbm>>) target(%arg10 : memref<2400xi32, #tpu.memory_space<vmem>>) target_semaphore(%arg24 : memref<!tpu.dma_semaphore, #tpu.memory_space<semaphore_mem>>)
    %dma_wait3A = arith.constant 0 : i32
    %dma_wait3A_29 = tpu.memref_slice %arg4[%dma_wait3A] : memref<801600xi32, #tpu.memory_space<hbm>> -> memref<2400xi32, #tpu.memory_space<hbm>>
    %dma_wait3A_30 = arith.constant 0 : i32
    %dma_wait3A_31 = tpu.memref_slice %arg4[%dma_wait3A_30] : memref<801600xi32, #tpu.memory_space<hbm>> -> memref<2400xi32, #tpu.memory_space<hbm>>
    tpu.wait_dma2 semaphore(%arg23 : memref<!tpu.dma_semaphore, #tpu.memory_space<semaphore_mem>>) src(%dma_wait3A_31 : memref<2400xi32, #tpu.memory_space<hbm>>) dst(%arg7 : memref<2400xi32, #tpu.memory_space<vmem>>)
    %dma_wait3A_32 = arith.constant 0 : i32
    %dma_wait3A_33 = tpu.memref_slice %arg3[%dma_wait3A_32] : memref<801600xi32, #tpu.memory_space<hbm>> -> memref<2400xi32, #tpu.memory_space<hbm>>
    %dma_wait3A_34 = arith.constant 0 : i32
    %dma_wait3A_35 = tpu.memref_slice %arg3[%dma_wait3A_34] : memref<801600xi32, #tpu.memory_space<hbm>> -> memref<2400xi32, #tpu.memory_space<hbm>>
    tpu.wait_dma2 semaphore(%arg23 : memref<!tpu.dma_semaphore, #tpu.memory_space<semaphore_mem>>) src(%dma_wait3A_35 : memref<2400xi32, #tpu.memory_space<hbm>>) dst(%arg8 : memref<2400xi32, #tpu.memory_space<vmem>>)
    %scan3A_36 = arith.constant 0 : i32
    %scan3A_37 = arith.constant 0 : i32
    %scan3A_38 = arith.constant 75 : i32
    %scan3A_39 = arith.addi %scan3A_37, %scan3A_38 : i32
    %scan3A_40 = arith.constant 1 : i32
    %scan3A_41 = scf.for %scan3A_94 = %scan3A_37 to %scan3A_39 step %scan3A_40 iter_args(%scan3A_95 = %scan3A_36) -> (i32)  : i32 {
      %mul3A_96 = arith.constant 2 : i32
      %mul3A_97 = arith.muli %mul3A_96, %scan3A_94 : i32
      %add3A_98 = arith.constant 0 : i32
      %add3A_99 = arith.addi %mul3A_97, %add3A_98 : i32
      %mul3A_100 = arith.constant 16 : i32
      %mul3A_101 = arith.muli %add3A_99, %mul3A_100 : i32
      %get3A = arith.index_cast %mul3A_101 : i32 to index
      %get3A_102 = tpu.vector_load %arg7[%get3A] {strides = array<i32>} : memref<2400xi32, #tpu.memory_space<vmem>>, vector<16xi32>,
      %mul3A_103 = arith.constant 16 : i32
      %mul3A_104 = arith.muli %add3A_99, %mul3A_103 : i32
      %get3A_105 = arith.index_cast %mul3A_104 : i32 to index
      %get3A_106 = tpu.vector_load %arg8[%get3A_105] {strides = array<i32>} : memref<2400xi32, #tpu.memory_space<vmem>>, vector<16xi32>,
      %sub3A_107 = vector.broadcast %mul3A_6 : i32 to vector<16xi32>
      %sub3A_108 = arith.subi %get3A_102, %sub3A_107 : vector<16xi32>
      %ge3A = arith.constant 0 : i32
      %ge3A_109 = vector.broadcast %ge3A : i32 to vector<16xi32>
      %ge3A_110 = arith.cmpi sge, %sub3A_108, %ge3A_109 : vector<16xi32>
      %lt3A = arith.constant 6256 : i32
      %lt3A_111 = vector.broadcast %lt3A : i32 to vector<16xi32>
      %lt3A_112 = arith.cmpi slt, %sub3A_108, %lt3A_111 : vector<16xi32>
      %and3A_113 = arith.andi %ge3A_110, %lt3A_112 : vector<16xi1>
      %swap3A_114 = arith.index_cast %scan3A_95 : i32 to index
      %swap3A_115 = tpu.vector_load %arg11[%swap3A_114] masked %and3A_113 {strides = array<i32>} : memref<2416xi32, #tpu.memory_space<vmem>>, vector<16xi32>, vector<16xi1>
      tpu.vector_store %arg11[%swap3A_114], %sub3A_108 masked %and3A_113 {strides = array<i32>} : memref<2416xi32, #tpu.memory_space<vmem>>, vector<16xi32>, vector<16xi1>
      %swap3A_116 = arith.index_cast %scan3A_95 : i32 to index
      %swap3A_117 = tpu.vector_load %arg12[%swap3A_116] masked %and3A_113 {strides = array<i32>} : memref<2416xi32, #tpu.memory_space<vmem>>, vector<16xi32>, vector<16xi1>
      tpu.vector_store %arg12[%swap3A_116], %get3A_106 masked %and3A_113 {strides = array<i32>} : memref<2416xi32, #tpu.memory_space<vmem>>, vector<16xi32>, vector<16xi1>
      %all_reduce_population_count3A = tpu.all_reduce %and3A_113 {dim = 0 : i64, kind = #tpu.reduction_kind<sum>} : vector<16xi1> -> vector<16xi32>
      %slice3A = vector.extract_strided_slice %all_reduce_population_count3A {offsets = [0], sizes = [1], strides = [1]} : vector<16xi32> to vector<1xi32>
      %squeeze3A = vector.extract %slice3A[0] : i32 from vector<1xi32>
      %add3A_118 = arith.addi %scan3A_95, %squeeze3A : i32
      %mul3A_119 = arith.constant 2 : i32
      %mul3A_120 = arith.muli %mul3A_119, %scan3A_94 : i32
      %add3A_121 = arith.constant 1 : i32
      %add3A_122 = arith.addi %mul3A_120, %add3A_121 : i32
      %mul3A_123 = arith.constant 16 : i32
      %mul3A_124 = arith.muli %add3A_122, %mul3A_123 : i32
      %get3A_125 = arith.index_cast %mul3A_124 : i32 to index
      %get3A_126 = tpu.vector_load %arg7[%get3A_125] {strides = array<i32>} : memref<2400xi32, #tpu.memory_space<vmem>>, vector<16xi32>,
      %mul3A_127 = arith.constant 16 : i32
      %mul3A_128 = arith.muli %add3A_122, %mul3A_127 : i32
      %get3A_129 = arith.index_cast %mul3A_128 : i32 to index
      %get3A_130 = tpu.vector_load %arg8[%get3A_129] {strides = array<i32>} : memref<2400xi32, #tpu.memory_space<vmem>>, vector<16xi32>,
      %sub3A_131 = vector.broadcast %mul3A_6 : i32 to vector<16xi32>
      %sub3A_132 = arith.subi %get3A_126, %sub3A_131 : vector<16xi32>
      %ge3A_133 = arith.constant 0 : i32
      %ge3A_134 = vector.broadcast %ge3A_133 : i32 to vector<16xi32>
      %ge3A_135 = arith.cmpi sge, %sub3A_132, %ge3A_134 : vector<16xi32>
      %lt3A_136 = arith.constant 6256 : i32
      %lt3A_137 = vector.broadcast %lt3A_136 : i32 to vector<16xi32>
      %lt3A_138 = arith.cmpi slt, %sub3A_132, %lt3A_137 : vector<16xi32>
      %and3A_139 = arith.andi %ge3A_135, %lt3A_138 : vector<16xi1>
      %swap3A_140 = arith.index_cast %add3A_118 : i32 to index
      %swap3A_141 = tpu.vector_load %arg11[%swap3A_140] masked %and3A_139 {strides = array<i32>} : memref<2416xi32, #tpu.memory_space<vmem>>, vector<16xi32>, vector<16xi1>
      tpu.vector_store %arg11[%swap3A_140], %sub3A_132 masked %and3A_139 {strides = array<i32>} : memref<2416xi32, #tpu.memory_space<vmem>>, vector<16xi32>, vector<16xi1>
      %swap3A_142 = arith.index_cast %add3A_118 : i32 to index
      %swap3A_143 = tpu.vector_load %arg12[%swap3A_142] masked %and3A_139 {strides = array<i32>} : memref<2416xi32, #tpu.memory_space<vmem>>, vector<16xi32>, vector<16xi1>
      tpu.vector_store %arg12[%swap3A_142], %get3A_130 masked %and3A_139 {strides = array<i32>} : memref<2416xi32, #tpu.memory_space<vmem>>, vector<16xi32>, vector<16xi1>
      %all_reduce_population_count3A_144 = tpu.all_reduce %and3A_139 {dim = 0 : i64, kind = #tpu.reduction_kind<sum>} : vector<16xi1> -> vector<16xi32>
      %slice3A_145 = vector.extract_strided_slice %all_reduce_population_count3A_144 {offsets = [0], sizes = [1], strides = [1]} : vector<16xi32> to vector<1xi32>
      %squeeze3A_146 = vector.extract %slice3A_145[0] : i32 from vector<1xi32>
      %add3A_147 = arith.addi %add3A_118, %squeeze3A_146 : i32
      scf.yield %add3A_147 : i32
    }
    %scan3A_42 = arith.constant 75 : i32
    %broadcast_in_dim3A = arith.constant true
    %broadcast_in_dim3A_43 = vector.broadcast %broadcast_in_dim3A : i1 to vector<16xi1>
    %broadcast_in_dim3A_44 = arith.constant 6256 : i32
    %broadcast_in_dim3A_45 = vector.broadcast %broadcast_in_dim3A_44 : i32 to vector<16xi32>
    %swap3A = arith.index_cast %scan3A_41 : i32 to index
    %swap3A_46 = tpu.vector_load %arg11[%swap3A] masked %broadcast_in_dim3A_43 {strides = array<i32>} : memref<2416xi32, #tpu.memory_space<vmem>>, vector<16xi32>, vector<16xi1>
    tpu.vector_store %arg11[%swap3A], %broadcast_in_dim3A_45 masked %broadcast_in_dim3A_43 {strides = array<i32>} : memref<2416xi32, #tpu.memory_space<vmem>>, vector<16xi32>, vector<16xi1>
    %broadcast_in_dim3A_47 = arith.constant 0 : i32
    %broadcast_in_dim3A_48 = vector.broadcast %broadcast_in_dim3A_47 : i32 to vector<16xi32>
    %swap3A_49 = arith.index_cast %scan3A_41 : i32 to index
    %swap3A_50 = tpu.vector_load %arg12[%swap3A_49] masked %broadcast_in_dim3A_43 {strides = array<i32>} : memref<2416xi32, #tpu.memory_space<vmem>>, vector<16xi32>, vector<16xi1>
    tpu.vector_store %arg12[%swap3A_49], %broadcast_in_dim3A_48 masked %broadcast_in_dim3A_43 {strides = array<i32>} : memref<2416xi32, #tpu.memory_space<vmem>>, vector<16xi32>, vector<16xi1>
    %add3A_51 = arith.constant 15 : i32
    %add3A_52 = arith.addi %scan3A_41, %add3A_51 : i32
    %jit3A = arith.constant 16 : i32
    %div3A = arith.divsi %add3A_52, %jit3A : i32
    %sign3A = arith.constant 0 : i32
    %sign3A_53 = arith.cmpi sgt, %add3A_52, %sign3A : i32
    %sign3A_54 = arith.extui %sign3A_53 : i1 to i32
    %sign3A_55 = arith.constant 0 : i32
    %sign3A_56 = arith.cmpi slt, %add3A_52, %sign3A_55 : i32
    %sign3A_57 = arith.extui %sign3A_56 : i1 to i32
    %sign3A_58 = arith.subi %sign3A_54, %sign3A_57 : i32
    %sign3A_59 = arith.constant 0 : i32
    %sign3A_60 = arith.cmpi sgt, %jit3A, %sign3A_59 : i32
    %sign3A_61 = arith.extui %sign3A_60 : i1 to i32
    %sign3A_62 = arith.constant 0 : i32
    %sign3A_63 = arith.cmpi slt, %jit3A, %sign3A_62 : i32
    %sign3A_64 = arith.extui %sign3A_63 : i1 to i32
    %sign3A_65 = arith.subi %sign3A_61, %sign3A_64 : i32
    %ne3A = arith.cmpi ne, %sign3A_58, %sign3A_65 : i32
    %rem3A = arith.remsi %add3A_52, %jit3A : i32
    %ne3A_66 = arith.constant 0 : i32
    %ne3A_67 = arith.cmpi ne, %rem3A, %ne3A_66 : i32
    %and3A = arith.andi %ne3A, %ne3A_67 : i1
    %sub3A = arith.constant 1 : i32
    %sub3A_68 = arith.subi %div3A, %sub3A : i32
    %select_n3A = arith.select %and3A, %sub3A_68, %div3A : i32
    %gt3A = arith.constant 0 : i32
    %gt3A_69 = arith.cmpi sgt, %select_n3A, %gt3A : i32
    %convert_element_type3A = arith.extui %gt3A_69 : i1 to i32
    %cond3A = arith.constant 0 : i32
    %cond3A_70 = arith.cmpi ne, %convert_element_type3A, %cond3A : i32
    scf.if %cond3A_70 {
      %get3A = arith.constant 0 : index
      %get3A_94 = tpu.vector_load %arg12[%get3A] {strides = array<i32>} : memref<2416xi32, #tpu.memory_space<vmem>>, vector<16xi32>,
      %swap3A_95 = arith.constant 0 : index
      %swap3A_96 = tpu.vector_load %arg15[%swap3A_95] {strides = array<i32>} : memref<16xi32, #tpu.memory_space<vmem>>, vector<16xi32>,
      tpu.vector_store %arg15[%swap3A_95], %get3A_94 {strides = array<i32>} : memref<16xi32, #tpu.memory_space<vmem>>, vector<16xi32>,
      %dma_start3A_97 = arith.constant 0 : i32
      %dma_start3A_98 = arith.constant 0 : i32
      %dma_start3A_99 = tpu.memref_slice %arg2[%dma_start3A_97, %dma_start3A_98] : memref<100000x32xbf16, #tpu.memory_space<hbm>> -> memref<100000x32xbf16, #tpu.memory_space<hbm>>
      tpu.enqueue_indirect_dma source(%dma_start3A_99 : memref<100000x32xbf16, #tpu.memory_space<hbm>>) target(%arg19 : memref<16x32xbf16, #tpu.memory_space<vmem>>) offsets(%arg15 : memref<16xi32, #tpu.memory_space<vmem>>) semaphore(%arg25 : memref<!tpu.dma_semaphore, #tpu.memory_space<semaphore_mem>>)
    } else {
    }
    %gt3A_71 = arith.constant 1 : i32
    %gt3A_72 = arith.cmpi sgt, %select_n3A, %gt3A_71 : i32
    %convert_element_type3A_73 = arith.extui %gt3A_72 : i1 to i32
    %cond3A_74 = arith.constant 0 : i32
    %cond3A_75 = arith.cmpi ne, %convert_element_type3A_73, %cond3A_74 : i32
    scf.if %cond3A_75 {
      %get3A = arith.constant 16 : index
      %get3A_94 = tpu.vector_load %arg12[%get3A] {strides = array<i32>} : memref<2416xi32, #tpu.memory_space<vmem>>, vector<16xi32>,
      %swap3A_95 = arith.constant 0 : index
      %swap3A_96 = tpu.vector_load %arg16[%swap3A_95] {strides = array<i32>} : memref<16xi32, #tpu.memory_space<vmem>>, vector<16xi32>,
      tpu.vector_store %arg16[%swap3A_95], %get3A_94 {strides = array<i32>} : memref<16xi32, #tpu.memory_space<vmem>>, vector<16xi32>,
      %dma_start3A_97 = arith.constant 0 : i32
      %dma_start3A_98 = arith.constant 0 : i32
      %dma_start3A_99 = tpu.memref_slice %arg2[%dma_start3A_97, %dma_start3A_98] : memref<100000x32xbf16, #tpu.memory_space<hbm>> -> memref<100000x32xbf16, #tpu.memory_space<hbm>>
      tpu.enqueue_indirect_dma source(%dma_start3A_99 : memref<100000x32xbf16, #tpu.memory_space<hbm>>) target(%arg20 : memref<16x32xbf16, #tpu.memory_space<vmem>>) offsets(%arg16 : memref<16xi32, #tpu.memory_space<vmem>>) semaphore(%arg26 : memref<!tpu.dma_semaphore, #tpu.memory_space<semaphore_mem>>)
    } else {
    }
    %gt3A_76 = arith.constant 2 : i32
    %gt3A_77 = arith.cmpi sgt, %select_n3A, %gt3A_76 : i32
    %convert_element_type3A_78 = arith.extui %gt3A_77 : i1 to i32
    %cond3A_79 = arith.constant 0 : i32
    %cond3A_80 = arith.cmpi ne, %convert_element_type3A_78, %cond3A_79 : i32
    scf.if %cond3A_80 {
      %get3A = arith.constant 32 : index
      %get3A_94 = tpu.vector_load %arg12[%get3A] {strides = array<i32>} : memref<2416xi32, #tpu.memory_space<vmem>>, vector<16xi32>,
      %swap3A_95 = arith.constant 0 : index
      %swap3A_96 = tpu.vector_load %arg17[%swap3A_95] {strides = array<i32>} : memref<16xi32, #tpu.memory_space<vmem>>, vector<16xi32>,
      tpu.vector_store %arg17[%swap3A_95], %get3A_94 {strides = array<i32>} : memref<16xi32, #tpu.memory_space<vmem>>, vector<16xi32>,
      %dma_start3A_97 = arith.constant 0 : i32
      %dma_start3A_98 = arith.constant 0 : i32
      %dma_start3A_99 = tpu.memref_slice %arg2[%dma_start3A_97, %dma_start3A_98] : memref<100000x32xbf16, #tpu.memory_space<hbm>> -> memref<100000x32xbf16, #tpu.memory_space<hbm>>
      tpu.enqueue_indirect_dma source(%dma_start3A_99 : memref<100000x32xbf16, #tpu.memory_space<hbm>>) target(%arg21 : memref<16x32xbf16, #tpu.memory_space<vmem>>) offsets(%arg17 : memref<16xi32, #tpu.memory_space<vmem>>) semaphore(%arg27 : memref<!tpu.dma_semaphore, #tpu.memory_space<semaphore_mem>>)
    } else {
    }
    %gt3A_81 = arith.constant 3 : i32
    %gt3A_82 = arith.cmpi sgt, %select_n3A, %gt3A_81 : i32
    %convert_element_type3A_83 = arith.extui %gt3A_82 : i1 to i32
    %cond3A_84 = arith.constant 0 : i32
    %cond3A_85 = arith.cmpi ne, %convert_element_type3A_83, %cond3A_84 : i32
    scf.if %cond3A_85 {
      %get3A = arith.constant 48 : index
      %get3A_94 = tpu.vector_load %arg12[%get3A] {strides = array<i32>} : memref<2416xi32, #tpu.memory_space<vmem>>, vector<16xi32>,
      %swap3A_95 = arith.constant 0 : index
      %swap3A_96 = tpu.vector_load %arg18[%swap3A_95] {strides = array<i32>} : memref<16xi32, #tpu.memory_space<vmem>>, vector<16xi32>,
      tpu.vector_store %arg18[%swap3A_95], %get3A_94 {strides = array<i32>} : memref<16xi32, #tpu.memory_space<vmem>>, vector<16xi32>,
      %dma_start3A_97 = arith.constant 0 : i32
      %dma_start3A_98 = arith.constant 0 : i32
      %dma_start3A_99 = tpu.memref_slice %arg2[%dma_start3A_97, %dma_start3A_98] : memref<100000x32xbf16, #tpu.memory_space<hbm>> -> memref<100000x32xbf16, #tpu.memory_space<hbm>>
      tpu.enqueue_indirect_dma source(%dma_start3A_99 : memref<100000x32xbf16, #tpu.memory_space<hbm>>) target(%arg22 : memref<16x32xbf16, #tpu.memory_space<vmem>>) offsets(%arg18 : memref<16xi32, #tpu.memory_space<vmem>>) semaphore(%arg28 : memref<!tpu.dma_semaphore, #tpu.memory_space<semaphore_mem>>)
    } else {
    }
    %scan3A_86 = arith.constant 0 : i32
    %scan3A_87 = arith.constant 167 : i32
    %scan3A_88 = arith.addi %scan3A_86, %scan3A_87 : i32
    %scan3A_89 = arith.constant 1 : i32
    %scan3A_90 = scf.for %scan3A_94 = %scan3A_86 to %scan3A_88 step %scan3A_89 iter_args(%scan3A_95 = %select_n3A) -> (i32)  : i32 {
      %mul3A_96 = arith.constant 2 : i32
      %mul3A_97 = arith.muli %mul3A_96, %scan3A_94 : i32
      %add3A_98 = arith.constant 1 : i32
      %add3A_99 = arith.addi %mul3A_97, %add3A_98 : i32
      %mul3A_100 = arith.constant 2400 : i32
      %mul3A_101 = arith.muli %add3A_99, %mul3A_100 : i32
      %dma_wait3A_102 = tpu.memref_slice %arg4[%mul3A_101] : memref<801600xi32, #tpu.memory_space<hbm>> -> memref<2400xi32, #tpu.memory_space<hbm>>
      %dma_wait3A_103 = tpu.memref_slice %arg4[%mul3A_101] : memref<801600xi32, #tpu.memory_space<hbm>> -> memref<2400xi32, #tpu.memory_space<hbm>>
      tpu.wait_dma2 semaphore(%arg24 : memref<!tpu.dma_semaphore, #tpu.memory_space<semaphore_mem>>) src(%dma_wait3A_103 : memref<2400xi32, #tpu.memory_space<hbm>>) dst(%arg9 : memref<2400xi32, #tpu.memory_space<vmem>>)
      %mul3A_104 = arith.constant 2400 : i32
      %mul3A_105 = arith.muli %add3A_99, %mul3A_104 : i32
      %dma_wait3A_106 = tpu.memref_slice %arg3[%mul3A_105] : memref<801600xi32, #tpu.memory_space<hbm>> -> memref<2400xi32, #tpu.memory_space<hbm>>
      %dma_wait3A_107 = tpu.memref_slice %arg3[%mul3A_105] : memref<801600xi32, #tpu.memory_space<hbm>> -> memref<2400xi32, #tpu.memory_space<hbm>>
      tpu.wait_dma2 semaphore(%arg24 : memref<!tpu.dma_semaphore, #tpu.memory_space<semaphore_mem>>) src(%dma_wait3A_107 : memref<2400xi32, #tpu.memory_space<hbm>>) dst(%arg10 : memref<2400xi32, #tpu.memory_space<vmem>>)
      %add3A_108 = arith.constant 1 : i32
      %add3A_109 = arith.addi %add3A_99, %add3A_108 : i32
      %lt3A = arith.constant 334 : i32
      %lt3A_110 = arith.cmpi slt, %add3A_109, %lt3A : i32
      %convert_element_type3A_111 = arith.extui %lt3A_110 : i1 to i32
      %cond3A_112 = arith.constant 0 : i32
      %cond3A_113 = arith.cmpi ne, %convert_element_type3A_111, %cond3A_112 : i32
      scf.if %cond3A_113 {
        %add3A_274 = arith.constant 1 : i32
        %add3A_275 = arith.addi %add3A_99, %add3A_274 : i32
        %mul3A_276 = arith.constant 2400 : i32
        %mul3A_277 = arith.muli %add3A_275, %mul3A_276 : i32
        %dma_start3A_278 = tpu.memref_slice %arg4[%mul3A_277] : memref<801600xi32, #tpu.memory_space<hbm>> -> memref<2400xi32, #tpu.memory_space<hbm>>
        %dma_start3A_279 = tpu.memref_slice %arg4[%mul3A_277] : memref<801600xi32, #tpu.memory_space<hbm>> -> memref<2400xi32, #tpu.memory_space<hbm>>
        tpu.enqueue_dma source(%dma_start3A_279 : memref<2400xi32, #tpu.memory_space<hbm>>) target(%arg7 : memref<2400xi32, #tpu.memory_space<vmem>>) target_semaphore(%arg23 : memref<!tpu.dma_semaphore, #tpu.memory_space<semaphore_mem>>)
        %mul3A_280 = arith.constant 2400 : i32
        %mul3A_281 = arith.muli %add3A_275, %mul3A_280 : i32
        %dma_start3A_282 = tpu.memref_slice %arg3[%mul3A_281] : memref<801600xi32, #tpu.memory_space<hbm>> -> memref<2400xi32, #tpu.memory_space<hbm>>
        %dma_start3A_283 = tpu.memref_slice %arg3[%mul3A_281] : memref<801600xi32, #tpu.memory_space<hbm>> -> memref<2400xi32, #tpu.memory_space<hbm>>
        tpu.enqueue_dma source(%dma_start3A_283 : memref<2400xi32, #tpu.memory_space<hbm>>) target(%arg8 : memref<2400xi32, #tpu.memory_space<vmem>>) target_semaphore(%arg23 : memref<!tpu.dma_semaphore, #tpu.memory_space<semaphore_mem>>)
      } else {
      }
      %scan3A_114 = arith.constant 0 : i32
      %scan3A_115 = arith.constant 0 : i32
      %scan3A_116 = arith.constant 75 : i32
      %scan3A_117 = arith.addi %scan3A_115, %scan3A_116 : i32
      %scan3A_118 = arith.constant 1 : i32
      %scan3A_119 = scf.for %scan3A_274 = %scan3A_115 to %scan3A_117 step %scan3A_118 iter_args(%scan3A_275 = %scan3A_114) -> (i32)  : i32 {
        %mul3A_276 = arith.constant 2 : i32
        %mul3A_277 = arith.muli %mul3A_276, %scan3A_274 : i32
        %add3A_278 = arith.constant 0 : i32
        %add3A_279 = arith.addi %mul3A_277, %add3A_278 : i32
        %mul3A_280 = arith.constant 16 : i32
        %mul3A_281 = arith.muli %add3A_279, %mul3A_280 : i32
        %get3A = arith.index_cast %mul3A_281 : i32 to index
        %get3A_282 = tpu.vector_load %arg9[%get3A] {strides = array<i32>} : memref<2400xi32, #tpu.memory_space<vmem>>, vector<16xi32>,
        %mul3A_283 = arith.constant 16 : i32
        %mul3A_284 = arith.muli %add3A_279, %mul3A_283 : i32
        %get3A_285 = arith.index_cast %mul3A_284 : i32 to index
        %get3A_286 = tpu.vector_load %arg10[%get3A_285] {strides = array<i32>} : memref<2400xi32, #tpu.memory_space<vmem>>, vector<16xi32>,
        %sub3A_287 = vector.broadcast %mul3A_6 : i32 to vector<16xi32>
        %sub3A_288 = arith.subi %get3A_282, %sub3A_287 : vector<16xi32>
        %ge3A = arith.constant 0 : i32
        %ge3A_289 = vector.broadcast %ge3A : i32 to vector<16xi32>
        %ge3A_290 = arith.cmpi sge, %sub3A_288, %ge3A_289 : vector<16xi32>
        %lt3A_291 = arith.constant 6256 : i32
        %lt3A_292 = vector.broadcast %lt3A_291 : i32 to vector<16xi32>
        %lt3A_293 = arith.cmpi slt, %sub3A_288, %lt3A_292 : vector<16xi32>
        %and3A_294 = arith.andi %ge3A_290, %lt3A_293 : vector<16xi1>
        %swap3A_295 = arith.index_cast %scan3A_275 : i32 to index
        %swap3A_296 = tpu.vector_load %arg13[%swap3A_295] masked %and3A_294 {strides = array<i32>} : memref<2416xi32, #tpu.memory_space<vmem>>, vector<16xi32>, vector<16xi1>
        tpu.vector_store %arg13[%swap3A_295], %sub3A_288 masked %and3A_294 {strides = array<i32>} : memref<2416xi32, #tpu.memory_space<vmem>>, vector<16xi32>, vector<16xi1>
        %swap3A_297 = arith.index_cast %scan3A_275 : i32 to index
        %swap3A_298 = tpu.vector_load %arg14[%swap3A_297] masked %and3A_294 {strides = array<i32>} : memref<2416xi32, #tpu.memory_space<vmem>>, vector<16xi32>, vector<16xi1>
        tpu.vector_store %arg14[%swap3A_297], %get3A_286 masked %and3A_294 {strides = array<i32>} : memref<2416xi32, #tpu.memory_space<vmem>>, vector<16xi32>, vector<16xi1>
        %all_reduce_population_count3A = tpu.all_reduce %and3A_294 {dim = 0 : i64, kind = #tpu.reduction_kind<sum>} : vector<16xi1> -> vector<16xi32>
        %slice3A = vector.extract_strided_slice %all_reduce_population_count3A {offsets = [0], sizes = [1], strides = [1]} : vector<16xi32> to vector<1xi32>
        %squeeze3A = vector.extract %slice3A[0] : i32 from vector<1xi32>
        %add3A_299 = arith.addi %scan3A_275, %squeeze3A : i32
        %mul3A_300 = arith.constant 2 : i32
        %mul3A_301 = arith.muli %mul3A_300, %scan3A_274 : i32
        %add3A_302 = arith.constant 1 : i32
        %add3A_303 = arith.addi %mul3A_301, %add3A_302 : i32
        %mul3A_304 = arith.constant 16 : i32
        %mul3A_305 = arith.muli %add3A_303, %mul3A_304 : i32
        %get3A_306 = arith.index_cast %mul3A_305 : i32 to index
        %get3A_307 = tpu.vector_load %arg9[%get3A_306] {strides = array<i32>} : memref<2400xi32, #tpu.memory_space<vmem>>, vector<16xi32>,
        %mul3A_308 = arith.constant 16 : i32
        %mul3A_309 = arith.muli %add3A_303, %mul3A_308 : i32
        %get3A_310 = arith.index_cast %mul3A_309 : i32 to index
        %get3A_311 = tpu.vector_load %arg10[%get3A_310] {strides = array<i32>} : memref<2400xi32, #tpu.memory_space<vmem>>, vector<16xi32>,
        %sub3A_312 = vector.broadcast %mul3A_6 : i32 to vector<16xi32>
        %sub3A_313 = arith.subi %get3A_307, %sub3A_312 : vector<16xi32>
        %ge3A_314 = arith.constant 0 : i32
        %ge3A_315 = vector.broadcast %ge3A_314 : i32 to vector<16xi32>
        %ge3A_316 = arith.cmpi sge, %sub3A_313, %ge3A_315 : vector<16xi32>
        %lt3A_317 = arith.constant 6256 : i32
        %lt3A_318 = vector.broadcast %lt3A_317 : i32 to vector<16xi32>
        %lt3A_319 = arith.cmpi slt, %sub3A_313, %lt3A_318 : vector<16xi32>
        %and3A_320 = arith.andi %ge3A_316, %lt3A_319 : vector<16xi1>
        %swap3A_321 = arith.index_cast %add3A_299 : i32 to index
        %swap3A_322 = tpu.vector_load %arg13[%swap3A_321] masked %and3A_320 {strides = array<i32>} : memref<2416xi32, #tpu.memory_space<vmem>>, vector<16xi32>, vector<16xi1>
        tpu.vector_store %arg13[%swap3A_321], %sub3A_313 masked %and3A_320 {strides = array<i32>} : memref<2416xi32, #tpu.memory_space<vmem>>, vector<16xi32>, vector<16xi1>
        %swap3A_323 = arith.index_cast %add3A_299 : i32 to index
        %swap3A_324 = tpu.vector_load %arg14[%swap3A_323] masked %and3A_320 {strides = array<i32>} : memref<2416xi32, #tpu.memory_space<vmem>>, vector<16xi32>, vector<16xi1>
        tpu.vector_store %arg14[%swap3A_323], %get3A_311 masked %and3A_320 {strides = array<i32>} : memref<2416xi32, #tpu.memory_space<vmem>>, vector<16xi32>, vector<16xi1>
        %all_reduce_population_count3A_325 = tpu.all_reduce %and3A_320 {dim = 0 : i64, kind = #tpu.reduction_kind<sum>} : vector<16xi1> -> vector<16xi32>
        %slice3A_326 = vector.extract_strided_slice %all_reduce_population_count3A_325 {offsets = [0], sizes = [1], strides = [1]} : vector<16xi32> to vector<1xi32>
        %squeeze3A_327 = vector.extract %slice3A_326[0] : i32 from vector<1xi32>
        %add3A_328 = arith.addi %add3A_299, %squeeze3A_327 : i32
        scf.yield %add3A_328 : i32
      }
      %scan3A_120 = arith.constant 75 : i32
      %broadcast_in_dim3A_121 = arith.constant true
      %broadcast_in_dim3A_122 = vector.broadcast %broadcast_in_dim3A_121 : i1 to vector<16xi1>
      %broadcast_in_dim3A_123 = arith.constant 6256 : i32
      %broadcast_in_dim3A_124 = vector.broadcast %broadcast_in_dim3A_123 : i32 to vector<16xi32>
      %swap3A_125 = arith.index_cast %scan3A_119 : i32 to index
      %swap3A_126 = tpu.vector_load %arg13[%swap3A_125] masked %broadcast_in_dim3A_122 {strides = array<i32>} : memref<2416xi32, #tpu.memory_space<vmem>>, vector<16xi32>, vector<16xi1>
      tpu.vector_store %arg13[%swap3A_125], %broadcast_in_dim3A_124 masked %broadcast_in_dim3A_122 {strides = array<i32>} : memref<2416xi32, #tpu.memory_space<vmem>>, vector<16xi32>, vector<16xi1>
      %broadcast_in_dim3A_127 = arith.constant 0 : i32
      %broadcast_in_dim3A_128 = vector.broadcast %broadcast_in_dim3A_127 : i32 to vector<16xi32>
      %swap3A_129 = arith.index_cast %scan3A_119 : i32 to index
      %swap3A_130 = tpu.vector_load %arg14[%swap3A_129] masked %broadcast_in_dim3A_122 {strides = array<i32>} : memref<2416xi32, #tpu.memory_space<vmem>>, vector<16xi32>, vector<16xi1>
      tpu.vector_store %arg14[%swap3A_129], %broadcast_in_dim3A_128 masked %broadcast_in_dim3A_122 {strides = array<i32>} : memref<2416xi32, #tpu.memory_space<vmem>>, vector<16xi32>, vector<16xi1>
      %add3A_131 = arith.constant 15 : i32
      %add3A_132 = arith.addi %scan3A_119, %add3A_131 : i32
      %jit3A_133 = arith.constant 16 : i32
      %div3A_134 = arith.divsi %add3A_132, %jit3A_133 : i32
      %sign3A_135 = arith.constant 0 : i32
      %sign3A_136 = arith.cmpi sgt, %add3A_132, %sign3A_135 : i32
      %sign3A_137 = arith.extui %sign3A_136 : i1 to i32
      %sign3A_138 = arith.constant 0 : i32
      %sign3A_139 = arith.cmpi slt, %add3A_132, %sign3A_138 : i32
      %sign3A_140 = arith.extui %sign3A_139 : i1 to i32
      %sign3A_141 = arith.subi %sign3A_137, %sign3A_140 : i32
      %sign3A_142 = arith.constant 0 : i32
      %sign3A_143 = arith.cmpi sgt, %jit3A_133, %sign3A_142 : i32
      %sign3A_144 = arith.extui %sign3A_143 : i1 to i32
      %sign3A_145 = arith.constant 0 : i32
      %sign3A_146 = arith.cmpi slt, %jit3A_133, %sign3A_145 : i32
      %sign3A_147 = arith.extui %sign3A_146 : i1 to i32
      %sign3A_148 = arith.subi %sign3A_144, %sign3A_147 : i32
      %ne3A_149 = arith.cmpi ne, %sign3A_141, %sign3A_148 : i32
      %rem3A_150 = arith.remsi %add3A_132, %jit3A_133 : i32
      %ne3A_151 = arith.constant 0 : i32
      %ne3A_152 = arith.cmpi ne, %rem3A_150, %ne3A_151 : i32
      %and3A_153 = arith.andi %ne3A_149, %ne3A_152 : i1
      %sub3A_154 = arith.constant 1 : i32
      %sub3A_155 = arith.subi %div3A_134, %sub3A_154 : i32
      %select_n3A_156 = arith.select %and3A_153, %sub3A_155, %div3A_134 : i32
      %add3A_157 = arith.constant 3 : i32
      %add3A_158 = arith.addi %scan3A_95, %add3A_157 : i32
      %jit3A_159 = arith.constant 4 : i32
      %div3A_160 = arith.divsi %add3A_158, %jit3A_159 : i32
      %sign3A_161 = arith.constant 0 : i32
      %sign3A_162 = arith.cmpi sgt, %add3A_158, %sign3A_161 : i32
      %sign3A_163 = arith.extui %sign3A_162 : i1 to i32
      %sign3A_164 = arith.constant 0 : i32
      %sign3A_165 = arith.cmpi slt, %add3A_158, %sign3A_164 : i32
      %sign3A_166 = arith.extui %sign3A_165 : i1 to i32
      %sign3A_167 = arith.subi %sign3A_163, %sign3A_166 : i32
      %sign3A_168 = arith.constant 0 : i32
      %sign3A_169 = arith.cmpi sgt, %jit3A_159, %sign3A_168 : i32
      %sign3A_170 = arith.extui %sign3A_169 : i1 to i32
      %sign3A_171 = arith.constant 0 : i32
      %sign3A_172 = arith.cmpi slt, %jit3A_159, %sign3A_171 : i32
      %sign3A_173 = arith.extui %sign3A_172 : i1 to i32
      %sign3A_174 = arith.subi %sign3A_170, %sign3A_173 : i32
      %ne3A_175 = arith.cmpi ne, %sign3A_167, %sign3A_174 : i32
      %rem3A_176 = arith.remsi %add3A_158, %jit3A_159 : i32
      %ne3A_177 = arith.constant 0 : i32
      %ne3A_178 = arith.cmpi ne, %rem3A_176, %ne3A_177 : i32
      %and3A_179 = arith.andi %ne3A_175, %ne3A_178 : i1
      %sub3A_180 = arith.constant 1 : i32
      %sub3A_181 = arith.subi %div3A_160, %sub3A_180 : i32
      %select_n3A_182 = arith.select %and3A_179, %sub3A_181, %div3A_160 : i32
      %while3A = arith.constant 0 : i32
      %while3A_183 = arith.constant 0 : i32
      %while3A_184 = arith.subi %select_n3A_182, %while3A : i32
      %while3A_185 = arith.addi %while3A, %while3A_184 : i32
      %while3A_186 = arith.constant 1 : i32
      %while3A_187 = arith.divsi %while3A_184, %while3A_186 : i32
      %while3A_188 = arith.muli %while3A_187, %while3A_186 : i32
      %while3A_189 = arith.addi %while3A, %while3A_188 : i32
      %while3A_190 = arith.constant 1 : i32
      %while3A_191 = scf.for %while3A_274 = %while3A to %while3A_189 step %while3A_190 iter_args(%while3A_275 = %while3A_183) -> (i32)  : i32 {
        %mul3A_276 = arith.constant 4 : i32
        %mul3A_277 = arith.muli %mul3A_276, %while3A_274 : i32
        %add3A_278 = arith.constant 0 : i32
        %add3A_279 = arith.addi %mul3A_277, %add3A_278 : i32
        %lt3A_280 = arith.cmpi slt, %add3A_279, %scan3A_95 : i32
        %convert_element_type3A_281 = arith.extui %lt3A_280 : i1 to i32
        %cond3A_282 = arith.constant 0 : i32
        %cond3A_283 = arith.cmpi ne, %convert_element_type3A_281, %cond3A_282 : i32
        scf.if %cond3A_283 {
          %dma_wait3A_309 = arith.constant 0 : i32
          %dma_wait3A_310 = arith.constant 0 : i32
          %dma_wait3A_311 = tpu.memref_slice %arg2[%dma_wait3A_309, %dma_wait3A_310] : memref<100000x32xbf16, #tpu.memory_space<hbm>> -> memref<100000x32xbf16, #tpu.memory_space<hbm>>
          tpu.wait_indirect_dma semaphore(%arg25 : memref<!tpu.dma_semaphore, #tpu.memory_space<semaphore_mem>>) src(%dma_wait3A_311 : memref<100000x32xbf16, #tpu.memory_space<hbm>>) dst(%arg19 : memref<16x32xbf16, #tpu.memory_space<vmem>>)
          %mul3A_312 = arith.constant 16 : i32
          %mul3A_313 = arith.muli %add3A_279, %mul3A_312 : i32
          %get3A = arith.index_cast %mul3A_313 : i32 to index
          %get3A_314 = tpu.vector_load %arg11[%get3A] {strides = array<i32>} : memref<2416xi32, #tpu.memory_space<vmem>>, vector<16xi32>,
          %slice3A = vector.extract_strided_slice %get3A_314 {offsets = [0], sizes = [1], strides = [1]} : vector<16xi32> to vector<1xi32>
          %squeeze3A = vector.extract %slice3A[0] : i32 from vector<1xi32>
          %get3A_315 = arith.constant 0 : i32
          %get3A_316 = arith.index_cast %get3A_315 : i32 to index
          %get3A_317 = arith.constant 0 : index
          %get3A_318 = tpu.vector_load %arg19[%get3A_316, %get3A_317] {strides = array<i32>} : memref<16x32xbf16, #tpu.memory_space<vmem>>, vector<32xbf16>,
          %get3A_319 = arith.index_cast %squeeze3A : i32 to index
          %get3A_320 = arith.constant 0 : index
          %get3A_321 = tpu.vector_load %arg6[%get3A_319, %get3A_320] {strides = array<i32>} : memref<6264x32xbf16, #tpu.memory_space<vmem>>, vector<32xbf16>,
          %min3A = arith.minimumf %get3A_321, %get3A_318 : vector<32xbf16>
          %swap3A_322 = arith.index_cast %squeeze3A : i32 to index
          %swap3A_323 = arith.constant 0 : index
          %swap3A_324 = tpu.vector_load %arg6[%swap3A_322, %swap3A_323] {strides = array<i32>} : memref<6264x32xbf16, #tpu.memory_space<vmem>>, vector<32xbf16>,
          tpu.vector_store %arg6[%swap3A_322, %swap3A_323], %min3A {strides = array<i32>} : memref<6264x32xbf16, #tpu.memory_space<vmem>>, vector<32xbf16>,
          %slice3A_325 = vector.extract_strided_slice %get3A_314 {offsets = [1], sizes = [1], strides = [1]} : vector<16xi32> to vector<1xi32>
          %squeeze3A_326 = vector.extract %slice3A_325[0] : i32 from vector<1xi32>
          %get3A_327 = arith.constant 1 : i32
          %get3A_328 = arith.index_cast %get3A_327 : i32 to index
          %get3A_329 = arith.constant 0 : index
          %get3A_330 = tpu.vector_load %arg19[%get3A_328, %get3A_329] {strides = array<i32>} : memref<16x32xbf16, #tpu.memory_space<vmem>>, vector<32xbf16>,
          %get3A_331 = arith.index_cast %squeeze3A_326 : i32 to index
          %get3A_332 = arith.constant 0 : index
          %get3A_333 = tpu.vector_load %arg6[%get3A_331, %get3A_332] {strides = array<i32>} : memref<6264x32xbf16, #tpu.memory_space<vmem>>, vector<32xbf16>,
          %min3A_334 = arith.minimumf %get3A_333, %get3A_330 : vector<32xbf16>
          %swap3A_335 = arith.index_cast %squeeze3A_326 : i32 to index
          %swap3A_336 = arith.constant 0 : index
          %swap3A_337 = tpu.vector_load %arg6[%swap3A_335, %swap3A_336] {strides = array<i32>} : memref<6264x32xbf16, #tpu.memory_space<vmem>>, vector<32xbf16>,
          tpu.vector_store %arg6[%swap3A_335, %swap3A_336], %min3A_334 {strides = array<i32>} : memref<6264x32xbf16, #tpu.memory_space<vmem>>, vector<32xbf16>,
          %slice3A_338 = vector.extract_strided_slice %get3A_314 {offsets = [2], sizes = [1], strides = [1]} : vector<16xi32> to vector<1xi32>
          %squeeze3A_339 = vector.extract %slice3A_338[0] : i32 from vector<1xi32>
          %get3A_340 = arith.constant 2 : i32
          %get3A_341 = arith.index_cast %get3A_340 : i32 to index
          %get3A_342 = arith.constant 0 : index
          %get3A_343 = tpu.vector_load %arg19[%get3A_341, %get3A_342] {strides = array<i32>} : memref<16x32xbf16, #tpu.memory_space<vmem>>, vector<32xbf16>,
          %get3A_344 = arith.index_cast %squeeze3A_339 : i32 to index
          %get3A_345 = arith.constant 0 : index
          %get3A_346 = tpu.vector_load %arg6[%get3A_344, %get3A_345] {strides = array<i32>} : memref<6264x32xbf16, #tpu.memory_space<vmem>>, vector<32xbf16>,
          %min3A_347 = arith.minimumf %get3A_346, %get3A_343 : vector<32xbf16>
          %swap3A_348 = arith.index_cast %squeeze3A_339 : i32 to index
          %swap3A_349 = arith.constant 0 : index
          %swap3A_350 = tpu.vector_load %arg6[%swap3A_348, %swap3A_349] {strides = array<i32>} : memref<6264x32xbf16, #tpu.memory_space<vmem>>, vector<32xbf16>,
          tpu.vector_store %arg6[%swap3A_348, %swap3A_349], %min3A_347 {strides = array<i32>} : memref<6264x32xbf16, #tpu.memory_space<vmem>>, vector<32xbf16>,
          %slice3A_351 = vector.extract_strided_slice %get3A_314 {offsets = [3], sizes = [1], strides = [1]} : vector<16xi32> to vector<1xi32>
          %squeeze3A_352 = vector.extract %slice3A_351[0] : i32 from vector<1xi32>
          %get3A_353 = arith.constant 3 : i32
          %get3A_354 = arith.index_cast %get3A_353 : i32 to index
          %get3A_355 = arith.constant 0 : index
          %get3A_356 = tpu.vector_load %arg19[%get3A_354, %get3A_355] {strides = array<i32>} : memref<16x32xbf16, #tpu.memory_space<vmem>>, vector<32xbf16>,
          %get3A_357 = arith.index_cast %squeeze3A_352 : i32 to index
          %get3A_358 = arith.constant 0 : index
          %get3A_359 = tpu.vector_load %arg6[%get3A_357, %get3A_358] {strides = array<i32>} : memref<6264x32xbf16, #tpu.memory_space<vmem>>, vector<32xbf16>,
          %min3A_360 = arith.minimumf %get3A_359, %get3A_356 : vector<32xbf16>
          %swap3A_361 = arith.index_cast %squeeze3A_352 : i32 to index
          %swap3A_362 = arith.constant 0 : index
          %swap3A_363 = tpu.vector_load %arg6[%swap3A_361, %swap3A_362] {strides = array<i32>} : memref<6264x32xbf16, #tpu.memory_space<vmem>>, vector<32xbf16>,
          tpu.vector_store %arg6[%swap3A_361, %swap3A_362], %min3A_360 {strides = array<i32>} : memref<6264x32xbf16, #tpu.memory_space<vmem>>, vector<32xbf16>,
          %slice3A_364 = vector.extract_strided_slice %get3A_314 {offsets = [4], sizes = [1], strides = [1]} : vector<16xi32> to vector<1xi32>
          %squeeze3A_365 = vector.extract %slice3A_364[0] : i32 from vector<1xi32>
          %get3A_366 = arith.constant 4 : i32
          %get3A_367 = arith.index_cast %get3A_366 : i32 to index
          %get3A_368 = arith.constant 0 : index
          %get3A_369 = tpu.vector_load %arg19[%get3A_367, %get3A_368] {strides = array<i32>} : memref<16x32xbf16, #tpu.memory_space<vmem>>, vector<32xbf16>,
          %get3A_370 = arith.index_cast %squeeze3A_365 : i32 to index
          %get3A_371 = arith.constant 0 : index
          %get3A_372 = tpu.vector_load %arg6[%get3A_370, %get3A_371] {strides = array<i32>} : memref<6264x32xbf16, #tpu.memory_space<vmem>>, vector<32xbf16>,
          %min3A_373 = arith.minimumf %get3A_372, %get3A_369 : vector<32xbf16>
          %swap3A_374 = arith.index_cast %squeeze3A_365 : i32 to index
          %swap3A_375 = arith.constant 0 : index
          %swap3A_376 = tpu.vector_load %arg6[%swap3A_374, %swap3A_375] {strides = array<i32>} : memref<6264x32xbf16, #tpu.memory_space<vmem>>, vector<32xbf16>,
          tpu.vector_store %arg6[%swap3A_374, %swap3A_375], %min3A_373 {strides = array<i32>} : memref<6264x32xbf16, #tpu.memory_space<vmem>>, vector<32xbf16>,
          %slice3A_377 = vector.extract_strided_slice %get3A_314 {offsets = [5], sizes = [1], strides = [1]} : vector<16xi32> to vector<1xi32>
          %squeeze3A_378 = vector.extract %slice3A_377[0] : i32 from vector<1xi32>
          %get3A_379 = arith.constant 5 : i32
          %get3A_380 = arith.index_cast %get3A_379 : i32 to index
          %get3A_381 = arith.constant 0 : index
          %get3A_382 = tpu.vector_load %arg19[%get3A_380, %get3A_381] {strides = array<i32>} : memref<16x32xbf16, #tpu.memory_space<vmem>>, vector<32xbf16>,
          %get3A_383 = arith.index_cast %squeeze3A_378 : i32 to index
          %get3A_384 = arith.constant 0 : index
          %get3A_385 = tpu.vector_load %arg6[%get3A_383, %get3A_384] {strides = array<i32>} : memref<6264x32xbf16, #tpu.memory_space<vmem>>, vector<32xbf16>,
          %min3A_386 = arith.minimumf %get3A_385, %get3A_382 : vector<32xbf16>
          %swap3A_387 = arith.index_cast %squeeze3A_378 : i32 to index
          %swap3A_388 = arith.constant 0 : index
          %swap3A_389 = tpu.vector_load %arg6[%swap3A_387, %swap3A_388] {strides = array<i32>} : memref<6264x32xbf16, #tpu.memory_space<vmem>>, vector<32xbf16>,
          tpu.vector_store %arg6[%swap3A_387, %swap3A_388], %min3A_386 {strides = array<i32>} : memref<6264x32xbf16, #tpu.memory_space<vmem>>, vector<32xbf16>,
          %slice3A_390 = vector.extract_strided_slice %get3A_314 {offsets = [6], sizes = [1], strides = [1]} : vector<16xi32> to vector<1xi32>
          %squeeze3A_391 = vector.extract %slice3A_390[0] : i32 from vector<1xi32>
          %get3A_392 = arith.constant 6 : i32
          %get3A_393 = arith.index_cast %get3A_392 : i32 to index
          %get3A_394 = arith.constant 0 : index
          %get3A_395 = tpu.vector_load %arg19[%get3A_393, %get3A_394] {strides = array<i32>} : memref<16x32xbf16, #tpu.memory_space<vmem>>, vector<32xbf16>,
          %get3A_396 = arith.index_cast %squeeze3A_391 : i32 to index
          %get3A_397 = arith.constant 0 : index
          %get3A_398 = tpu.vector_load %arg6[%get3A_396, %get3A_397] {strides = array<i32>} : memref<6264x32xbf16, #tpu.memory_space<vmem>>, vector<32xbf16>,
          %min3A_399 = arith.minimumf %get3A_398, %get3A_395 : vector<32xbf16>
          %swap3A_400 = arith.index_cast %squeeze3A_391 : i32 to index
          %swap3A_401 = arith.constant 0 : index
          %swap3A_402 = tpu.vector_load %arg6[%swap3A_400, %swap3A_401] {strides = array<i32>} : memref<6264x32xbf16, #tpu.memory_space<vmem>>, vector<32xbf16>,
          tpu.vector_store %arg6[%swap3A_400, %swap3A_401], %min3A_399 {strides = array<i32>} : memref<6264x32xbf16, #tpu.memory_space<vmem>>, vector<32xbf16>,
          %slice3A_403 = vector.extract_strided_slice %get3A_314 {offsets = [7], sizes = [1], strides = [1]} : vector<16xi32> to vector<1xi32>
          %squeeze3A_404 = vector.extract %slice3A_403[0] : i32 from vector<1xi32>
          %get3A_405 = arith.constant 7 : i32
          %get3A_406 = arith.index_cast %get3A_405 : i32 to index
          %get3A_407 = arith.constant 0 : index
          %get3A_408 = tpu.vector_load %arg19[%get3A_406, %get3A_407] {strides = array<i32>} : memref<16x32xbf16, #tpu.memory_space<vmem>>, vector<32xbf16>,
          %get3A_409 = arith.index_cast %squeeze3A_404 : i32 to index
          %get3A_410 = arith.constant 0 : index
          %get3A_411 = tpu.vector_load %arg6[%get3A_409, %get3A_410] {strides = array<i32>} : memref<6264x32xbf16, #tpu.memory_space<vmem>>, vector<32xbf16>,
          %min3A_412 = arith.minimumf %get3A_411, %get3A_408 : vector<32xbf16>
          %swap3A_413 = arith.index_cast %squeeze3A_404 : i32 to index
          %swap3A_414 = arith.constant 0 : index
          %swap3A_415 = tpu.vector_load %arg6[%swap3A_413, %swap3A_414] {strides = array<i32>} : memref<6264x32xbf16, #tpu.memory_space<vmem>>, vector<32xbf16>,
          tpu.vector_store %arg6[%swap3A_413, %swap3A_414], %min3A_412 {strides = array<i32>} : memref<6264x32xbf16, #tpu.memory_space<vmem>>, vector<32xbf16>,
          %slice3A_416 = vector.extract_strided_slice %get3A_314 {offsets = [8], sizes = [1], strides = [1]} : vector<16xi32> to vector<1xi32>
          %squeeze3A_417 = vector.extract %slice3A_416[0] : i32 from vector<1xi32>
          %get3A_418 = arith.constant 8 : i32
          %get3A_419 = arith.index_cast %get3A_418 : i32 to index
          %get3A_420 = arith.constant 0 : index
          %get3A_421 = tpu.vector_load %arg19[%get3A_419, %get3A_420] {strides = array<i32>} : memref<16x32xbf16, #tpu.memory_space<vmem>>, vector<32xbf16>,
          %get3A_422 = arith.index_cast %squeeze3A_417 : i32 to index
          %get3A_423 = arith.constant 0 : index
          %get3A_424 = tpu.vector_load %arg6[%get3A_422, %get3A_423] {strides = array<i32>} : memref<6264x32xbf16, #tpu.memory_space<vmem>>, vector<32xbf16>,
          %min3A_425 = arith.minimumf %get3A_424, %get3A_421 : vector<32xbf16>
          %swap3A_426 = arith.index_cast %squeeze3A_417 : i32 to index
          %swap3A_427 = arith.constant 0 : index
          %swap3A_428 = tpu.vector_load %arg6[%swap3A_426, %swap3A_427] {strides = array<i32>} : memref<6264x32xbf16, #tpu.memory_space<vmem>>, vector<32xbf16>,
          tpu.vector_store %arg6[%swap3A_426, %swap3A_427], %min3A_425 {strides = array<i32>} : memref<6264x32xbf16, #tpu.memory_space<vmem>>, vector<32xbf16>,
          %slice3A_429 = vector.extract_strided_slice %get3A_314 {offsets = [9], sizes = [1], strides = [1]} : vector<16xi32> to vector<1xi32>
          %squeeze3A_430 = vector.extract %slice3A_429[0] : i32 from vector<1xi32>
          %get3A_431 = arith.constant 9 : i32
          %get3A_432 = arith.index_cast %get3A_431 : i32 to index
          %get3A_433 = arith.constant 0 : index
          %get3A_434 = tpu.vector_load %arg19[%get3A_432, %get3A_433] {strides = array<i32>} : memref<16x32xbf16, #tpu.memory_space<vmem>>, vector<32xbf16>,
          %get3A_435 = arith.index_cast %squeeze3A_430 : i32 to index
          %get3A_436 = arith.constant 0 : index
          %get3A_437 = tpu.vector_load %arg6[%get3A_435, %get3A_436] {strides = array<i32>} : memref<6264x32xbf16, #tpu.memory_space<vmem>>, vector<32xbf16>,
          %min3A_438 = arith.minimumf %get3A_437, %get3A_434 : vector<32xbf16>
          %swap3A_439 = arith.index_cast %squeeze3A_430 : i32 to index
          %swap3A_440 = arith.constant 0 : index
          %swap3A_441 = tpu.vector_load %arg6[%swap3A_439, %swap3A_440] {strides = array<i32>} : memref<6264x32xbf16, #tpu.memory_space<vmem>>, vector<32xbf16>,
          tpu.vector_store %arg6[%swap3A_439, %swap3A_440], %min3A_438 {strides = array<i32>} : memref<6264x32xbf16, #tpu.memory_space<vmem>>, vector<32xbf16>,
          %slice3A_442 = vector.extract_strided_slice %get3A_314 {offsets = [10], sizes = [1], strides = [1]} : vector<16xi32> to vector<1xi32>
          %squeeze3A_443 = vector.extract %slice3A_442[0] : i32 from vector<1xi32>
          %get3A_444 = arith.constant 10 : i32
          %get3A_445 = arith.index_cast %get3A_444 : i32 to index
          %get3A_446 = arith.constant 0 : index
          %get3A_447 = tpu.vector_load %arg19[%get3A_445, %get3A_446] {strides = array<i32>} : memref<16x32xbf16, #tpu.memory_space<vmem>>, vector<32xbf16>,
          %get3A_448 = arith.index_cast %squeeze3A_443 : i32 to index
          %get3A_449 = arith.constant 0 : index
          %get3A_450 = tpu.vector_load %arg6[%get3A_448, %get3A_449] {strides = array<i32>} : memref<6264x32xbf16, #tpu.memory_space<vmem>>, vector<32xbf16>,
          %min3A_451 = arith.minimumf %get3A_450, %get3A_447 : vector<32xbf16>
          %swap3A_452 = arith.index_cast %squeeze3A_443 : i32 to index
          %swap3A_453 = arith.constant 0 : index
          %swap3A_454 = tpu.vector_load %arg6[%swap3A_452, %swap3A_453] {strides = array<i32>} : memref<6264x32xbf16, #tpu.memory_space<vmem>>, vector<32xbf16>,
          tpu.vector_store %arg6[%swap3A_452, %swap3A_453], %min3A_451 {strides = array<i32>} : memref<6264x32xbf16, #tpu.memory_space<vmem>>, vector<32xbf16>,
          %slice3A_455 = vector.extract_strided_slice %get3A_314 {offsets = [11], sizes = [1], strides = [1]} : vector<16xi32> to vector<1xi32>
          %squeeze3A_456 = vector.extract %slice3A_455[0] : i32 from vector<1xi32>
          %get3A_457 = arith.constant 11 : i32
          %get3A_458 = arith.index_cast %get3A_457 : i32 to index
          %get3A_459 = arith.constant 0 : index
          %get3A_460 = tpu.vector_load %arg19[%get3A_458, %get3A_459] {strides = array<i32>} : memref<16x32xbf16, #tpu.memory_space<vmem>>, vector<32xbf16>,
          %get3A_461 = arith.index_cast %squeeze3A_456 : i32 to index
          %get3A_462 = arith.constant 0 : index
          %get3A_463 = tpu.vector_load %arg6[%get3A_461, %get3A_462] {strides = array<i32>} : memref<6264x32xbf16, #tpu.memory_space<vmem>>, vector<32xbf16>,
          %min3A_464 = arith.minimumf %get3A_463, %get3A_460 : vector<32xbf16>
          %swap3A_465 = arith.index_cast %squeeze3A_456 : i32 to index
          %swap3A_466 = arith.constant 0 : index
          %swap3A_467 = tpu.vector_load %arg6[%swap3A_465, %swap3A_466] {strides = array<i32>} : memref<6264x32xbf16, #tpu.memory_space<vmem>>, vector<32xbf16>,
          tpu.vector_store %arg6[%swap3A_465, %swap3A_466], %min3A_464 {strides = array<i32>} : memref<6264x32xbf16, #tpu.memory_space<vmem>>, vector<32xbf16>,
          %slice3A_468 = vector.extract_strided_slice %get3A_314 {offsets = [12], sizes = [1], strides = [1]} : vector<16xi32> to vector<1xi32>
          %squeeze3A_469 = vector.extract %slice3A_468[0] : i32 from vector<1xi32>
          %get3A_470 = arith.constant 12 : i32
          %get3A_471 = arith.index_cast %get3A_470 : i32 to index
          %get3A_472 = arith.constant 0 : index
          %get3A_473 = tpu.vector_load %arg19[%get3A_471, %get3A_472] {strides = array<i32>} : memref<16x32xbf16, #tpu.memory_space<vmem>>, vector<32xbf16>,
          %get3A_474 = arith.index_cast %squeeze3A_469 : i32 to index
          %get3A_475 = arith.constant 0 : index
          %get3A_476 = tpu.vector_load %arg6[%get3A_474, %get3A_475] {strides = array<i32>} : memref<6264x32xbf16, #tpu.memory_space<vmem>>, vector<32xbf16>,
          %min3A_477 = arith.minimumf %get3A_476, %get3A_473 : vector<32xbf16>
          %swap3A_478 = arith.index_cast %squeeze3A_469 : i32 to index
          %swap3A_479 = arith.constant 0 : index
          %swap3A_480 = tpu.vector_load %arg6[%swap3A_478, %swap3A_479] {strides = array<i32>} : memref<6264x32xbf16, #tpu.memory_space<vmem>>, vector<32xbf16>,
          tpu.vector_store %arg6[%swap3A_478, %swap3A_479], %min3A_477 {strides = array<i32>} : memref<6264x32xbf16, #tpu.memory_space<vmem>>, vector<32xbf16>,
          %slice3A_481 = vector.extract_strided_slice %get3A_314 {offsets = [13], sizes = [1], strides = [1]} : vector<16xi32> to vector<1xi32>
          %squeeze3A_482 = vector.extract %slice3A_481[0] : i32 from vector<1xi32>
          %get3A_483 = arith.constant 13 : i32
          %get3A_484 = arith.index_cast %get3A_483 : i32 to index
          %get3A_485 = arith.constant 0 : index
          %get3A_486 = tpu.vector_load %arg19[%get3A_484, %get3A_485] {strides = array<i32>} : memref<16x32xbf16, #tpu.memory_space<vmem>>, vector<32xbf16>,
          %get3A_487 = arith.index_cast %squeeze3A_482 : i32 to index
          %get3A_488 = arith.constant 0 : index
          %get3A_489 = tpu.vector_load %arg6[%get3A_487, %get3A_488] {strides = array<i32>} : memref<6264x32xbf16, #tpu.memory_space<vmem>>, vector<32xbf16>,
          %min3A_490 = arith.minimumf %get3A_489, %get3A_486 : vector<32xbf16>
          %swap3A_491 = arith.index_cast %squeeze3A_482 : i32 to index
          %swap3A_492 = arith.constant 0 : index
          %swap3A_493 = tpu.vector_load %arg6[%swap3A_491, %swap3A_492] {strides = array<i32>} : memref<6264x32xbf16, #tpu.memory_space<vmem>>, vector<32xbf16>,
          tpu.vector_store %arg6[%swap3A_491, %swap3A_492], %min3A_490 {strides = array<i32>} : memref<6264x32xbf16, #tpu.memory_space<vmem>>, vector<32xbf16>,
          %slice3A_494 = vector.extract_strided_slice %get3A_314 {offsets = [14], sizes = [1], strides = [1]} : vector<16xi32> to vector<1xi32>
          %squeeze3A_495 = vector.extract %slice3A_494[0] : i32 from vector<1xi32>
          %get3A_496 = arith.constant 14 : i32
          %get3A_497 = arith.index_cast %get3A_496 : i32 to index
          %get3A_498 = arith.constant 0 : index
          %get3A_499 = tpu.vector_load %arg19[%get3A_497, %get3A_498] {strides = array<i32>} : memref<16x32xbf16, #tpu.memory_space<vmem>>, vector<32xbf16>,
          %get3A_500 = arith.index_cast %squeeze3A_495 : i32 to index
          %get3A_501 = arith.constant 0 : index
          %get3A_502 = tpu.vector_load %arg6[%get3A_500, %get3A_501] {strides = array<i32>} : memref<6264x32xbf16, #tpu.memory_space<vmem>>, vector<32xbf16>,
          %min3A_503 = arith.minimumf %get3A_502, %get3A_499 : vector<32xbf16>
          %swap3A_504 = arith.index_cast %squeeze3A_495 : i32 to index
          %swap3A_505 = arith.constant 0 : index
          %swap3A_506 = tpu.vector_load %arg6[%swap3A_504, %swap3A_505] {strides = array<i32>} : memref<6264x32xbf16, #tpu.memory_space<vmem>>, vector<32xbf16>,
          tpu.vector_store %arg6[%swap3A_504, %swap3A_505], %min3A_503 {strides = array<i32>} : memref<6264x32xbf16, #tpu.memory_space<vmem>>, vector<32xbf16>,
          %slice3A_507 = vector.extract_strided_slice %get3A_314 {offsets = [15], sizes = [1], strides = [1]} : vector<16xi32> to vector<1xi32>
          %squeeze3A_508 = vector.extract %slice3A_507[0] : i32 from vector<1xi32>
          %get3A_509 = arith.constant 15 : i32
          %get3A_510 = arith.index_cast %get3A_509 : i32 to index
          %get3A_511 = arith.constant 0 : index
          %get3A_512 = tpu.vector_load %arg19[%get3A_510, %get3A_511] {strides = array<i32>} : memref<16x32xbf16, #tpu.memory_space<vmem>>, vector<32xbf16>,
          %get3A_513 = arith.index_cast %squeeze3A_508 : i32 to index
          %get3A_514 = arith.constant 0 : index
          %get3A_515 = tpu.vector_load %arg6[%get3A_513, %get3A_514] {strides = array<i32>} : memref<6264x32xbf16, #tpu.memory_space<vmem>>, vector<32xbf16>,
          %min3A_516 = arith.minimumf %get3A_515, %get3A_512 : vector<32xbf16>
          %swap3A_517 = arith.index_cast %squeeze3A_508 : i32 to index
          %swap3A_518 = arith.constant 0 : index
          %swap3A_519 = tpu.vector_load %arg6[%swap3A_517, %swap3A_518] {strides = array<i32>} : memref<6264x32xbf16, #tpu.memory_space<vmem>>, vector<32xbf16>,
          tpu.vector_store %arg6[%swap3A_517, %swap3A_518], %min3A_516 {strides = array<i32>} : memref<6264x32xbf16, #tpu.memory_space<vmem>>, vector<32xbf16>,
          %add3A_520 = arith.constant 4 : i32
          %add3A_521 = arith.addi %add3A_279, %add3A_520 : i32
          %lt3A_522 = arith.cmpi slt, %add3A_521, %scan3A_95 : i32
          %convert_element_type3A_523 = arith.extui %lt3A_522 : i1 to i32
          %cond3A_524 = arith.constant 0 : i32
          %cond3A_525 = arith.cmpi ne, %convert_element_type3A_523, %cond3A_524 : i32
          scf.if %cond3A_525 {
            %add3A_526 = arith.constant 4 : i32
            %add3A_527 = arith.addi %add3A_279, %add3A_526 : i32
            %mul3A_528 = arith.constant 16 : i32
            %mul3A_529 = arith.muli %add3A_527, %mul3A_528 : i32
            %get3A_530 = arith.index_cast %mul3A_529 : i32 to index
            %get3A_531 = tpu.vector_load %arg12[%get3A_530] {strides = array<i32>} : memref<2416xi32, #tpu.memory_space<vmem>>, vector<16xi32>,
            %swap3A_532 = arith.constant 0 : index
            %swap3A_533 = tpu.vector_load %arg15[%swap3A_532] {strides = array<i32>} : memref<16xi32, #tpu.memory_space<vmem>>, vector<16xi32>,
            tpu.vector_store %arg15[%swap3A_532], %get3A_531 {strides = array<i32>} : memref<16xi32, #tpu.memory_space<vmem>>, vector<16xi32>,
            %dma_start3A_534 = arith.constant 0 : i32
            %dma_start3A_535 = arith.constant 0 : i32
            %dma_start3A_536 = tpu.memref_slice %arg2[%dma_start3A_534, %dma_start3A_535] : memref<100000x32xbf16, #tpu.memory_space<hbm>> -> memref<100000x32xbf16, #tpu.memory_space<hbm>>
            tpu.enqueue_indirect_dma source(%dma_start3A_536 : memref<100000x32xbf16, #tpu.memory_space<hbm>>) target(%arg19 : memref<16x32xbf16, #tpu.memory_space<vmem>>) offsets(%arg15 : memref<16xi32, #tpu.memory_space<vmem>>) semaphore(%arg25 : memref<!tpu.dma_semaphore, #tpu.memory_space<semaphore_mem>>)
          } else {
          }
        } else {
        }
        %mul3A_284 = arith.constant 4 : i32
        %mul3A_285 = arith.muli %mul3A_284, %while3A_274 : i32
        %add3A_286 = arith.constant 1 : i32
        %add3A_287 = arith.addi %mul3A_285, %add3A_286 : i32
        %lt3A_288 = arith.cmpi slt, %add3A_287, %scan3A_95 : i32
        %convert_element_type3A_289 = arith.extui %lt3A_288 : i1 to i32
        %cond3A_290 = arith.constant 0 : i32
        %cond3A_291 = arith.cmpi ne, %convert_element_type3A_289, %cond3A_290 : i32
        scf.if %cond3A_291 {
          %dma_wait3A_309 = arith.constant 0 : i32
          %dma_wait3A_310 = arith.constant 0 : i32
          %dma_wait3A_311 = tpu.memref_slice %arg2[%dma_wait3A_309, %dma_wait3A_310] : memref<100000x32xbf16, #tpu.memory_space<hbm>> -> memref<100000x32xbf16, #tpu.memory_space<hbm>>
          tpu.wait_indirect_dma semaphore(%arg26 : memref<!tpu.dma_semaphore, #tpu.memory_space<semaphore_mem>>) src(%dma_wait3A_311 : memref<100000x32xbf16, #tpu.memory_space<hbm>>) dst(%arg20 : memref<16x32xbf16, #tpu.memory_space<vmem>>)
          %mul3A_312 = arith.constant 16 : i32
          %mul3A_313 = arith.muli %add3A_287, %mul3A_312 : i32
          %get3A = arith.index_cast %mul3A_313 : i32 to index
          %get3A_314 = tpu.vector_load %arg11[%get3A] {strides = array<i32>} : memref<2416xi32, #tpu.memory_space<vmem>>, vector<16xi32>,
          %slice3A = vector.extract_strided_slice %get3A_314 {offsets = [0], sizes = [1], strides = [1]} : vector<16xi32> to vector<1xi32>
          %squeeze3A = vector.extract %slice3A[0] : i32 from vector<1xi32>
          %get3A_315 = arith.constant 0 : i32
          %get3A_316 = arith.index_cast %get3A_315 : i32 to index
          %get3A_317 = arith.constant 0 : index
          %get3A_318 = tpu.vector_load %arg20[%get3A_316, %get3A_317] {strides = array<i32>} : memref<16x32xbf16, #tpu.memory_space<vmem>>, vector<32xbf16>,
          %get3A_319 = arith.index_cast %squeeze3A : i32 to index
          %get3A_320 = arith.constant 0 : index
          %get3A_321 = tpu.vector_load %arg6[%get3A_319, %get3A_320] {strides = array<i32>} : memref<6264x32xbf16, #tpu.memory_space<vmem>>, vector<32xbf16>,
          %min3A = arith.minimumf %get3A_321, %get3A_318 : vector<32xbf16>
          %swap3A_322 = arith.index_cast %squeeze3A : i32 to index
          %swap3A_323 = arith.constant 0 : index
          %swap3A_324 = tpu.vector_load %arg6[%swap3A_322, %swap3A_323] {strides = array<i32>} : memref<6264x32xbf16, #tpu.memory_space<vmem>>, vector<32xbf16>,
          tpu.vector_store %arg6[%swap3A_322, %swap3A_323], %min3A {strides = array<i32>} : memref<6264x32xbf16, #tpu.memory_space<vmem>>, vector<32xbf16>,
          %slice3A_325 = vector.extract_strided_slice %get3A_314 {offsets = [1], sizes = [1], strides = [1]} : vector<16xi32> to vector<1xi32>
          %squeeze3A_326 = vector.extract %slice3A_325[0] : i32 from vector<1xi32>
          %get3A_327 = arith.constant 1 : i32
          %get3A_328 = arith.index_cast %get3A_327 : i32 to index
          %get3A_329 = arith.constant 0 : index
          %get3A_330 = tpu.vector_load %arg20[%get3A_328, %get3A_329] {strides = array<i32>} : memref<16x32xbf16, #tpu.memory_space<vmem>>, vector<32xbf16>,
          %get3A_331 = arith.index_cast %squeeze3A_326 : i32 to index
          %get3A_332 = arith.constant 0 : index
          %get3A_333 = tpu.vector_load %arg6[%get3A_331, %get3A_332] {strides = array<i32>} : memref<6264x32xbf16, #tpu.memory_space<vmem>>, vector<32xbf16>,
          %min3A_334 = arith.minimumf %get3A_333, %get3A_330 : vector<32xbf16>
          %swap3A_335 = arith.index_cast %squeeze3A_326 : i32 to index
          %swap3A_336 = arith.constant 0 : index
          %swap3A_337 = tpu.vector_load %arg6[%swap3A_335, %swap3A_336] {strides = array<i32>} : memref<6264x32xbf16, #tpu.memory_space<vmem>>, vector<32xbf16>,
          tpu.vector_store %arg6[%swap3A_335, %swap3A_336], %min3A_334 {strides = array<i32>} : memref<6264x32xbf16, #tpu.memory_space<vmem>>, vector<32xbf16>,
          %slice3A_338 = vector.extract_strided_slice %get3A_314 {offsets = [2], sizes = [1], strides = [1]} : vector<16xi32> to vector<1xi32>
          %squeeze3A_339 = vector.extract %slice3A_338[0] : i32 from vector<1xi32>
          %get3A_340 = arith.constant 2 : i32
          %get3A_341 = arith.index_cast %get3A_340 : i32 to index
          %get3A_342 = arith.constant 0 : index
          %get3A_343 = tpu.vector_load %arg20[%get3A_341, %get3A_342] {strides = array<i32>} : memref<16x32xbf16, #tpu.memory_space<vmem>>, vector<32xbf16>,
          %get3A_344 = arith.index_cast %squeeze3A_339 : i32 to index
          %get3A_345 = arith.constant 0 : index
          %get3A_346 = tpu.vector_load %arg6[%get3A_344, %get3A_345] {strides = array<i32>} : memref<6264x32xbf16, #tpu.memory_space<vmem>>, vector<32xbf16>,
          %min3A_347 = arith.minimumf %get3A_346, %get3A_343 : vector<32xbf16>
          %swap3A_348 = arith.index_cast %squeeze3A_339 : i32 to index
          %swap3A_349 = arith.constant 0 : index
          %swap3A_350 = tpu.vector_load %arg6[%swap3A_348, %swap3A_349] {strides = array<i32>} : memref<6264x32xbf16, #tpu.memory_space<vmem>>, vector<32xbf16>,
          tpu.vector_store %arg6[%swap3A_348, %swap3A_349], %min3A_347 {strides = array<i32>} : memref<6264x32xbf16, #tpu.memory_space<vmem>>, vector<32xbf16>,
          %slice3A_351 = vector.extract_strided_slice %get3A_314 {offsets = [3], sizes = [1], strides = [1]} : vector<16xi32> to vector<1xi32>
          %squeeze3A_352 = vector.extract %slice3A_351[0] : i32 from vector<1xi32>
          %get3A_353 = arith.constant 3 : i32
          %get3A_354 = arith.index_cast %get3A_353 : i32 to index
          %get3A_355 = arith.constant 0 : index
          %get3A_356 = tpu.vector_load %arg20[%get3A_354, %get3A_355] {strides = array<i32>} : memref<16x32xbf16, #tpu.memory_space<vmem>>, vector<32xbf16>,
          %get3A_357 = arith.index_cast %squeeze3A_352 : i32 to index
          %get3A_358 = arith.constant 0 : index
          %get3A_359 = tpu.vector_load %arg6[%get3A_357, %get3A_358] {strides = array<i32>} : memref<6264x32xbf16, #tpu.memory_space<vmem>>, vector<32xbf16>,
          %min3A_360 = arith.minimumf %get3A_359, %get3A_356 : vector<32xbf16>
          %swap3A_361 = arith.index_cast %squeeze3A_352 : i32 to index
          %swap3A_362 = arith.constant 0 : index
          %swap3A_363 = tpu.vector_load %arg6[%swap3A_361, %swap3A_362] {strides = array<i32>} : memref<6264x32xbf16, #tpu.memory_space<vmem>>, vector<32xbf16>,
          tpu.vector_store %arg6[%swap3A_361, %swap3A_362], %min3A_360 {strides = array<i32>} : memref<6264x32xbf16, #tpu.memory_space<vmem>>, vector<32xbf16>,
          %slice3A_364 = vector.extract_strided_slice %get3A_314 {offsets = [4], sizes = [1], strides = [1]} : vector<16xi32> to vector<1xi32>
          %squeeze3A_365 = vector.extract %slice3A_364[0] : i32 from vector<1xi32>
          %get3A_366 = arith.constant 4 : i32
          %get3A_367 = arith.index_cast %get3A_366 : i32 to index
          %get3A_368 = arith.constant 0 : index
          %get3A_369 = tpu.vector_load %arg20[%get3A_367, %get3A_368] {strides = array<i32>} : memref<16x32xbf16, #tpu.memory_space<vmem>>, vector<32xbf16>,
          %get3A_370 = arith.index_cast %squeeze3A_365 : i32 to index
          %get3A_371 = arith.constant 0 : index
          %get3A_372 = tpu.vector_load %arg6[%get3A_370, %get3A_371] {strides = array<i32>} : memref<6264x32xbf16, #tpu.memory_space<vmem>>, vector<32xbf16>,
          %min3A_373 = arith.minimumf %get3A_372, %get3A_369 : vector<32xbf16>
          %swap3A_374 = arith.index_cast %squeeze3A_365 : i32 to index
          %swap3A_375 = arith.constant 0 : index
          %swap3A_376 = tpu.vector_load %arg6[%swap3A_374, %swap3A_375] {strides = array<i32>} : memref<6264x32xbf16, #tpu.memory_space<vmem>>, vector<32xbf16>,
          tpu.vector_store %arg6[%swap3A_374, %swap3A_375], %min3A_373 {strides = array<i32>} : memref<6264x32xbf16, #tpu.memory_space<vmem>>, vector<32xbf16>,
          %slice3A_377 = vector.extract_strided_slice %get3A_314 {offsets = [5], sizes = [1], strides = [1]} : vector<16xi32> to vector<1xi32>
          %squeeze3A_378 = vector.extract %slice3A_377[0] : i32 from vector<1xi32>
          %get3A_379 = arith.constant 5 : i32
          %get3A_380 = arith.index_cast %get3A_379 : i32 to index
          %get3A_381 = arith.constant 0 : index
          %get3A_382 = tpu.vector_load %arg20[%get3A_380, %get3A_381] {strides = array<i32>} : memref<16x32xbf16, #tpu.memory_space<vmem>>, vector<32xbf16>,
          %get3A_383 = arith.index_cast %squeeze3A_378 : i32 to index
          %get3A_384 = arith.constant 0 : index
          %get3A_385 = tpu.vector_load %arg6[%get3A_383, %get3A_384] {strides = array<i32>} : memref<6264x32xbf16, #tpu.memory_space<vmem>>, vector<32xbf16>,
          %min3A_386 = arith.minimumf %get3A_385, %get3A_382 : vector<32xbf16>
          %swap3A_387 = arith.index_cast %squeeze3A_378 : i32 to index
          %swap3A_388 = arith.constant 0 : index
          %swap3A_389 = tpu.vector_load %arg6[%swap3A_387, %swap3A_388] {strides = array<i32>} : memref<6264x32xbf16, #tpu.memory_space<vmem>>, vector<32xbf16>,
          tpu.vector_store %arg6[%swap3A_387, %swap3A_388], %min3A_386 {strides = array<i32>} : memref<6264x32xbf16, #tpu.memory_space<vmem>>, vector<32xbf16>,
          %slice3A_390 = vector.extract_strided_slice %get3A_314 {offsets = [6], sizes = [1], strides = [1]} : vector<16xi32> to vector<1xi32>
          %squeeze3A_391 = vector.extract %slice3A_390[0] : i32 from vector<1xi32>
          %get3A_392 = arith.constant 6 : i32
          %get3A_393 = arith.index_cast %get3A_392 : i32 to index
          %get3A_394 = arith.constant 0 : index
          %get3A_395 = tpu.vector_load %arg20[%get3A_393, %get3A_394] {strides = array<i32>} : memref<16x32xbf16, #tpu.memory_space<vmem>>, vector<32xbf16>,
          %get3A_396 = arith.index_cast %squeeze3A_391 : i32 to index
          %get3A_397 = arith.constant 0 : index
          %get3A_398 = tpu.vector_load %arg6[%get3A_396, %get3A_397] {strides = array<i32>} : memref<6264x32xbf16, #tpu.memory_space<vmem>>, vector<32xbf16>,
          %min3A_399 = arith.minimumf %get3A_398, %get3A_395 : vector<32xbf16>
          %swap3A_400 = arith.index_cast %squeeze3A_391 : i32 to index
          %swap3A_401 = arith.constant 0 : index
          %swap3A_402 = tpu.vector_load %arg6[%swap3A_400, %swap3A_401] {strides = array<i32>} : memref<6264x32xbf16, #tpu.memory_space<vmem>>, vector<32xbf16>,
          tpu.vector_store %arg6[%swap3A_400, %swap3A_401], %min3A_399 {strides = array<i32>} : memref<6264x32xbf16, #tpu.memory_space<vmem>>, vector<32xbf16>,
          %slice3A_403 = vector.extract_strided_slice %get3A_314 {offsets = [7], sizes = [1], strides = [1]} : vector<16xi32> to vector<1xi32>
          %squeeze3A_404 = vector.extract %slice3A_403[0] : i32 from vector<1xi32>
          %get3A_405 = arith.constant 7 : i32
          %get3A_406 = arith.index_cast %get3A_405 : i32 to index
          %get3A_407 = arith.constant 0 : index
          %get3A_408 = tpu.vector_load %arg20[%get3A_406, %get3A_407] {strides = array<i32>} : memref<16x32xbf16, #tpu.memory_space<vmem>>, vector<32xbf16>,
          %get3A_409 = arith.index_cast %squeeze3A_404 : i32 to index
          %get3A_410 = arith.constant 0 : index
          %get3A_411 = tpu.vector_load %arg6[%get3A_409, %get3A_410] {strides = array<i32>} : memref<6264x32xbf16, #tpu.memory_space<vmem>>, vector<32xbf16>,
          %min3A_412 = arith.minimumf %get3A_411, %get3A_408 : vector<32xbf16>
          %swap3A_413 = arith.index_cast %squeeze3A_404 : i32 to index
          %swap3A_414 = arith.constant 0 : index
          %swap3A_415 = tpu.vector_load %arg6[%swap3A_413, %swap3A_414] {strides = array<i32>} : memref<6264x32xbf16, #tpu.memory_space<vmem>>, vector<32xbf16>,
          tpu.vector_store %arg6[%swap3A_413, %swap3A_414], %min3A_412 {strides = array<i32>} : memref<6264x32xbf16, #tpu.memory_space<vmem>>, vector<32xbf16>,
          %slice3A_416 = vector.extract_strided_slice %get3A_314 {offsets = [8], sizes = [1], strides = [1]} : vector<16xi32> to vector<1xi32>
          %squeeze3A_417 = vector.extract %slice3A_416[0] : i32 from vector<1xi32>
          %get3A_418 = arith.constant 8 : i32
          %get3A_419 = arith.index_cast %get3A_418 : i32 to index
          %get3A_420 = arith.constant 0 : index
          %get3A_421 = tpu.vector_load %arg20[%get3A_419, %get3A_420] {strides = array<i32>} : memref<16x32xbf16, #tpu.memory_space<vmem>>, vector<32xbf16>,
          %get3A_422 = arith.index_cast %squeeze3A_417 : i32 to index
          %get3A_423 = arith.constant 0 : index
          %get3A_424 = tpu.vector_load %arg6[%get3A_422, %get3A_423] {strides = array<i32>} : memref<6264x32xbf16, #tpu.memory_space<vmem>>, vector<32xbf16>,
          %min3A_425 = arith.minimumf %get3A_424, %get3A_421 : vector<32xbf16>
          %swap3A_426 = arith.index_cast %squeeze3A_417 : i32 to index
          %swap3A_427 = arith.constant 0 : index
          %swap3A_428 = tpu.vector_load %arg6[%swap3A_426, %swap3A_427] {strides = array<i32>} : memref<6264x32xbf16, #tpu.memory_space<vmem>>, vector<32xbf16>,
          tpu.vector_store %arg6[%swap3A_426, %swap3A_427], %min3A_425 {strides = array<i32>} : memref<6264x32xbf16, #tpu.memory_space<vmem>>, vector<32xbf16>,
          %slice3A_429 = vector.extract_strided_slice %get3A_314 {offsets = [9], sizes = [1], strides = [1]} : vector<16xi32> to vector<1xi32>
          %squeeze3A_430 = vector.extract %slice3A_429[0] : i32 from vector<1xi32>
          %get3A_431 = arith.constant 9 : i32
          %get3A_432 = arith.index_cast %get3A_431 : i32 to index
          %get3A_433 = arith.constant 0 : index
          %get3A_434 = tpu.vector_load %arg20[%get3A_432, %get3A_433] {strides = array<i32>} : memref<16x32xbf16, #tpu.memory_space<vmem>>, vector<32xbf16>,
          %get3A_435 = arith.index_cast %squeeze3A_430 : i32 to index
          %get3A_436 = arith.constant 0 : index
          %get3A_437 = tpu.vector_load %arg6[%get3A_435, %get3A_436] {strides = array<i32>} : memref<6264x32xbf16, #tpu.memory_space<vmem>>, vector<32xbf16>,
          %min3A_438 = arith.minimumf %get3A_437, %get3A_434 : vector<32xbf16>
          %swap3A_439 = arith.index_cast %squeeze3A_430 : i32 to index
          %swap3A_440 = arith.constant 0 : index
          %swap3A_441 = tpu.vector_load %arg6[%swap3A_439, %swap3A_440] {strides = array<i32>} : memref<6264x32xbf16, #tpu.memory_space<vmem>>, vector<32xbf16>,
          tpu.vector_store %arg6[%swap3A_439, %swap3A_440], %min3A_438 {strides = array<i32>} : memref<6264x32xbf16, #tpu.memory_space<vmem>>, vector<32xbf16>,
          %slice3A_442 = vector.extract_strided_slice %get3A_314 {offsets = [10], sizes = [1], strides = [1]} : vector<16xi32> to vector<1xi32>
          %squeeze3A_443 = vector.extract %slice3A_442[0] : i32 from vector<1xi32>
          %get3A_444 = arith.constant 10 : i32
          %get3A_445 = arith.index_cast %get3A_444 : i32 to index
          %get3A_446 = arith.constant 0 : index
          %get3A_447 = tpu.vector_load %arg20[%get3A_445, %get3A_446] {strides = array<i32>} : memref<16x32xbf16, #tpu.memory_space<vmem>>, vector<32xbf16>,
          %get3A_448 = arith.index_cast %squeeze3A_443 : i32 to index
          %get3A_449 = arith.constant 0 : index
          %get3A_450 = tpu.vector_load %arg6[%get3A_448, %get3A_449] {strides = array<i32>} : memref<6264x32xbf16, #tpu.memory_space<vmem>>, vector<32xbf16>,
          %min3A_451 = arith.minimumf %get3A_450, %get3A_447 : vector<32xbf16>
          %swap3A_452 = arith.index_cast %squeeze3A_443 : i32 to index
          %swap3A_453 = arith.constant 0 : index
          %swap3A_454 = tpu.vector_load %arg6[%swap3A_452, %swap3A_453] {strides = array<i32>} : memref<6264x32xbf16, #tpu.memory_space<vmem>>, vector<32xbf16>,
          tpu.vector_store %arg6[%swap3A_452, %swap3A_453], %min3A_451 {strides = array<i32>} : memref<6264x32xbf16, #tpu.memory_space<vmem>>, vector<32xbf16>,
          %slice3A_455 = vector.extract_strided_slice %get3A_314 {offsets = [11], sizes = [1], strides = [1]} : vector<16xi32> to vector<1xi32>
          %squeeze3A_456 = vector.extract %slice3A_455[0] : i32 from vector<1xi32>
          %get3A_457 = arith.constant 11 : i32
          %get3A_458 = arith.index_cast %get3A_457 : i32 to index
          %get3A_459 = arith.constant 0 : index
          %get3A_460 = tpu.vector_load %arg20[%get3A_458, %get3A_459] {strides = array<i32>} : memref<16x32xbf16, #tpu.memory_space<vmem>>, vector<32xbf16>,
          %get3A_461 = arith.index_cast %squeeze3A_456 : i32 to index
          %get3A_462 = arith.constant 0 : index
          %get3A_463 = tpu.vector_load %arg6[%get3A_461, %get3A_462] {strides = array<i32>} : memref<6264x32xbf16, #tpu.memory_space<vmem>>, vector<32xbf16>,
          %min3A_464 = arith.minimumf %get3A_463, %get3A_460 : vector<32xbf16>
          %swap3A_465 = arith.index_cast %squeeze3A_456 : i32 to index
          %swap3A_466 = arith.constant 0 : index
          %swap3A_467 = tpu.vector_load %arg6[%swap3A_465, %swap3A_466] {strides = array<i32>} : memref<6264x32xbf16, #tpu.memory_space<vmem>>, vector<32xbf16>,
          tpu.vector_store %arg6[%swap3A_465, %swap3A_466], %min3A_464 {strides = array<i32>} : memref<6264x32xbf16, #tpu.memory_space<vmem>>, vector<32xbf16>,
          %slice3A_468 = vector.extract_strided_slice %get3A_314 {offsets = [12], sizes = [1], strides = [1]} : vector<16xi32> to vector<1xi32>
          %squeeze3A_469 = vector.extract %slice3A_468[0] : i32 from vector<1xi32>
          %get3A_470 = arith.constant 12 : i32
          %get3A_471 = arith.index_cast %get3A_470 : i32 to index
          %get3A_472 = arith.constant 0 : index
          %get3A_473 = tpu.vector_load %arg20[%get3A_471, %get3A_472] {strides = array<i32>} : memref<16x32xbf16, #tpu.memory_space<vmem>>, vector<32xbf16>,
          %get3A_474 = arith.index_cast %squeeze3A_469 : i32 to index
          %get3A_475 = arith.constant 0 : index
          %get3A_476 = tpu.vector_load %arg6[%get3A_474, %get3A_475] {strides = array<i32>} : memref<6264x32xbf16, #tpu.memory_space<vmem>>, vector<32xbf16>,
          %min3A_477 = arith.minimumf %get3A_476, %get3A_473 : vector<32xbf16>
          %swap3A_478 = arith.index_cast %squeeze3A_469 : i32 to index
          %swap3A_479 = arith.constant 0 : index
          %swap3A_480 = tpu.vector_load %arg6[%swap3A_478, %swap3A_479] {strides = array<i32>} : memref<6264x32xbf16, #tpu.memory_space<vmem>>, vector<32xbf16>,
          tpu.vector_store %arg6[%swap3A_478, %swap3A_479], %min3A_477 {strides = array<i32>} : memref<6264x32xbf16, #tpu.memory_space<vmem>>, vector<32xbf16>,
          %slice3A_481 = vector.extract_strided_slice %get3A_314 {offsets = [13], sizes = [1], strides = [1]} : vector<16xi32> to vector<1xi32>
          %squeeze3A_482 = vector.extract %slice3A_481[0] : i32 from vector<1xi32>
          %get3A_483 = arith.constant 13 : i32
          %get3A_484 = arith.index_cast %get3A_483 : i32 to index
          %get3A_485 = arith.constant 0 : index
          %get3A_486 = tpu.vector_load %arg20[%get3A_484, %get3A_485] {strides = array<i32>} : memref<16x32xbf16, #tpu.memory_space<vmem>>, vector<32xbf16>,
          %get3A_487 = arith.index_cast %squeeze3A_482 : i32 to index
          %get3A_488 = arith.constant 0 : index
          %get3A_489 = tpu.vector_load %arg6[%get3A_487, %get3A_488] {strides = array<i32>} : memref<6264x32xbf16, #tpu.memory_space<vmem>>, vector<32xbf16>,
          %min3A_490 = arith.minimumf %get3A_489, %get3A_486 : vector<32xbf16>
          %swap3A_491 = arith.index_cast %squeeze3A_482 : i32 to index
          %swap3A_492 = arith.constant 0 : index
          %swap3A_493 = tpu.vector_load %arg6[%swap3A_491, %swap3A_492] {strides = array<i32>} : memref<6264x32xbf16, #tpu.memory_space<vmem>>, vector<32xbf16>,
          tpu.vector_store %arg6[%swap3A_491, %swap3A_492], %min3A_490 {strides = array<i32>} : memref<6264x32xbf16, #tpu.memory_space<vmem>>, vector<32xbf16>,
          %slice3A_494 = vector.extract_strided_slice %get3A_314 {offsets = [14], sizes = [1], strides = [1]} : vector<16xi32> to vector<1xi32>
          %squeeze3A_495 = vector.extract %slice3A_494[0] : i32 from vector<1xi32>
          %get3A_496 = arith.constant 14 : i32
          %get3A_497 = arith.index_cast %get3A_496 : i32 to index
          %get3A_498 = arith.constant 0 : index
          %get3A_499 = tpu.vector_load %arg20[%get3A_497, %get3A_498] {strides = array<i32>} : memref<16x32xbf16, #tpu.memory_space<vmem>>, vector<32xbf16>,
          %get3A_500 = arith.index_cast %squeeze3A_495 : i32 to index
          %get3A_501 = arith.constant 0 : index
          %get3A_502 = tpu.vector_load %arg6[%get3A_500, %get3A_501] {strides = array<i32>} : memref<6264x32xbf16, #tpu.memory_space<vmem>>, vector<32xbf16>,
          %min3A_503 = arith.minimumf %get3A_502, %get3A_499 : vector<32xbf16>
          %swap3A_504 = arith.index_cast %squeeze3A_495 : i32 to index
          %swap3A_505 = arith.constant 0 : index
          %swap3A_506 = tpu.vector_load %arg6[%swap3A_504, %swap3A_505] {strides = array<i32>} : memref<6264x32xbf16, #tpu.memory_space<vmem>>, vector<32xbf16>,
          tpu.vector_store %arg6[%swap3A_504, %swap3A_505], %min3A_503 {strides = array<i32>} : memref<6264x32xbf16, #tpu.memory_space<vmem>>, vector<32xbf16>,
          %slice3A_507 = vector.extract_strided_slice %get3A_314 {offsets = [15], sizes = [1], strides = [1]} : vector<16xi32> to vector<1xi32>
          %squeeze3A_508 = vector.extract %slice3A_507[0] : i32 from vector<1xi32>
          %get3A_509 = arith.constant 15 : i32
          %get3A_510 = arith.index_cast %get3A_509 : i32 to index
          %get3A_511 = arith.constant 0 : index
          %get3A_512 = tpu.vector_load %arg20[%get3A_510, %get3A_511] {strides = array<i32>} : memref<16x32xbf16, #tpu.memory_space<vmem>>, vector<32xbf16>,
          %get3A_513 = arith.index_cast %squeeze3A_508 : i32 to index
          %get3A_514 = arith.constant 0 : index
          %get3A_515 = tpu.vector_load %arg6[%get3A_513, %get3A_514] {strides = array<i32>} : memref<6264x32xbf16, #tpu.memory_space<vmem>>, vector<32xbf16>,
          %min3A_516 = arith.minimumf %get3A_515, %get3A_512 : vector<32xbf16>
          %swap3A_517 = arith.index_cast %squeeze3A_508 : i32 to index
          %swap3A_518 = arith.constant 0 : index
          %swap3A_519 = tpu.vector_load %arg6[%swap3A_517, %swap3A_518] {strides = array<i32>} : memref<6264x32xbf16, #tpu.memory_space<vmem>>, vector<32xbf16>,
          tpu.vector_store %arg6[%swap3A_517, %swap3A_518], %min3A_516 {strides = array<i32>} : memref<6264x32xbf16, #tpu.memory_space<vmem>>, vector<32xbf16>,
          %add3A_520 = arith.constant 4 : i32
          %add3A_521 = arith.addi %add3A_287, %add3A_520 : i32
          %lt3A_522 = arith.cmpi slt, %add3A_521, %scan3A_95 : i32
          %convert_element_type3A_523 = arith.extui %lt3A_522 : i1 to i32
          %cond3A_524 = arith.constant 0 : i32
          %cond3A_525 = arith.cmpi ne, %convert_element_type3A_523, %cond3A_524 : i32
          scf.if %cond3A_525 {
            %add3A_526 = arith.constant 4 : i32
            %add3A_527 = arith.addi %add3A_287, %add3A_526 : i32
            %mul3A_528 = arith.constant 16 : i32
            %mul3A_529 = arith.muli %add3A_527, %mul3A_528 : i32
            %get3A_530 = arith.index_cast %mul3A_529 : i32 to index
            %get3A_531 = tpu.vector_load %arg12[%get3A_530] {strides = array<i32>} : memref<2416xi32, #tpu.memory_space<vmem>>, vector<16xi32>,
            %swap3A_532 = arith.constant 0 : index
            %swap3A_533 = tpu.vector_load %arg16[%swap3A_532] {strides = array<i32>} : memref<16xi32, #tpu.memory_space<vmem>>, vector<16xi32>,
            tpu.vector_store %arg16[%swap3A_532], %get3A_531 {strides = array<i32>} : memref<16xi32, #tpu.memory_space<vmem>>, vector<16xi32>,
            %dma_start3A_534 = arith.constant 0 : i32
            %dma_start3A_535 = arith.constant 0 : i32
            %dma_start3A_536 = tpu.memref_slice %arg2[%dma_start3A_534, %dma_start3A_535] : memref<100000x32xbf16, #tpu.memory_space<hbm>> -> memref<100000x32xbf16, #tpu.memory_space<hbm>>
            tpu.enqueue_indirect_dma source(%dma_start3A_536 : memref<100000x32xbf16, #tpu.memory_space<hbm>>) target(%arg20 : memref<16x32xbf16, #tpu.memory_space<vmem>>) offsets(%arg16 : memref<16xi32, #tpu.memory_space<vmem>>) semaphore(%arg26 : memref<!tpu.dma_semaphore, #tpu.memory_space<semaphore_mem>>)
          } else {
          }
        } else {
        }
        %mul3A_292 = arith.constant 4 : i32
        %mul3A_293 = arith.muli %mul3A_292, %while3A_274 : i32
        %add3A_294 = arith.constant 2 : i32
        %add3A_295 = arith.addi %mul3A_293, %add3A_294 : i32
        %lt3A_296 = arith.cmpi slt, %add3A_295, %scan3A_95 : i32
        %convert_element_type3A_297 = arith.extui %lt3A_296 : i1 to i32
        %cond3A_298 = arith.constant 0 : i32
        %cond3A_299 = arith.cmpi ne, %convert_element_type3A_297, %cond3A_298 : i32
        scf.if %cond3A_299 {
          %dma_wait3A_309 = arith.constant 0 : i32
          %dma_wait3A_310 = arith.constant 0 : i32
          %dma_wait3A_311 = tpu.memref_slice %arg2[%dma_wait3A_309, %dma_wait3A_310] : memref<100000x32xbf16, #tpu.memory_space<hbm>> -> memref<100000x32xbf16, #tpu.memory_space<hbm>>
          tpu.wait_indirect_dma semaphore(%arg27 : memref<!tpu.dma_semaphore, #tpu.memory_space<semaphore_mem>>) src(%dma_wait3A_311 : memref<100000x32xbf16, #tpu.memory_space<hbm>>) dst(%arg21 : memref<16x32xbf16, #tpu.memory_space<vmem>>)
          %mul3A_312 = arith.constant 16 : i32
          %mul3A_313 = arith.muli %add3A_295, %mul3A_312 : i32
          %get3A = arith.index_cast %mul3A_313 : i32 to index
          %get3A_314 = tpu.vector_load %arg11[%get3A] {strides = array<i32>} : memref<2416xi32, #tpu.memory_space<vmem>>, vector<16xi32>,
          %slice3A = vector.extract_strided_slice %get3A_314 {offsets = [0], sizes = [1], strides = [1]} : vector<16xi32> to vector<1xi32>
          %squeeze3A = vector.extract %slice3A[0] : i32 from vector<1xi32>
          %get3A_315 = arith.constant 0 : i32
          %get3A_316 = arith.index_cast %get3A_315 : i32 to index
          %get3A_317 = arith.constant 0 : index
          %get3A_318 = tpu.vector_load %arg21[%get3A_316, %get3A_317] {strides = array<i32>} : memref<16x32xbf16, #tpu.memory_space<vmem>>, vector<32xbf16>,
          %get3A_319 = arith.index_cast %squeeze3A : i32 to index
          %get3A_320 = arith.constant 0 : index
          %get3A_321 = tpu.vector_load %arg6[%get3A_319, %get3A_320] {strides = array<i32>} : memref<6264x32xbf16, #tpu.memory_space<vmem>>, vector<32xbf16>,
          %min3A = arith.minimumf %get3A_321, %get3A_318 : vector<32xbf16>
          %swap3A_322 = arith.index_cast %squeeze3A : i32 to index
          %swap3A_323 = arith.constant 0 : index
          %swap3A_324 = tpu.vector_load %arg6[%swap3A_322, %swap3A_323] {strides = array<i32>} : memref<6264x32xbf16, #tpu.memory_space<vmem>>, vector<32xbf16>,
          tpu.vector_store %arg6[%swap3A_322, %swap3A_323], %min3A {strides = array<i32>} : memref<6264x32xbf16, #tpu.memory_space<vmem>>, vector<32xbf16>,
          %slice3A_325 = vector.extract_strided_slice %get3A_314 {offsets = [1], sizes = [1], strides = [1]} : vector<16xi32> to vector<1xi32>
          %squeeze3A_326 = vector.extract %slice3A_325[0] : i32 from vector<1xi32>
          %get3A_327 = arith.constant 1 : i32
          %get3A_328 = arith.index_cast %get3A_327 : i32 to index
          %get3A_329 = arith.constant 0 : index
          %get3A_330 = tpu.vector_load %arg21[%get3A_328, %get3A_329] {strides = array<i32>} : memref<16x32xbf16, #tpu.memory_space<vmem>>, vector<32xbf16>,
          %get3A_331 = arith.index_cast %squeeze3A_326 : i32 to index
          %get3A_332 = arith.constant 0 : index
          %get3A_333 = tpu.vector_load %arg6[%get3A_331, %get3A_332] {strides = array<i32>} : memref<6264x32xbf16, #tpu.memory_space<vmem>>, vector<32xbf16>,
          %min3A_334 = arith.minimumf %get3A_333, %get3A_330 : vector<32xbf16>
          %swap3A_335 = arith.index_cast %squeeze3A_326 : i32 to index
          %swap3A_336 = arith.constant 0 : index
          %swap3A_337 = tpu.vector_load %arg6[%swap3A_335, %swap3A_336] {strides = array<i32>} : memref<6264x32xbf16, #tpu.memory_space<vmem>>, vector<32xbf16>,
          tpu.vector_store %arg6[%swap3A_335, %swap3A_336], %min3A_334 {strides = array<i32>} : memref<6264x32xbf16, #tpu.memory_space<vmem>>, vector<32xbf16>,
          %slice3A_338 = vector.extract_strided_slice %get3A_314 {offsets = [2], sizes = [1], strides = [1]} : vector<16xi32> to vector<1xi32>
          %squeeze3A_339 = vector.extract %slice3A_338[0] : i32 from vector<1xi32>
          %get3A_340 = arith.constant 2 : i32
          %get3A_341 = arith.index_cast %get3A_340 : i32 to index
          %get3A_342 = arith.constant 0 : index
          %get3A_343 = tpu.vector_load %arg21[%get3A_341, %get3A_342] {strides = array<i32>} : memref<16x32xbf16, #tpu.memory_space<vmem>>, vector<32xbf16>,
          %get3A_344 = arith.index_cast %squeeze3A_339 : i32 to index
          %get3A_345 = arith.constant 0 : index
          %get3A_346 = tpu.vector_load %arg6[%get3A_344, %get3A_345] {strides = array<i32>} : memref<6264x32xbf16, #tpu.memory_space<vmem>>, vector<32xbf16>,
          %min3A_347 = arith.minimumf %get3A_346, %get3A_343 : vector<32xbf16>
          %swap3A_348 = arith.index_cast %squeeze3A_339 : i32 to index
          %swap3A_349 = arith.constant 0 : index
          %swap3A_350 = tpu.vector_load %arg6[%swap3A_348, %swap3A_349] {strides = array<i32>} : memref<6264x32xbf16, #tpu.memory_space<vmem>>, vector<32xbf16>,
          tpu.vector_store %arg6[%swap3A_348, %swap3A_349], %min3A_347 {strides = array<i32>} : memref<6264x32xbf16, #tpu.memory_space<vmem>>, vector<32xbf16>,
          %slice3A_351 = vector.extract_strided_slice %get3A_314 {offsets = [3], sizes = [1], strides = [1]} : vector<16xi32> to vector<1xi32>
          %squeeze3A_352 = vector.extract %slice3A_351[0] : i32 from vector<1xi32>
          %get3A_353 = arith.constant 3 : i32
          %get3A_354 = arith.index_cast %get3A_353 : i32 to index
          %get3A_355 = arith.constant 0 : index
          %get3A_356 = tpu.vector_load %arg21[%get3A_354, %get3A_355] {strides = array<i32>} : memref<16x32xbf16, #tpu.memory_space<vmem>>, vector<32xbf16>,
          %get3A_357 = arith.index_cast %squeeze3A_352 : i32 to index
          %get3A_358 = arith.constant 0 : index
          %get3A_359 = tpu.vector_load %arg6[%get3A_357, %get3A_358] {strides = array<i32>} : memref<6264x32xbf16, #tpu.memory_space<vmem>>, vector<32xbf16>,
          %min3A_360 = arith.minimumf %get3A_359, %get3A_356 : vector<32xbf16>
          %swap3A_361 = arith.index_cast %squeeze3A_352 : i32 to index
          %swap3A_362 = arith.constant 0 : index
          %swap3A_363 = tpu.vector_load %arg6[%swap3A_361, %swap3A_362] {strides = array<i32>} : memref<6264x32xbf16, #tpu.memory_space<vmem>>, vector<32xbf16>,
          tpu.vector_store %arg6[%swap3A_361, %swap3A_362], %min3A_360 {strides = array<i32>} : memref<6264x32xbf16, #tpu.memory_space<vmem>>, vector<32xbf16>,
          %slice3A_364 = vector.extract_strided_slice %get3A_314 {offsets = [4], sizes = [1], strides = [1]} : vector<16xi32> to vector<1xi32>
          %squeeze3A_365 = vector.extract %slice3A_364[0] : i32 from vector<1xi32>
          %get3A_366 = arith.constant 4 : i32
          %get3A_367 = arith.index_cast %get3A_366 : i32 to index
          %get3A_368 = arith.constant 0 : index
          %get3A_369 = tpu.vector_load %arg21[%get3A_367, %get3A_368] {strides = array<i32>} : memref<16x32xbf16, #tpu.memory_space<vmem>>, vector<32xbf16>,
          %get3A_370 = arith.index_cast %squeeze3A_365 : i32 to index
          %get3A_371 = arith.constant 0 : index
          %get3A_372 = tpu.vector_load %arg6[%get3A_370, %get3A_371] {strides = array<i32>} : memref<6264x32xbf16, #tpu.memory_space<vmem>>, vector<32xbf16>,
          %min3A_373 = arith.minimumf %get3A_372, %get3A_369 : vector<32xbf16>
          %swap3A_374 = arith.index_cast %squeeze3A_365 : i32 to index
          %swap3A_375 = arith.constant 0 : index
          %swap3A_376 = tpu.vector_load %arg6[%swap3A_374, %swap3A_375] {strides = array<i32>} : memref<6264x32xbf16, #tpu.memory_space<vmem>>, vector<32xbf16>,
          tpu.vector_store %arg6[%swap3A_374, %swap3A_375], %min3A_373 {strides = array<i32>} : memref<6264x32xbf16, #tpu.memory_space<vmem>>, vector<32xbf16>,
          %slice3A_377 = vector.extract_strided_slice %get3A_314 {offsets = [5], sizes = [1], strides = [1]} : vector<16xi32> to vector<1xi32>
          %squeeze3A_378 = vector.extract %slice3A_377[0] : i32 from vector<1xi32>
          %get3A_379 = arith.constant 5 : i32
          %get3A_380 = arith.index_cast %get3A_379 : i32 to index
          %get3A_381 = arith.constant 0 : index
          %get3A_382 = tpu.vector_load %arg21[%get3A_380, %get3A_381] {strides = array<i32>} : memref<16x32xbf16, #tpu.memory_space<vmem>>, vector<32xbf16>,
          %get3A_383 = arith.index_cast %squeeze3A_378 : i32 to index
          %get3A_384 = arith.constant 0 : index
          %get3A_385 = tpu.vector_load %arg6[%get3A_383, %get3A_384] {strides = array<i32>} : memref<6264x32xbf16, #tpu.memory_space<vmem>>, vector<32xbf16>,
          %min3A_386 = arith.minimumf %get3A_385, %get3A_382 : vector<32xbf16>
          %swap3A_387 = arith.index_cast %squeeze3A_378 : i32 to index
          %swap3A_388 = arith.constant 0 : index
          %swap3A_389 = tpu.vector_load %arg6[%swap3A_387, %swap3A_388] {strides = array<i32>} : memref<6264x32xbf16, #tpu.memory_space<vmem>>, vector<32xbf16>,
          tpu.vector_store %arg6[%swap3A_387, %swap3A_388], %min3A_386 {strides = array<i32>} : memref<6264x32xbf16, #tpu.memory_space<vmem>>, vector<32xbf16>,
          %slice3A_390 = vector.extract_strided_slice %get3A_314 {offsets = [6], sizes = [1], strides = [1]} : vector<16xi32> to vector<1xi32>
          %squeeze3A_391 = vector.extract %slice3A_390[0] : i32 from vector<1xi32>
          %get3A_392 = arith.constant 6 : i32
          %get3A_393 = arith.index_cast %get3A_392 : i32 to index
          %get3A_394 = arith.constant 0 : index
          %get3A_395 = tpu.vector_load %arg21[%get3A_393, %get3A_394] {strides = array<i32>} : memref<16x32xbf16, #tpu.memory_space<vmem>>, vector<32xbf16>,
          %get3A_396 = arith.index_cast %squeeze3A_391 : i32 to index
          %get3A_397 = arith.constant 0 : index
          %get3A_398 = tpu.vector_load %arg6[%get3A_396, %get3A_397] {strides = array<i32>} : memref<6264x32xbf16, #tpu.memory_space<vmem>>, vector<32xbf16>,
          %min3A_399 = arith.minimumf %get3A_398, %get3A_395 : vector<32xbf16>
          %swap3A_400 = arith.index_cast %squeeze3A_391 : i32 to index
          %swap3A_401 = arith.constant 0 : index
          %swap3A_402 = tpu.vector_load %arg6[%swap3A_400, %swap3A_401] {strides = array<i32>} : memref<6264x32xbf16, #tpu.memory_space<vmem>>, vector<32xbf16>,
          tpu.vector_store %arg6[%swap3A_400, %swap3A_401], %min3A_399 {strides = array<i32>} : memref<6264x32xbf16, #tpu.memory_space<vmem>>, vector<32xbf16>,
          %slice3A_403 = vector.extract_strided_slice %get3A_314 {offsets = [7], sizes = [1], strides = [1]} : vector<16xi32> to vector<1xi32>
          %squeeze3A_404 = vector.extract %slice3A_403[0] : i32 from vector<1xi32>
          %get3A_405 = arith.constant 7 : i32
          %get3A_406 = arith.index_cast %get3A_405 : i32 to index
          %get3A_407 = arith.constant 0 : index
          %get3A_408 = tpu.vector_load %arg21[%get3A_406, %get3A_407] {strides = array<i32>} : memref<16x32xbf16, #tpu.memory_space<vmem>>, vector<32xbf16>,
          %get3A_409 = arith.index_cast %squeeze3A_404 : i32 to index
          %get3A_410 = arith.constant 0 : index
          %get3A_411 = tpu.vector_load %arg6[%get3A_409, %get3A_410] {strides = array<i32>} : memref<6264x32xbf16, #tpu.memory_space<vmem>>, vector<32xbf16>,
          %min3A_412 = arith.minimumf %get3A_411, %get3A_408 : vector<32xbf16>
          %swap3A_413 = arith.index_cast %squeeze3A_404 : i32 to index
          %swap3A_414 = arith.constant 0 : index
          %swap3A_415 = tpu.vector_load %arg6[%swap3A_413, %swap3A_414] {strides = array<i32>} : memref<6264x32xbf16, #tpu.memory_space<vmem>>, vector<32xbf16>,
          tpu.vector_store %arg6[%swap3A_413, %swap3A_414], %min3A_412 {strides = array<i32>} : memref<6264x32xbf16, #tpu.memory_space<vmem>>, vector<32xbf16>,
          %slice3A_416 = vector.extract_strided_slice %get3A_314 {offsets = [8], sizes = [1], strides = [1]} : vector<16xi32> to vector<1xi32>
          %squeeze3A_417 = vector.extract %slice3A_416[0] : i32 from vector<1xi32>
          %get3A_418 = arith.constant 8 : i32
          %get3A_419 = arith.index_cast %get3A_418 : i32 to index
          %get3A_420 = arith.constant 0 : index
          %get3A_421 = tpu.vector_load %arg21[%get3A_419, %get3A_420] {strides = array<i32>} : memref<16x32xbf16, #tpu.memory_space<vmem>>, vector<32xbf16>,
          %get3A_422 = arith.index_cast %squeeze3A_417 : i32 to index
          %get3A_423 = arith.constant 0 : index
          %get3A_424 = tpu.vector_load %arg6[%get3A_422, %get3A_423] {strides = array<i32>} : memref<6264x32xbf16, #tpu.memory_space<vmem>>, vector<32xbf16>,
          %min3A_425 = arith.minimumf %get3A_424, %get3A_421 : vector<32xbf16>
          %swap3A_426 = arith.index_cast %squeeze3A_417 : i32 to index
          %swap3A_427 = arith.constant 0 : index
          %swap3A_428 = tpu.vector_load %arg6[%swap3A_426, %swap3A_427] {strides = array<i32>} : memref<6264x32xbf16, #tpu.memory_space<vmem>>, vector<32xbf16>,
          tpu.vector_store %arg6[%swap3A_426, %swap3A_427], %min3A_425 {strides = array<i32>} : memref<6264x32xbf16, #tpu.memory_space<vmem>>, vector<32xbf16>,
          %slice3A_429 = vector.extract_strided_slice %get3A_314 {offsets = [9], sizes = [1], strides = [1]} : vector<16xi32> to vector<1xi32>
          %squeeze3A_430 = vector.extract %slice3A_429[0] : i32 from vector<1xi32>
          %get3A_431 = arith.constant 9 : i32
          %get3A_432 = arith.index_cast %get3A_431 : i32 to index
          %get3A_433 = arith.constant 0 : index
          %get3A_434 = tpu.vector_load %arg21[%get3A_432, %get3A_433] {strides = array<i32>} : memref<16x32xbf16, #tpu.memory_space<vmem>>, vector<32xbf16>,
          %get3A_435 = arith.index_cast %squeeze3A_430 : i32 to index
          %get3A_436 = arith.constant 0 : index
          %get3A_437 = tpu.vector_load %arg6[%get3A_435, %get3A_436] {strides = array<i32>} : memref<6264x32xbf16, #tpu.memory_space<vmem>>, vector<32xbf16>,
          %min3A_438 = arith.minimumf %get3A_437, %get3A_434 : vector<32xbf16>
          %swap3A_439 = arith.index_cast %squeeze3A_430 : i32 to index
          %swap3A_440 = arith.constant 0 : index
          %swap3A_441 = tpu.vector_load %arg6[%swap3A_439, %swap3A_440] {strides = array<i32>} : memref<6264x32xbf16, #tpu.memory_space<vmem>>, vector<32xbf16>,
          tpu.vector_store %arg6[%swap3A_439, %swap3A_440], %min3A_438 {strides = array<i32>} : memref<6264x32xbf16, #tpu.memory_space<vmem>>, vector<32xbf16>,
          %slice3A_442 = vector.extract_strided_slice %get3A_314 {offsets = [10], sizes = [1], strides = [1]} : vector<16xi32> to vector<1xi32>
          %squeeze3A_443 = vector.extract %slice3A_442[0] : i32 from vector<1xi32>
          %get3A_444 = arith.constant 10 : i32
          %get3A_445 = arith.index_cast %get3A_444 : i32 to index
          %get3A_446 = arith.constant 0 : index
          %get3A_447 = tpu.vector_load %arg21[%get3A_445, %get3A_446] {strides = array<i32>} : memref<16x32xbf16, #tpu.memory_space<vmem>>, vector<32xbf16>,
          %get3A_448 = arith.index_cast %squeeze3A_443 : i32 to index
          %get3A_449 = arith.constant 0 : index
          %get3A_450 = tpu.vector_load %arg6[%get3A_448, %get3A_449] {strides = array<i32>} : memref<6264x32xbf16, #tpu.memory_space<vmem>>, vector<32xbf16>,
          %min3A_451 = arith.minimumf %get3A_450, %get3A_447 : vector<32xbf16>
          %swap3A_452 = arith.index_cast %squeeze3A_443 : i32 to index
          %swap3A_453 = arith.constant 0 : index
          %swap3A_454 = tpu.vector_load %arg6[%swap3A_452, %swap3A_453] {strides = array<i32>} : memref<6264x32xbf16, #tpu.memory_space<vmem>>, vector<32xbf16>,
          tpu.vector_store %arg6[%swap3A_452, %swap3A_453], %min3A_451 {strides = array<i32>} : memref<6264x32xbf16, #tpu.memory_space<vmem>>, vector<32xbf16>,
          %slice3A_455 = vector.extract_strided_slice %get3A_314 {offsets = [11], sizes = [1], strides = [1]} : vector<16xi32> to vector<1xi32>
          %squeeze3A_456 = vector.extract %slice3A_455[0] : i32 from vector<1xi32>
          %get3A_457 = arith.constant 11 : i32
          %get3A_458 = arith.index_cast %get3A_457 : i32 to index
          %get3A_459 = arith.constant 0 : index
          %get3A_460 = tpu.vector_load %arg21[%get3A_458, %get3A_459] {strides = array<i32>} : memref<16x32xbf16, #tpu.memory_space<vmem>>, vector<32xbf16>,
          %get3A_461 = arith.index_cast %squeeze3A_456 : i32 to index
          %get3A_462 = arith.constant 0 : index
          %get3A_463 = tpu.vector_load %arg6[%get3A_461, %get3A_462] {strides = array<i32>} : memref<6264x32xbf16, #tpu.memory_space<vmem>>, vector<32xbf16>,
          %min3A_464 = arith.minimumf %get3A_463, %get3A_460 : vector<32xbf16>
          %swap3A_465 = arith.index_cast %squeeze3A_456 : i32 to index
          %swap3A_466 = arith.constant 0 : index
          %swap3A_467 = tpu.vector_load %arg6[%swap3A_465, %swap3A_466] {strides = array<i32>} : memref<6264x32xbf16, #tpu.memory_space<vmem>>, vector<32xbf16>,
          tpu.vector_store %arg6[%swap3A_465, %swap3A_466], %min3A_464 {strides = array<i32>} : memref<6264x32xbf16, #tpu.memory_space<vmem>>, vector<32xbf16>,
          %slice3A_468 = vector.extract_strided_slice %get3A_314 {offsets = [12], sizes = [1], strides = [1]} : vector<16xi32> to vector<1xi32>
          %squeeze3A_469 = vector.extract %slice3A_468[0] : i32 from vector<1xi32>
          %get3A_470 = arith.constant 12 : i32
          %get3A_471 = arith.index_cast %get3A_470 : i32 to index
          %get3A_472 = arith.constant 0 : index
          %get3A_473 = tpu.vector_load %arg21[%get3A_471, %get3A_472] {strides = array<i32>} : memref<16x32xbf16, #tpu.memory_space<vmem>>, vector<32xbf16>,
          %get3A_474 = arith.index_cast %squeeze3A_469 : i32 to index
          %get3A_475 = arith.constant 0 : index
          %get3A_476 = tpu.vector_load %arg6[%get3A_474, %get3A_475] {strides = array<i32>} : memref<6264x32xbf16, #tpu.memory_space<vmem>>, vector<32xbf16>,
          %min3A_477 = arith.minimumf %get3A_476, %get3A_473 : vector<32xbf16>
          %swap3A_478 = arith.index_cast %squeeze3A_469 : i32 to index
          %swap3A_479 = arith.constant 0 : index
          %swap3A_480 = tpu.vector_load %arg6[%swap3A_478, %swap3A_479] {strides = array<i32>} : memref<6264x32xbf16, #tpu.memory_space<vmem>>, vector<32xbf16>,
          tpu.vector_store %arg6[%swap3A_478, %swap3A_479], %min3A_477 {strides = array<i32>} : memref<6264x32xbf16, #tpu.memory_space<vmem>>, vector<32xbf16>,
          %slice3A_481 = vector.extract_strided_slice %get3A_314 {offsets = [13], sizes = [1], strides = [1]} : vector<16xi32> to vector<1xi32>
          %squeeze3A_482 = vector.extract %slice3A_481[0] : i32 from vector<1xi32>
          %get3A_483 = arith.constant 13 : i32
          %get3A_484 = arith.index_cast %get3A_483 : i32 to index
          %get3A_485 = arith.constant 0 : index
          %get3A_486 = tpu.vector_load %arg21[%get3A_484, %get3A_485] {strides = array<i32>} : memref<16x32xbf16, #tpu.memory_space<vmem>>, vector<32xbf16>,
          %get3A_487 = arith.index_cast %squeeze3A_482 : i32 to index
          %get3A_488 = arith.constant 0 : index
          %get3A_489 = tpu.vector_load %arg6[%get3A_487, %get3A_488] {strides = array<i32>} : memref<6264x32xbf16, #tpu.memory_space<vmem>>, vector<32xbf16>,
          %min3A_490 = arith.minimumf %get3A_489, %get3A_486 : vector<32xbf16>
          %swap3A_491 = arith.index_cast %squeeze3A_482 : i32 to index
          %swap3A_492 = arith.constant 0 : index
          %swap3A_493 = tpu.vector_load %arg6[%swap3A_491, %swap3A_492] {strides = array<i32>} : memref<6264x32xbf16, #tpu.memory_space<vmem>>, vector<32xbf16>,
          tpu.vector_store %arg6[%swap3A_491, %swap3A_492], %min3A_490 {strides = array<i32>} : memref<6264x32xbf16, #tpu.memory_space<vmem>>, vector<32xbf16>,
          %slice3A_494 = vector.extract_strided_slice %get3A_314 {offsets = [14], sizes = [1], strides = [1]} : vector<16xi32> to vector<1xi32>
          %squeeze3A_495 = vector.extract %slice3A_494[0] : i32 from vector<1xi32>
          %get3A_496 = arith.constant 14 : i32
          %get3A_497 = arith.index_cast %get3A_496 : i32 to index
          %get3A_498 = arith.constant 0 : index
          %get3A_499 = tpu.vector_load %arg21[%get3A_497, %get3A_498] {strides = array<i32>} : memref<16x32xbf16, #tpu.memory_space<vmem>>, vector<32xbf16>,
          %get3A_500 = arith.index_cast %squeeze3A_495 : i32 to index
          %get3A_501 = arith.constant 0 : index
          %get3A_502 = tpu.vector_load %arg6[%get3A_500, %get3A_501] {strides = array<i32>} : memref<6264x32xbf16, #tpu.memory_space<vmem>>, vector<32xbf16>,
          %min3A_503 = arith.minimumf %get3A_502, %get3A_499 : vector<32xbf16>
          %swap3A_504 = arith.index_cast %squeeze3A_495 : i32 to index
          %swap3A_505 = arith.constant 0 : index
          %swap3A_506 = tpu.vector_load %arg6[%swap3A_504, %swap3A_505] {strides = array<i32>} : memref<6264x32xbf16, #tpu.memory_space<vmem>>, vector<32xbf16>,
          tpu.vector_store %arg6[%swap3A_504, %swap3A_505], %min3A_503 {strides = array<i32>} : memref<6264x32xbf16, #tpu.memory_space<vmem>>, vector<32xbf16>,
          %slice3A_507 = vector.extract_strided_slice %get3A_314 {offsets = [15], sizes = [1], strides = [1]} : vector<16xi32> to vector<1xi32>
          %squeeze3A_508 = vector.extract %slice3A_507[0] : i32 from vector<1xi32>
          %get3A_509 = arith.constant 15 : i32
          %get3A_510 = arith.index_cast %get3A_509 : i32 to index
          %get3A_511 = arith.constant 0 : index
          %get3A_512 = tpu.vector_load %arg21[%get3A_510, %get3A_511] {strides = array<i32>} : memref<16x32xbf16, #tpu.memory_space<vmem>>, vector<32xbf16>,
          %get3A_513 = arith.index_cast %squeeze3A_508 : i32 to index
          %get3A_514 = arith.constant 0 : index
          %get3A_515 = tpu.vector_load %arg6[%get3A_513, %get3A_514] {strides = array<i32>} : memref<6264x32xbf16, #tpu.memory_space<vmem>>, vector<32xbf16>,
          %min3A_516 = arith.minimumf %get3A_515, %get3A_512 : vector<32xbf16>
          %swap3A_517 = arith.index_cast %squeeze3A_508 : i32 to index
          %swap3A_518 = arith.constant 0 : index
          %swap3A_519 = tpu.vector_load %arg6[%swap3A_517, %swap3A_518] {strides = array<i32>} : memref<6264x32xbf16, #tpu.memory_space<vmem>>, vector<32xbf16>,
          tpu.vector_store %arg6[%swap3A_517, %swap3A_518], %min3A_516 {strides = array<i32>} : memref<6264x32xbf16, #tpu.memory_space<vmem>>, vector<32xbf16>,
          %add3A_520 = arith.constant 4 : i32
          %add3A_521 = arith.addi %add3A_295, %add3A_520 : i32
          %lt3A_522 = arith.cmpi slt, %add3A_521, %scan3A_95 : i32
          %convert_element_type3A_523 = arith.extui %lt3A_522 : i1 to i32
          %cond3A_524 = arith.constant 0 : i32
          %cond3A_525 = arith.cmpi ne, %convert_element_type3A_523, %cond3A_524 : i32
          scf.if %cond3A_525 {
            %add3A_526 = arith.constant 4 : i32
            %add3A_527 = arith.addi %add3A_295, %add3A_526 : i32
            %mul3A_528 = arith.constant 16 : i32
            %mul3A_529 = arith.muli %add3A_527, %mul3A_528 : i32
            %get3A_530 = arith.index_cast %mul3A_529 : i32 to index
            %get3A_531 = tpu.vector_load %arg12[%get3A_530] {strides = array<i32>} : memref<2416xi32, #tpu.memory_space<vmem>>, vector<16xi32>,
            %swap3A_532 = arith.constant 0 : index
            %swap3A_533 = tpu.vector_load %arg17[%swap3A_532] {strides = array<i32>} : memref<16xi32, #tpu.memory_space<vmem>>, vector<16xi32>,
            tpu.vector_store %arg17[%swap3A_532], %get3A_531 {strides = array<i32>} : memref<16xi32, #tpu.memory_space<vmem>>, vector<16xi32>,
            %dma_start3A_534 = arith.constant 0 : i32
            %dma_start3A_535 = arith.constant 0 : i32
            %dma_start3A_536 = tpu.memref_slice %arg2[%dma_start3A_534, %dma_start3A_535] : memref<100000x32xbf16, #tpu.memory_space<hbm>> -> memref<100000x32xbf16, #tpu.memory_space<hbm>>
            tpu.enqueue_indirect_dma source(%dma_start3A_536 : memref<100000x32xbf16, #tpu.memory_space<hbm>>) target(%arg21 : memref<16x32xbf16, #tpu.memory_space<vmem>>) offsets(%arg17 : memref<16xi32, #tpu.memory_space<vmem>>) semaphore(%arg27 : memref<!tpu.dma_semaphore, #tpu.memory_space<semaphore_mem>>)
          } else {
          }
        } else {
        }
        %mul3A_300 = arith.constant 4 : i32
        %mul3A_301 = arith.muli %mul3A_300, %while3A_274 : i32
        %add3A_302 = arith.constant 3 : i32
        %add3A_303 = arith.addi %mul3A_301, %add3A_302 : i32
        %lt3A_304 = arith.cmpi slt, %add3A_303, %scan3A_95 : i32
        %convert_element_type3A_305 = arith.extui %lt3A_304 : i1 to i32
        %cond3A_306 = arith.constant 0 : i32
        %cond3A_307 = arith.cmpi ne, %convert_element_type3A_305, %cond3A_306 : i32
        scf.if %cond3A_307 {
          %dma_wait3A_309 = arith.constant 0 : i32
          %dma_wait3A_310 = arith.constant 0 : i32
          %dma_wait3A_311 = tpu.memref_slice %arg2[%dma_wait3A_309, %dma_wait3A_310] : memref<100000x32xbf16, #tpu.memory_space<hbm>> -> memref<100000x32xbf16, #tpu.memory_space<hbm>>
          tpu.wait_indirect_dma semaphore(%arg28 : memref<!tpu.dma_semaphore, #tpu.memory_space<semaphore_mem>>) src(%dma_wait3A_311 : memref<100000x32xbf16, #tpu.memory_space<hbm>>) dst(%arg22 : memref<16x32xbf16, #tpu.memory_space<vmem>>)
          %mul3A_312 = arith.constant 16 : i32
          %mul3A_313 = arith.muli %add3A_303, %mul3A_312 : i32
          %get3A = arith.index_cast %mul3A_313 : i32 to index
          %get3A_314 = tpu.vector_load %arg11[%get3A] {strides = array<i32>} : memref<2416xi32, #tpu.memory_space<vmem>>, vector<16xi32>,
          %slice3A = vector.extract_strided_slice %get3A_314 {offsets = [0], sizes = [1], strides = [1]} : vector<16xi32> to vector<1xi32>
          %squeeze3A = vector.extract %slice3A[0] : i32 from vector<1xi32>
          %get3A_315 = arith.constant 0 : i32
          %get3A_316 = arith.index_cast %get3A_315 : i32 to index
          %get3A_317 = arith.constant 0 : index
          %get3A_318 = tpu.vector_load %arg22[%get3A_316, %get3A_317] {strides = array<i32>} : memref<16x32xbf16, #tpu.memory_space<vmem>>, vector<32xbf16>,
          %get3A_319 = arith.index_cast %squeeze3A : i32 to index
          %get3A_320 = arith.constant 0 : index
          %get3A_321 = tpu.vector_load %arg6[%get3A_319, %get3A_320] {strides = array<i32>} : memref<6264x32xbf16, #tpu.memory_space<vmem>>, vector<32xbf16>,
          %min3A = arith.minimumf %get3A_321, %get3A_318 : vector<32xbf16>
          %swap3A_322 = arith.index_cast %squeeze3A : i32 to index
          %swap3A_323 = arith.constant 0 : index
          %swap3A_324 = tpu.vector_load %arg6[%swap3A_322, %swap3A_323] {strides = array<i32>} : memref<6264x32xbf16, #tpu.memory_space<vmem>>, vector<32xbf16>,
          tpu.vector_store %arg6[%swap3A_322, %swap3A_323], %min3A {strides = array<i32>} : memref<6264x32xbf16, #tpu.memory_space<vmem>>, vector<32xbf16>,
          %slice3A_325 = vector.extract_strided_slice %get3A_314 {offsets = [1], sizes = [1], strides = [1]} : vector<16xi32> to vector<1xi32>
          %squeeze3A_326 = vector.extract %slice3A_325[0] : i32 from vector<1xi32>
          %get3A_327 = arith.constant 1 : i32
          %get3A_328 = arith.index_cast %get3A_327 : i32 to index
          %get3A_329 = arith.constant 0 : index
          %get3A_330 = tpu.vector_load %arg22[%get3A_328, %get3A_329] {strides = array<i32>} : memref<16x32xbf16, #tpu.memory_space<vmem>>, vector<32xbf16>,
          %get3A_331 = arith.index_cast %squeeze3A_326 : i32 to index
          %get3A_332 = arith.constant 0 : index
          %get3A_333 = tpu.vector_load %arg6[%get3A_331, %get3A_332] {strides = array<i32>} : memref<6264x32xbf16, #tpu.memory_space<vmem>>, vector<32xbf16>,
          %min3A_334 = arith.minimumf %get3A_333, %get3A_330 : vector<32xbf16>
          %swap3A_335 = arith.index_cast %squeeze3A_326 : i32 to index
          %swap3A_336 = arith.constant 0 : index
          %swap3A_337 = tpu.vector_load %arg6[%swap3A_335, %swap3A_336] {strides = array<i32>} : memref<6264x32xbf16, #tpu.memory_space<vmem>>, vector<32xbf16>,
          tpu.vector_store %arg6[%swap3A_335, %swap3A_336], %min3A_334 {strides = array<i32>} : memref<6264x32xbf16, #tpu.memory_space<vmem>>, vector<32xbf16>,
          %slice3A_338 = vector.extract_strided_slice %get3A_314 {offsets = [2], sizes = [1], strides = [1]} : vector<16xi32> to vector<1xi32>
          %squeeze3A_339 = vector.extract %slice3A_338[0] : i32 from vector<1xi32>
          %get3A_340 = arith.constant 2 : i32
          %get3A_341 = arith.index_cast %get3A_340 : i32 to index
          %get3A_342 = arith.constant 0 : index
          %get3A_343 = tpu.vector_load %arg22[%get3A_341, %get3A_342] {strides = array<i32>} : memref<16x32xbf16, #tpu.memory_space<vmem>>, vector<32xbf16>,
          %get3A_344 = arith.index_cast %squeeze3A_339 : i32 to index
          %get3A_345 = arith.constant 0 : index
          %get3A_346 = tpu.vector_load %arg6[%get3A_344, %get3A_345] {strides = array<i32>} : memref<6264x32xbf16, #tpu.memory_space<vmem>>, vector<32xbf16>,
          %min3A_347 = arith.minimumf %get3A_346, %get3A_343 : vector<32xbf16>
          %swap3A_348 = arith.index_cast %squeeze3A_339 : i32 to index
          %swap3A_349 = arith.constant 0 : index
          %swap3A_350 = tpu.vector_load %arg6[%swap3A_348, %swap3A_349] {strides = array<i32>} : memref<6264x32xbf16, #tpu.memory_space<vmem>>, vector<32xbf16>,
          tpu.vector_store %arg6[%swap3A_348, %swap3A_349], %min3A_347 {strides = array<i32>} : memref<6264x32xbf16, #tpu.memory_space<vmem>>, vector<32xbf16>,
          %slice3A_351 = vector.extract_strided_slice %get3A_314 {offsets = [3], sizes = [1], strides = [1]} : vector<16xi32> to vector<1xi32>
          %squeeze3A_352 = vector.extract %slice3A_351[0] : i32 from vector<1xi32>
          %get3A_353 = arith.constant 3 : i32
          %get3A_354 = arith.index_cast %get3A_353 : i32 to index
          %get3A_355 = arith.constant 0 : index
          %get3A_356 = tpu.vector_load %arg22[%get3A_354, %get3A_355] {strides = array<i32>} : memref<16x32xbf16, #tpu.memory_space<vmem>>, vector<32xbf16>,
          %get3A_357 = arith.index_cast %squeeze3A_352 : i32 to index
          %get3A_358 = arith.constant 0 : index
          %get3A_359 = tpu.vector_load %arg6[%get3A_357, %get3A_358] {strides = array<i32>} : memref<6264x32xbf16, #tpu.memory_space<vmem>>, vector<32xbf16>,
          %min3A_360 = arith.minimumf %get3A_359, %get3A_356 : vector<32xbf16>
          %swap3A_361 = arith.index_cast %squeeze3A_352 : i32 to index
          %swap3A_362 = arith.constant 0 : index
          %swap3A_363 = tpu.vector_load %arg6[%swap3A_361, %swap3A_362] {strides = array<i32>} : memref<6264x32xbf16, #tpu.memory_space<vmem>>, vector<32xbf16>,
          tpu.vector_store %arg6[%swap3A_361, %swap3A_362], %min3A_360 {strides = array<i32>} : memref<6264x32xbf16, #tpu.memory_space<vmem>>, vector<32xbf16>,
          %slice3A_364 = vector.extract_strided_slice %get3A_314 {offsets = [4], sizes = [1], strides = [1]} : vector<16xi32> to vector<1xi32>
          %squeeze3A_365 = vector.extract %slice3A_364[0] : i32 from vector<1xi32>
          %get3A_366 = arith.constant 4 : i32
          %get3A_367 = arith.index_cast %get3A_366 : i32 to index
          %get3A_368 = arith.constant 0 : index
          %get3A_369 = tpu.vector_load %arg22[%get3A_367, %get3A_368] {strides = array<i32>} : memref<16x32xbf16, #tpu.memory_space<vmem>>, vector<32xbf16>,
          %get3A_370 = arith.index_cast %squeeze3A_365 : i32 to index
          %get3A_371 = arith.constant 0 : index
          %get3A_372 = tpu.vector_load %arg6[%get3A_370, %get3A_371] {strides = array<i32>} : memref<6264x32xbf16, #tpu.memory_space<vmem>>, vector<32xbf16>,
          %min3A_373 = arith.minimumf %get3A_372, %get3A_369 : vector<32xbf16>
          %swap3A_374 = arith.index_cast %squeeze3A_365 : i32 to index
          %swap3A_375 = arith.constant 0 : index
          %swap3A_376 = tpu.vector_load %arg6[%swap3A_374, %swap3A_375] {strides = array<i32>} : memref<6264x32xbf16, #tpu.memory_space<vmem>>, vector<32xbf16>,
          tpu.vector_store %arg6[%swap3A_374, %swap3A_375], %min3A_373 {strides = array<i32>} : memref<6264x32xbf16, #tpu.memory_space<vmem>>, vector<32xbf16>,
          %slice3A_377 = vector.extract_strided_slice %get3A_314 {offsets = [5], sizes = [1], strides = [1]} : vector<16xi32> to vector<1xi32>
          %squeeze3A_378 = vector.extract %slice3A_377[0] : i32 from vector<1xi32>
          %get3A_379 = arith.constant 5 : i32
          %get3A_380 = arith.index_cast %get3A_379 : i32 to index
          %get3A_381 = arith.constant 0 : index
          %get3A_382 = tpu.vector_load %arg22[%get3A_380, %get3A_381] {strides = array<i32>} : memref<16x32xbf16, #tpu.memory_space<vmem>>, vector<32xbf16>,
          %get3A_383 = arith.index_cast %squeeze3A_378 : i32 to index
          %get3A_384 = arith.constant 0 : index
          %get3A_385 = tpu.vector_load %arg6[%get3A_383, %get3A_384] {strides = array<i32>} : memref<6264x32xbf16, #tpu.memory_space<vmem>>, vector<32xbf16>,
          %min3A_386 = arith.minimumf %get3A_385, %get3A_382 : vector<32xbf16>
          %swap3A_387 = arith.index_cast %squeeze3A_378 : i32 to index
          %swap3A_388 = arith.constant 0 : index
          %swap3A_389 = tpu.vector_load %arg6[%swap3A_387, %swap3A_388] {strides = array<i32>} : memref<6264x32xbf16, #tpu.memory_space<vmem>>, vector<32xbf16>,
          tpu.vector_store %arg6[%swap3A_387, %swap3A_388], %min3A_386 {strides = array<i32>} : memref<6264x32xbf16, #tpu.memory_space<vmem>>, vector<32xbf16>,
          %slice3A_390 = vector.extract_strided_slice %get3A_314 {offsets = [6], sizes = [1], strides = [1]} : vector<16xi32> to vector<1xi32>
          %squeeze3A_391 = vector.extract %slice3A_390[0] : i32 from vector<1xi32>
          %get3A_392 = arith.constant 6 : i32
          %get3A_393 = arith.index_cast %get3A_392 : i32 to index
          %get3A_394 = arith.constant 0 : index
          %get3A_395 = tpu.vector_load %arg22[%get3A_393, %get3A_394] {strides = array<i32>} : memref<16x32xbf16, #tpu.memory_space<vmem>>, vector<32xbf16>,
          %get3A_396 = arith.index_cast %squeeze3A_391 : i32 to index
          %get3A_397 = arith.constant 0 : index
          %get3A_398 = tpu.vector_load %arg6[%get3A_396, %get3A_397] {strides = array<i32>} : memref<6264x32xbf16, #tpu.memory_space<vmem>>, vector<32xbf16>,
          %min3A_399 = arith.minimumf %get3A_398, %get3A_395 : vector<32xbf16>
          %swap3A_400 = arith.index_cast %squeeze3A_391 : i32 to index
          %swap3A_401 = arith.constant 0 : index
          %swap3A_402 = tpu.vector_load %arg6[%swap3A_400, %swap3A_401] {strides = array<i32>} : memref<6264x32xbf16, #tpu.memory_space<vmem>>, vector<32xbf16>,
          tpu.vector_store %arg6[%swap3A_400, %swap3A_401], %min3A_399 {strides = array<i32>} : memref<6264x32xbf16, #tpu.memory_space<vmem>>, vector<32xbf16>,
          %slice3A_403 = vector.extract_strided_slice %get3A_314 {offsets = [7], sizes = [1], strides = [1]} : vector<16xi32> to vector<1xi32>
          %squeeze3A_404 = vector.extract %slice3A_403[0] : i32 from vector<1xi32>
          %get3A_405 = arith.constant 7 : i32
          %get3A_406 = arith.index_cast %get3A_405 : i32 to index
          %get3A_407 = arith.constant 0 : index
          %get3A_408 = tpu.vector_load %arg22[%get3A_406, %get3A_407] {strides = array<i32>} : memref<16x32xbf16, #tpu.memory_space<vmem>>, vector<32xbf16>,
          %get3A_409 = arith.index_cast %squeeze3A_404 : i32 to index
          %get3A_410 = arith.constant 0 : index
          %get3A_411 = tpu.vector_load %arg6[%get3A_409, %get3A_410] {strides = array<i32>} : memref<6264x32xbf16, #tpu.memory_space<vmem>>, vector<32xbf16>,
          %min3A_412 = arith.minimumf %get3A_411, %get3A_408 : vector<32xbf16>
          %swap3A_413 = arith.index_cast %squeeze3A_404 : i32 to index
          %swap3A_414 = arith.constant 0 : index
          %swap3A_415 = tpu.vector_load %arg6[%swap3A_413, %swap3A_414] {strides = array<i32>} : memref<6264x32xbf16, #tpu.memory_space<vmem>>, vector<32xbf16>,
          tpu.vector_store %arg6[%swap3A_413, %swap3A_414], %min3A_412 {strides = array<i32>} : memref<6264x32xbf16, #tpu.memory_space<vmem>>, vector<32xbf16>,
          %slice3A_416 = vector.extract_strided_slice %get3A_314 {offsets = [8], sizes = [1], strides = [1]} : vector<16xi32> to vector<1xi32>
          %squeeze3A_417 = vector.extract %slice3A_416[0] : i32 from vector<1xi32>
          %get3A_418 = arith.constant 8 : i32
          %get3A_419 = arith.index_cast %get3A_418 : i32 to index
          %get3A_420 = arith.constant 0 : index
          %get3A_421 = tpu.vector_load %arg22[%get3A_419, %get3A_420] {strides = array<i32>} : memref<16x32xbf16, #tpu.memory_space<vmem>>, vector<32xbf16>,
          %get3A_422 = arith.index_cast %squeeze3A_417 : i32 to index
          %get3A_423 = arith.constant 0 : index
          %get3A_424 = tpu.vector_load %arg6[%get3A_422, %get3A_423] {strides = array<i32>} : memref<6264x32xbf16, #tpu.memory_space<vmem>>, vector<32xbf16>,
          %min3A_425 = arith.minimumf %get3A_424, %get3A_421 : vector<32xbf16>
          %swap3A_426 = arith.index_cast %squeeze3A_417 : i32 to index
          %swap3A_427 = arith.constant 0 : index
          %swap3A_428 = tpu.vector_load %arg6[%swap3A_426, %swap3A_427] {strides = array<i32>} : memref<6264x32xbf16, #tpu.memory_space<vmem>>, vector<32xbf16>,
          tpu.vector_store %arg6[%swap3A_426, %swap3A_427], %min3A_425 {strides = array<i32>} : memref<6264x32xbf16, #tpu.memory_space<vmem>>, vector<32xbf16>,
          %slice3A_429 = vector.extract_strided_slice %get3A_314 {offsets = [9], sizes = [1], strides = [1]} : vector<16xi32> to vector<1xi32>
          %squeeze3A_430 = vector.extract %slice3A_429[0] : i32 from vector<1xi32>
          %get3A_431 = arith.constant 9 : i32
          %get3A_432 = arith.index_cast %get3A_431 : i32 to index
          %get3A_433 = arith.constant 0 : index
          %get3A_434 = tpu.vector_load %arg22[%get3A_432, %get3A_433] {strides = array<i32>} : memref<16x32xbf16, #tpu.memory_space<vmem>>, vector<32xbf16>,
          %get3A_435 = arith.index_cast %squeeze3A_430 : i32 to index
          %get3A_436 = arith.constant 0 : index
          %get3A_437 = tpu.vector_load %arg6[%get3A_435, %get3A_436] {strides = array<i32>} : memref<6264x32xbf16, #tpu.memory_space<vmem>>, vector<32xbf16>,
          %min3A_438 = arith.minimumf %get3A_437, %get3A_434 : vector<32xbf16>
          %swap3A_439 = arith.index_cast %squeeze3A_430 : i32 to index
          %swap3A_440 = arith.constant 0 : index
          %swap3A_441 = tpu.vector_load %arg6[%swap3A_439, %swap3A_440] {strides = array<i32>} : memref<6264x32xbf16, #tpu.memory_space<vmem>>, vector<32xbf16>,
          tpu.vector_store %arg6[%swap3A_439, %swap3A_440], %min3A_438 {strides = array<i32>} : memref<6264x32xbf16, #tpu.memory_space<vmem>>, vector<32xbf16>,
          %slice3A_442 = vector.extract_strided_slice %get3A_314 {offsets = [10], sizes = [1], strides = [1]} : vector<16xi32> to vector<1xi32>
          %squeeze3A_443 = vector.extract %slice3A_442[0] : i32 from vector<1xi32>
          %get3A_444 = arith.constant 10 : i32
          %get3A_445 = arith.index_cast %get3A_444 : i32 to index
          %get3A_446 = arith.constant 0 : index
          %get3A_447 = tpu.vector_load %arg22[%get3A_445, %get3A_446] {strides = array<i32>} : memref<16x32xbf16, #tpu.memory_space<vmem>>, vector<32xbf16>,
          %get3A_448 = arith.index_cast %squeeze3A_443 : i32 to index
          %get3A_449 = arith.constant 0 : index
          %get3A_450 = tpu.vector_load %arg6[%get3A_448, %get3A_449] {strides = array<i32>} : memref<6264x32xbf16, #tpu.memory_space<vmem>>, vector<32xbf16>,
          %min3A_451 = arith.minimumf %get3A_450, %get3A_447 : vector<32xbf16>
          %swap3A_452 = arith.index_cast %squeeze3A_443 : i32 to index
          %swap3A_453 = arith.constant 0 : index
          %swap3A_454 = tpu.vector_load %arg6[%swap3A_452, %swap3A_453] {strides = array<i32>} : memref<6264x32xbf16, #tpu.memory_space<vmem>>, vector<32xbf16>,
          tpu.vector_store %arg6[%swap3A_452, %swap3A_453], %min3A_451 {strides = array<i32>} : memref<6264x32xbf16, #tpu.memory_space<vmem>>, vector<32xbf16>,
          %slice3A_455 = vector.extract_strided_slice %get3A_314 {offsets = [11], sizes = [1], strides = [1]} : vector<16xi32> to vector<1xi32>
          %squeeze3A_456 = vector.extract %slice3A_455[0] : i32 from vector<1xi32>
          %get3A_457 = arith.constant 11 : i32
          %get3A_458 = arith.index_cast %get3A_457 : i32 to index
          %get3A_459 = arith.constant 0 : index
          %get3A_460 = tpu.vector_load %arg22[%get3A_458, %get3A_459] {strides = array<i32>} : memref<16x32xbf16, #tpu.memory_space<vmem>>, vector<32xbf16>,
          %get3A_461 = arith.index_cast %squeeze3A_456 : i32 to index
          %get3A_462 = arith.constant 0 : index
          %get3A_463 = tpu.vector_load %arg6[%get3A_461, %get3A_462] {strides = array<i32>} : memref<6264x32xbf16, #tpu.memory_space<vmem>>, vector<32xbf16>,
          %min3A_464 = arith.minimumf %get3A_463, %get3A_460 : vector<32xbf16>
          %swap3A_465 = arith.index_cast %squeeze3A_456 : i32 to index
          %swap3A_466 = arith.constant 0 : index
          %swap3A_467 = tpu.vector_load %arg6[%swap3A_465, %swap3A_466] {strides = array<i32>} : memref<6264x32xbf16, #tpu.memory_space<vmem>>, vector<32xbf16>,
          tpu.vector_store %arg6[%swap3A_465, %swap3A_466], %min3A_464 {strides = array<i32>} : memref<6264x32xbf16, #tpu.memory_space<vmem>>, vector<32xbf16>,
          %slice3A_468 = vector.extract_strided_slice %get3A_314 {offsets = [12], sizes = [1], strides = [1]} : vector<16xi32> to vector<1xi32>
          %squeeze3A_469 = vector.extract %slice3A_468[0] : i32 from vector<1xi32>
          %get3A_470 = arith.constant 12 : i32
          %get3A_471 = arith.index_cast %get3A_470 : i32 to index
          %get3A_472 = arith.constant 0 : index
          %get3A_473 = tpu.vector_load %arg22[%get3A_471, %get3A_472] {strides = array<i32>} : memref<16x32xbf16, #tpu.memory_space<vmem>>, vector<32xbf16>,
          %get3A_474 = arith.index_cast %squeeze3A_469 : i32 to index
          %get3A_475 = arith.constant 0 : index
          %get3A_476 = tpu.vector_load %arg6[%get3A_474, %get3A_475] {strides = array<i32>} : memref<6264x32xbf16, #tpu.memory_space<vmem>>, vector<32xbf16>,
          %min3A_477 = arith.minimumf %get3A_476, %get3A_473 : vector<32xbf16>
          %swap3A_478 = arith.index_cast %squeeze3A_469 : i32 to index
          %swap3A_479 = arith.constant 0 : index
          %swap3A_480 = tpu.vector_load %arg6[%swap3A_478, %swap3A_479] {strides = array<i32>} : memref<6264x32xbf16, #tpu.memory_space<vmem>>, vector<32xbf16>,
          tpu.vector_store %arg6[%swap3A_478, %swap3A_479], %min3A_477 {strides = array<i32>} : memref<6264x32xbf16, #tpu.memory_space<vmem>>, vector<32xbf16>,
          %slice3A_481 = vector.extract_strided_slice %get3A_314 {offsets = [13], sizes = [1], strides = [1]} : vector<16xi32> to vector<1xi32>
          %squeeze3A_482 = vector.extract %slice3A_481[0] : i32 from vector<1xi32>
          %get3A_483 = arith.constant 13 : i32
          %get3A_484 = arith.index_cast %get3A_483 : i32 to index
          %get3A_485 = arith.constant 0 : index
          %get3A_486 = tpu.vector_load %arg22[%get3A_484, %get3A_485] {strides = array<i32>} : memref<16x32xbf16, #tpu.memory_space<vmem>>, vector<32xbf16>,
          %get3A_487 = arith.index_cast %squeeze3A_482 : i32 to index
          %get3A_488 = arith.constant 0 : index
          %get3A_489 = tpu.vector_load %arg6[%get3A_487, %get3A_488] {strides = array<i32>} : memref<6264x32xbf16, #tpu.memory_space<vmem>>, vector<32xbf16>,
          %min3A_490 = arith.minimumf %get3A_489, %get3A_486 : vector<32xbf16>
          %swap3A_491 = arith.index_cast %squeeze3A_482 : i32 to index
          %swap3A_492 = arith.constant 0 : index
          %swap3A_493 = tpu.vector_load %arg6[%swap3A_491, %swap3A_492] {strides = array<i32>} : memref<6264x32xbf16, #tpu.memory_space<vmem>>, vector<32xbf16>,
          tpu.vector_store %arg6[%swap3A_491, %swap3A_492], %min3A_490 {strides = array<i32>} : memref<6264x32xbf16, #tpu.memory_space<vmem>>, vector<32xbf16>,
          %slice3A_494 = vector.extract_strided_slice %get3A_314 {offsets = [14], sizes = [1], strides = [1]} : vector<16xi32> to vector<1xi32>
          %squeeze3A_495 = vector.extract %slice3A_494[0] : i32 from vector<1xi32>
          %get3A_496 = arith.constant 14 : i32
          %get3A_497 = arith.index_cast %get3A_496 : i32 to index
          %get3A_498 = arith.constant 0 : index
          %get3A_499 = tpu.vector_load %arg22[%get3A_497, %get3A_498] {strides = array<i32>} : memref<16x32xbf16, #tpu.memory_space<vmem>>, vector<32xbf16>,
          %get3A_500 = arith.index_cast %squeeze3A_495 : i32 to index
          %get3A_501 = arith.constant 0 : index
          %get3A_502 = tpu.vector_load %arg6[%get3A_500, %get3A_501] {strides = array<i32>} : memref<6264x32xbf16, #tpu.memory_space<vmem>>, vector<32xbf16>,
          %min3A_503 = arith.minimumf %get3A_502, %get3A_499 : vector<32xbf16>
          %swap3A_504 = arith.index_cast %squeeze3A_495 : i32 to index
          %swap3A_505 = arith.constant 0 : index
          %swap3A_506 = tpu.vector_load %arg6[%swap3A_504, %swap3A_505] {strides = array<i32>} : memref<6264x32xbf16, #tpu.memory_space<vmem>>, vector<32xbf16>,
          tpu.vector_store %arg6[%swap3A_504, %swap3A_505], %min3A_503 {strides = array<i32>} : memref<6264x32xbf16, #tpu.memory_space<vmem>>, vector<32xbf16>,
          %slice3A_507 = vector.extract_strided_slice %get3A_314 {offsets = [15], sizes = [1], strides = [1]} : vector<16xi32> to vector<1xi32>
          %squeeze3A_508 = vector.extract %slice3A_507[0] : i32 from vector<1xi32>
          %get3A_509 = arith.constant 15 : i32
          %get3A_510 = arith.index_cast %get3A_509 : i32 to index
          %get3A_511 = arith.constant 0 : index
          %get3A_512 = tpu.vector_load %arg22[%get3A_510, %get3A_511] {strides = array<i32>} : memref<16x32xbf16, #tpu.memory_space<vmem>>, vector<32xbf16>,
          %get3A_513 = arith.index_cast %squeeze3A_508 : i32 to index
          %get3A_514 = arith.constant 0 : index
          %get3A_515 = tpu.vector_load %arg6[%get3A_513, %get3A_514] {strides = array<i32>} : memref<6264x32xbf16, #tpu.memory_space<vmem>>, vector<32xbf16>,
          %min3A_516 = arith.minimumf %get3A_515, %get3A_512 : vector<32xbf16>
          %swap3A_517 = arith.index_cast %squeeze3A_508 : i32 to index
          %swap3A_518 = arith.constant 0 : index
          %swap3A_519 = tpu.vector_load %arg6[%swap3A_517, %swap3A_518] {strides = array<i32>} : memref<6264x32xbf16, #tpu.memory_space<vmem>>, vector<32xbf16>,
          tpu.vector_store %arg6[%swap3A_517, %swap3A_518], %min3A_516 {strides = array<i32>} : memref<6264x32xbf16, #tpu.memory_space<vmem>>, vector<32xbf16>,
          %add3A_520 = arith.constant 4 : i32
          %add3A_521 = arith.addi %add3A_303, %add3A_520 : i32
          %lt3A_522 = arith.cmpi slt, %add3A_521, %scan3A_95 : i32
          %convert_element_type3A_523 = arith.extui %lt3A_522 : i1 to i32
          %cond3A_524 = arith.constant 0 : i32
          %cond3A_525 = arith.cmpi ne, %convert_element_type3A_523, %cond3A_524 : i32
          scf.if %cond3A_525 {
            %add3A_526 = arith.constant 4 : i32
            %add3A_527 = arith.addi %add3A_303, %add3A_526 : i32
            %mul3A_528 = arith.constant 16 : i32
            %mul3A_529 = arith.muli %add3A_527, %mul3A_528 : i32
            %get3A_530 = arith.index_cast %mul3A_529 : i32 to index
            %get3A_531 = tpu.vector_load %arg12[%get3A_530] {strides = array<i32>} : memref<2416xi32, #tpu.memory_space<vmem>>, vector<16xi32>,
            %swap3A_532 = arith.constant 0 : index
            %swap3A_533 = tpu.vector_load %arg18[%swap3A_532] {strides = array<i32>} : memref<16xi32, #tpu.memory_space<vmem>>, vector<16xi32>,
            tpu.vector_store %arg18[%swap3A_532], %get3A_531 {strides = array<i32>} : memref<16xi32, #tpu.memory_space<vmem>>, vector<16xi32>,
            %dma_start3A_534 = arith.constant 0 : i32
            %dma_start3A_535 = arith.constant 0 : i32
            %dma_start3A_536 = tpu.memref_slice %arg2[%dma_start3A_534, %dma_start3A_535] : memref<100000x32xbf16, #tpu.memory_space<hbm>> -> memref<100000x32xbf16, #tpu.memory_space<hbm>>
            tpu.enqueue_indirect_dma source(%dma_start3A_536 : memref<100000x32xbf16, #tpu.memory_space<hbm>>) target(%arg22 : memref<16x32xbf16, #tpu.memory_space<vmem>>) offsets(%arg18 : memref<16xi32, #tpu.memory_space<vmem>>) semaphore(%arg28 : memref<!tpu.dma_semaphore, #tpu.memory_space<semaphore_mem>>)
          } else {
          }
        } else {
        }
        %while3A_308 = arith.constant 0 : i32
        scf.yield %while3A_308 : i32
      }
      %while3A_192 = arith.constant 1 : i32
      %while3A_193 = scf.for %while3A_274 = %while3A_189 to %while3A_185 step %while3A_192 iter_args(%while3A_275 = %while3A_191) -> (i32)  : i32 {
        %mul3A_276 = arith.constant 4 : i32
        %mul3A_277 = arith.muli %mul3A_276, %while3A_274 : i32
        %add3A_278 = arith.constant 0 : i32
        %add3A_279 = arith.addi %mul3A_277, %add3A_278 : i32
        %lt3A_280 = arith.cmpi slt, %add3A_279, %scan3A_95 : i32
        %convert_element_type3A_281 = arith.extui %lt3A_280 : i1 to i32
        %cond3A_282 = arith.constant 0 : i32
        %cond3A_283 = arith.cmpi ne, %convert_element_type3A_281, %cond3A_282 : i32
        scf.if %cond3A_283 {
          %dma_wait3A_309 = arith.constant 0 : i32
          %dma_wait3A_310 = arith.constant 0 : i32
          %dma_wait3A_311 = tpu.memref_slice %arg2[%dma_wait3A_309, %dma_wait3A_310] : memref<100000x32xbf16, #tpu.memory_space<hbm>> -> memref<100000x32xbf16, #tpu.memory_space<hbm>>
          tpu.wait_indirect_dma semaphore(%arg25 : memref<!tpu.dma_semaphore, #tpu.memory_space<semaphore_mem>>) src(%dma_wait3A_311 : memref<100000x32xbf16, #tpu.memory_space<hbm>>) dst(%arg19 : memref<16x32xbf16, #tpu.memory_space<vmem>>)
          %mul3A_312 = arith.constant 16 : i32
          %mul3A_313 = arith.muli %add3A_279, %mul3A_312 : i32
          %get3A = arith.index_cast %mul3A_313 : i32 to index
          %get3A_314 = tpu.vector_load %arg11[%get3A] {strides = array<i32>} : memref<2416xi32, #tpu.memory_space<vmem>>, vector<16xi32>,
          %slice3A = vector.extract_strided_slice %get3A_314 {offsets = [0], sizes = [1], strides = [1]} : vector<16xi32> to vector<1xi32>
          %squeeze3A = vector.extract %slice3A[0] : i32 from vector<1xi32>
          %get3A_315 = arith.constant 0 : i32
          %get3A_316 = arith.index_cast %get3A_315 : i32 to index
          %get3A_317 = arith.constant 0 : index
          %get3A_318 = tpu.vector_load %arg19[%get3A_316, %get3A_317] {strides = array<i32>} : memref<16x32xbf16, #tpu.memory_space<vmem>>, vector<32xbf16>,
          %get3A_319 = arith.index_cast %squeeze3A : i32 to index
          %get3A_320 = arith.constant 0 : index
          %get3A_321 = tpu.vector_load %arg6[%get3A_319, %get3A_320] {strides = array<i32>} : memref<6264x32xbf16, #tpu.memory_space<vmem>>, vector<32xbf16>,
          %min3A = arith.minimumf %get3A_321, %get3A_318 : vector<32xbf16>
          %swap3A_322 = arith.index_cast %squeeze3A : i32 to index
          %swap3A_323 = arith.constant 0 : index
          %swap3A_324 = tpu.vector_load %arg6[%swap3A_322, %swap3A_323] {strides = array<i32>} : memref<6264x32xbf16, #tpu.memory_space<vmem>>, vector<32xbf16>,
          tpu.vector_store %arg6[%swap3A_322, %swap3A_323], %min3A {strides = array<i32>} : memref<6264x32xbf16, #tpu.memory_space<vmem>>, vector<32xbf16>,
          %slice3A_325 = vector.extract_strided_slice %get3A_314 {offsets = [1], sizes = [1], strides = [1]} : vector<16xi32> to vector<1xi32>
          %squeeze3A_326 = vector.extract %slice3A_325[0] : i32 from vector<1xi32>
          %get3A_327 = arith.constant 1 : i32
          %get3A_328 = arith.index_cast %get3A_327 : i32 to index
          %get3A_329 = arith.constant 0 : index
          %get3A_330 = tpu.vector_load %arg19[%get3A_328, %get3A_329] {strides = array<i32>} : memref<16x32xbf16, #tpu.memory_space<vmem>>, vector<32xbf16>,
          %get3A_331 = arith.index_cast %squeeze3A_326 : i32 to index
          %get3A_332 = arith.constant 0 : index
          %get3A_333 = tpu.vector_load %arg6[%get3A_331, %get3A_332] {strides = array<i32>} : memref<6264x32xbf16, #tpu.memory_space<vmem>>, vector<32xbf16>,
          %min3A_334 = arith.minimumf %get3A_333, %get3A_330 : vector<32xbf16>
          %swap3A_335 = arith.index_cast %squeeze3A_326 : i32 to index
          %swap3A_336 = arith.constant 0 : index
          %swap3A_337 = tpu.vector_load %arg6[%swap3A_335, %swap3A_336] {strides = array<i32>} : memref<6264x32xbf16, #tpu.memory_space<vmem>>, vector<32xbf16>,
          tpu.vector_store %arg6[%swap3A_335, %swap3A_336], %min3A_334 {strides = array<i32>} : memref<6264x32xbf16, #tpu.memory_space<vmem>>, vector<32xbf16>,
          %slice3A_338 = vector.extract_strided_slice %get3A_314 {offsets = [2], sizes = [1], strides = [1]} : vector<16xi32> to vector<1xi32>
          %squeeze3A_339 = vector.extract %slice3A_338[0] : i32 from vector<1xi32>
          %get3A_340 = arith.constant 2 : i32
          %get3A_341 = arith.index_cast %get3A_340 : i32 to index
          %get3A_342 = arith.constant 0 : index
          %get3A_343 = tpu.vector_load %arg19[%get3A_341, %get3A_342] {strides = array<i32>} : memref<16x32xbf16, #tpu.memory_space<vmem>>, vector<32xbf16>,
          %get3A_344 = arith.index_cast %squeeze3A_339 : i32 to index
          %get3A_345 = arith.constant 0 : index
          %get3A_346 = tpu.vector_load %arg6[%get3A_344, %get3A_345] {strides = array<i32>} : memref<6264x32xbf16, #tpu.memory_space<vmem>>, vector<32xbf16>,
          %min3A_347 = arith.minimumf %get3A_346, %get3A_343 : vector<32xbf16>
          %swap3A_348 = arith.index_cast %squeeze3A_339 : i32 to index
          %swap3A_349 = arith.constant 0 : index
          %swap3A_350 = tpu.vector_load %arg6[%swap3A_348, %swap3A_349] {strides = array<i32>} : memref<6264x32xbf16, #tpu.memory_space<vmem>>, vector<32xbf16>,
          tpu.vector_store %arg6[%swap3A_348, %swap3A_349], %min3A_347 {strides = array<i32>} : memref<6264x32xbf16, #tpu.memory_space<vmem>>, vector<32xbf16>,
          %slice3A_351 = vector.extract_strided_slice %get3A_314 {offsets = [3], sizes = [1], strides = [1]} : vector<16xi32> to vector<1xi32>
          %squeeze3A_352 = vector.extract %slice3A_351[0] : i32 from vector<1xi32>
          %get3A_353 = arith.constant 3 : i32
          %get3A_354 = arith.index_cast %get3A_353 : i32 to index
          %get3A_355 = arith.constant 0 : index
          %get3A_356 = tpu.vector_load %arg19[%get3A_354, %get3A_355] {strides = array<i32>} : memref<16x32xbf16, #tpu.memory_space<vmem>>, vector<32xbf16>,
          %get3A_357 = arith.index_cast %squeeze3A_352 : i32 to index
          %get3A_358 = arith.constant 0 : index
          %get3A_359 = tpu.vector_load %arg6[%get3A_357, %get3A_358] {strides = array<i32>} : memref<6264x32xbf16, #tpu.memory_space<vmem>>, vector<32xbf16>,
          %min3A_360 = arith.minimumf %get3A_359, %get3A_356 : vector<32xbf16>
          %swap3A_361 = arith.index_cast %squeeze3A_352 : i32 to index
          %swap3A_362 = arith.constant 0 : index
          %swap3A_363 = tpu.vector_load %arg6[%swap3A_361, %swap3A_362] {strides = array<i32>} : memref<6264x32xbf16, #tpu.memory_space<vmem>>, vector<32xbf16>,
          tpu.vector_store %arg6[%swap3A_361, %swap3A_362], %min3A_360 {strides = array<i32>} : memref<6264x32xbf16, #tpu.memory_space<vmem>>, vector<32xbf16>,
          %slice3A_364 = vector.extract_strided_slice %get3A_314 {offsets = [4], sizes = [1], strides = [1]} : vector<16xi32> to vector<1xi32>
          %squeeze3A_365 = vector.extract %slice3A_364[0] : i32 from vector<1xi32>
          %get3A_366 = arith.constant 4 : i32
          %get3A_367 = arith.index_cast %get3A_366 : i32 to index
          %get3A_368 = arith.constant 0 : index
          %get3A_369 = tpu.vector_load %arg19[%get3A_367, %get3A_368] {strides = array<i32>} : memref<16x32xbf16, #tpu.memory_space<vmem>>, vector<32xbf16>,
          %get3A_370 = arith.index_cast %squeeze3A_365 : i32 to index
          %get3A_371 = arith.constant 0 : index
          %get3A_372 = tpu.vector_load %arg6[%get3A_370, %get3A_371] {strides = array<i32>} : memref<6264x32xbf16, #tpu.memory_space<vmem>>, vector<32xbf16>,
          %min3A_373 = arith.minimumf %get3A_372, %get3A_369 : vector<32xbf16>
          %swap3A_374 = arith.index_cast %squeeze3A_365 : i32 to index
          %swap3A_375 = arith.constant 0 : index
          %swap3A_376 = tpu.vector_load %arg6[%swap3A_374, %swap3A_375] {strides = array<i32>} : memref<6264x32xbf16, #tpu.memory_space<vmem>>, vector<32xbf16>,
          tpu.vector_store %arg6[%swap3A_374, %swap3A_375], %min3A_373 {strides = array<i32>} : memref<6264x32xbf16, #tpu.memory_space<vmem>>, vector<32xbf16>,
          %slice3A_377 = vector.extract_strided_slice %get3A_314 {offsets = [5], sizes = [1], strides = [1]} : vector<16xi32> to vector<1xi32>
          %squeeze3A_378 = vector.extract %slice3A_377[0] : i32 from vector<1xi32>
          %get3A_379 = arith.constant 5 : i32
          %get3A_380 = arith.index_cast %get3A_379 : i32 to index
          %get3A_381 = arith.constant 0 : index
          %get3A_382 = tpu.vector_load %arg19[%get3A_380, %get3A_381] {strides = array<i32>} : memref<16x32xbf16, #tpu.memory_space<vmem>>, vector<32xbf16>,
          %get3A_383 = arith.index_cast %squeeze3A_378 : i32 to index
          %get3A_384 = arith.constant 0 : index
          %get3A_385 = tpu.vector_load %arg6[%get3A_383, %get3A_384] {strides = array<i32>} : memref<6264x32xbf16, #tpu.memory_space<vmem>>, vector<32xbf16>,
          %min3A_386 = arith.minimumf %get3A_385, %get3A_382 : vector<32xbf16>
          %swap3A_387 = arith.index_cast %squeeze3A_378 : i32 to index
          %swap3A_388 = arith.constant 0 : index
          %swap3A_389 = tpu.vector_load %arg6[%swap3A_387, %swap3A_388] {strides = array<i32>} : memref<6264x32xbf16, #tpu.memory_space<vmem>>, vector<32xbf16>,
          tpu.vector_store %arg6[%swap3A_387, %swap3A_388], %min3A_386 {strides = array<i32>} : memref<6264x32xbf16, #tpu.memory_space<vmem>>, vector<32xbf16>,
          %slice3A_390 = vector.extract_strided_slice %get3A_314 {offsets = [6], sizes = [1], strides = [1]} : vector<16xi32> to vector<1xi32>
          %squeeze3A_391 = vector.extract %slice3A_390[0] : i32 from vector<1xi32>
          %get3A_392 = arith.constant 6 : i32
          %get3A_393 = arith.index_cast %get3A_392 : i32 to index
          %get3A_394 = arith.constant 0 : index
          %get3A_395 = tpu.vector_load %arg19[%get3A_393, %get3A_394] {strides = array<i32>} : memref<16x32xbf16, #tpu.memory_space<vmem>>, vector<32xbf16>,
          %get3A_396 = arith.index_cast %squeeze3A_391 : i32 to index
          %get3A_397 = arith.constant 0 : index
          %get3A_398 = tpu.vector_load %arg6[%get3A_396, %get3A_397] {strides = array<i32>} : memref<6264x32xbf16, #tpu.memory_space<vmem>>, vector<32xbf16>,
          %min3A_399 = arith.minimumf %get3A_398, %get3A_395 : vector<32xbf16>
          %swap3A_400 = arith.index_cast %squeeze3A_391 : i32 to index
          %swap3A_401 = arith.constant 0 : index
          %swap3A_402 = tpu.vector_load %arg6[%swap3A_400, %swap3A_401] {strides = array<i32>} : memref<6264x32xbf16, #tpu.memory_space<vmem>>, vector<32xbf16>,
          tpu.vector_store %arg6[%swap3A_400, %swap3A_401], %min3A_399 {strides = array<i32>} : memref<6264x32xbf16, #tpu.memory_space<vmem>>, vector<32xbf16>,
          %slice3A_403 = vector.extract_strided_slice %get3A_314 {offsets = [7], sizes = [1], strides = [1]} : vector<16xi32> to vector<1xi32>
          %squeeze3A_404 = vector.extract %slice3A_403[0] : i32 from vector<1xi32>
          %get3A_405 = arith.constant 7 : i32
          %get3A_406 = arith.index_cast %get3A_405 : i32 to index
          %get3A_407 = arith.constant 0 : index
          %get3A_408 = tpu.vector_load %arg19[%get3A_406, %get3A_407] {strides = array<i32>} : memref<16x32xbf16, #tpu.memory_space<vmem>>, vector<32xbf16>,
          %get3A_409 = arith.index_cast %squeeze3A_404 : i32 to index
          %get3A_410 = arith.constant 0 : index
          %get3A_411 = tpu.vector_load %arg6[%get3A_409, %get3A_410] {strides = array<i32>} : memref<6264x32xbf16, #tpu.memory_space<vmem>>, vector<32xbf16>,
          %min3A_412 = arith.minimumf %get3A_411, %get3A_408 : vector<32xbf16>
          %swap3A_413 = arith.index_cast %squeeze3A_404 : i32 to index
          %swap3A_414 = arith.constant 0 : index
          %swap3A_415 = tpu.vector_load %arg6[%swap3A_413, %swap3A_414] {strides = array<i32>} : memref<6264x32xbf16, #tpu.memory_space<vmem>>, vector<32xbf16>,
          tpu.vector_store %arg6[%swap3A_413, %swap3A_414], %min3A_412 {strides = array<i32>} : memref<6264x32xbf16, #tpu.memory_space<vmem>>, vector<32xbf16>,
          %slice3A_416 = vector.extract_strided_slice %get3A_314 {offsets = [8], sizes = [1], strides = [1]} : vector<16xi32> to vector<1xi32>
          %squeeze3A_417 = vector.extract %slice3A_416[0] : i32 from vector<1xi32>
          %get3A_418 = arith.constant 8 : i32
          %get3A_419 = arith.index_cast %get3A_418 : i32 to index
          %get3A_420 = arith.constant 0 : index
          %get3A_421 = tpu.vector_load %arg19[%get3A_419, %get3A_420] {strides = array<i32>} : memref<16x32xbf16, #tpu.memory_space<vmem>>, vector<32xbf16>,
          %get3A_422 = arith.index_cast %squeeze3A_417 : i32 to index
          %get3A_423 = arith.constant 0 : index
          %get3A_424 = tpu.vector_load %arg6[%get3A_422, %get3A_423] {strides = array<i32>} : memref<6264x32xbf16, #tpu.memory_space<vmem>>, vector<32xbf16>,
          %min3A_425 = arith.minimumf %get3A_424, %get3A_421 : vector<32xbf16>
          %swap3A_426 = arith.index_cast %squeeze3A_417 : i32 to index
          %swap3A_427 = arith.constant 0 : index
          %swap3A_428 = tpu.vector_load %arg6[%swap3A_426, %swap3A_427] {strides = array<i32>} : memref<6264x32xbf16, #tpu.memory_space<vmem>>, vector<32xbf16>,
          tpu.vector_store %arg6[%swap3A_426, %swap3A_427], %min3A_425 {strides = array<i32>} : memref<6264x32xbf16, #tpu.memory_space<vmem>>, vector<32xbf16>,
          %slice3A_429 = vector.extract_strided_slice %get3A_314 {offsets = [9], sizes = [1], strides = [1]} : vector<16xi32> to vector<1xi32>
          %squeeze3A_430 = vector.extract %slice3A_429[0] : i32 from vector<1xi32>
          %get3A_431 = arith.constant 9 : i32
          %get3A_432 = arith.index_cast %get3A_431 : i32 to index
          %get3A_433 = arith.constant 0 : index
          %get3A_434 = tpu.vector_load %arg19[%get3A_432, %get3A_433] {strides = array<i32>} : memref<16x32xbf16, #tpu.memory_space<vmem>>, vector<32xbf16>,
          %get3A_435 = arith.index_cast %squeeze3A_430 : i32 to index
          %get3A_436 = arith.constant 0 : index
          %get3A_437 = tpu.vector_load %arg6[%get3A_435, %get3A_436] {strides = array<i32>} : memref<6264x32xbf16, #tpu.memory_space<vmem>>, vector<32xbf16>,
          %min3A_438 = arith.minimumf %get3A_437, %get3A_434 : vector<32xbf16>
          %swap3A_439 = arith.index_cast %squeeze3A_430 : i32 to index
          %swap3A_440 = arith.constant 0 : index
          %swap3A_441 = tpu.vector_load %arg6[%swap3A_439, %swap3A_440] {strides = array<i32>} : memref<6264x32xbf16, #tpu.memory_space<vmem>>, vector<32xbf16>,
          tpu.vector_store %arg6[%swap3A_439, %swap3A_440], %min3A_438 {strides = array<i32>} : memref<6264x32xbf16, #tpu.memory_space<vmem>>, vector<32xbf16>,
          %slice3A_442 = vector.extract_strided_slice %get3A_314 {offsets = [10], sizes = [1], strides = [1]} : vector<16xi32> to vector<1xi32>
          %squeeze3A_443 = vector.extract %slice3A_442[0] : i32 from vector<1xi32>
          %get3A_444 = arith.constant 10 : i32
          %get3A_445 = arith.index_cast %get3A_444 : i32 to index
          %get3A_446 = arith.constant 0 : index
          %get3A_447 = tpu.vector_load %arg19[%get3A_445, %get3A_446] {strides = array<i32>} : memref<16x32xbf16, #tpu.memory_space<vmem>>, vector<32xbf16>,
          %get3A_448 = arith.index_cast %squeeze3A_443 : i32 to index
          %get3A_449 = arith.constant 0 : index
          %get3A_450 = tpu.vector_load %arg6[%get3A_448, %get3A_449] {strides = array<i32>} : memref<6264x32xbf16, #tpu.memory_space<vmem>>, vector<32xbf16>,
          %min3A_451 = arith.minimumf %get3A_450, %get3A_447 : vector<32xbf16>
          %swap3A_452 = arith.index_cast %squeeze3A_443 : i32 to index
          %swap3A_453 = arith.constant 0 : index
          %swap3A_454 = tpu.vector_load %arg6[%swap3A_452, %swap3A_453] {strides = array<i32>} : memref<6264x32xbf16, #tpu.memory_space<vmem>>, vector<32xbf16>,
          tpu.vector_store %arg6[%swap3A_452, %swap3A_453], %min3A_451 {strides = array<i32>} : memref<6264x32xbf16, #tpu.memory_space<vmem>>, vector<32xbf16>,
          %slice3A_455 = vector.extract_strided_slice %get3A_314 {offsets = [11], sizes = [1], strides = [1]} : vector<16xi32> to vector<1xi32>
          %squeeze3A_456 = vector.extract %slice3A_455[0] : i32 from vector<1xi32>
          %get3A_457 = arith.constant 11 : i32
          %get3A_458 = arith.index_cast %get3A_457 : i32 to index
          %get3A_459 = arith.constant 0 : index
          %get3A_460 = tpu.vector_load %arg19[%get3A_458, %get3A_459] {strides = array<i32>} : memref<16x32xbf16, #tpu.memory_space<vmem>>, vector<32xbf16>,
          %get3A_461 = arith.index_cast %squeeze3A_456 : i32 to index
          %get3A_462 = arith.constant 0 : index
          %get3A_463 = tpu.vector_load %arg6[%get3A_461, %get3A_462] {strides = array<i32>} : memref<6264x32xbf16, #tpu.memory_space<vmem>>, vector<32xbf16>,
          %min3A_464 = arith.minimumf %get3A_463, %get3A_460 : vector<32xbf16>
          %swap3A_465 = arith.index_cast %squeeze3A_456 : i32 to index
          %swap3A_466 = arith.constant 0 : index
          %swap3A_467 = tpu.vector_load %arg6[%swap3A_465, %swap3A_466] {strides = array<i32>} : memref<6264x32xbf16, #tpu.memory_space<vmem>>, vector<32xbf16>,
          tpu.vector_store %arg6[%swap3A_465, %swap3A_466], %min3A_464 {strides = array<i32>} : memref<6264x32xbf16, #tpu.memory_space<vmem>>, vector<32xbf16>,
          %slice3A_468 = vector.extract_strided_slice %get3A_314 {offsets = [12], sizes = [1], strides = [1]} : vector<16xi32> to vector<1xi32>
          %squeeze3A_469 = vector.extract %slice3A_468[0] : i32 from vector<1xi32>
          %get3A_470 = arith.constant 12 : i32
          %get3A_471 = arith.index_cast %get3A_470 : i32 to index
          %get3A_472 = arith.constant 0 : index
          %get3A_473 = tpu.vector_load %arg19[%get3A_471, %get3A_472] {strides = array<i32>} : memref<16x32xbf16, #tpu.memory_space<vmem>>, vector<32xbf16>,
          %get3A_474 = arith.index_cast %squeeze3A_469 : i32 to index
          %get3A_475 = arith.constant 0 : index
          %get3A_476 = tpu.vector_load %arg6[%get3A_474, %get3A_475] {strides = array<i32>} : memref<6264x32xbf16, #tpu.memory_space<vmem>>, vector<32xbf16>,
          %min3A_477 = arith.minimumf %get3A_476, %get3A_473 : vector<32xbf16>
          %swap3A_478 = arith.index_cast %squeeze3A_469 : i32 to index
          %swap3A_479 = arith.constant 0 : index
          %swap3A_480 = tpu.vector_load %arg6[%swap3A_478, %swap3A_479] {strides = array<i32>} : memref<6264x32xbf16, #tpu.memory_space<vmem>>, vector<32xbf16>,
          tpu.vector_store %arg6[%swap3A_478, %swap3A_479], %min3A_477 {strides = array<i32>} : memref<6264x32xbf16, #tpu.memory_space<vmem>>, vector<32xbf16>,
          %slice3A_481 = vector.extract_strided_slice %get3A_314 {offsets = [13], sizes = [1], strides = [1]} : vector<16xi32> to vector<1xi32>
          %squeeze3A_482 = vector.extract %slice3A_481[0] : i32 from vector<1xi32>
          %get3A_483 = arith.constant 13 : i32
          %get3A_484 = arith.index_cast %get3A_483 : i32 to index
          %get3A_485 = arith.constant 0 : index
          %get3A_486 = tpu.vector_load %arg19[%get3A_484, %get3A_485] {strides = array<i32>} : memref<16x32xbf16, #tpu.memory_space<vmem>>, vector<32xbf16>,
          %get3A_487 = arith.index_cast %squeeze3A_482 : i32 to index
          %get3A_488 = arith.constant 0 : index
          %get3A_489 = tpu.vector_load %arg6[%get3A_487, %get3A_488] {strides = array<i32>} : memref<6264x32xbf16, #tpu.memory_space<vmem>>, vector<32xbf16>,
          %min3A_490 = arith.minimumf %get3A_489, %get3A_486 : vector<32xbf16>
          %swap3A_491 = arith.index_cast %squeeze3A_482 : i32 to index
          %swap3A_492 = arith.constant 0 : index
          %swap3A_493 = tpu.vector_load %arg6[%swap3A_491, %swap3A_492] {strides = array<i32>} : memref<6264x32xbf16, #tpu.memory_space<vmem>>, vector<32xbf16>,
          tpu.vector_store %arg6[%swap3A_491, %swap3A_492], %min3A_490 {strides = array<i32>} : memref<6264x32xbf16, #tpu.memory_space<vmem>>, vector<32xbf16>,
          %slice3A_494 = vector.extract_strided_slice %get3A_314 {offsets = [14], sizes = [1], strides = [1]} : vector<16xi32> to vector<1xi32>
          %squeeze3A_495 = vector.extract %slice3A_494[0] : i32 from vector<1xi32>
          %get3A_496 = arith.constant 14 : i32
          %get3A_497 = arith.index_cast %get3A_496 : i32 to index
          %get3A_498 = arith.constant 0 : index
          %get3A_499 = tpu.vector_load %arg19[%get3A_497, %get3A_498] {strides = array<i32>} : memref<16x32xbf16, #tpu.memory_space<vmem>>, vector<32xbf16>,
          %get3A_500 = arith.index_cast %squeeze3A_495 : i32 to index
          %get3A_501 = arith.constant 0 : index
          %get3A_502 = tpu.vector_load %arg6[%get3A_500, %get3A_501] {strides = array<i32>} : memref<6264x32xbf16, #tpu.memory_space<vmem>>, vector<32xbf16>,
          %min3A_503 = arith.minimumf %get3A_502, %get3A_499 : vector<32xbf16>
          %swap3A_504 = arith.index_cast %squeeze3A_495 : i32 to index
          %swap3A_505 = arith.constant 0 : index
          %swap3A_506 = tpu.vector_load %arg6[%swap3A_504, %swap3A_505] {strides = array<i32>} : memref<6264x32xbf16, #tpu.memory_space<vmem>>, vector<32xbf16>,
          tpu.vector_store %arg6[%swap3A_504, %swap3A_505], %min3A_503 {strides = array<i32>} : memref<6264x32xbf16, #tpu.memory_space<vmem>>, vector<32xbf16>,
          %slice3A_507 = vector.extract_strided_slice %get3A_314 {offsets = [15], sizes = [1], strides = [1]} : vector<16xi32> to vector<1xi32>
          %squeeze3A_508 = vector.extract %slice3A_507[0] : i32 from vector<1xi32>
          %get3A_509 = arith.constant 15 : i32
          %get3A_510 = arith.index_cast %get3A_509 : i32 to index
          %get3A_511 = arith.constant 0 : index
          %get3A_512 = tpu.vector_load %arg19[%get3A_510, %get3A_511] {strides = array<i32>} : memref<16x32xbf16, #tpu.memory_space<vmem>>, vector<32xbf16>,
          %get3A_513 = arith.index_cast %squeeze3A_508 : i32 to index
          %get3A_514 = arith.constant 0 : index
          %get3A_515 = tpu.vector_load %arg6[%get3A_513, %get3A_514] {strides = array<i32>} : memref<6264x32xbf16, #tpu.memory_space<vmem>>, vector<32xbf16>,
          %min3A_516 = arith.minimumf %get3A_515, %get3A_512 : vector<32xbf16>
          %swap3A_517 = arith.index_cast %squeeze3A_508 : i32 to index
          %swap3A_518 = arith.constant 0 : index
          %swap3A_519 = tpu.vector_load %arg6[%swap3A_517, %swap3A_518] {strides = array<i32>} : memref<6264x32xbf16, #tpu.memory_space<vmem>>, vector<32xbf16>,
          tpu.vector_store %arg6[%swap3A_517, %swap3A_518], %min3A_516 {strides = array<i32>} : memref<6264x32xbf16, #tpu.memory_space<vmem>>, vector<32xbf16>,
          %add3A_520 = arith.constant 4 : i32
          %add3A_521 = arith.addi %add3A_279, %add3A_520 : i32
          %lt3A_522 = arith.cmpi slt, %add3A_521, %scan3A_95 : i32
          %convert_element_type3A_523 = arith.extui %lt3A_522 : i1 to i32
          %cond3A_524 = arith.constant 0 : i32
          %cond3A_525 = arith.cmpi ne, %convert_element_type3A_523, %cond3A_524 : i32
          scf.if %cond3A_525 {
            %add3A_526 = arith.constant 4 : i32
            %add3A_527 = arith.addi %add3A_279, %add3A_526 : i32
            %mul3A_528 = arith.constant 16 : i32
            %mul3A_529 = arith.muli %add3A_527, %mul3A_528 : i32
            %get3A_530 = arith.index_cast %mul3A_529 : i32 to index
            %get3A_531 = tpu.vector_load %arg12[%get3A_530] {strides = array<i32>} : memref<2416xi32, #tpu.memory_space<vmem>>, vector<16xi32>,
            %swap3A_532 = arith.constant 0 : index
            %swap3A_533 = tpu.vector_load %arg15[%swap3A_532] {strides = array<i32>} : memref<16xi32, #tpu.memory_space<vmem>>, vector<16xi32>,
            tpu.vector_store %arg15[%swap3A_532], %get3A_531 {strides = array<i32>} : memref<16xi32, #tpu.memory_space<vmem>>, vector<16xi32>,
            %dma_start3A_534 = arith.constant 0 : i32
            %dma_start3A_535 = arith.constant 0 : i32
            %dma_start3A_536 = tpu.memref_slice %arg2[%dma_start3A_534, %dma_start3A_535] : memref<100000x32xbf16, #tpu.memory_space<hbm>> -> memref<100000x32xbf16, #tpu.memory_space<hbm>>
            tpu.enqueue_indirect_dma source(%dma_start3A_536 : memref<100000x32xbf16, #tpu.memory_space<hbm>>) target(%arg19 : memref<16x32xbf16, #tpu.memory_space<vmem>>) offsets(%arg15 : memref<16xi32, #tpu.memory_space<vmem>>) semaphore(%arg25 : memref<!tpu.dma_semaphore, #tpu.memory_space<semaphore_mem>>)
          } else {
          }
        } else {
        }
        %mul3A_284 = arith.constant 4 : i32
        %mul3A_285 = arith.muli %mul3A_284, %while3A_274 : i32
        %add3A_286 = arith.constant 1 : i32
        %add3A_287 = arith.addi %mul3A_285, %add3A_286 : i32
        %lt3A_288 = arith.cmpi slt, %add3A_287, %scan3A_95 : i32
        %convert_element_type3A_289 = arith.extui %lt3A_288 : i1 to i32
        %cond3A_290 = arith.constant 0 : i32
        %cond3A_291 = arith.cmpi ne, %convert_element_type3A_289, %cond3A_290 : i32
        scf.if %cond3A_291 {
          %dma_wait3A_309 = arith.constant 0 : i32
          %dma_wait3A_310 = arith.constant 0 : i32
          %dma_wait3A_311 = tpu.memref_slice %arg2[%dma_wait3A_309, %dma_wait3A_310] : memref<100000x32xbf16, #tpu.memory_space<hbm>> -> memref<100000x32xbf16, #tpu.memory_space<hbm>>
          tpu.wait_indirect_dma semaphore(%arg26 : memref<!tpu.dma_semaphore, #tpu.memory_space<semaphore_mem>>) src(%dma_wait3A_311 : memref<100000x32xbf16, #tpu.memory_space<hbm>>) dst(%arg20 : memref<16x32xbf16, #tpu.memory_space<vmem>>)
          %mul3A_312 = arith.constant 16 : i32
          %mul3A_313 = arith.muli %add3A_287, %mul3A_312 : i32
          %get3A = arith.index_cast %mul3A_313 : i32 to index
          %get3A_314 = tpu.vector_load %arg11[%get3A] {strides = array<i32>} : memref<2416xi32, #tpu.memory_space<vmem>>, vector<16xi32>,
          %slice3A = vector.extract_strided_slice %get3A_314 {offsets = [0], sizes = [1], strides = [1]} : vector<16xi32> to vector<1xi32>
          %squeeze3A = vector.extract %slice3A[0] : i32 from vector<1xi32>
          %get3A_315 = arith.constant 0 : i32
          %get3A_316 = arith.index_cast %get3A_315 : i32 to index
          %get3A_317 = arith.constant 0 : index
          %get3A_318 = tpu.vector_load %arg20[%get3A_316, %get3A_317] {strides = array<i32>} : memref<16x32xbf16, #tpu.memory_space<vmem>>, vector<32xbf16>,
          %get3A_319 = arith.index_cast %squeeze3A : i32 to index
          %get3A_320 = arith.constant 0 : index
          %get3A_321 = tpu.vector_load %arg6[%get3A_319, %get3A_320] {strides = array<i32>} : memref<6264x32xbf16, #tpu.memory_space<vmem>>, vector<32xbf16>,
          %min3A = arith.minimumf %get3A_321, %get3A_318 : vector<32xbf16>
          %swap3A_322 = arith.index_cast %squeeze3A : i32 to index
          %swap3A_323 = arith.constant 0 : index
          %swap3A_324 = tpu.vector_load %arg6[%swap3A_322, %swap3A_323] {strides = array<i32>} : memref<6264x32xbf16, #tpu.memory_space<vmem>>, vector<32xbf16>,
          tpu.vector_store %arg6[%swap3A_322, %swap3A_323], %min3A {strides = array<i32>} : memref<6264x32xbf16, #tpu.memory_space<vmem>>, vector<32xbf16>,
          %slice3A_325 = vector.extract_strided_slice %get3A_314 {offsets = [1], sizes = [1], strides = [1]} : vector<16xi32> to vector<1xi32>
          %squeeze3A_326 = vector.extract %slice3A_325[0] : i32 from vector<1xi32>
          %get3A_327 = arith.constant 1 : i32
          %get3A_328 = arith.index_cast %get3A_327 : i32 to index
          %get3A_329 = arith.constant 0 : index
          %get3A_330 = tpu.vector_load %arg20[%get3A_328, %get3A_329] {strides = array<i32>} : memref<16x32xbf16, #tpu.memory_space<vmem>>, vector<32xbf16>,
          %get3A_331 = arith.index_cast %squeeze3A_326 : i32 to index
          %get3A_332 = arith.constant 0 : index
          %get3A_333 = tpu.vector_load %arg6[%get3A_331, %get3A_332] {strides = array<i32>} : memref<6264x32xbf16, #tpu.memory_space<vmem>>, vector<32xbf16>,
          %min3A_334 = arith.minimumf %get3A_333, %get3A_330 : vector<32xbf16>
          %swap3A_335 = arith.index_cast %squeeze3A_326 : i32 to index
          %swap3A_336 = arith.constant 0 : index
          %swap3A_337 = tpu.vector_load %arg6[%swap3A_335, %swap3A_336] {strides = array<i32>} : memref<6264x32xbf16, #tpu.memory_space<vmem>>, vector<32xbf16>,
          tpu.vector_store %arg6[%swap3A_335, %swap3A_336], %min3A_334 {strides = array<i32>} : memref<6264x32xbf16, #tpu.memory_space<vmem>>, vector<32xbf16>,
          %slice3A_338 = vector.extract_strided_slice %get3A_314 {offsets = [2], sizes = [1], strides = [1]} : vector<16xi32> to vector<1xi32>
          %squeeze3A_339 = vector.extract %slice3A_338[0] : i32 from vector<1xi32>
          %get3A_340 = arith.constant 2 : i32
          %get3A_341 = arith.index_cast %get3A_340 : i32 to index
          %get3A_342 = arith.constant 0 : index
          %get3A_343 = tpu.vector_load %arg20[%get3A_341, %get3A_342] {strides = array<i32>} : memref<16x32xbf16, #tpu.memory_space<vmem>>, vector<32xbf16>,
          %get3A_344 = arith.index_cast %squeeze3A_339 : i32 to index
          %get3A_345 = arith.constant 0 : index
          %get3A_346 = tpu.vector_load %arg6[%get3A_344, %get3A_345] {strides = array<i32>} : memref<6264x32xbf16, #tpu.memory_space<vmem>>, vector<32xbf16>,
          %min3A_347 = arith.minimumf %get3A_346, %get3A_343 : vector<32xbf16>
          %swap3A_348 = arith.index_cast %squeeze3A_339 : i32 to index
          %swap3A_349 = arith.constant 0 : index
          %swap3A_350 = tpu.vector_load %arg6[%swap3A_348, %swap3A_349] {strides = array<i32>} : memref<6264x32xbf16, #tpu.memory_space<vmem>>, vector<32xbf16>,
          tpu.vector_store %arg6[%swap3A_348, %swap3A_349], %min3A_347 {strides = array<i32>} : memref<6264x32xbf16, #tpu.memory_space<vmem>>, vector<32xbf16>,
          %slice3A_351 = vector.extract_strided_slice %get3A_314 {offsets = [3], sizes = [1], strides = [1]} : vector<16xi32> to vector<1xi32>
          %squeeze3A_352 = vector.extract %slice3A_351[0] : i32 from vector<1xi32>
          %get3A_353 = arith.constant 3 : i32
          %get3A_354 = arith.index_cast %get3A_353 : i32 to index
          %get3A_355 = arith.constant 0 : index
          %get3A_356 = tpu.vector_load %arg20[%get3A_354, %get3A_355] {strides = array<i32>} : memref<16x32xbf16, #tpu.memory_space<vmem>>, vector<32xbf16>,
          %get3A_357 = arith.index_cast %squeeze3A_352 : i32 to index
          %get3A_358 = arith.constant 0 : index
          %get3A_359 = tpu.vector_load %arg6[%get3A_357, %get3A_358] {strides = array<i32>} : memref<6264x32xbf16, #tpu.memory_space<vmem>>, vector<32xbf16>,
          %min3A_360 = arith.minimumf %get3A_359, %get3A_356 : vector<32xbf16>
          %swap3A_361 = arith.index_cast %squeeze3A_352 : i32 to index
          %swap3A_362 = arith.constant 0 : index
          %swap3A_363 = tpu.vector_load %arg6[%swap3A_361, %swap3A_362] {strides = array<i32>} : memref<6264x32xbf16, #tpu.memory_space<vmem>>, vector<32xbf16>,
          tpu.vector_store %arg6[%swap3A_361, %swap3A_362], %min3A_360 {strides = array<i32>} : memref<6264x32xbf16, #tpu.memory_space<vmem>>, vector<32xbf16>,
          %slice3A_364 = vector.extract_strided_slice %get3A_314 {offsets = [4], sizes = [1], strides = [1]} : vector<16xi32> to vector<1xi32>
          %squeeze3A_365 = vector.extract %slice3A_364[0] : i32 from vector<1xi32>
          %get3A_366 = arith.constant 4 : i32
          %get3A_367 = arith.index_cast %get3A_366 : i32 to index
          %get3A_368 = arith.constant 0 : index
          %get3A_369 = tpu.vector_load %arg20[%get3A_367, %get3A_368] {strides = array<i32>} : memref<16x32xbf16, #tpu.memory_space<vmem>>, vector<32xbf16>,
          %get3A_370 = arith.index_cast %squeeze3A_365 : i32 to index
          %get3A_371 = arith.constant 0 : index
          %get3A_372 = tpu.vector_load %arg6[%get3A_370, %get3A_371] {strides = array<i32>} : memref<6264x32xbf16, #tpu.memory_space<vmem>>, vector<32xbf16>,
          %min3A_373 = arith.minimumf %get3A_372, %get3A_369 : vector<32xbf16>
          %swap3A_374 = arith.index_cast %squeeze3A_365 : i32 to index
          %swap3A_375 = arith.constant 0 : index
          %swap3A_376 = tpu.vector_load %arg6[%swap3A_374, %swap3A_375] {strides = array<i32>} : memref<6264x32xbf16, #tpu.memory_space<vmem>>, vector<32xbf16>,
          tpu.vector_store %arg6[%swap3A_374, %swap3A_375], %min3A_373 {strides = array<i32>} : memref<6264x32xbf16, #tpu.memory_space<vmem>>, vector<32xbf16>,
          %slice3A_377 = vector.extract_strided_slice %get3A_314 {offsets = [5], sizes = [1], strides = [1]} : vector<16xi32> to vector<1xi32>
          %squeeze3A_378 = vector.extract %slice3A_377[0] : i32 from vector<1xi32>
          %get3A_379 = arith.constant 5 : i32
          %get3A_380 = arith.index_cast %get3A_379 : i32 to index
          %get3A_381 = arith.constant 0 : index
          %get3A_382 = tpu.vector_load %arg20[%get3A_380, %get3A_381] {strides = array<i32>} : memref<16x32xbf16, #tpu.memory_space<vmem>>, vector<32xbf16>,
          %get3A_383 = arith.index_cast %squeeze3A_378 : i32 to index
          %get3A_384 = arith.constant 0 : index
          %get3A_385 = tpu.vector_load %arg6[%get3A_383, %get3A_384] {strides = array<i32>} : memref<6264x32xbf16, #tpu.memory_space<vmem>>, vector<32xbf16>,
          %min3A_386 = arith.minimumf %get3A_385, %get3A_382 : vector<32xbf16>
          %swap3A_387 = arith.index_cast %squeeze3A_378 : i32 to index
          %swap3A_388 = arith.constant 0 : index
          %swap3A_389 = tpu.vector_load %arg6[%swap3A_387, %swap3A_388] {strides = array<i32>} : memref<6264x32xbf16, #tpu.memory_space<vmem>>, vector<32xbf16>,
          tpu.vector_store %arg6[%swap3A_387, %swap3A_388], %min3A_386 {strides = array<i32>} : memref<6264x32xbf16, #tpu.memory_space<vmem>>, vector<32xbf16>,
          %slice3A_390 = vector.extract_strided_slice %get3A_314 {offsets = [6], sizes = [1], strides = [1]} : vector<16xi32> to vector<1xi32>
          %squeeze3A_391 = vector.extract %slice3A_390[0] : i32 from vector<1xi32>
          %get3A_392 = arith.constant 6 : i32
          %get3A_393 = arith.index_cast %get3A_392 : i32 to index
          %get3A_394 = arith.constant 0 : index
          %get3A_395 = tpu.vector_load %arg20[%get3A_393, %get3A_394] {strides = array<i32>} : memref<16x32xbf16, #tpu.memory_space<vmem>>, vector<32xbf16>,
          %get3A_396 = arith.index_cast %squeeze3A_391 : i32 to index
          %get3A_397 = arith.constant 0 : index
          %get3A_398 = tpu.vector_load %arg6[%get3A_396, %get3A_397] {strides = array<i32>} : memref<6264x32xbf16, #tpu.memory_space<vmem>>, vector<32xbf16>,
          %min3A_399 = arith.minimumf %get3A_398, %get3A_395 : vector<32xbf16>
          %swap3A_400 = arith.index_cast %squeeze3A_391 : i32 to index
          %swap3A_401 = arith.constant 0 : index
          %swap3A_402 = tpu.vector_load %arg6[%swap3A_400, %swap3A_401] {strides = array<i32>} : memref<6264x32xbf16, #tpu.memory_space<vmem>>, vector<32xbf16>,
          tpu.vector_store %arg6[%swap3A_400, %swap3A_401], %min3A_399 {strides = array<i32>} : memref<6264x32xbf16, #tpu.memory_space<vmem>>, vector<32xbf16>,
          %slice3A_403 = vector.extract_strided_slice %get3A_314 {offsets = [7], sizes = [1], strides = [1]} : vector<16xi32> to vector<1xi32>
          %squeeze3A_404 = vector.extract %slice3A_403[0] : i32 from vector<1xi32>
          %get3A_405 = arith.constant 7 : i32
          %get3A_406 = arith.index_cast %get3A_405 : i32 to index
          %get3A_407 = arith.constant 0 : index
          %get3A_408 = tpu.vector_load %arg20[%get3A_406, %get3A_407] {strides = array<i32>} : memref<16x32xbf16, #tpu.memory_space<vmem>>, vector<32xbf16>,
          %get3A_409 = arith.index_cast %squeeze3A_404 : i32 to index
          %get3A_410 = arith.constant 0 : index
          %get3A_411 = tpu.vector_load %arg6[%get3A_409, %get3A_410] {strides = array<i32>} : memref<6264x32xbf16, #tpu.memory_space<vmem>>, vector<32xbf16>,
          %min3A_412 = arith.minimumf %get3A_411, %get3A_408 : vector<32xbf16>
          %swap3A_413 = arith.index_cast %squeeze3A_404 : i32 to index
          %swap3A_414 = arith.constant 0 : index
          %swap3A_415 = tpu.vector_load %arg6[%swap3A_413, %swap3A_414] {strides = array<i32>} : memref<6264x32xbf16, #tpu.memory_space<vmem>>, vector<32xbf16>,
          tpu.vector_store %arg6[%swap3A_413, %swap3A_414], %min3A_412 {strides = array<i32>} : memref<6264x32xbf16, #tpu.memory_space<vmem>>, vector<32xbf16>,
          %slice3A_416 = vector.extract_strided_slice %get3A_314 {offsets = [8], sizes = [1], strides = [1]} : vector<16xi32> to vector<1xi32>
          %squeeze3A_417 = vector.extract %slice3A_416[0] : i32 from vector<1xi32>
          %get3A_418 = arith.constant 8 : i32
          %get3A_419 = arith.index_cast %get3A_418 : i32 to index
          %get3A_420 = arith.constant 0 : index
          %get3A_421 = tpu.vector_load %arg20[%get3A_419, %get3A_420] {strides = array<i32>} : memref<16x32xbf16, #tpu.memory_space<vmem>>, vector<32xbf16>,
          %get3A_422 = arith.index_cast %squeeze3A_417 : i32 to index
          %get3A_423 = arith.constant 0 : index
          %get3A_424 = tpu.vector_load %arg6[%get3A_422, %get3A_423] {strides = array<i32>} : memref<6264x32xbf16, #tpu.memory_space<vmem>>, vector<32xbf16>,
          %min3A_425 = arith.minimumf %get3A_424, %get3A_421 : vector<32xbf16>
          %swap3A_426 = arith.index_cast %squeeze3A_417 : i32 to index
          %swap3A_427 = arith.constant 0 : index
          %swap3A_428 = tpu.vector_load %arg6[%swap3A_426, %swap3A_427] {strides = array<i32>} : memref<6264x32xbf16, #tpu.memory_space<vmem>>, vector<32xbf16>,
          tpu.vector_store %arg6[%swap3A_426, %swap3A_427], %min3A_425 {strides = array<i32>} : memref<6264x32xbf16, #tpu.memory_space<vmem>>, vector<32xbf16>,
          %slice3A_429 = vector.extract_strided_slice %get3A_314 {offsets = [9], sizes = [1], strides = [1]} : vector<16xi32> to vector<1xi32>
          %squeeze3A_430 = vector.extract %slice3A_429[0] : i32 from vector<1xi32>
          %get3A_431 = arith.constant 9 : i32
          %get3A_432 = arith.index_cast %get3A_431 : i32 to index
          %get3A_433 = arith.constant 0 : index
          %get3A_434 = tpu.vector_load %arg20[%get3A_432, %get3A_433] {strides = array<i32>} : memref<16x32xbf16, #tpu.memory_space<vmem>>, vector<32xbf16>,
          %get3A_435 = arith.index_cast %squeeze3A_430 : i32 to index
          %get3A_436 = arith.constant 0 : index
          %get3A_437 = tpu.vector_load %arg6[%get3A_435, %get3A_436] {strides = array<i32>} : memref<6264x32xbf16, #tpu.memory_space<vmem>>, vector<32xbf16>,
          %min3A_438 = arith.minimumf %get3A_437, %get3A_434 : vector<32xbf16>
          %swap3A_439 = arith.index_cast %squeeze3A_430 : i32 to index
          %swap3A_440 = arith.constant 0 : index
          %swap3A_441 = tpu.vector_load %arg6[%swap3A_439, %swap3A_440] {strides = array<i32>} : memref<6264x32xbf16, #tpu.memory_space<vmem>>, vector<32xbf16>,
          tpu.vector_store %arg6[%swap3A_439, %swap3A_440], %min3A_438 {strides = array<i32>} : memref<6264x32xbf16, #tpu.memory_space<vmem>>, vector<32xbf16>,
          %slice3A_442 = vector.extract_strided_slice %get3A_314 {offsets = [10], sizes = [1], strides = [1]} : vector<16xi32> to vector<1xi32>
          %squeeze3A_443 = vector.extract %slice3A_442[0] : i32 from vector<1xi32>
          %get3A_444 = arith.constant 10 : i32
          %get3A_445 = arith.index_cast %get3A_444 : i32 to index
          %get3A_446 = arith.constant 0 : index
          %get3A_447 = tpu.vector_load %arg20[%get3A_445, %get3A_446] {strides = array<i32>} : memref<16x32xbf16, #tpu.memory_space<vmem>>, vector<32xbf16>,
          %get3A_448 = arith.index_cast %squeeze3A_443 : i32 to index
          %get3A_449 = arith.constant 0 : index
          %get3A_450 = tpu.vector_load %arg6[%get3A_448, %get3A_449] {strides = array<i32>} : memref<6264x32xbf16, #tpu.memory_space<vmem>>, vector<32xbf16>,
          %min3A_451 = arith.minimumf %get3A_450, %get3A_447 : vector<32xbf16>
          %swap3A_452 = arith.index_cast %squeeze3A_443 : i32 to index
          %swap3A_453 = arith.constant 0 : index
          %swap3A_454 = tpu.vector_load %arg6[%swap3A_452, %swap3A_453] {strides = array<i32>} : memref<6264x32xbf16, #tpu.memory_space<vmem>>, vector<32xbf16>,
          tpu.vector_store %arg6[%swap3A_452, %swap3A_453], %min3A_451 {strides = array<i32>} : memref<6264x32xbf16, #tpu.memory_space<vmem>>, vector<32xbf16>,
          %slice3A_455 = vector.extract_strided_slice %get3A_314 {offsets = [11], sizes = [1], strides = [1]} : vector<16xi32> to vector<1xi32>
          %squeeze3A_456 = vector.extract %slice3A_455[0] : i32 from vector<1xi32>
          %get3A_457 = arith.constant 11 : i32
          %get3A_458 = arith.index_cast %get3A_457 : i32 to index
          %get3A_459 = arith.constant 0 : index
          %get3A_460 = tpu.vector_load %arg20[%get3A_458, %get3A_459] {strides = array<i32>} : memref<16x32xbf16, #tpu.memory_space<vmem>>, vector<32xbf16>,
          %get3A_461 = arith.index_cast %squeeze3A_456 : i32 to index
          %get3A_462 = arith.constant 0 : index
          %get3A_463 = tpu.vector_load %arg6[%get3A_461, %get3A_462] {strides = array<i32>} : memref<6264x32xbf16, #tpu.memory_space<vmem>>, vector<32xbf16>,
          %min3A_464 = arith.minimumf %get3A_463, %get3A_460 : vector<32xbf16>
          %swap3A_465 = arith.index_cast %squeeze3A_456 : i32 to index
          %swap3A_466 = arith.constant 0 : index
          %swap3A_467 = tpu.vector_load %arg6[%swap3A_465, %swap3A_466] {strides = array<i32>} : memref<6264x32xbf16, #tpu.memory_space<vmem>>, vector<32xbf16>,
          tpu.vector_store %arg6[%swap3A_465, %swap3A_466], %min3A_464 {strides = array<i32>} : memref<6264x32xbf16, #tpu.memory_space<vmem>>, vector<32xbf16>,
          %slice3A_468 = vector.extract_strided_slice %get3A_314 {offsets = [12], sizes = [1], strides = [1]} : vector<16xi32> to vector<1xi32>
          %squeeze3A_469 = vector.extract %slice3A_468[0] : i32 from vector<1xi32>
          %get3A_470 = arith.constant 12 : i32
          %get3A_471 = arith.index_cast %get3A_470 : i32 to index
          %get3A_472 = arith.constant 0 : index
          %get3A_473 = tpu.vector_load %arg20[%get3A_471, %get3A_472] {strides = array<i32>} : memref<16x32xbf16, #tpu.memory_space<vmem>>, vector<32xbf16>,
          %get3A_474 = arith.index_cast %squeeze3A_469 : i32 to index
          %get3A_475 = arith.constant 0 : index
          %get3A_476 = tpu.vector_load %arg6[%get3A_474, %get3A_475] {strides = array<i32>} : memref<6264x32xbf16, #tpu.memory_space<vmem>>, vector<32xbf16>,
          %min3A_477 = arith.minimumf %get3A_476, %get3A_473 : vector<32xbf16>
          %swap3A_478 = arith.index_cast %squeeze3A_469 : i32 to index
          %swap3A_479 = arith.constant 0 : index
          %swap3A_480 = tpu.vector_load %arg6[%swap3A_478, %swap3A_479] {strides = array<i32>} : memref<6264x32xbf16, #tpu.memory_space<vmem>>, vector<32xbf16>,
          tpu.vector_store %arg6[%swap3A_478, %swap3A_479], %min3A_477 {strides = array<i32>} : memref<6264x32xbf16, #tpu.memory_space<vmem>>, vector<32xbf16>,
          %slice3A_481 = vector.extract_strided_slice %get3A_314 {offsets = [13], sizes = [1], strides = [1]} : vector<16xi32> to vector<1xi32>
          %squeeze3A_482 = vector.extract %slice3A_481[0] : i32 from vector<1xi32>
          %get3A_483 = arith.constant 13 : i32
          %get3A_484 = arith.index_cast %get3A_483 : i32 to index
          %get3A_485 = arith.constant 0 : index
          %get3A_486 = tpu.vector_load %arg20[%get3A_484, %get3A_485] {strides = array<i32>} : memref<16x32xbf16, #tpu.memory_space<vmem>>, vector<32xbf16>,
          %get3A_487 = arith.index_cast %squeeze3A_482 : i32 to index
          %get3A_488 = arith.constant 0 : index
          %get3A_489 = tpu.vector_load %arg6[%get3A_487, %get3A_488] {strides = array<i32>} : memref<6264x32xbf16, #tpu.memory_space<vmem>>, vector<32xbf16>,
          %min3A_490 = arith.minimumf %get3A_489, %get3A_486 : vector<32xbf16>
          %swap3A_491 = arith.index_cast %squeeze3A_482 : i32 to index
          %swap3A_492 = arith.constant 0 : index
          %swap3A_493 = tpu.vector_load %arg6[%swap3A_491, %swap3A_492] {strides = array<i32>} : memref<6264x32xbf16, #tpu.memory_space<vmem>>, vector<32xbf16>,
          tpu.vector_store %arg6[%swap3A_491, %swap3A_492], %min3A_490 {strides = array<i32>} : memref<6264x32xbf16, #tpu.memory_space<vmem>>, vector<32xbf16>,
          %slice3A_494 = vector.extract_strided_slice %get3A_314 {offsets = [14], sizes = [1], strides = [1]} : vector<16xi32> to vector<1xi32>
          %squeeze3A_495 = vector.extract %slice3A_494[0] : i32 from vector<1xi32>
          %get3A_496 = arith.constant 14 : i32
          %get3A_497 = arith.index_cast %get3A_496 : i32 to index
          %get3A_498 = arith.constant 0 : index
          %get3A_499 = tpu.vector_load %arg20[%get3A_497, %get3A_498] {strides = array<i32>} : memref<16x32xbf16, #tpu.memory_space<vmem>>, vector<32xbf16>,
          %get3A_500 = arith.index_cast %squeeze3A_495 : i32 to index
          %get3A_501 = arith.constant 0 : index
          %get3A_502 = tpu.vector_load %arg6[%get3A_500, %get3A_501] {strides = array<i32>} : memref<6264x32xbf16, #tpu.memory_space<vmem>>, vector<32xbf16>,
          %min3A_503 = arith.minimumf %get3A_502, %get3A_499 : vector<32xbf16>
          %swap3A_504 = arith.index_cast %squeeze3A_495 : i32 to index
          %swap3A_505 = arith.constant 0 : index
          %swap3A_506 = tpu.vector_load %arg6[%swap3A_504, %swap3A_505] {strides = array<i32>} : memref<6264x32xbf16, #tpu.memory_space<vmem>>, vector<32xbf16>,
          tpu.vector_store %arg6[%swap3A_504, %swap3A_505], %min3A_503 {strides = array<i32>} : memref<6264x32xbf16, #tpu.memory_space<vmem>>, vector<32xbf16>,
          %slice3A_507 = vector.extract_strided_slice %get3A_314 {offsets = [15], sizes = [1], strides = [1]} : vector<16xi32> to vector<1xi32>
          %squeeze3A_508 = vector.extract %slice3A_507[0] : i32 from vector<1xi32>
          %get3A_509 = arith.constant 15 : i32
          %get3A_510 = arith.index_cast %get3A_509 : i32 to index
          %get3A_511 = arith.constant 0 : index
          %get3A_512 = tpu.vector_load %arg20[%get3A_510, %get3A_511] {strides = array<i32>} : memref<16x32xbf16, #tpu.memory_space<vmem>>, vector<32xbf16>,
          %get3A_513 = arith.index_cast %squeeze3A_508 : i32 to index
          %get3A_514 = arith.constant 0 : index
          %get3A_515 = tpu.vector_load %arg6[%get3A_513, %get3A_514] {strides = array<i32>} : memref<6264x32xbf16, #tpu.memory_space<vmem>>, vector<32xbf16>,
          %min3A_516 = arith.minimumf %get3A_515, %get3A_512 : vector<32xbf16>
          %swap3A_517 = arith.index_cast %squeeze3A_508 : i32 to index
          %swap3A_518 = arith.constant 0 : index
          %swap3A_519 = tpu.vector_load %arg6[%swap3A_517, %swap3A_518] {strides = array<i32>} : memref<6264x32xbf16, #tpu.memory_space<vmem>>, vector<32xbf16>,
          tpu.vector_store %arg6[%swap3A_517, %swap3A_518], %min3A_516 {strides = array<i32>} : memref<6264x32xbf16, #tpu.memory_space<vmem>>, vector<32xbf16>,
          %add3A_520 = arith.constant 4 : i32
          %add3A_521 = arith.addi %add3A_287, %add3A_520 : i32
          %lt3A_522 = arith.cmpi slt, %add3A_521, %scan3A_95 : i32
          %convert_element_type3A_523 = arith.extui %lt3A_522 : i1 to i32
          %cond3A_524 = arith.constant 0 : i32
          %cond3A_525 = arith.cmpi ne, %convert_element_type3A_523, %cond3A_524 : i32
          scf.if %cond3A_525 {
            %add3A_526 = arith.constant 4 : i32
            %add3A_527 = arith.addi %add3A_287, %add3A_526 : i32
            %mul3A_528 = arith.constant 16 : i32
            %mul3A_529 = arith.muli %add3A_527, %mul3A_528 : i32
            %get3A_530 = arith.index_cast %mul3A_529 : i32 to index
            %get3A_531 = tpu.vector_load %arg12[%get3A_530] {strides = array<i32>} : memref<2416xi32, #tpu.memory_space<vmem>>, vector<16xi32>,
            %swap3A_532 = arith.constant 0 : index
            %swap3A_533 = tpu.vector_load %arg16[%swap3A_532] {strides = array<i32>} : memref<16xi32, #tpu.memory_space<vmem>>, vector<16xi32>,
            tpu.vector_store %arg16[%swap3A_532], %get3A_531 {strides = array<i32>} : memref<16xi32, #tpu.memory_space<vmem>>, vector<16xi32>,
            %dma_start3A_534 = arith.constant 0 : i32
            %dma_start3A_535 = arith.constant 0 : i32
            %dma_start3A_536 = tpu.memref_slice %arg2[%dma_start3A_534, %dma_start3A_535] : memref<100000x32xbf16, #tpu.memory_space<hbm>> -> memref<100000x32xbf16, #tpu.memory_space<hbm>>
            tpu.enqueue_indirect_dma source(%dma_start3A_536 : memref<100000x32xbf16, #tpu.memory_space<hbm>>) target(%arg20 : memref<16x32xbf16, #tpu.memory_space<vmem>>) offsets(%arg16 : memref<16xi32, #tpu.memory_space<vmem>>) semaphore(%arg26 : memref<!tpu.dma_semaphore, #tpu.memory_space<semaphore_mem>>)
          } else {
          }
        } else {
        }
        %mul3A_292 = arith.constant 4 : i32
        %mul3A_293 = arith.muli %mul3A_292, %while3A_274 : i32
        %add3A_294 = arith.constant 2 : i32
        %add3A_295 = arith.addi %mul3A_293, %add3A_294 : i32
        %lt3A_296 = arith.cmpi slt, %add3A_295, %scan3A_95 : i32
        %convert_element_type3A_297 = arith.extui %lt3A_296 : i1 to i32
        %cond3A_298 = arith.constant 0 : i32
        %cond3A_299 = arith.cmpi ne, %convert_element_type3A_297, %cond3A_298 : i32
        scf.if %cond3A_299 {
          %dma_wait3A_309 = arith.constant 0 : i32
          %dma_wait3A_310 = arith.constant 0 : i32
          %dma_wait3A_311 = tpu.memref_slice %arg2[%dma_wait3A_309, %dma_wait3A_310] : memref<100000x32xbf16, #tpu.memory_space<hbm>> -> memref<100000x32xbf16, #tpu.memory_space<hbm>>
          tpu.wait_indirect_dma semaphore(%arg27 : memref<!tpu.dma_semaphore, #tpu.memory_space<semaphore_mem>>) src(%dma_wait3A_311 : memref<100000x32xbf16, #tpu.memory_space<hbm>>) dst(%arg21 : memref<16x32xbf16, #tpu.memory_space<vmem>>)
          %mul3A_312 = arith.constant 16 : i32
          %mul3A_313 = arith.muli %add3A_295, %mul3A_312 : i32
          %get3A = arith.index_cast %mul3A_313 : i32 to index
          %get3A_314 = tpu.vector_load %arg11[%get3A] {strides = array<i32>} : memref<2416xi32, #tpu.memory_space<vmem>>, vector<16xi32>,
          %slice3A = vector.extract_strided_slice %get3A_314 {offsets = [0], sizes = [1], strides = [1]} : vector<16xi32> to vector<1xi32>
          %squeeze3A = vector.extract %slice3A[0] : i32 from vector<1xi32>
          %get3A_315 = arith.constant 0 : i32
          %get3A_316 = arith.index_cast %get3A_315 : i32 to index
          %get3A_317 = arith.constant 0 : index
          %get3A_318 = tpu.vector_load %arg21[%get3A_316, %get3A_317] {strides = array<i32>} : memref<16x32xbf16, #tpu.memory_space<vmem>>, vector<32xbf16>,
          %get3A_319 = arith.index_cast %squeeze3A : i32 to index
          %get3A_320 = arith.constant 0 : index
          %get3A_321 = tpu.vector_load %arg6[%get3A_319, %get3A_320] {strides = array<i32>} : memref<6264x32xbf16, #tpu.memory_space<vmem>>, vector<32xbf16>,
          %min3A = arith.minimumf %get3A_321, %get3A_318 : vector<32xbf16>
          %swap3A_322 = arith.index_cast %squeeze3A : i32 to index
          %swap3A_323 = arith.constant 0 : index
          %swap3A_324 = tpu.vector_load %arg6[%swap3A_322, %swap3A_323] {strides = array<i32>} : memref<6264x32xbf16, #tpu.memory_space<vmem>>, vector<32xbf16>,
          tpu.vector_store %arg6[%swap3A_322, %swap3A_323], %min3A {strides = array<i32>} : memref<6264x32xbf16, #tpu.memory_space<vmem>>, vector<32xbf16>,
          %slice3A_325 = vector.extract_strided_slice %get3A_314 {offsets = [1], sizes = [1], strides = [1]} : vector<16xi32> to vector<1xi32>
          %squeeze3A_326 = vector.extract %slice3A_325[0] : i32 from vector<1xi32>
          %get3A_327 = arith.constant 1 : i32
          %get3A_328 = arith.index_cast %get3A_327 : i32 to index
          %get3A_329 = arith.constant 0 : index
          %get3A_330 = tpu.vector_load %arg21[%get3A_328, %get3A_329] {strides = array<i32>} : memref<16x32xbf16, #tpu.memory_space<vmem>>, vector<32xbf16>,
          %get3A_331 = arith.index_cast %squeeze3A_326 : i32 to index
          %get3A_332 = arith.constant 0 : index
          %get3A_333 = tpu.vector_load %arg6[%get3A_331, %get3A_332] {strides = array<i32>} : memref<6264x32xbf16, #tpu.memory_space<vmem>>, vector<32xbf16>,
          %min3A_334 = arith.minimumf %get3A_333, %get3A_330 : vector<32xbf16>
          %swap3A_335 = arith.index_cast %squeeze3A_326 : i32 to index
          %swap3A_336 = arith.constant 0 : index
          %swap3A_337 = tpu.vector_load %arg6[%swap3A_335, %swap3A_336] {strides = array<i32>} : memref<6264x32xbf16, #tpu.memory_space<vmem>>, vector<32xbf16>,
          tpu.vector_store %arg6[%swap3A_335, %swap3A_336], %min3A_334 {strides = array<i32>} : memref<6264x32xbf16, #tpu.memory_space<vmem>>, vector<32xbf16>,
          %slice3A_338 = vector.extract_strided_slice %get3A_314 {offsets = [2], sizes = [1], strides = [1]} : vector<16xi32> to vector<1xi32>
          %squeeze3A_339 = vector.extract %slice3A_338[0] : i32 from vector<1xi32>
          %get3A_340 = arith.constant 2 : i32
          %get3A_341 = arith.index_cast %get3A_340 : i32 to index
          %get3A_342 = arith.constant 0 : index
          %get3A_343 = tpu.vector_load %arg21[%get3A_341, %get3A_342] {strides = array<i32>} : memref<16x32xbf16, #tpu.memory_space<vmem>>, vector<32xbf16>,
          %get3A_344 = arith.index_cast %squeeze3A_339 : i32 to index
          %get3A_345 = arith.constant 0 : index
          %get3A_346 = tpu.vector_load %arg6[%get3A_344, %get3A_345] {strides = array<i32>} : memref<6264x32xbf16, #tpu.memory_space<vmem>>, vector<32xbf16>,
          %min3A_347 = arith.minimumf %get3A_346, %get3A_343 : vector<32xbf16>
          %swap3A_348 = arith.index_cast %squeeze3A_339 : i32 to index
          %swap3A_349 = arith.constant 0 : index
          %swap3A_350 = tpu.vector_load %arg6[%swap3A_348, %swap3A_349] {strides = array<i32>} : memref<6264x32xbf16, #tpu.memory_space<vmem>>, vector<32xbf16>,
          tpu.vector_store %arg6[%swap3A_348, %swap3A_349], %min3A_347 {strides = array<i32>} : memref<6264x32xbf16, #tpu.memory_space<vmem>>, vector<32xbf16>,
          %slice3A_351 = vector.extract_strided_slice %get3A_314 {offsets = [3], sizes = [1], strides = [1]} : vector<16xi32> to vector<1xi32>
          %squeeze3A_352 = vector.extract %slice3A_351[0] : i32 from vector<1xi32>
          %get3A_353 = arith.constant 3 : i32
          %get3A_354 = arith.index_cast %get3A_353 : i32 to index
          %get3A_355 = arith.constant 0 : index
          %get3A_356 = tpu.vector_load %arg21[%get3A_354, %get3A_355] {strides = array<i32>} : memref<16x32xbf16, #tpu.memory_space<vmem>>, vector<32xbf16>,
          %get3A_357 = arith.index_cast %squeeze3A_352 : i32 to index
          %get3A_358 = arith.constant 0 : index
          %get3A_359 = tpu.vector_load %arg6[%get3A_357, %get3A_358] {strides = array<i32>} : memref<6264x32xbf16, #tpu.memory_space<vmem>>, vector<32xbf16>,
          %min3A_360 = arith.minimumf %get3A_359, %get3A_356 : vector<32xbf16>
          %swap3A_361 = arith.index_cast %squeeze3A_352 : i32 to index
          %swap3A_362 = arith.constant 0 : index
          %swap3A_363 = tpu.vector_load %arg6[%swap3A_361, %swap3A_362] {strides = array<i32>} : memref<6264x32xbf16, #tpu.memory_space<vmem>>, vector<32xbf16>,
          tpu.vector_store %arg6[%swap3A_361, %swap3A_362], %min3A_360 {strides = array<i32>} : memref<6264x32xbf16, #tpu.memory_space<vmem>>, vector<32xbf16>,
          %slice3A_364 = vector.extract_strided_slice %get3A_314 {offsets = [4], sizes = [1], strides = [1]} : vector<16xi32> to vector<1xi32>
          %squeeze3A_365 = vector.extract %slice3A_364[0] : i32 from vector<1xi32>
          %get3A_366 = arith.constant 4 : i32
          %get3A_367 = arith.index_cast %get3A_366 : i32 to index
          %get3A_368 = arith.constant 0 : index
          %get3A_369 = tpu.vector_load %arg21[%get3A_367, %get3A_368] {strides = array<i32>} : memref<16x32xbf16, #tpu.memory_space<vmem>>, vector<32xbf16>,
          %get3A_370 = arith.index_cast %squeeze3A_365 : i32 to index
          %get3A_371 = arith.constant 0 : index
          %get3A_372 = tpu.vector_load %arg6[%get3A_370, %get3A_371] {strides = array<i32>} : memref<6264x32xbf16, #tpu.memory_space<vmem>>, vector<32xbf16>,
          %min3A_373 = arith.minimumf %get3A_372, %get3A_369 : vector<32xbf16>
          %swap3A_374 = arith.index_cast %squeeze3A_365 : i32 to index
          %swap3A_375 = arith.constant 0 : index
          %swap3A_376 = tpu.vector_load %arg6[%swap3A_374, %swap3A_375] {strides = array<i32>} : memref<6264x32xbf16, #tpu.memory_space<vmem>>, vector<32xbf16>,
          tpu.vector_store %arg6[%swap3A_374, %swap3A_375], %min3A_373 {strides = array<i32>} : memref<6264x32xbf16, #tpu.memory_space<vmem>>, vector<32xbf16>,
          %slice3A_377 = vector.extract_strided_slice %get3A_314 {offsets = [5], sizes = [1], strides = [1]} : vector<16xi32> to vector<1xi32>
          %squeeze3A_378 = vector.extract %slice3A_377[0] : i32 from vector<1xi32>
          %get3A_379 = arith.constant 5 : i32
          %get3A_380 = arith.index_cast %get3A_379 : i32 to index
          %get3A_381 = arith.constant 0 : index
          %get3A_382 = tpu.vector_load %arg21[%get3A_380, %get3A_381] {strides = array<i32>} : memref<16x32xbf16, #tpu.memory_space<vmem>>, vector<32xbf16>,
          %get3A_383 = arith.index_cast %squeeze3A_378 : i32 to index
          %get3A_384 = arith.constant 0 : index
          %get3A_385 = tpu.vector_load %arg6[%get3A_383, %get3A_384] {strides = array<i32>} : memref<6264x32xbf16, #tpu.memory_space<vmem>>, vector<32xbf16>,
          %min3A_386 = arith.minimumf %get3A_385, %get3A_382 : vector<32xbf16>
          %swap3A_387 = arith.index_cast %squeeze3A_378 : i32 to index
          %swap3A_388 = arith.constant 0 : index
          %swap3A_389 = tpu.vector_load %arg6[%swap3A_387, %swap3A_388] {strides = array<i32>} : memref<6264x32xbf16, #tpu.memory_space<vmem>>, vector<32xbf16>,
          tpu.vector_store %arg6[%swap3A_387, %swap3A_388], %min3A_386 {strides = array<i32>} : memref<6264x32xbf16, #tpu.memory_space<vmem>>, vector<32xbf16>,
          %slice3A_390 = vector.extract_strided_slice %get3A_314 {offsets = [6], sizes = [1], strides = [1]} : vector<16xi32> to vector<1xi32>
          %squeeze3A_391 = vector.extract %slice3A_390[0] : i32 from vector<1xi32>
          %get3A_392 = arith.constant 6 : i32
          %get3A_393 = arith.index_cast %get3A_392 : i32 to index
          %get3A_394 = arith.constant 0 : index
          %get3A_395 = tpu.vector_load %arg21[%get3A_393, %get3A_394] {strides = array<i32>} : memref<16x32xbf16, #tpu.memory_space<vmem>>, vector<32xbf16>,
          %get3A_396 = arith.index_cast %squeeze3A_391 : i32 to index
          %get3A_397 = arith.constant 0 : index
          %get3A_398 = tpu.vector_load %arg6[%get3A_396, %get3A_397] {strides = array<i32>} : memref<6264x32xbf16, #tpu.memory_space<vmem>>, vector<32xbf16>,
          %min3A_399 = arith.minimumf %get3A_398, %get3A_395 : vector<32xbf16>
          %swap3A_400 = arith.index_cast %squeeze3A_391 : i32 to index
          %swap3A_401 = arith.constant 0 : index
          %swap3A_402 = tpu.vector_load %arg6[%swap3A_400, %swap3A_401] {strides = array<i32>} : memref<6264x32xbf16, #tpu.memory_space<vmem>>, vector<32xbf16>,
          tpu.vector_store %arg6[%swap3A_400, %swap3A_401], %min3A_399 {strides = array<i32>} : memref<6264x32xbf16, #tpu.memory_space<vmem>>, vector<32xbf16>,
          %slice3A_403 = vector.extract_strided_slice %get3A_314 {offsets = [7], sizes = [1], strides = [1]} : vector<16xi32> to vector<1xi32>
          %squeeze3A_404 = vector.extract %slice3A_403[0] : i32 from vector<1xi32>
          %get3A_405 = arith.constant 7 : i32
          %get3A_406 = arith.index_cast %get3A_405 : i32 to index
          %get3A_407 = arith.constant 0 : index
          %get3A_408 = tpu.vector_load %arg21[%get3A_406, %get3A_407] {strides = array<i32>} : memref<16x32xbf16, #tpu.memory_space<vmem>>, vector<32xbf16>,
          %get3A_409 = arith.index_cast %squeeze3A_404 : i32 to index
          %get3A_410 = arith.constant 0 : index
          %get3A_411 = tpu.vector_load %arg6[%get3A_409, %get3A_410] {strides = array<i32>} : memref<6264x32xbf16, #tpu.memory_space<vmem>>, vector<32xbf16>,
          %min3A_412 = arith.minimumf %get3A_411, %get3A_408 : vector<32xbf16>
          %swap3A_413 = arith.index_cast %squeeze3A_404 : i32 to index
          %swap3A_414 = arith.constant 0 : index
          %swap3A_415 = tpu.vector_load %arg6[%swap3A_413, %swap3A_414] {strides = array<i32>} : memref<6264x32xbf16, #tpu.memory_space<vmem>>, vector<32xbf16>,
          tpu.vector_store %arg6[%swap3A_413, %swap3A_414], %min3A_412 {strides = array<i32>} : memref<6264x32xbf16, #tpu.memory_space<vmem>>, vector<32xbf16>,
          %slice3A_416 = vector.extract_strided_slice %get3A_314 {offsets = [8], sizes = [1], strides = [1]} : vector<16xi32> to vector<1xi32>
          %squeeze3A_417 = vector.extract %slice3A_416[0] : i32 from vector<1xi32>
          %get3A_418 = arith.constant 8 : i32
          %get3A_419 = arith.index_cast %get3A_418 : i32 to index
          %get3A_420 = arith.constant 0 : index
          %get3A_421 = tpu.vector_load %arg21[%get3A_419, %get3A_420] {strides = array<i32>} : memref<16x32xbf16, #tpu.memory_space<vmem>>, vector<32xbf16>,
          %get3A_422 = arith.index_cast %squeeze3A_417 : i32 to index
          %get3A_423 = arith.constant 0 : index
          %get3A_424 = tpu.vector_load %arg6[%get3A_422, %get3A_423] {strides = array<i32>} : memref<6264x32xbf16, #tpu.memory_space<vmem>>, vector<32xbf16>,
          %min3A_425 = arith.minimumf %get3A_424, %get3A_421 : vector<32xbf16>
          %swap3A_426 = arith.index_cast %squeeze3A_417 : i32 to index
          %swap3A_427 = arith.constant 0 : index
          %swap3A_428 = tpu.vector_load %arg6[%swap3A_426, %swap3A_427] {strides = array<i32>} : memref<6264x32xbf16, #tpu.memory_space<vmem>>, vector<32xbf16>,
          tpu.vector_store %arg6[%swap3A_426, %swap3A_427], %min3A_425 {strides = array<i32>} : memref<6264x32xbf16, #tpu.memory_space<vmem>>, vector<32xbf16>,
          %slice3A_429 = vector.extract_strided_slice %get3A_314 {offsets = [9], sizes = [1], strides = [1]} : vector<16xi32> to vector<1xi32>
          %squeeze3A_430 = vector.extract %slice3A_429[0] : i32 from vector<1xi32>
          %get3A_431 = arith.constant 9 : i32
          %get3A_432 = arith.index_cast %get3A_431 : i32 to index
          %get3A_433 = arith.constant 0 : index
          %get3A_434 = tpu.vector_load %arg21[%get3A_432, %get3A_433] {strides = array<i32>} : memref<16x32xbf16, #tpu.memory_space<vmem>>, vector<32xbf16>,
          %get3A_435 = arith.index_cast %squeeze3A_430 : i32 to index
          %get3A_436 = arith.constant 0 : index
          %get3A_437 = tpu.vector_load %arg6[%get3A_435, %get3A_436] {strides = array<i32>} : memref<6264x32xbf16, #tpu.memory_space<vmem>>, vector<32xbf16>,
          %min3A_438 = arith.minimumf %get3A_437, %get3A_434 : vector<32xbf16>
          %swap3A_439 = arith.index_cast %squeeze3A_430 : i32 to index
          %swap3A_440 = arith.constant 0 : index
          %swap3A_441 = tpu.vector_load %arg6[%swap3A_439, %swap3A_440] {strides = array<i32>} : memref<6264x32xbf16, #tpu.memory_space<vmem>>, vector<32xbf16>,
          tpu.vector_store %arg6[%swap3A_439, %swap3A_440], %min3A_438 {strides = array<i32>} : memref<6264x32xbf16, #tpu.memory_space<vmem>>, vector<32xbf16>,
          %slice3A_442 = vector.extract_strided_slice %get3A_314 {offsets = [10], sizes = [1], strides = [1]} : vector<16xi32> to vector<1xi32>
          %squeeze3A_443 = vector.extract %slice3A_442[0] : i32 from vector<1xi32>
          %get3A_444 = arith.constant 10 : i32
          %get3A_445 = arith.index_cast %get3A_444 : i32 to index
          %get3A_446 = arith.constant 0 : index
          %get3A_447 = tpu.vector_load %arg21[%get3A_445, %get3A_446] {strides = array<i32>} : memref<16x32xbf16, #tpu.memory_space<vmem>>, vector<32xbf16>,
          %get3A_448 = arith.index_cast %squeeze3A_443 : i32 to index
          %get3A_449 = arith.constant 0 : index
          %get3A_450 = tpu.vector_load %arg6[%get3A_448, %get3A_449] {strides = array<i32>} : memref<6264x32xbf16, #tpu.memory_space<vmem>>, vector<32xbf16>,
          %min3A_451 = arith.minimumf %get3A_450, %get3A_447 : vector<32xbf16>
          %swap3A_452 = arith.index_cast %squeeze3A_443 : i32 to index
          %swap3A_453 = arith.constant 0 : index
          %swap3A_454 = tpu.vector_load %arg6[%swap3A_452, %swap3A_453] {strides = array<i32>} : memref<6264x32xbf16, #tpu.memory_space<vmem>>, vector<32xbf16>,
          tpu.vector_store %arg6[%swap3A_452, %swap3A_453], %min3A_451 {strides = array<i32>} : memref<6264x32xbf16, #tpu.memory_space<vmem>>, vector<32xbf16>,
          %slice3A_455 = vector.extract_strided_slice %get3A_314 {offsets = [11], sizes = [1], strides = [1]} : vector<16xi32> to vector<1xi32>
          %squeeze3A_456 = vector.extract %slice3A_455[0] : i32 from vector<1xi32>
          %get3A_457 = arith.constant 11 : i32
          %get3A_458 = arith.index_cast %get3A_457 : i32 to index
          %get3A_459 = arith.constant 0 : index
          %get3A_460 = tpu.vector_load %arg21[%get3A_458, %get3A_459] {strides = array<i32>} : memref<16x32xbf16, #tpu.memory_space<vmem>>, vector<32xbf16>,
          %get3A_461 = arith.index_cast %squeeze3A_456 : i32 to index
          %get3A_462 = arith.constant 0 : index
          %get3A_463 = tpu.vector_load %arg6[%get3A_461, %get3A_462] {strides = array<i32>} : memref<6264x32xbf16, #tpu.memory_space<vmem>>, vector<32xbf16>,
          %min3A_464 = arith.minimumf %get3A_463, %get3A_460 : vector<32xbf16>
          %swap3A_465 = arith.index_cast %squeeze3A_456 : i32 to index
          %swap3A_466 = arith.constant 0 : index
          %swap3A_467 = tpu.vector_load %arg6[%swap3A_465, %swap3A_466] {strides = array<i32>} : memref<6264x32xbf16, #tpu.memory_space<vmem>>, vector<32xbf16>,
          tpu.vector_store %arg6[%swap3A_465, %swap3A_466], %min3A_464 {strides = array<i32>} : memref<6264x32xbf16, #tpu.memory_space<vmem>>, vector<32xbf16>,
          %slice3A_468 = vector.extract_strided_slice %get3A_314 {offsets = [12], sizes = [1], strides = [1]} : vector<16xi32> to vector<1xi32>
          %squeeze3A_469 = vector.extract %slice3A_468[0] : i32 from vector<1xi32>
          %get3A_470 = arith.constant 12 : i32
          %get3A_471 = arith.index_cast %get3A_470 : i32 to index
          %get3A_472 = arith.constant 0 : index
          %get3A_473 = tpu.vector_load %arg21[%get3A_471, %get3A_472] {strides = array<i32>} : memref<16x32xbf16, #tpu.memory_space<vmem>>, vector<32xbf16>,
          %get3A_474 = arith.index_cast %squeeze3A_469 : i32 to index
          %get3A_475 = arith.constant 0 : index
          %get3A_476 = tpu.vector_load %arg6[%get3A_474, %get3A_475] {strides = array<i32>} : memref<6264x32xbf16, #tpu.memory_space<vmem>>, vector<32xbf16>,
          %min3A_477 = arith.minimumf %get3A_476, %get3A_473 : vector<32xbf16>
          %swap3A_478 = arith.index_cast %squeeze3A_469 : i32 to index
          %swap3A_479 = arith.constant 0 : index
          %swap3A_480 = tpu.vector_load %arg6[%swap3A_478, %swap3A_479] {strides = array<i32>} : memref<6264x32xbf16, #tpu.memory_space<vmem>>, vector<32xbf16>,
          tpu.vector_store %arg6[%swap3A_478, %swap3A_479], %min3A_477 {strides = array<i32>} : memref<6264x32xbf16, #tpu.memory_space<vmem>>, vector<32xbf16>,
          %slice3A_481 = vector.extract_strided_slice %get3A_314 {offsets = [13], sizes = [1], strides = [1]} : vector<16xi32> to vector<1xi32>
          %squeeze3A_482 = vector.extract %slice3A_481[0] : i32 from vector<1xi32>
          %get3A_483 = arith.constant 13 : i32
          %get3A_484 = arith.index_cast %get3A_483 : i32 to index
          %get3A_485 = arith.constant 0 : index
          %get3A_486 = tpu.vector_load %arg21[%get3A_484, %get3A_485] {strides = array<i32>} : memref<16x32xbf16, #tpu.memory_space<vmem>>, vector<32xbf16>,
          %get3A_487 = arith.index_cast %squeeze3A_482 : i32 to index
          %get3A_488 = arith.constant 0 : index
          %get3A_489 = tpu.vector_load %arg6[%get3A_487, %get3A_488] {strides = array<i32>} : memref<6264x32xbf16, #tpu.memory_space<vmem>>, vector<32xbf16>,
          %min3A_490 = arith.minimumf %get3A_489, %get3A_486 : vector<32xbf16>
          %swap3A_491 = arith.index_cast %squeeze3A_482 : i32 to index
          %swap3A_492 = arith.constant 0 : index
          %swap3A_493 = tpu.vector_load %arg6[%swap3A_491, %swap3A_492] {strides = array<i32>} : memref<6264x32xbf16, #tpu.memory_space<vmem>>, vector<32xbf16>,
          tpu.vector_store %arg6[%swap3A_491, %swap3A_492], %min3A_490 {strides = array<i32>} : memref<6264x32xbf16, #tpu.memory_space<vmem>>, vector<32xbf16>,
          %slice3A_494 = vector.extract_strided_slice %get3A_314 {offsets = [14], sizes = [1], strides = [1]} : vector<16xi32> to vector<1xi32>
          %squeeze3A_495 = vector.extract %slice3A_494[0] : i32 from vector<1xi32>
          %get3A_496 = arith.constant 14 : i32
          %get3A_497 = arith.index_cast %get3A_496 : i32 to index
          %get3A_498 = arith.constant 0 : index
          %get3A_499 = tpu.vector_load %arg21[%get3A_497, %get3A_498] {strides = array<i32>} : memref<16x32xbf16, #tpu.memory_space<vmem>>, vector<32xbf16>,
          %get3A_500 = arith.index_cast %squeeze3A_495 : i32 to index
          %get3A_501 = arith.constant 0 : index
          %get3A_502 = tpu.vector_load %arg6[%get3A_500, %get3A_501] {strides = array<i32>} : memref<6264x32xbf16, #tpu.memory_space<vmem>>, vector<32xbf16>,
          %min3A_503 = arith.minimumf %get3A_502, %get3A_499 : vector<32xbf16>
          %swap3A_504 = arith.index_cast %squeeze3A_495 : i32 to index
          %swap3A_505 = arith.constant 0 : index
          %swap3A_506 = tpu.vector_load %arg6[%swap3A_504, %swap3A_505] {strides = array<i32>} : memref<6264x32xbf16, #tpu.memory_space<vmem>>, vector<32xbf16>,
          tpu.vector_store %arg6[%swap3A_504, %swap3A_505], %min3A_503 {strides = array<i32>} : memref<6264x32xbf16, #tpu.memory_space<vmem>>, vector<32xbf16>,
          %slice3A_507 = vector.extract_strided_slice %get3A_314 {offsets = [15], sizes = [1], strides = [1]} : vector<16xi32> to vector<1xi32>
          %squeeze3A_508 = vector.extract %slice3A_507[0] : i32 from vector<1xi32>
          %get3A_509 = arith.constant 15 : i32
          %get3A_510 = arith.index_cast %get3A_509 : i32 to index
          %get3A_511 = arith.constant 0 : index
          %get3A_512 = tpu.vector_load %arg21[%get3A_510, %get3A_511] {strides = array<i32>} : memref<16x32xbf16, #tpu.memory_space<vmem>>, vector<32xbf16>,
          %get3A_513 = arith.index_cast %squeeze3A_508 : i32 to index
          %get3A_514 = arith.constant 0 : index
          %get3A_515 = tpu.vector_load %arg6[%get3A_513, %get3A_514] {strides = array<i32>} : memref<6264x32xbf16, #tpu.memory_space<vmem>>, vector<32xbf16>,
          %min3A_516 = arith.minimumf %get3A_515, %get3A_512 : vector<32xbf16>
          %swap3A_517 = arith.index_cast %squeeze3A_508 : i32 to index
          %swap3A_518 = arith.constant 0 : index
          %swap3A_519 = tpu.vector_load %arg6[%swap3A_517, %swap3A_518] {strides = array<i32>} : memref<6264x32xbf16, #tpu.memory_space<vmem>>, vector<32xbf16>,
          tpu.vector_store %arg6[%swap3A_517, %swap3A_518], %min3A_516 {strides = array<i32>} : memref<6264x32xbf16, #tpu.memory_space<vmem>>, vector<32xbf16>,
          %add3A_520 = arith.constant 4 : i32
          %add3A_521 = arith.addi %add3A_295, %add3A_520 : i32
          %lt3A_522 = arith.cmpi slt, %add3A_521, %scan3A_95 : i32
          %convert_element_type3A_523 = arith.extui %lt3A_522 : i1 to i32
          %cond3A_524 = arith.constant 0 : i32
          %cond3A_525 = arith.cmpi ne, %convert_element_type3A_523, %cond3A_524 : i32
          scf.if %cond3A_525 {
            %add3A_526 = arith.constant 4 : i32
            %add3A_527 = arith.addi %add3A_295, %add3A_526 : i32
            %mul3A_528 = arith.constant 16 : i32
            %mul3A_529 = arith.muli %add3A_527, %mul3A_528 : i32
            %get3A_530 = arith.index_cast %mul3A_529 : i32 to index
            %get3A_531 = tpu.vector_load %arg12[%get3A_530] {strides = array<i32>} : memref<2416xi32, #tpu.memory_space<vmem>>, vector<16xi32>,
            %swap3A_532 = arith.constant 0 : index
            %swap3A_533 = tpu.vector_load %arg17[%swap3A_532] {strides = array<i32>} : memref<16xi32, #tpu.memory_space<vmem>>, vector<16xi32>,
            tpu.vector_store %arg17[%swap3A_532], %get3A_531 {strides = array<i32>} : memref<16xi32, #tpu.memory_space<vmem>>, vector<16xi32>,
            %dma_start3A_534 = arith.constant 0 : i32
            %dma_start3A_535 = arith.constant 0 : i32
            %dma_start3A_536 = tpu.memref_slice %arg2[%dma_start3A_534, %dma_start3A_535] : memref<100000x32xbf16, #tpu.memory_space<hbm>> -> memref<100000x32xbf16, #tpu.memory_space<hbm>>
            tpu.enqueue_indirect_dma source(%dma_start3A_536 : memref<100000x32xbf16, #tpu.memory_space<hbm>>) target(%arg21 : memref<16x32xbf16, #tpu.memory_space<vmem>>) offsets(%arg17 : memref<16xi32, #tpu.memory_space<vmem>>) semaphore(%arg27 : memref<!tpu.dma_semaphore, #tpu.memory_space<semaphore_mem>>)
          } else {
          }
        } else {
        }
        %mul3A_300 = arith.constant 4 : i32
        %mul3A_301 = arith.muli %mul3A_300, %while3A_274 : i32
        %add3A_302 = arith.constant 3 : i32
        %add3A_303 = arith.addi %mul3A_301, %add3A_302 : i32
        %lt3A_304 = arith.cmpi slt, %add3A_303, %scan3A_95 : i32
        %convert_element_type3A_305 = arith.extui %lt3A_304 : i1 to i32
        %cond3A_306 = arith.constant 0 : i32
        %cond3A_307 = arith.cmpi ne, %convert_element_type3A_305, %cond3A_306 : i32
        scf.if %cond3A_307 {
          %dma_wait3A_309 = arith.constant 0 : i32
          %dma_wait3A_310 = arith.constant 0 : i32
          %dma_wait3A_311 = tpu.memref_slice %arg2[%dma_wait3A_309, %dma_wait3A_310] : memref<100000x32xbf16, #tpu.memory_space<hbm>> -> memref<100000x32xbf16, #tpu.memory_space<hbm>>
          tpu.wait_indirect_dma semaphore(%arg28 : memref<!tpu.dma_semaphore, #tpu.memory_space<semaphore_mem>>) src(%dma_wait3A_311 : memref<100000x32xbf16, #tpu.memory_space<hbm>>) dst(%arg22 : memref<16x32xbf16, #tpu.memory_space<vmem>>)
          %mul3A_312 = arith.constant 16 : i32
          %mul3A_313 = arith.muli %add3A_303, %mul3A_312 : i32
          %get3A = arith.index_cast %mul3A_313 : i32 to index
          %get3A_314 = tpu.vector_load %arg11[%get3A] {strides = array<i32>} : memref<2416xi32, #tpu.memory_space<vmem>>, vector<16xi32>,
          %slice3A = vector.extract_strided_slice %get3A_314 {offsets = [0], sizes = [1], strides = [1]} : vector<16xi32> to vector<1xi32>
          %squeeze3A = vector.extract %slice3A[0] : i32 from vector<1xi32>
          %get3A_315 = arith.constant 0 : i32
          %get3A_316 = arith.index_cast %get3A_315 : i32 to index
          %get3A_317 = arith.constant 0 : index
          %get3A_318 = tpu.vector_load %arg22[%get3A_316, %get3A_317] {strides = array<i32>} : memref<16x32xbf16, #tpu.memory_space<vmem>>, vector<32xbf16>,
          %get3A_319 = arith.index_cast %squeeze3A : i32 to index
          %get3A_320 = arith.constant 0 : index
          %get3A_321 = tpu.vector_load %arg6[%get3A_319, %get3A_320] {strides = array<i32>} : memref<6264x32xbf16, #tpu.memory_space<vmem>>, vector<32xbf16>,
          %min3A = arith.minimumf %get3A_321, %get3A_318 : vector<32xbf16>
          %swap3A_322 = arith.index_cast %squeeze3A : i32 to index
          %swap3A_323 = arith.constant 0 : index
          %swap3A_324 = tpu.vector_load %arg6[%swap3A_322, %swap3A_323] {strides = array<i32>} : memref<6264x32xbf16, #tpu.memory_space<vmem>>, vector<32xbf16>,
          tpu.vector_store %arg6[%swap3A_322, %swap3A_323], %min3A {strides = array<i32>} : memref<6264x32xbf16, #tpu.memory_space<vmem>>, vector<32xbf16>,
          %slice3A_325 = vector.extract_strided_slice %get3A_314 {offsets = [1], sizes = [1], strides = [1]} : vector<16xi32> to vector<1xi32>
          %squeeze3A_326 = vector.extract %slice3A_325[0] : i32 from vector<1xi32>
          %get3A_327 = arith.constant 1 : i32
          %get3A_328 = arith.index_cast %get3A_327 : i32 to index
          %get3A_329 = arith.constant 0 : index
          %get3A_330 = tpu.vector_load %arg22[%get3A_328, %get3A_329] {strides = array<i32>} : memref<16x32xbf16, #tpu.memory_space<vmem>>, vector<32xbf16>,
          %get3A_331 = arith.index_cast %squeeze3A_326 : i32 to index
          %get3A_332 = arith.constant 0 : index
          %get3A_333 = tpu.vector_load %arg6[%get3A_331, %get3A_332] {strides = array<i32>} : memref<6264x32xbf16, #tpu.memory_space<vmem>>, vector<32xbf16>,
          %min3A_334 = arith.minimumf %get3A_333, %get3A_330 : vector<32xbf16>
          %swap3A_335 = arith.index_cast %squeeze3A_326 : i32 to index
          %swap3A_336 = arith.constant 0 : index
          %swap3A_337 = tpu.vector_load %arg6[%swap3A_335, %swap3A_336] {strides = array<i32>} : memref<6264x32xbf16, #tpu.memory_space<vmem>>, vector<32xbf16>,
          tpu.vector_store %arg6[%swap3A_335, %swap3A_336], %min3A_334 {strides = array<i32>} : memref<6264x32xbf16, #tpu.memory_space<vmem>>, vector<32xbf16>,
          %slice3A_338 = vector.extract_strided_slice %get3A_314 {offsets = [2], sizes = [1], strides = [1]} : vector<16xi32> to vector<1xi32>
          %squeeze3A_339 = vector.extract %slice3A_338[0] : i32 from vector<1xi32>
          %get3A_340 = arith.constant 2 : i32
          %get3A_341 = arith.index_cast %get3A_340 : i32 to index
          %get3A_342 = arith.constant 0 : index
          %get3A_343 = tpu.vector_load %arg22[%get3A_341, %get3A_342] {strides = array<i32>} : memref<16x32xbf16, #tpu.memory_space<vmem>>, vector<32xbf16>,
          %get3A_344 = arith.index_cast %squeeze3A_339 : i32 to index
          %get3A_345 = arith.constant 0 : index
          %get3A_346 = tpu.vector_load %arg6[%get3A_344, %get3A_345] {strides = array<i32>} : memref<6264x32xbf16, #tpu.memory_space<vmem>>, vector<32xbf16>,
          %min3A_347 = arith.minimumf %get3A_346, %get3A_343 : vector<32xbf16>
          %swap3A_348 = arith.index_cast %squeeze3A_339 : i32 to index
          %swap3A_349 = arith.constant 0 : index
          %swap3A_350 = tpu.vector_load %arg6[%swap3A_348, %swap3A_349] {strides = array<i32>} : memref<6264x32xbf16, #tpu.memory_space<vmem>>, vector<32xbf16>,
          tpu.vector_store %arg6[%swap3A_348, %swap3A_349], %min3A_347 {strides = array<i32>} : memref<6264x32xbf16, #tpu.memory_space<vmem>>, vector<32xbf16>,
          %slice3A_351 = vector.extract_strided_slice %get3A_314 {offsets = [3], sizes = [1], strides = [1]} : vector<16xi32> to vector<1xi32>
          %squeeze3A_352 = vector.extract %slice3A_351[0] : i32 from vector<1xi32>
          %get3A_353 = arith.constant 3 : i32
          %get3A_354 = arith.index_cast %get3A_353 : i32 to index
          %get3A_355 = arith.constant 0 : index
          %get3A_356 = tpu.vector_load %arg22[%get3A_354, %get3A_355] {strides = array<i32>} : memref<16x32xbf16, #tpu.memory_space<vmem>>, vector<32xbf16>,
          %get3A_357 = arith.index_cast %squeeze3A_352 : i32 to index
          %get3A_358 = arith.constant 0 : index
          %get3A_359 = tpu.vector_load %arg6[%get3A_357, %get3A_358] {strides = array<i32>} : memref<6264x32xbf16, #tpu.memory_space<vmem>>, vector<32xbf16>,
          %min3A_360 = arith.minimumf %get3A_359, %get3A_356 : vector<32xbf16>
          %swap3A_361 = arith.index_cast %squeeze3A_352 : i32 to index
          %swap3A_362 = arith.constant 0 : index
          %swap3A_363 = tpu.vector_load %arg6[%swap3A_361, %swap3A_362] {strides = array<i32>} : memref<6264x32xbf16, #tpu.memory_space<vmem>>, vector<32xbf16>,
          tpu.vector_store %arg6[%swap3A_361, %swap3A_362], %min3A_360 {strides = array<i32>} : memref<6264x32xbf16, #tpu.memory_space<vmem>>, vector<32xbf16>,
          %slice3A_364 = vector.extract_strided_slice %get3A_314 {offsets = [4], sizes = [1], strides = [1]} : vector<16xi32> to vector<1xi32>
          %squeeze3A_365 = vector.extract %slice3A_364[0] : i32 from vector<1xi32>
          %get3A_366 = arith.constant 4 : i32
          %get3A_367 = arith.index_cast %get3A_366 : i32 to index
          %get3A_368 = arith.constant 0 : index
          %get3A_369 = tpu.vector_load %arg22[%get3A_367, %get3A_368] {strides = array<i32>} : memref<16x32xbf16, #tpu.memory_space<vmem>>, vector<32xbf16>,
          %get3A_370 = arith.index_cast %squeeze3A_365 : i32 to index
          %get3A_371 = arith.constant 0 : index
          %get3A_372 = tpu.vector_load %arg6[%get3A_370, %get3A_371] {strides = array<i32>} : memref<6264x32xbf16, #tpu.memory_space<vmem>>, vector<32xbf16>,
          %min3A_373 = arith.minimumf %get3A_372, %get3A_369 : vector<32xbf16>
          %swap3A_374 = arith.index_cast %squeeze3A_365 : i32 to index
          %swap3A_375 = arith.constant 0 : index
          %swap3A_376 = tpu.vector_load %arg6[%swap3A_374, %swap3A_375] {strides = array<i32>} : memref<6264x32xbf16, #tpu.memory_space<vmem>>, vector<32xbf16>,
          tpu.vector_store %arg6[%swap3A_374, %swap3A_375], %min3A_373 {strides = array<i32>} : memref<6264x32xbf16, #tpu.memory_space<vmem>>, vector<32xbf16>,
          %slice3A_377 = vector.extract_strided_slice %get3A_314 {offsets = [5], sizes = [1], strides = [1]} : vector<16xi32> to vector<1xi32>
          %squeeze3A_378 = vector.extract %slice3A_377[0] : i32 from vector<1xi32>
          %get3A_379 = arith.constant 5 : i32
          %get3A_380 = arith.index_cast %get3A_379 : i32 to index
          %get3A_381 = arith.constant 0 : index
          %get3A_382 = tpu.vector_load %arg22[%get3A_380, %get3A_381] {strides = array<i32>} : memref<16x32xbf16, #tpu.memory_space<vmem>>, vector<32xbf16>,
          %get3A_383 = arith.index_cast %squeeze3A_378 : i32 to index
          %get3A_384 = arith.constant 0 : index
          %get3A_385 = tpu.vector_load %arg6[%get3A_383, %get3A_384] {strides = array<i32>} : memref<6264x32xbf16, #tpu.memory_space<vmem>>, vector<32xbf16>,
          %min3A_386 = arith.minimumf %get3A_385, %get3A_382 : vector<32xbf16>
          %swap3A_387 = arith.index_cast %squeeze3A_378 : i32 to index
          %swap3A_388 = arith.constant 0 : index
          %swap3A_389 = tpu.vector_load %arg6[%swap3A_387, %swap3A_388] {strides = array<i32>} : memref<6264x32xbf16, #tpu.memory_space<vmem>>, vector<32xbf16>,
          tpu.vector_store %arg6[%swap3A_387, %swap3A_388], %min3A_386 {strides = array<i32>} : memref<6264x32xbf16, #tpu.memory_space<vmem>>, vector<32xbf16>,
          %slice3A_390 = vector.extract_strided_slice %get3A_314 {offsets = [6], sizes = [1], strides = [1]} : vector<16xi32> to vector<1xi32>
          %squeeze3A_391 = vector.extract %slice3A_390[0] : i32 from vector<1xi32>
          %get3A_392 = arith.constant 6 : i32
          %get3A_393 = arith.index_cast %get3A_392 : i32 to index
          %get3A_394 = arith.constant 0 : index
          %get3A_395 = tpu.vector_load %arg22[%get3A_393, %get3A_394] {strides = array<i32>} : memref<16x32xbf16, #tpu.memory_space<vmem>>, vector<32xbf16>,
          %get3A_396 = arith.index_cast %squeeze3A_391 : i32 to index
          %get3A_397 = arith.constant 0 : index
          %get3A_398 = tpu.vector_load %arg6[%get3A_396, %get3A_397] {strides = array<i32>} : memref<6264x32xbf16, #tpu.memory_space<vmem>>, vector<32xbf16>,
          %min3A_399 = arith.minimumf %get3A_398, %get3A_395 : vector<32xbf16>
          %swap3A_400 = arith.index_cast %squeeze3A_391 : i32 to index
          %swap3A_401 = arith.constant 0 : index
          %swap3A_402 = tpu.vector_load %arg6[%swap3A_400, %swap3A_401] {strides = array<i32>} : memref<6264x32xbf16, #tpu.memory_space<vmem>>, vector<32xbf16>,
          tpu.vector_store %arg6[%swap3A_400, %swap3A_401], %min3A_399 {strides = array<i32>} : memref<6264x32xbf16, #tpu.memory_space<vmem>>, vector<32xbf16>,
          %slice3A_403 = vector.extract_strided_slice %get3A_314 {offsets = [7], sizes = [1], strides = [1]} : vector<16xi32> to vector<1xi32>
          %squeeze3A_404 = vector.extract %slice3A_403[0] : i32 from vector<1xi32>
          %get3A_405 = arith.constant 7 : i32
          %get3A_406 = arith.index_cast %get3A_405 : i32 to index
          %get3A_407 = arith.constant 0 : index
          %get3A_408 = tpu.vector_load %arg22[%get3A_406, %get3A_407] {strides = array<i32>} : memref<16x32xbf16, #tpu.memory_space<vmem>>, vector<32xbf16>,
          %get3A_409 = arith.index_cast %squeeze3A_404 : i32 to index
          %get3A_410 = arith.constant 0 : index
          %get3A_411 = tpu.vector_load %arg6[%get3A_409, %get3A_410] {strides = array<i32>} : memref<6264x32xbf16, #tpu.memory_space<vmem>>, vector<32xbf16>,
          %min3A_412 = arith.minimumf %get3A_411, %get3A_408 : vector<32xbf16>
          %swap3A_413 = arith.index_cast %squeeze3A_404 : i32 to index
          %swap3A_414 = arith.constant 0 : index
          %swap3A_415 = tpu.vector_load %arg6[%swap3A_413, %swap3A_414] {strides = array<i32>} : memref<6264x32xbf16, #tpu.memory_space<vmem>>, vector<32xbf16>,
          tpu.vector_store %arg6[%swap3A_413, %swap3A_414], %min3A_412 {strides = array<i32>} : memref<6264x32xbf16, #tpu.memory_space<vmem>>, vector<32xbf16>,
          %slice3A_416 = vector.extract_strided_slice %get3A_314 {offsets = [8], sizes = [1], strides = [1]} : vector<16xi32> to vector<1xi32>
          %squeeze3A_417 = vector.extract %slice3A_416[0] : i32 from vector<1xi32>
          %get3A_418 = arith.constant 8 : i32
          %get3A_419 = arith.index_cast %get3A_418 : i32 to index
          %get3A_420 = arith.constant 0 : index
          %get3A_421 = tpu.vector_load %arg22[%get3A_419, %get3A_420] {strides = array<i32>} : memref<16x32xbf16, #tpu.memory_space<vmem>>, vector<32xbf16>,
          %get3A_422 = arith.index_cast %squeeze3A_417 : i32 to index
          %get3A_423 = arith.constant 0 : index
          %get3A_424 = tpu.vector_load %arg6[%get3A_422, %get3A_423] {strides = array<i32>} : memref<6264x32xbf16, #tpu.memory_space<vmem>>, vector<32xbf16>,
          %min3A_425 = arith.minimumf %get3A_424, %get3A_421 : vector<32xbf16>
          %swap3A_426 = arith.index_cast %squeeze3A_417 : i32 to index
          %swap3A_427 = arith.constant 0 : index
          %swap3A_428 = tpu.vector_load %arg6[%swap3A_426, %swap3A_427] {strides = array<i32>} : memref<6264x32xbf16, #tpu.memory_space<vmem>>, vector<32xbf16>,
          tpu.vector_store %arg6[%swap3A_426, %swap3A_427], %min3A_425 {strides = array<i32>} : memref<6264x32xbf16, #tpu.memory_space<vmem>>, vector<32xbf16>,
          %slice3A_429 = vector.extract_strided_slice %get3A_314 {offsets = [9], sizes = [1], strides = [1]} : vector<16xi32> to vector<1xi32>
          %squeeze3A_430 = vector.extract %slice3A_429[0] : i32 from vector<1xi32>
          %get3A_431 = arith.constant 9 : i32
          %get3A_432 = arith.index_cast %get3A_431 : i32 to index
          %get3A_433 = arith.constant 0 : index
          %get3A_434 = tpu.vector_load %arg22[%get3A_432, %get3A_433] {strides = array<i32>} : memref<16x32xbf16, #tpu.memory_space<vmem>>, vector<32xbf16>,
          %get3A_435 = arith.index_cast %squeeze3A_430 : i32 to index
          %get3A_436 = arith.constant 0 : index
          %get3A_437 = tpu.vector_load %arg6[%get3A_435, %get3A_436] {strides = array<i32>} : memref<6264x32xbf16, #tpu.memory_space<vmem>>, vector<32xbf16>,
          %min3A_438 = arith.minimumf %get3A_437, %get3A_434 : vector<32xbf16>
          %swap3A_439 = arith.index_cast %squeeze3A_430 : i32 to index
          %swap3A_440 = arith.constant 0 : index
          %swap3A_441 = tpu.vector_load %arg6[%swap3A_439, %swap3A_440] {strides = array<i32>} : memref<6264x32xbf16, #tpu.memory_space<vmem>>, vector<32xbf16>,
          tpu.vector_store %arg6[%swap3A_439, %swap3A_440], %min3A_438 {strides = array<i32>} : memref<6264x32xbf16, #tpu.memory_space<vmem>>, vector<32xbf16>,
          %slice3A_442 = vector.extract_strided_slice %get3A_314 {offsets = [10], sizes = [1], strides = [1]} : vector<16xi32> to vector<1xi32>
          %squeeze3A_443 = vector.extract %slice3A_442[0] : i32 from vector<1xi32>
          %get3A_444 = arith.constant 10 : i32
          %get3A_445 = arith.index_cast %get3A_444 : i32 to index
          %get3A_446 = arith.constant 0 : index
          %get3A_447 = tpu.vector_load %arg22[%get3A_445, %get3A_446] {strides = array<i32>} : memref<16x32xbf16, #tpu.memory_space<vmem>>, vector<32xbf16>,
          %get3A_448 = arith.index_cast %squeeze3A_443 : i32 to index
          %get3A_449 = arith.constant 0 : index
          %get3A_450 = tpu.vector_load %arg6[%get3A_448, %get3A_449] {strides = array<i32>} : memref<6264x32xbf16, #tpu.memory_space<vmem>>, vector<32xbf16>,
          %min3A_451 = arith.minimumf %get3A_450, %get3A_447 : vector<32xbf16>
          %swap3A_452 = arith.index_cast %squeeze3A_443 : i32 to index
          %swap3A_453 = arith.constant 0 : index
          %swap3A_454 = tpu.vector_load %arg6[%swap3A_452, %swap3A_453] {strides = array<i32>} : memref<6264x32xbf16, #tpu.memory_space<vmem>>, vector<32xbf16>,
          tpu.vector_store %arg6[%swap3A_452, %swap3A_453], %min3A_451 {strides = array<i32>} : memref<6264x32xbf16, #tpu.memory_space<vmem>>, vector<32xbf16>,
          %slice3A_455 = vector.extract_strided_slice %get3A_314 {offsets = [11], sizes = [1], strides = [1]} : vector<16xi32> to vector<1xi32>
          %squeeze3A_456 = vector.extract %slice3A_455[0] : i32 from vector<1xi32>
          %get3A_457 = arith.constant 11 : i32
          %get3A_458 = arith.index_cast %get3A_457 : i32 to index
          %get3A_459 = arith.constant 0 : index
          %get3A_460 = tpu.vector_load %arg22[%get3A_458, %get3A_459] {strides = array<i32>} : memref<16x32xbf16, #tpu.memory_space<vmem>>, vector<32xbf16>,
          %get3A_461 = arith.index_cast %squeeze3A_456 : i32 to index
          %get3A_462 = arith.constant 0 : index
          %get3A_463 = tpu.vector_load %arg6[%get3A_461, %get3A_462] {strides = array<i32>} : memref<6264x32xbf16, #tpu.memory_space<vmem>>, vector<32xbf16>,
          %min3A_464 = arith.minimumf %get3A_463, %get3A_460 : vector<32xbf16>
          %swap3A_465 = arith.index_cast %squeeze3A_456 : i32 to index
          %swap3A_466 = arith.constant 0 : index
          %swap3A_467 = tpu.vector_load %arg6[%swap3A_465, %swap3A_466] {strides = array<i32>} : memref<6264x32xbf16, #tpu.memory_space<vmem>>, vector<32xbf16>,
          tpu.vector_store %arg6[%swap3A_465, %swap3A_466], %min3A_464 {strides = array<i32>} : memref<6264x32xbf16, #tpu.memory_space<vmem>>, vector<32xbf16>,
          %slice3A_468 = vector.extract_strided_slice %get3A_314 {offsets = [12], sizes = [1], strides = [1]} : vector<16xi32> to vector<1xi32>
          %squeeze3A_469 = vector.extract %slice3A_468[0] : i32 from vector<1xi32>
          %get3A_470 = arith.constant 12 : i32
          %get3A_471 = arith.index_cast %get3A_470 : i32 to index
          %get3A_472 = arith.constant 0 : index
          %get3A_473 = tpu.vector_load %arg22[%get3A_471, %get3A_472] {strides = array<i32>} : memref<16x32xbf16, #tpu.memory_space<vmem>>, vector<32xbf16>,
          %get3A_474 = arith.index_cast %squeeze3A_469 : i32 to index
          %get3A_475 = arith.constant 0 : index
          %get3A_476 = tpu.vector_load %arg6[%get3A_474, %get3A_475] {strides = array<i32>} : memref<6264x32xbf16, #tpu.memory_space<vmem>>, vector<32xbf16>,
          %min3A_477 = arith.minimumf %get3A_476, %get3A_473 : vector<32xbf16>
          %swap3A_478 = arith.index_cast %squeeze3A_469 : i32 to index
          %swap3A_479 = arith.constant 0 : index
          %swap3A_480 = tpu.vector_load %arg6[%swap3A_478, %swap3A_479] {strides = array<i32>} : memref<6264x32xbf16, #tpu.memory_space<vmem>>, vector<32xbf16>,
          tpu.vector_store %arg6[%swap3A_478, %swap3A_479], %min3A_477 {strides = array<i32>} : memref<6264x32xbf16, #tpu.memory_space<vmem>>, vector<32xbf16>,
          %slice3A_481 = vector.extract_strided_slice %get3A_314 {offsets = [13], sizes = [1], strides = [1]} : vector<16xi32> to vector<1xi32>
          %squeeze3A_482 = vector.extract %slice3A_481[0] : i32 from vector<1xi32>
          %get3A_483 = arith.constant 13 : i32
          %get3A_484 = arith.index_cast %get3A_483 : i32 to index
          %get3A_485 = arith.constant 0 : index
          %get3A_486 = tpu.vector_load %arg22[%get3A_484, %get3A_485] {strides = array<i32>} : memref<16x32xbf16, #tpu.memory_space<vmem>>, vector<32xbf16>,
          %get3A_487 = arith.index_cast %squeeze3A_482 : i32 to index
          %get3A_488 = arith.constant 0 : index
          %get3A_489 = tpu.vector_load %arg6[%get3A_487, %get3A_488] {strides = array<i32>} : memref<6264x32xbf16, #tpu.memory_space<vmem>>, vector<32xbf16>,
          %min3A_490 = arith.minimumf %get3A_489, %get3A_486 : vector<32xbf16>
          %swap3A_491 = arith.index_cast %squeeze3A_482 : i32 to index
          %swap3A_492 = arith.constant 0 : index
          %swap3A_493 = tpu.vector_load %arg6[%swap3A_491, %swap3A_492] {strides = array<i32>} : memref<6264x32xbf16, #tpu.memory_space<vmem>>, vector<32xbf16>,
          tpu.vector_store %arg6[%swap3A_491, %swap3A_492], %min3A_490 {strides = array<i32>} : memref<6264x32xbf16, #tpu.memory_space<vmem>>, vector<32xbf16>,
          %slice3A_494 = vector.extract_strided_slice %get3A_314 {offsets = [14], sizes = [1], strides = [1]} : vector<16xi32> to vector<1xi32>
          %squeeze3A_495 = vector.extract %slice3A_494[0] : i32 from vector<1xi32>
          %get3A_496 = arith.constant 14 : i32
          %get3A_497 = arith.index_cast %get3A_496 : i32 to index
          %get3A_498 = arith.constant 0 : index
          %get3A_499 = tpu.vector_load %arg22[%get3A_497, %get3A_498] {strides = array<i32>} : memref<16x32xbf16, #tpu.memory_space<vmem>>, vector<32xbf16>,
          %get3A_500 = arith.index_cast %squeeze3A_495 : i32 to index
          %get3A_501 = arith.constant 0 : index
          %get3A_502 = tpu.vector_load %arg6[%get3A_500, %get3A_501] {strides = array<i32>} : memref<6264x32xbf16, #tpu.memory_space<vmem>>, vector<32xbf16>,
          %min3A_503 = arith.minimumf %get3A_502, %get3A_499 : vector<32xbf16>
          %swap3A_504 = arith.index_cast %squeeze3A_495 : i32 to index
          %swap3A_505 = arith.constant 0 : index
          %swap3A_506 = tpu.vector_load %arg6[%swap3A_504, %swap3A_505] {strides = array<i32>} : memref<6264x32xbf16, #tpu.memory_space<vmem>>, vector<32xbf16>,
          tpu.vector_store %arg6[%swap3A_504, %swap3A_505], %min3A_503 {strides = array<i32>} : memref<6264x32xbf16, #tpu.memory_space<vmem>>, vector<32xbf16>,
          %slice3A_507 = vector.extract_strided_slice %get3A_314 {offsets = [15], sizes = [1], strides = [1]} : vector<16xi32> to vector<1xi32>
          %squeeze3A_508 = vector.extract %slice3A_507[0] : i32 from vector<1xi32>
          %get3A_509 = arith.constant 15 : i32
          %get3A_510 = arith.index_cast %get3A_509 : i32 to index
          %get3A_511 = arith.constant 0 : index
          %get3A_512 = tpu.vector_load %arg22[%get3A_510, %get3A_511] {strides = array<i32>} : memref<16x32xbf16, #tpu.memory_space<vmem>>, vector<32xbf16>,
          %get3A_513 = arith.index_cast %squeeze3A_508 : i32 to index
          %get3A_514 = arith.constant 0 : index
          %get3A_515 = tpu.vector_load %arg6[%get3A_513, %get3A_514] {strides = array<i32>} : memref<6264x32xbf16, #tpu.memory_space<vmem>>, vector<32xbf16>,
          %min3A_516 = arith.minimumf %get3A_515, %get3A_512 : vector<32xbf16>
          %swap3A_517 = arith.index_cast %squeeze3A_508 : i32 to index
          %swap3A_518 = arith.constant 0 : index
          %swap3A_519 = tpu.vector_load %arg6[%swap3A_517, %swap3A_518] {strides = array<i32>} : memref<6264x32xbf16, #tpu.memory_space<vmem>>, vector<32xbf16>,
          tpu.vector_store %arg6[%swap3A_517, %swap3A_518], %min3A_516 {strides = array<i32>} : memref<6264x32xbf16, #tpu.memory_space<vmem>>, vector<32xbf16>,
          %add3A_520 = arith.constant 4 : i32
          %add3A_521 = arith.addi %add3A_303, %add3A_520 : i32
          %lt3A_522 = arith.cmpi slt, %add3A_521, %scan3A_95 : i32
          %convert_element_type3A_523 = arith.extui %lt3A_522 : i1 to i32
          %cond3A_524 = arith.constant 0 : i32
          %cond3A_525 = arith.cmpi ne, %convert_element_type3A_523, %cond3A_524 : i32
          scf.if %cond3A_525 {
            %add3A_526 = arith.constant 4 : i32
            %add3A_527 = arith.addi %add3A_303, %add3A_526 : i32
            %mul3A_528 = arith.constant 16 : i32
            %mul3A_529 = arith.muli %add3A_527, %mul3A_528 : i32
            %get3A_530 = arith.index_cast %mul3A_529 : i32 to index
            %get3A_531 = tpu.vector_load %arg12[%get3A_530] {strides = array<i32>} : memref<2416xi32, #tpu.memory_space<vmem>>, vector<16xi32>,
            %swap3A_532 = arith.constant 0 : index
            %swap3A_533 = tpu.vector_load %arg18[%swap3A_532] {strides = array<i32>} : memref<16xi32, #tpu.memory_space<vmem>>, vector<16xi32>,
            tpu.vector_store %arg18[%swap3A_532], %get3A_531 {strides = array<i32>} : memref<16xi32, #tpu.memory_space<vmem>>, vector<16xi32>,
            %dma_start3A_534 = arith.constant 0 : i32
            %dma_start3A_535 = arith.constant 0 : i32
            %dma_start3A_536 = tpu.memref_slice %arg2[%dma_start3A_534, %dma_start3A_535] : memref<100000x32xbf16, #tpu.memory_space<hbm>> -> memref<100000x32xbf16, #tpu.memory_space<hbm>>
            tpu.enqueue_indirect_dma source(%dma_start3A_536 : memref<100000x32xbf16, #tpu.memory_space<hbm>>) target(%arg22 : memref<16x32xbf16, #tpu.memory_space<vmem>>) offsets(%arg18 : memref<16xi32, #tpu.memory_space<vmem>>) semaphore(%arg28 : memref<!tpu.dma_semaphore, #tpu.memory_space<semaphore_mem>>)
          } else {
          }
        } else {
        }
        %while3A_308 = arith.constant 0 : i32
        scf.yield %while3A_308 : i32
      }
      %gt3A_194 = arith.constant 0 : i32
      %gt3A_195 = arith.cmpi sgt, %select_n3A_156, %gt3A_194 : i32
      %convert_element_type3A_196 = arith.extui %gt3A_195 : i1 to i32
      %cond3A_197 = arith.constant 0 : i32
      %cond3A_198 = arith.cmpi ne, %convert_element_type3A_196, %cond3A_197 : i32
      scf.if %cond3A_198 {
        %get3A = arith.constant 0 : index
        %get3A_274 = tpu.vector_load %arg14[%get3A] {strides = array<i32>} : memref<2416xi32, #tpu.memory_space<vmem>>, vector<16xi32>,
        %swap3A_275 = arith.constant 0 : index
        %swap3A_276 = tpu.vector_load %arg15[%swap3A_275] {strides = array<i32>} : memref<16xi32, #tpu.memory_space<vmem>>, vector<16xi32>,
        tpu.vector_store %arg15[%swap3A_275], %get3A_274 {strides = array<i32>} : memref<16xi32, #tpu.memory_space<vmem>>, vector<16xi32>,
        %dma_start3A_277 = arith.constant 0 : i32
        %dma_start3A_278 = arith.constant 0 : i32
        %dma_start3A_279 = tpu.memref_slice %arg2[%dma_start3A_277, %dma_start3A_278] : memref<100000x32xbf16, #tpu.memory_space<hbm>> -> memref<100000x32xbf16, #tpu.memory_space<hbm>>
        tpu.enqueue_indirect_dma source(%dma_start3A_279 : memref<100000x32xbf16, #tpu.memory_space<hbm>>) target(%arg19 : memref<16x32xbf16, #tpu.memory_space<vmem>>) offsets(%arg15 : memref<16xi32, #tpu.memory_space<vmem>>) semaphore(%arg25 : memref<!tpu.dma_semaphore, #tpu.memory_space<semaphore_mem>>)
      } else {
      }
      %gt3A_199 = arith.constant 1 : i32
      %gt3A_200 = arith.cmpi sgt, %select_n3A_156, %gt3A_199 : i32
      %convert_element_type3A_201 = arith.extui %gt3A_200 : i1 to i32
      %cond3A_202 = arith.constant 0 : i32
      %cond3A_203 = arith.cmpi ne, %convert_element_type3A_201, %cond3A_202 : i32
      scf.if %cond3A_203 {
        %get3A = arith.constant 16 : index
        %get3A_274 = tpu.vector_load %arg14[%get3A] {strides = array<i32>} : memref<2416xi32, #tpu.memory_space<vmem>>, vector<16xi32>,
        %swap3A_275 = arith.constant 0 : index
        %swap3A_276 = tpu.vector_load %arg16[%swap3A_275] {strides = array<i32>} : memref<16xi32, #tpu.memory_space<vmem>>, vector<16xi32>,
        tpu.vector_store %arg16[%swap3A_275], %get3A_274 {strides = array<i32>} : memref<16xi32, #tpu.memory_space<vmem>>, vector<16xi32>,
        %dma_start3A_277 = arith.constant 0 : i32
        %dma_start3A_278 = arith.constant 0 : i32
        %dma_start3A_279 = tpu.memref_slice %arg2[%dma_start3A_277, %dma_start3A_278] : memref<100000x32xbf16, #tpu.memory_space<hbm>> -> memref<100000x32xbf16, #tpu.memory_space<hbm>>
        tpu.enqueue_indirect_dma source(%dma_start3A_279 : memref<100000x32xbf16, #tpu.memory_space<hbm>>) target(%arg20 : memref<16x32xbf16, #tpu.memory_space<vmem>>) offsets(%arg16 : memref<16xi32, #tpu.memory_space<vmem>>) semaphore(%arg26 : memref<!tpu.dma_semaphore, #tpu.memory_space<semaphore_mem>>)
      } else {
      }
      %gt3A_204 = arith.constant 2 : i32
      %gt3A_205 = arith.cmpi sgt, %select_n3A_156, %gt3A_204 : i32
      %convert_element_type3A_206 = arith.extui %gt3A_205 : i1 to i32
      %cond3A_207 = arith.constant 0 : i32
      %cond3A_208 = arith.cmpi ne, %convert_element_type3A_206, %cond3A_207 : i32
      scf.if %cond3A_208 {
        %get3A = arith.constant 32 : index
        %get3A_274 = tpu.vector_load %arg14[%get3A] {strides = array<i32>} : memref<2416xi32, #tpu.memory_space<vmem>>, vector<16xi32>,
        %swap3A_275 = arith.constant 0 : index
        %swap3A_276 = tpu.vector_load %arg17[%swap3A_275] {strides = array<i32>} : memref<16xi32, #tpu.memory_space<vmem>>, vector<16xi32>,
        tpu.vector_store %arg17[%swap3A_275], %get3A_274 {strides = array<i32>} : memref<16xi32, #tpu.memory_space<vmem>>, vector<16xi32>,
        %dma_start3A_277 = arith.constant 0 : i32
        %dma_start3A_278 = arith.constant 0 : i32
        %dma_start3A_279 = tpu.memref_slice %arg2[%dma_start3A_277, %dma_start3A_278] : memref<100000x32xbf16, #tpu.memory_space<hbm>> -> memref<100000x32xbf16, #tpu.memory_space<hbm>>
        tpu.enqueue_indirect_dma source(%dma_start3A_279 : memref<100000x32xbf16, #tpu.memory_space<hbm>>) target(%arg21 : memref<16x32xbf16, #tpu.memory_space<vmem>>) offsets(%arg17 : memref<16xi32, #tpu.memory_space<vmem>>) semaphore(%arg27 : memref<!tpu.dma_semaphore, #tpu.memory_space<semaphore_mem>>)
      } else {
      }
      %gt3A_209 = arith.constant 3 : i32
      %gt3A_210 = arith.cmpi sgt, %select_n3A_156, %gt3A_209 : i32
      %convert_element_type3A_211 = arith.extui %gt3A_210 : i1 to i32
      %cond3A_212 = arith.constant 0 : i32
      %cond3A_213 = arith.cmpi ne, %convert_element_type3A_211, %cond3A_212 : i32
      scf.if %cond3A_213 {
        %get3A = arith.constant 48 : index
        %get3A_274 = tpu.vector_load %arg14[%get3A] {strides = array<i32>} : memref<2416xi32, #tpu.memory_space<vmem>>, vector<16xi32>,
        %swap3A_275 = arith.constant 0 : index
        %swap3A_276 = tpu.vector_load %arg18[%swap3A_275] {strides = array<i32>} : memref<16xi32, #tpu.memory_space<vmem>>, vector<16xi32>,
        tpu.vector_store %arg18[%swap3A_275], %get3A_274 {strides = array<i32>} : memref<16xi32, #tpu.memory_space<vmem>>, vector<16xi32>,
        %dma_start3A_277 = arith.constant 0 : i32
        %dma_start3A_278 = arith.constant 0 : i32
        %dma_start3A_279 = tpu.memref_slice %arg2[%dma_start3A_277, %dma_start3A_278] : memref<100000x32xbf16, #tpu.memory_space<hbm>> -> memref<100000x32xbf16, #tpu.memory_space<hbm>>
        tpu.enqueue_indirect_dma source(%dma_start3A_279 : memref<100000x32xbf16, #tpu.memory_space<hbm>>) target(%arg22 : memref<16x32xbf16, #tpu.memory_space<vmem>>) offsets(%arg18 : memref<16xi32, #tpu.memory_space<vmem>>) semaphore(%arg28 : memref<!tpu.dma_semaphore, #tpu.memory_space<semaphore_mem>>)
      } else {
      }
      %add3A_214 = arith.constant 2 : i32
      %add3A_215 = arith.addi %add3A_99, %add3A_214 : i32
      %lt3A_216 = arith.constant 334 : i32
      %lt3A_217 = arith.cmpi slt, %add3A_215, %lt3A_216 : i32
      %convert_element_type3A_218 = arith.extui %lt3A_217 : i1 to i32
      %cond3A_219 = arith.constant 0 : i32
      %cond3A_220 = arith.cmpi ne, %convert_element_type3A_218, %cond3A_219 : i32
      scf.if %cond3A_220 {
        %add3A_274 = arith.constant 2 : i32
        %add3A_275 = arith.addi %add3A_99, %add3A_274 : i32
        %mul3A_276 = arith.constant 2400 : i32
        %mul3A_277 = arith.muli %add3A_275, %mul3A_276 : i32
        %dma_start3A_278 = tpu.memref_slice %arg4[%mul3A_277] : memref<801600xi32, #tpu.memory_space<hbm>> -> memref<2400xi32, #tpu.memory_space<hbm>>
        %dma_start3A_279 = tpu.memref_slice %arg4[%mul3A_277] : memref<801600xi32, #tpu.memory_space<hbm>> -> memref<2400xi32, #tpu.memory_space<hbm>>
        tpu.enqueue_dma source(%dma_start3A_279 : memref<2400xi32, #tpu.memory_space<hbm>>) target(%arg9 : memref<2400xi32, #tpu.memory_space<vmem>>) target_semaphore(%arg24 : memref<!tpu.dma_semaphore, #tpu.memory_space<semaphore_mem>>)
        %mul3A_280 = arith.constant 2400 : i32
        %mul3A_281 = arith.muli %add3A_275, %mul3A_280 : i32
        %dma_start3A_282 = tpu.memref_slice %arg3[%mul3A_281] : memref<801600xi32, #tpu.memory_space<hbm>> -> memref<2400xi32, #tpu.memory_space<hbm>>
        %dma_start3A_283 = tpu.memref_slice %arg3[%mul3A_281] : memref<801600xi32, #tpu.memory_space<hbm>> -> memref<2400xi32, #tpu.memory_space<hbm>>
        tpu.enqueue_dma source(%dma_start3A_283 : memref<2400xi32, #tpu.memory_space<hbm>>) target(%arg10 : memref<2400xi32, #tpu.memory_space<vmem>>) target_semaphore(%arg24 : memref<!tpu.dma_semaphore, #tpu.memory_space<semaphore_mem>>)
      } else {
      }
      %add3A_221 = arith.constant 1 : i32
      %add3A_222 = arith.addi %add3A_99, %add3A_221 : i32
      %lt3A_223 = arith.constant 334 : i32
      %lt3A_224 = arith.cmpi slt, %add3A_222, %lt3A_223 : i32
      %convert_element_type3A_225 = arith.extui %lt3A_224 : i1 to i32
      %cond3A_226 = arith.constant 0 : i32
      %cond3A_227 = arith.cmpi ne, %convert_element_type3A_225, %cond3A_226 : i32
      %cond3A_228 = scf.if %cond3A_227 -> (i32) {
        %add3A_274 = arith.constant 1 : i32
        %add3A_275 = arith.addi %add3A_99, %add3A_274 : i32
        %mul3A_276 = arith.constant 2400 : i32
        %mul3A_277 = arith.muli %add3A_275, %mul3A_276 : i32
        %dma_wait3A_278 = tpu.memref_slice %arg4[%mul3A_277] : memref<801600xi32, #tpu.memory_space<hbm>> -> memref<2400xi32, #tpu.memory_space<hbm>>
        %dma_wait3A_279 = tpu.memref_slice %arg4[%mul3A_277] : memref<801600xi32, #tpu.memory_space<hbm>> -> memref<2400xi32, #tpu.memory_space<hbm>>
        tpu.wait_dma2 semaphore(%arg23 : memref<!tpu.dma_semaphore, #tpu.memory_space<semaphore_mem>>) src(%dma_wait3A_279 : memref<2400xi32, #tpu.memory_space<hbm>>) dst(%arg7 : memref<2400xi32, #tpu.memory_space<vmem>>)
        %mul3A_280 = arith.constant 2400 : i32
        %mul3A_281 = arith.muli %add3A_275, %mul3A_280 : i32
        %dma_wait3A_282 = tpu.memref_slice %arg3[%mul3A_281] : memref<801600xi32, #tpu.memory_space<hbm>> -> memref<2400xi32, #tpu.memory_space<hbm>>
        %dma_wait3A_283 = tpu.memref_slice %arg3[%mul3A_281] : memref<801600xi32, #tpu.memory_space<hbm>> -> memref<2400xi32, #tpu.memory_space<hbm>>
        tpu.wait_dma2 semaphore(%arg23 : memref<!tpu.dma_semaphore, #tpu.memory_space<semaphore_mem>>) src(%dma_wait3A_283 : memref<2400xi32, #tpu.memory_space<hbm>>) dst(%arg8 : memref<2400xi32, #tpu.memory_space<vmem>>)
        %scan3A_284 = arith.constant 0 : i32
        %scan3A_285 = arith.constant 0 : i32
        %scan3A_286 = arith.constant 75 : i32
        %scan3A_287 = arith.addi %scan3A_285, %scan3A_286 : i32
        %scan3A_288 = arith.constant 1 : i32
        %scan3A_289 = scf.for %scan3A_327 = %scan3A_285 to %scan3A_287 step %scan3A_288 iter_args(%scan3A_328 = %scan3A_284) -> (i32)  : i32 {
          %mul3A_329 = arith.constant 2 : i32
          %mul3A_330 = arith.muli %mul3A_329, %scan3A_327 : i32
          %add3A_331 = arith.constant 0 : i32
          %add3A_332 = arith.addi %mul3A_330, %add3A_331 : i32
          %mul3A_333 = arith.constant 16 : i32
          %mul3A_334 = arith.muli %add3A_332, %mul3A_333 : i32
          %get3A = arith.index_cast %mul3A_334 : i32 to index
          %get3A_335 = tpu.vector_load %arg7[%get3A] {strides = array<i32>} : memref<2400xi32, #tpu.memory_space<vmem>>, vector<16xi32>,
          %mul3A_336 = arith.constant 16 : i32
          %mul3A_337 = arith.muli %add3A_332, %mul3A_336 : i32
          %get3A_338 = arith.index_cast %mul3A_337 : i32 to index
          %get3A_339 = tpu.vector_load %arg8[%get3A_338] {strides = array<i32>} : memref<2400xi32, #tpu.memory_space<vmem>>, vector<16xi32>,
          %sub3A_340 = vector.broadcast %mul3A_6 : i32 to vector<16xi32>
          %sub3A_341 = arith.subi %get3A_335, %sub3A_340 : vector<16xi32>
          %ge3A = arith.constant 0 : i32
          %ge3A_342 = vector.broadcast %ge3A : i32 to vector<16xi32>
          %ge3A_343 = arith.cmpi sge, %sub3A_341, %ge3A_342 : vector<16xi32>
          %lt3A_344 = arith.constant 6256 : i32
          %lt3A_345 = vector.broadcast %lt3A_344 : i32 to vector<16xi32>
          %lt3A_346 = arith.cmpi slt, %sub3A_341, %lt3A_345 : vector<16xi32>
          %and3A_347 = arith.andi %ge3A_343, %lt3A_346 : vector<16xi1>
          %swap3A_348 = arith.index_cast %scan3A_328 : i32 to index
          %swap3A_349 = tpu.vector_load %arg11[%swap3A_348] masked %and3A_347 {strides = array<i32>} : memref<2416xi32, #tpu.memory_space<vmem>>, vector<16xi32>, vector<16xi1>
          tpu.vector_store %arg11[%swap3A_348], %sub3A_341 masked %and3A_347 {strides = array<i32>} : memref<2416xi32, #tpu.memory_space<vmem>>, vector<16xi32>, vector<16xi1>
          %swap3A_350 = arith.index_cast %scan3A_328 : i32 to index
          %swap3A_351 = tpu.vector_load %arg12[%swap3A_350] masked %and3A_347 {strides = array<i32>} : memref<2416xi32, #tpu.memory_space<vmem>>, vector<16xi32>, vector<16xi1>
          tpu.vector_store %arg12[%swap3A_350], %get3A_339 masked %and3A_347 {strides = array<i32>} : memref<2416xi32, #tpu.memory_space<vmem>>, vector<16xi32>, vector<16xi1>
          %all_reduce_population_count3A = tpu.all_reduce %and3A_347 {dim = 0 : i64, kind = #tpu.reduction_kind<sum>} : vector<16xi1> -> vector<16xi32>
          %slice3A = vector.extract_strided_slice %all_reduce_population_count3A {offsets = [0], sizes = [1], strides = [1]} : vector<16xi32> to vector<1xi32>
          %squeeze3A = vector.extract %slice3A[0] : i32 from vector<1xi32>
          %add3A_352 = arith.addi %scan3A_328, %squeeze3A : i32
          %mul3A_353 = arith.constant 2 : i32
          %mul3A_354 = arith.muli %mul3A_353, %scan3A_327 : i32
          %add3A_355 = arith.constant 1 : i32
          %add3A_356 = arith.addi %mul3A_354, %add3A_355 : i32
          %mul3A_357 = arith.constant 16 : i32
          %mul3A_358 = arith.muli %add3A_356, %mul3A_357 : i32
          %get3A_359 = arith.index_cast %mul3A_358 : i32 to index
          %get3A_360 = tpu.vector_load %arg7[%get3A_359] {strides = array<i32>} : memref<2400xi32, #tpu.memory_space<vmem>>, vector<16xi32>,
          %mul3A_361 = arith.constant 16 : i32
          %mul3A_362 = arith.muli %add3A_356, %mul3A_361 : i32
          %get3A_363 = arith.index_cast %mul3A_362 : i32 to index
          %get3A_364 = tpu.vector_load %arg8[%get3A_363] {strides = array<i32>} : memref<2400xi32, #tpu.memory_space<vmem>>, vector<16xi32>,
          %sub3A_365 = vector.broadcast %mul3A_6 : i32 to vector<16xi32>
          %sub3A_366 = arith.subi %get3A_360, %sub3A_365 : vector<16xi32>
          %ge3A_367 = arith.constant 0 : i32
          %ge3A_368 = vector.broadcast %ge3A_367 : i32 to vector<16xi32>
          %ge3A_369 = arith.cmpi sge, %sub3A_366, %ge3A_368 : vector<16xi32>
          %lt3A_370 = arith.constant 6256 : i32
          %lt3A_371 = vector.broadcast %lt3A_370 : i32 to vector<16xi32>
          %lt3A_372 = arith.cmpi slt, %sub3A_366, %lt3A_371 : vector<16xi32>
          %and3A_373 = arith.andi %ge3A_369, %lt3A_372 : vector<16xi1>
          %swap3A_374 = arith.index_cast %add3A_352 : i32 to index
          %swap3A_375 = tpu.vector_load %arg11[%swap3A_374] masked %and3A_373 {strides = array<i32>} : memref<2416xi32, #tpu.memory_space<vmem>>, vector<16xi32>, vector<16xi1>
          tpu.vector_store %arg11[%swap3A_374], %sub3A_366 masked %and3A_373 {strides = array<i32>} : memref<2416xi32, #tpu.memory_space<vmem>>, vector<16xi32>, vector<16xi1>
          %swap3A_376 = arith.index_cast %add3A_352 : i32 to index
          %swap3A_377 = tpu.vector_load %arg12[%swap3A_376] masked %and3A_373 {strides = array<i32>} : memref<2416xi32, #tpu.memory_space<vmem>>, vector<16xi32>, vector<16xi1>
          tpu.vector_store %arg12[%swap3A_376], %get3A_364 masked %and3A_373 {strides = array<i32>} : memref<2416xi32, #tpu.memory_space<vmem>>, vector<16xi32>, vector<16xi1>
          %all_reduce_population_count3A_378 = tpu.all_reduce %and3A_373 {dim = 0 : i64, kind = #tpu.reduction_kind<sum>} : vector<16xi1> -> vector<16xi32>
          %slice3A_379 = vector.extract_strided_slice %all_reduce_population_count3A_378 {offsets = [0], sizes = [1], strides = [1]} : vector<16xi32> to vector<1xi32>
          %squeeze3A_380 = vector.extract %slice3A_379[0] : i32 from vector<1xi32>
          %add3A_381 = arith.addi %add3A_352, %squeeze3A_380 : i32
          scf.yield %add3A_381 : i32
        }
        %scan3A_290 = arith.constant 75 : i32
        %broadcast_in_dim3A_291 = arith.constant true
        %broadcast_in_dim3A_292 = vector.broadcast %broadcast_in_dim3A_291 : i1 to vector<16xi1>
        %broadcast_in_dim3A_293 = arith.constant 6256 : i32
        %broadcast_in_dim3A_294 = vector.broadcast %broadcast_in_dim3A_293 : i32 to vector<16xi32>
        %swap3A_295 = arith.index_cast %scan3A_289 : i32 to index
        %swap3A_296 = tpu.vector_load %arg11[%swap3A_295] masked %broadcast_in_dim3A_292 {strides = array<i32>} : memref<2416xi32, #tpu.memory_space<vmem>>, vector<16xi32>, vector<16xi1>
        tpu.vector_store %arg11[%swap3A_295], %broadcast_in_dim3A_294 masked %broadcast_in_dim3A_292 {strides = array<i32>} : memref<2416xi32, #tpu.memory_space<vmem>>, vector<16xi32>, vector<16xi1>
        %broadcast_in_dim3A_297 = arith.constant 0 : i32
        %broadcast_in_dim3A_298 = vector.broadcast %broadcast_in_dim3A_297 : i32 to vector<16xi32>
        %swap3A_299 = arith.index_cast %scan3A_289 : i32 to index
        %swap3A_300 = tpu.vector_load %arg12[%swap3A_299] masked %broadcast_in_dim3A_292 {strides = array<i32>} : memref<2416xi32, #tpu.memory_space<vmem>>, vector<16xi32>, vector<16xi1>
        tpu.vector_store %arg12[%swap3A_299], %broadcast_in_dim3A_298 masked %broadcast_in_dim3A_292 {strides = array<i32>} : memref<2416xi32, #tpu.memory_space<vmem>>, vector<16xi32>, vector<16xi1>
        %add3A_301 = arith.constant 15 : i32
        %add3A_302 = arith.addi %scan3A_289, %add3A_301 : i32
        %jit3A_303 = arith.constant 16 : i32
        %div3A_304 = arith.divsi %add3A_302, %jit3A_303 : i32
        %sign3A_305 = arith.constant 0 : i32
        %sign3A_306 = arith.cmpi sgt, %add3A_302, %sign3A_305 : i32
        %sign3A_307 = arith.extui %sign3A_306 : i1 to i32
        %sign3A_308 = arith.constant 0 : i32
        %sign3A_309 = arith.cmpi slt, %add3A_302, %sign3A_308 : i32
        %sign3A_310 = arith.extui %sign3A_309 : i1 to i32
        %sign3A_311 = arith.subi %sign3A_307, %sign3A_310 : i32
        %sign3A_312 = arith.constant 0 : i32
        %sign3A_313 = arith.cmpi sgt, %jit3A_303, %sign3A_312 : i32
        %sign3A_314 = arith.extui %sign3A_313 : i1 to i32
        %sign3A_315 = arith.constant 0 : i32
        %sign3A_316 = arith.cmpi slt, %jit3A_303, %sign3A_315 : i32
        %sign3A_317 = arith.extui %sign3A_316 : i1 to i32
        %sign3A_318 = arith.subi %sign3A_314, %sign3A_317 : i32
        %ne3A_319 = arith.cmpi ne, %sign3A_311, %sign3A_318 : i32
        %rem3A_320 = arith.remsi %add3A_302, %jit3A_303 : i32
        %ne3A_321 = arith.constant 0 : i32
        %ne3A_322 = arith.cmpi ne, %rem3A_320, %ne3A_321 : i32
        %and3A_323 = arith.andi %ne3A_319, %ne3A_322 : i1
        %sub3A_324 = arith.constant 1 : i32
        %sub3A_325 = arith.subi %div3A_304, %sub3A_324 : i32
        %select_n3A_326 = arith.select %and3A_323, %sub3A_325, %div3A_304 : i32
        scf.yield %select_n3A_326 : i32
      } else {
        %cond3A_274 = arith.constant 0 : i32
        scf.yield %cond3A_274 : i32
      }
      %add3A_229 = arith.constant 3 : i32
      %add3A_230 = arith.addi %select_n3A_156, %add3A_229 : i32
      %jit3A_231 = arith.constant 4 : i32
      %div3A_232 = arith.divsi %add3A_230, %jit3A_231 : i32
      %sign3A_233 = arith.constant 0 : i32
      %sign3A_234 = arith.cmpi sgt, %add3A_230, %sign3A_233 : i32
      %sign3A_235 = arith.extui %sign3A_234 : i1 to i32
      %sign3A_236 = arith.constant 0 : i32
      %sign3A_237 = arith.cmpi slt, %add3A_230, %sign3A_236 : i32
      %sign3A_238 = arith.extui %sign3A_237 : i1 to i32
      %sign3A_239 = arith.subi %sign3A_235, %sign3A_238 : i32
      %sign3A_240 = arith.constant 0 : i32
      %sign3A_241 = arith.cmpi sgt, %jit3A_231, %sign3A_240 : i32
      %sign3A_242 = arith.extui %sign3A_241 : i1 to i32
      %sign3A_243 = arith.constant 0 : i32
      %sign3A_244 = arith.cmpi slt, %jit3A_231, %sign3A_243 : i32
      %sign3A_245 = arith.extui %sign3A_244 : i1 to i32
      %sign3A_246 = arith.subi %sign3A_242, %sign3A_245 : i32
      %ne3A_247 = arith.cmpi ne, %sign3A_239, %sign3A_246 : i32
      %rem3A_248 = arith.remsi %add3A_230, %jit3A_231 : i32
      %ne3A_249 = arith.constant 0 : i32
      %ne3A_250 = arith.cmpi ne, %rem3A_248, %ne3A_249 : i32
      %and3A_251 = arith.andi %ne3A_247, %ne3A_250 : i1
      %sub3A_252 = arith.constant 1 : i32
      %sub3A_253 = arith.subi %div3A_232, %sub3A_252 : i32
      %select_n3A_254 = arith.select %and3A_251, %sub3A_253, %div3A_232 : i32
      %while3A_255 = arith.constant 0 : i32
      %while3A_256 = arith.constant 0 : i32
      %while3A_257 = arith.subi %select_n3A_254, %while3A_255 : i32
      %while3A_258 = arith.addi %while3A_255, %while3A_257 : i32
      %while3A_259 = arith.constant 1 : i32
      %while3A_260 = arith.divsi %while3A_257, %while3A_259 : i32
      %while3A_261 = arith.muli %while3A_260, %while3A_259 : i32
      %while3A_262 = arith.addi %while3A_255, %while3A_261 : i32
      %while3A_263 = arith.constant 1 : i32
      %while3A_264 = scf.for %while3A_274 = %while3A_255 to %while3A_262 step %while3A_263 iter_args(%while3A_275 = %while3A_256) -> (i32)  : i32 {
        %mul3A_276 = arith.constant 4 : i32
        %mul3A_277 = arith.muli %mul3A_276, %while3A_274 : i32
        %add3A_278 = arith.constant 0 : i32
        %add3A_279 = arith.addi %mul3A_277, %add3A_278 : i32
        %lt3A_280 = arith.cmpi slt, %add3A_279, %select_n3A_156 : i32
        %convert_element_type3A_281 = arith.extui %lt3A_280 : i1 to i32
        %cond3A_282 = arith.constant 0 : i32
        %cond3A_283 = arith.cmpi ne, %convert_element_type3A_281, %cond3A_282 : i32
        scf.if %cond3A_283 {
          %dma_wait3A_309 = arith.constant 0 : i32
          %dma_wait3A_310 = arith.constant 0 : i32
          %dma_wait3A_311 = tpu.memref_slice %arg2[%dma_wait3A_309, %dma_wait3A_310] : memref<100000x32xbf16, #tpu.memory_space<hbm>> -> memref<100000x32xbf16, #tpu.memory_space<hbm>>
          tpu.wait_indirect_dma semaphore(%arg25 : memref<!tpu.dma_semaphore, #tpu.memory_space<semaphore_mem>>) src(%dma_wait3A_311 : memref<100000x32xbf16, #tpu.memory_space<hbm>>) dst(%arg19 : memref<16x32xbf16, #tpu.memory_space<vmem>>)
          %mul3A_312 = arith.constant 16 : i32
          %mul3A_313 = arith.muli %add3A_279, %mul3A_312 : i32
          %get3A = arith.index_cast %mul3A_313 : i32 to index
          %get3A_314 = tpu.vector_load %arg13[%get3A] {strides = array<i32>} : memref<2416xi32, #tpu.memory_space<vmem>>, vector<16xi32>,
          %slice3A = vector.extract_strided_slice %get3A_314 {offsets = [0], sizes = [1], strides = [1]} : vector<16xi32> to vector<1xi32>
          %squeeze3A = vector.extract %slice3A[0] : i32 from vector<1xi32>
          %get3A_315 = arith.constant 0 : i32
          %get3A_316 = arith.index_cast %get3A_315 : i32 to index
          %get3A_317 = arith.constant 0 : index
          %get3A_318 = tpu.vector_load %arg19[%get3A_316, %get3A_317] {strides = array<i32>} : memref<16x32xbf16, #tpu.memory_space<vmem>>, vector<32xbf16>,
          %get3A_319 = arith.index_cast %squeeze3A : i32 to index
          %get3A_320 = arith.constant 0 : index
          %get3A_321 = tpu.vector_load %arg6[%get3A_319, %get3A_320] {strides = array<i32>} : memref<6264x32xbf16, #tpu.memory_space<vmem>>, vector<32xbf16>,
          %min3A = arith.minimumf %get3A_321, %get3A_318 : vector<32xbf16>
          %swap3A_322 = arith.index_cast %squeeze3A : i32 to index
          %swap3A_323 = arith.constant 0 : index
          %swap3A_324 = tpu.vector_load %arg6[%swap3A_322, %swap3A_323] {strides = array<i32>} : memref<6264x32xbf16, #tpu.memory_space<vmem>>, vector<32xbf16>,
          tpu.vector_store %arg6[%swap3A_322, %swap3A_323], %min3A {strides = array<i32>} : memref<6264x32xbf16, #tpu.memory_space<vmem>>, vector<32xbf16>,
          %slice3A_325 = vector.extract_strided_slice %get3A_314 {offsets = [1], sizes = [1], strides = [1]} : vector<16xi32> to vector<1xi32>
          %squeeze3A_326 = vector.extract %slice3A_325[0] : i32 from vector<1xi32>
          %get3A_327 = arith.constant 1 : i32
          %get3A_328 = arith.index_cast %get3A_327 : i32 to index
          %get3A_329 = arith.constant 0 : index
          %get3A_330 = tpu.vector_load %arg19[%get3A_328, %get3A_329] {strides = array<i32>} : memref<16x32xbf16, #tpu.memory_space<vmem>>, vector<32xbf16>,
          %get3A_331 = arith.index_cast %squeeze3A_326 : i32 to index
          %get3A_332 = arith.constant 0 : index
          %get3A_333 = tpu.vector_load %arg6[%get3A_331, %get3A_332] {strides = array<i32>} : memref<6264x32xbf16, #tpu.memory_space<vmem>>, vector<32xbf16>,
          %min3A_334 = arith.minimumf %get3A_333, %get3A_330 : vector<32xbf16>
          %swap3A_335 = arith.index_cast %squeeze3A_326 : i32 to index
          %swap3A_336 = arith.constant 0 : index
          %swap3A_337 = tpu.vector_load %arg6[%swap3A_335, %swap3A_336] {strides = array<i32>} : memref<6264x32xbf16, #tpu.memory_space<vmem>>, vector<32xbf16>,
          tpu.vector_store %arg6[%swap3A_335, %swap3A_336], %min3A_334 {strides = array<i32>} : memref<6264x32xbf16, #tpu.memory_space<vmem>>, vector<32xbf16>,
          %slice3A_338 = vector.extract_strided_slice %get3A_314 {offsets = [2], sizes = [1], strides = [1]} : vector<16xi32> to vector<1xi32>
          %squeeze3A_339 = vector.extract %slice3A_338[0] : i32 from vector<1xi32>
          %get3A_340 = arith.constant 2 : i32
          %get3A_341 = arith.index_cast %get3A_340 : i32 to index
          %get3A_342 = arith.constant 0 : index
          %get3A_343 = tpu.vector_load %arg19[%get3A_341, %get3A_342] {strides = array<i32>} : memref<16x32xbf16, #tpu.memory_space<vmem>>, vector<32xbf16>,
          %get3A_344 = arith.index_cast %squeeze3A_339 : i32 to index
          %get3A_345 = arith.constant 0 : index
          %get3A_346 = tpu.vector_load %arg6[%get3A_344, %get3A_345] {strides = array<i32>} : memref<6264x32xbf16, #tpu.memory_space<vmem>>, vector<32xbf16>,
          %min3A_347 = arith.minimumf %get3A_346, %get3A_343 : vector<32xbf16>
          %swap3A_348 = arith.index_cast %squeeze3A_339 : i32 to index
          %swap3A_349 = arith.constant 0 : index
          %swap3A_350 = tpu.vector_load %arg6[%swap3A_348, %swap3A_349] {strides = array<i32>} : memref<6264x32xbf16, #tpu.memory_space<vmem>>, vector<32xbf16>,
          tpu.vector_store %arg6[%swap3A_348, %swap3A_349], %min3A_347 {strides = array<i32>} : memref<6264x32xbf16, #tpu.memory_space<vmem>>, vector<32xbf16>,
          %slice3A_351 = vector.extract_strided_slice %get3A_314 {offsets = [3], sizes = [1], strides = [1]} : vector<16xi32> to vector<1xi32>
          %squeeze3A_352 = vector.extract %slice3A_351[0] : i32 from vector<1xi32>
          %get3A_353 = arith.constant 3 : i32
          %get3A_354 = arith.index_cast %get3A_353 : i32 to index
          %get3A_355 = arith.constant 0 : index
          %get3A_356 = tpu.vector_load %arg19[%get3A_354, %get3A_355] {strides = array<i32>} : memref<16x32xbf16, #tpu.memory_space<vmem>>, vector<32xbf16>,
          %get3A_357 = arith.index_cast %squeeze3A_352 : i32 to index
          %get3A_358 = arith.constant 0 : index
          %get3A_359 = tpu.vector_load %arg6[%get3A_357, %get3A_358] {strides = array<i32>} : memref<6264x32xbf16, #tpu.memory_space<vmem>>, vector<32xbf16>,
          %min3A_360 = arith.minimumf %get3A_359, %get3A_356 : vector<32xbf16>
          %swap3A_361 = arith.index_cast %squeeze3A_352 : i32 to index
          %swap3A_362 = arith.constant 0 : index
          %swap3A_363 = tpu.vector_load %arg6[%swap3A_361, %swap3A_362] {strides = array<i32>} : memref<6264x32xbf16, #tpu.memory_space<vmem>>, vector<32xbf16>,
          tpu.vector_store %arg6[%swap3A_361, %swap3A_362], %min3A_360 {strides = array<i32>} : memref<6264x32xbf16, #tpu.memory_space<vmem>>, vector<32xbf16>,
          %slice3A_364 = vector.extract_strided_slice %get3A_314 {offsets = [4], sizes = [1], strides = [1]} : vector<16xi32> to vector<1xi32>
          %squeeze3A_365 = vector.extract %slice3A_364[0] : i32 from vector<1xi32>
          %get3A_366 = arith.constant 4 : i32
          %get3A_367 = arith.index_cast %get3A_366 : i32 to index
          %get3A_368 = arith.constant 0 : index
          %get3A_369 = tpu.vector_load %arg19[%get3A_367, %get3A_368] {strides = array<i32>} : memref<16x32xbf16, #tpu.memory_space<vmem>>, vector<32xbf16>,
          %get3A_370 = arith.index_cast %squeeze3A_365 : i32 to index
          %get3A_371 = arith.constant 0 : index
          %get3A_372 = tpu.vector_load %arg6[%get3A_370, %get3A_371] {strides = array<i32>} : memref<6264x32xbf16, #tpu.memory_space<vmem>>, vector<32xbf16>,
          %min3A_373 = arith.minimumf %get3A_372, %get3A_369 : vector<32xbf16>
          %swap3A_374 = arith.index_cast %squeeze3A_365 : i32 to index
          %swap3A_375 = arith.constant 0 : index
          %swap3A_376 = tpu.vector_load %arg6[%swap3A_374, %swap3A_375] {strides = array<i32>} : memref<6264x32xbf16, #tpu.memory_space<vmem>>, vector<32xbf16>,
          tpu.vector_store %arg6[%swap3A_374, %swap3A_375], %min3A_373 {strides = array<i32>} : memref<6264x32xbf16, #tpu.memory_space<vmem>>, vector<32xbf16>,
          %slice3A_377 = vector.extract_strided_slice %get3A_314 {offsets = [5], sizes = [1], strides = [1]} : vector<16xi32> to vector<1xi32>
          %squeeze3A_378 = vector.extract %slice3A_377[0] : i32 from vector<1xi32>
          %get3A_379 = arith.constant 5 : i32
          %get3A_380 = arith.index_cast %get3A_379 : i32 to index
          %get3A_381 = arith.constant 0 : index
          %get3A_382 = tpu.vector_load %arg19[%get3A_380, %get3A_381] {strides = array<i32>} : memref<16x32xbf16, #tpu.memory_space<vmem>>, vector<32xbf16>,
          %get3A_383 = arith.index_cast %squeeze3A_378 : i32 to index
          %get3A_384 = arith.constant 0 : index
          %get3A_385 = tpu.vector_load %arg6[%get3A_383, %get3A_384] {strides = array<i32>} : memref<6264x32xbf16, #tpu.memory_space<vmem>>, vector<32xbf16>,
          %min3A_386 = arith.minimumf %get3A_385, %get3A_382 : vector<32xbf16>
          %swap3A_387 = arith.index_cast %squeeze3A_378 : i32 to index
          %swap3A_388 = arith.constant 0 : index
          %swap3A_389 = tpu.vector_load %arg6[%swap3A_387, %swap3A_388] {strides = array<i32>} : memref<6264x32xbf16, #tpu.memory_space<vmem>>, vector<32xbf16>,
          tpu.vector_store %arg6[%swap3A_387, %swap3A_388], %min3A_386 {strides = array<i32>} : memref<6264x32xbf16, #tpu.memory_space<vmem>>, vector<32xbf16>,
          %slice3A_390 = vector.extract_strided_slice %get3A_314 {offsets = [6], sizes = [1], strides = [1]} : vector<16xi32> to vector<1xi32>
          %squeeze3A_391 = vector.extract %slice3A_390[0] : i32 from vector<1xi32>
          %get3A_392 = arith.constant 6 : i32
          %get3A_393 = arith.index_cast %get3A_392 : i32 to index
          %get3A_394 = arith.constant 0 : index
          %get3A_395 = tpu.vector_load %arg19[%get3A_393, %get3A_394] {strides = array<i32>} : memref<16x32xbf16, #tpu.memory_space<vmem>>, vector<32xbf16>,
          %get3A_396 = arith.index_cast %squeeze3A_391 : i32 to index
          %get3A_397 = arith.constant 0 : index
          %get3A_398 = tpu.vector_load %arg6[%get3A_396, %get3A_397] {strides = array<i32>} : memref<6264x32xbf16, #tpu.memory_space<vmem>>, vector<32xbf16>,
          %min3A_399 = arith.minimumf %get3A_398, %get3A_395 : vector<32xbf16>
          %swap3A_400 = arith.index_cast %squeeze3A_391 : i32 to index
          %swap3A_401 = arith.constant 0 : index
          %swap3A_402 = tpu.vector_load %arg6[%swap3A_400, %swap3A_401] {strides = array<i32>} : memref<6264x32xbf16, #tpu.memory_space<vmem>>, vector<32xbf16>,
          tpu.vector_store %arg6[%swap3A_400, %swap3A_401], %min3A_399 {strides = array<i32>} : memref<6264x32xbf16, #tpu.memory_space<vmem>>, vector<32xbf16>,
          %slice3A_403 = vector.extract_strided_slice %get3A_314 {offsets = [7], sizes = [1], strides = [1]} : vector<16xi32> to vector<1xi32>
          %squeeze3A_404 = vector.extract %slice3A_403[0] : i32 from vector<1xi32>
          %get3A_405 = arith.constant 7 : i32
          %get3A_406 = arith.index_cast %get3A_405 : i32 to index
          %get3A_407 = arith.constant 0 : index
          %get3A_408 = tpu.vector_load %arg19[%get3A_406, %get3A_407] {strides = array<i32>} : memref<16x32xbf16, #tpu.memory_space<vmem>>, vector<32xbf16>,
          %get3A_409 = arith.index_cast %squeeze3A_404 : i32 to index
          %get3A_410 = arith.constant 0 : index
          %get3A_411 = tpu.vector_load %arg6[%get3A_409, %get3A_410] {strides = array<i32>} : memref<6264x32xbf16, #tpu.memory_space<vmem>>, vector<32xbf16>,
          %min3A_412 = arith.minimumf %get3A_411, %get3A_408 : vector<32xbf16>
          %swap3A_413 = arith.index_cast %squeeze3A_404 : i32 to index
          %swap3A_414 = arith.constant 0 : index
          %swap3A_415 = tpu.vector_load %arg6[%swap3A_413, %swap3A_414] {strides = array<i32>} : memref<6264x32xbf16, #tpu.memory_space<vmem>>, vector<32xbf16>,
          tpu.vector_store %arg6[%swap3A_413, %swap3A_414], %min3A_412 {strides = array<i32>} : memref<6264x32xbf16, #tpu.memory_space<vmem>>, vector<32xbf16>,
          %slice3A_416 = vector.extract_strided_slice %get3A_314 {offsets = [8], sizes = [1], strides = [1]} : vector<16xi32> to vector<1xi32>
          %squeeze3A_417 = vector.extract %slice3A_416[0] : i32 from vector<1xi32>
          %get3A_418 = arith.constant 8 : i32
          %get3A_419 = arith.index_cast %get3A_418 : i32 to index
          %get3A_420 = arith.constant 0 : index
          %get3A_421 = tpu.vector_load %arg19[%get3A_419, %get3A_420] {strides = array<i32>} : memref<16x32xbf16, #tpu.memory_space<vmem>>, vector<32xbf16>,
          %get3A_422 = arith.index_cast %squeeze3A_417 : i32 to index
          %get3A_423 = arith.constant 0 : index
          %get3A_424 = tpu.vector_load %arg6[%get3A_422, %get3A_423] {strides = array<i32>} : memref<6264x32xbf16, #tpu.memory_space<vmem>>, vector<32xbf16>,
          %min3A_425 = arith.minimumf %get3A_424, %get3A_421 : vector<32xbf16>
          %swap3A_426 = arith.index_cast %squeeze3A_417 : i32 to index
          %swap3A_427 = arith.constant 0 : index
          %swap3A_428 = tpu.vector_load %arg6[%swap3A_426, %swap3A_427] {strides = array<i32>} : memref<6264x32xbf16, #tpu.memory_space<vmem>>, vector<32xbf16>,
          tpu.vector_store %arg6[%swap3A_426, %swap3A_427], %min3A_425 {strides = array<i32>} : memref<6264x32xbf16, #tpu.memory_space<vmem>>, vector<32xbf16>,
          %slice3A_429 = vector.extract_strided_slice %get3A_314 {offsets = [9], sizes = [1], strides = [1]} : vector<16xi32> to vector<1xi32>
          %squeeze3A_430 = vector.extract %slice3A_429[0] : i32 from vector<1xi32>
          %get3A_431 = arith.constant 9 : i32
          %get3A_432 = arith.index_cast %get3A_431 : i32 to index
          %get3A_433 = arith.constant 0 : index
          %get3A_434 = tpu.vector_load %arg19[%get3A_432, %get3A_433] {strides = array<i32>} : memref<16x32xbf16, #tpu.memory_space<vmem>>, vector<32xbf16>,
          %get3A_435 = arith.index_cast %squeeze3A_430 : i32 to index
          %get3A_436 = arith.constant 0 : index
          %get3A_437 = tpu.vector_load %arg6[%get3A_435, %get3A_436] {strides = array<i32>} : memref<6264x32xbf16, #tpu.memory_space<vmem>>, vector<32xbf16>,
          %min3A_438 = arith.minimumf %get3A_437, %get3A_434 : vector<32xbf16>
          %swap3A_439 = arith.index_cast %squeeze3A_430 : i32 to index
          %swap3A_440 = arith.constant 0 : index
          %swap3A_441 = tpu.vector_load %arg6[%swap3A_439, %swap3A_440] {strides = array<i32>} : memref<6264x32xbf16, #tpu.memory_space<vmem>>, vector<32xbf16>,
          tpu.vector_store %arg6[%swap3A_439, %swap3A_440], %min3A_438 {strides = array<i32>} : memref<6264x32xbf16, #tpu.memory_space<vmem>>, vector<32xbf16>,
          %slice3A_442 = vector.extract_strided_slice %get3A_314 {offsets = [10], sizes = [1], strides = [1]} : vector<16xi32> to vector<1xi32>
          %squeeze3A_443 = vector.extract %slice3A_442[0] : i32 from vector<1xi32>
          %get3A_444 = arith.constant 10 : i32
          %get3A_445 = arith.index_cast %get3A_444 : i32 to index
          %get3A_446 = arith.constant 0 : index
          %get3A_447 = tpu.vector_load %arg19[%get3A_445, %get3A_446] {strides = array<i32>} : memref<16x32xbf16, #tpu.memory_space<vmem>>, vector<32xbf16>,
          %get3A_448 = arith.index_cast %squeeze3A_443 : i32 to index
          %get3A_449 = arith.constant 0 : index
          %get3A_450 = tpu.vector_load %arg6[%get3A_448, %get3A_449] {strides = array<i32>} : memref<6264x32xbf16, #tpu.memory_space<vmem>>, vector<32xbf16>,
          %min3A_451 = arith.minimumf %get3A_450, %get3A_447 : vector<32xbf16>
          %swap3A_452 = arith.index_cast %squeeze3A_443 : i32 to index
          %swap3A_453 = arith.constant 0 : index
          %swap3A_454 = tpu.vector_load %arg6[%swap3A_452, %swap3A_453] {strides = array<i32>} : memref<6264x32xbf16, #tpu.memory_space<vmem>>, vector<32xbf16>,
          tpu.vector_store %arg6[%swap3A_452, %swap3A_453], %min3A_451 {strides = array<i32>} : memref<6264x32xbf16, #tpu.memory_space<vmem>>, vector<32xbf16>,
          %slice3A_455 = vector.extract_strided_slice %get3A_314 {offsets = [11], sizes = [1], strides = [1]} : vector<16xi32> to vector<1xi32>
          %squeeze3A_456 = vector.extract %slice3A_455[0] : i32 from vector<1xi32>
          %get3A_457 = arith.constant 11 : i32
          %get3A_458 = arith.index_cast %get3A_457 : i32 to index
          %get3A_459 = arith.constant 0 : index
          %get3A_460 = tpu.vector_load %arg19[%get3A_458, %get3A_459] {strides = array<i32>} : memref<16x32xbf16, #tpu.memory_space<vmem>>, vector<32xbf16>,
          %get3A_461 = arith.index_cast %squeeze3A_456 : i32 to index
          %get3A_462 = arith.constant 0 : index
          %get3A_463 = tpu.vector_load %arg6[%get3A_461, %get3A_462] {strides = array<i32>} : memref<6264x32xbf16, #tpu.memory_space<vmem>>, vector<32xbf16>,
          %min3A_464 = arith.minimumf %get3A_463, %get3A_460 : vector<32xbf16>
          %swap3A_465 = arith.index_cast %squeeze3A_456 : i32 to index
          %swap3A_466 = arith.constant 0 : index
          %swap3A_467 = tpu.vector_load %arg6[%swap3A_465, %swap3A_466] {strides = array<i32>} : memref<6264x32xbf16, #tpu.memory_space<vmem>>, vector<32xbf16>,
          tpu.vector_store %arg6[%swap3A_465, %swap3A_466], %min3A_464 {strides = array<i32>} : memref<6264x32xbf16, #tpu.memory_space<vmem>>, vector<32xbf16>,
          %slice3A_468 = vector.extract_strided_slice %get3A_314 {offsets = [12], sizes = [1], strides = [1]} : vector<16xi32> to vector<1xi32>
          %squeeze3A_469 = vector.extract %slice3A_468[0] : i32 from vector<1xi32>
          %get3A_470 = arith.constant 12 : i32
          %get3A_471 = arith.index_cast %get3A_470 : i32 to index
          %get3A_472 = arith.constant 0 : index
          %get3A_473 = tpu.vector_load %arg19[%get3A_471, %get3A_472] {strides = array<i32>} : memref<16x32xbf16, #tpu.memory_space<vmem>>, vector<32xbf16>,
          %get3A_474 = arith.index_cast %squeeze3A_469 : i32 to index
          %get3A_475 = arith.constant 0 : index
          %get3A_476 = tpu.vector_load %arg6[%get3A_474, %get3A_475] {strides = array<i32>} : memref<6264x32xbf16, #tpu.memory_space<vmem>>, vector<32xbf16>,
          %min3A_477 = arith.minimumf %get3A_476, %get3A_473 : vector<32xbf16>
          %swap3A_478 = arith.index_cast %squeeze3A_469 : i32 to index
          %swap3A_479 = arith.constant 0 : index
          %swap3A_480 = tpu.vector_load %arg6[%swap3A_478, %swap3A_479] {strides = array<i32>} : memref<6264x32xbf16, #tpu.memory_space<vmem>>, vector<32xbf16>,
          tpu.vector_store %arg6[%swap3A_478, %swap3A_479], %min3A_477 {strides = array<i32>} : memref<6264x32xbf16, #tpu.memory_space<vmem>>, vector<32xbf16>,
          %slice3A_481 = vector.extract_strided_slice %get3A_314 {offsets = [13], sizes = [1], strides = [1]} : vector<16xi32> to vector<1xi32>
          %squeeze3A_482 = vector.extract %slice3A_481[0] : i32 from vector<1xi32>
          %get3A_483 = arith.constant 13 : i32
          %get3A_484 = arith.index_cast %get3A_483 : i32 to index
          %get3A_485 = arith.constant 0 : index
          %get3A_486 = tpu.vector_load %arg19[%get3A_484, %get3A_485] {strides = array<i32>} : memref<16x32xbf16, #tpu.memory_space<vmem>>, vector<32xbf16>,
          %get3A_487 = arith.index_cast %squeeze3A_482 : i32 to index
          %get3A_488 = arith.constant 0 : index
          %get3A_489 = tpu.vector_load %arg6[%get3A_487, %get3A_488] {strides = array<i32>} : memref<6264x32xbf16, #tpu.memory_space<vmem>>, vector<32xbf16>,
          %min3A_490 = arith.minimumf %get3A_489, %get3A_486 : vector<32xbf16>
          %swap3A_491 = arith.index_cast %squeeze3A_482 : i32 to index
          %swap3A_492 = arith.constant 0 : index
          %swap3A_493 = tpu.vector_load %arg6[%swap3A_491, %swap3A_492] {strides = array<i32>} : memref<6264x32xbf16, #tpu.memory_space<vmem>>, vector<32xbf16>,
          tpu.vector_store %arg6[%swap3A_491, %swap3A_492], %min3A_490 {strides = array<i32>} : memref<6264x32xbf16, #tpu.memory_space<vmem>>, vector<32xbf16>,
          %slice3A_494 = vector.extract_strided_slice %get3A_314 {offsets = [14], sizes = [1], strides = [1]} : vector<16xi32> to vector<1xi32>
          %squeeze3A_495 = vector.extract %slice3A_494[0] : i32 from vector<1xi32>
          %get3A_496 = arith.constant 14 : i32
          %get3A_497 = arith.index_cast %get3A_496 : i32 to index
          %get3A_498 = arith.constant 0 : index
          %get3A_499 = tpu.vector_load %arg19[%get3A_497, %get3A_498] {strides = array<i32>} : memref<16x32xbf16, #tpu.memory_space<vmem>>, vector<32xbf16>,
          %get3A_500 = arith.index_cast %squeeze3A_495 : i32 to index
          %get3A_501 = arith.constant 0 : index
          %get3A_502 = tpu.vector_load %arg6[%get3A_500, %get3A_501] {strides = array<i32>} : memref<6264x32xbf16, #tpu.memory_space<vmem>>, vector<32xbf16>,
          %min3A_503 = arith.minimumf %get3A_502, %get3A_499 : vector<32xbf16>
          %swap3A_504 = arith.index_cast %squeeze3A_495 : i32 to index
          %swap3A_505 = arith.constant 0 : index
          %swap3A_506 = tpu.vector_load %arg6[%swap3A_504, %swap3A_505] {strides = array<i32>} : memref<6264x32xbf16, #tpu.memory_space<vmem>>, vector<32xbf16>,
          tpu.vector_store %arg6[%swap3A_504, %swap3A_505], %min3A_503 {strides = array<i32>} : memref<6264x32xbf16, #tpu.memory_space<vmem>>, vector<32xbf16>,
          %slice3A_507 = vector.extract_strided_slice %get3A_314 {offsets = [15], sizes = [1], strides = [1]} : vector<16xi32> to vector<1xi32>
          %squeeze3A_508 = vector.extract %slice3A_507[0] : i32 from vector<1xi32>
          %get3A_509 = arith.constant 15 : i32
          %get3A_510 = arith.index_cast %get3A_509 : i32 to index
          %get3A_511 = arith.constant 0 : index
          %get3A_512 = tpu.vector_load %arg19[%get3A_510, %get3A_511] {strides = array<i32>} : memref<16x32xbf16, #tpu.memory_space<vmem>>, vector<32xbf16>,
          %get3A_513 = arith.index_cast %squeeze3A_508 : i32 to index
          %get3A_514 = arith.constant 0 : index
          %get3A_515 = tpu.vector_load %arg6[%get3A_513, %get3A_514] {strides = array<i32>} : memref<6264x32xbf16, #tpu.memory_space<vmem>>, vector<32xbf16>,
          %min3A_516 = arith.minimumf %get3A_515, %get3A_512 : vector<32xbf16>
          %swap3A_517 = arith.index_cast %squeeze3A_508 : i32 to index
          %swap3A_518 = arith.constant 0 : index
          %swap3A_519 = tpu.vector_load %arg6[%swap3A_517, %swap3A_518] {strides = array<i32>} : memref<6264x32xbf16, #tpu.memory_space<vmem>>, vector<32xbf16>,
          tpu.vector_store %arg6[%swap3A_517, %swap3A_518], %min3A_516 {strides = array<i32>} : memref<6264x32xbf16, #tpu.memory_space<vmem>>, vector<32xbf16>,
          %add3A_520 = arith.constant 4 : i32
          %add3A_521 = arith.addi %add3A_279, %add3A_520 : i32
          %lt3A_522 = arith.cmpi slt, %add3A_521, %select_n3A_156 : i32
          %convert_element_type3A_523 = arith.extui %lt3A_522 : i1 to i32
          %cond3A_524 = arith.constant 0 : i32
          %cond3A_525 = arith.cmpi ne, %convert_element_type3A_523, %cond3A_524 : i32
          scf.if %cond3A_525 {
            %add3A_526 = arith.constant 4 : i32
            %add3A_527 = arith.addi %add3A_279, %add3A_526 : i32
            %mul3A_528 = arith.constant 16 : i32
            %mul3A_529 = arith.muli %add3A_527, %mul3A_528 : i32
            %get3A_530 = arith.index_cast %mul3A_529 : i32 to index
            %get3A_531 = tpu.vector_load %arg14[%get3A_530] {strides = array<i32>} : memref<2416xi32, #tpu.memory_space<vmem>>, vector<16xi32>,
            %swap3A_532 = arith.constant 0 : index
            %swap3A_533 = tpu.vector_load %arg15[%swap3A_532] {strides = array<i32>} : memref<16xi32, #tpu.memory_space<vmem>>, vector<16xi32>,
            tpu.vector_store %arg15[%swap3A_532], %get3A_531 {strides = array<i32>} : memref<16xi32, #tpu.memory_space<vmem>>, vector<16xi32>,
            %dma_start3A_534 = arith.constant 0 : i32
            %dma_start3A_535 = arith.constant 0 : i32
            %dma_start3A_536 = tpu.memref_slice %arg2[%dma_start3A_534, %dma_start3A_535] : memref<100000x32xbf16, #tpu.memory_space<hbm>> -> memref<100000x32xbf16, #tpu.memory_space<hbm>>
            tpu.enqueue_indirect_dma source(%dma_start3A_536 : memref<100000x32xbf16, #tpu.memory_space<hbm>>) target(%arg19 : memref<16x32xbf16, #tpu.memory_space<vmem>>) offsets(%arg15 : memref<16xi32, #tpu.memory_space<vmem>>) semaphore(%arg25 : memref<!tpu.dma_semaphore, #tpu.memory_space<semaphore_mem>>)
          } else {
          }
        } else {
        }
        %mul3A_284 = arith.constant 4 : i32
        %mul3A_285 = arith.muli %mul3A_284, %while3A_274 : i32
        %add3A_286 = arith.constant 1 : i32
        %add3A_287 = arith.addi %mul3A_285, %add3A_286 : i32
        %lt3A_288 = arith.cmpi slt, %add3A_287, %select_n3A_156 : i32
        %convert_element_type3A_289 = arith.extui %lt3A_288 : i1 to i32
        %cond3A_290 = arith.constant 0 : i32
        %cond3A_291 = arith.cmpi ne, %convert_element_type3A_289, %cond3A_290 : i32
        scf.if %cond3A_291 {
          %dma_wait3A_309 = arith.constant 0 : i32
          %dma_wait3A_310 = arith.constant 0 : i32
          %dma_wait3A_311 = tpu.memref_slice %arg2[%dma_wait3A_309, %dma_wait3A_310] : memref<100000x32xbf16, #tpu.memory_space<hbm>> -> memref<100000x32xbf16, #tpu.memory_space<hbm>>
          tpu.wait_indirect_dma semaphore(%arg26 : memref<!tpu.dma_semaphore, #tpu.memory_space<semaphore_mem>>) src(%dma_wait3A_311 : memref<100000x32xbf16, #tpu.memory_space<hbm>>) dst(%arg20 : memref<16x32xbf16, #tpu.memory_space<vmem>>)
          %mul3A_312 = arith.constant 16 : i32
          %mul3A_313 = arith.muli %add3A_287, %mul3A_312 : i32
          %get3A = arith.index_cast %mul3A_313 : i32 to index
          %get3A_314 = tpu.vector_load %arg13[%get3A] {strides = array<i32>} : memref<2416xi32, #tpu.memory_space<vmem>>, vector<16xi32>,
          %slice3A = vector.extract_strided_slice %get3A_314 {offsets = [0], sizes = [1], strides = [1]} : vector<16xi32> to vector<1xi32>
          %squeeze3A = vector.extract %slice3A[0] : i32 from vector<1xi32>
          %get3A_315 = arith.constant 0 : i32
          %get3A_316 = arith.index_cast %get3A_315 : i32 to index
          %get3A_317 = arith.constant 0 : index
          %get3A_318 = tpu.vector_load %arg20[%get3A_316, %get3A_317] {strides = array<i32>} : memref<16x32xbf16, #tpu.memory_space<vmem>>, vector<32xbf16>,
          %get3A_319 = arith.index_cast %squeeze3A : i32 to index
          %get3A_320 = arith.constant 0 : index
          %get3A_321 = tpu.vector_load %arg6[%get3A_319, %get3A_320] {strides = array<i32>} : memref<6264x32xbf16, #tpu.memory_space<vmem>>, vector<32xbf16>,
          %min3A = arith.minimumf %get3A_321, %get3A_318 : vector<32xbf16>
          %swap3A_322 = arith.index_cast %squeeze3A : i32 to index
          %swap3A_323 = arith.constant 0 : index
          %swap3A_324 = tpu.vector_load %arg6[%swap3A_322, %swap3A_323] {strides = array<i32>} : memref<6264x32xbf16, #tpu.memory_space<vmem>>, vector<32xbf16>,
          tpu.vector_store %arg6[%swap3A_322, %swap3A_323], %min3A {strides = array<i32>} : memref<6264x32xbf16, #tpu.memory_space<vmem>>, vector<32xbf16>,
          %slice3A_325 = vector.extract_strided_slice %get3A_314 {offsets = [1], sizes = [1], strides = [1]} : vector<16xi32> to vector<1xi32>
          %squeeze3A_326 = vector.extract %slice3A_325[0] : i32 from vector<1xi32>
          %get3A_327 = arith.constant 1 : i32
          %get3A_328 = arith.index_cast %get3A_327 : i32 to index
          %get3A_329 = arith.constant 0 : index
          %get3A_330 = tpu.vector_load %arg20[%get3A_328, %get3A_329] {strides = array<i32>} : memref<16x32xbf16, #tpu.memory_space<vmem>>, vector<32xbf16>,
          %get3A_331 = arith.index_cast %squeeze3A_326 : i32 to index
          %get3A_332 = arith.constant 0 : index
          %get3A_333 = tpu.vector_load %arg6[%get3A_331, %get3A_332] {strides = array<i32>} : memref<6264x32xbf16, #tpu.memory_space<vmem>>, vector<32xbf16>,
          %min3A_334 = arith.minimumf %get3A_333, %get3A_330 : vector<32xbf16>
          %swap3A_335 = arith.index_cast %squeeze3A_326 : i32 to index
          %swap3A_336 = arith.constant 0 : index
          %swap3A_337 = tpu.vector_load %arg6[%swap3A_335, %swap3A_336] {strides = array<i32>} : memref<6264x32xbf16, #tpu.memory_space<vmem>>, vector<32xbf16>,
          tpu.vector_store %arg6[%swap3A_335, %swap3A_336], %min3A_334 {strides = array<i32>} : memref<6264x32xbf16, #tpu.memory_space<vmem>>, vector<32xbf16>,
          %slice3A_338 = vector.extract_strided_slice %get3A_314 {offsets = [2], sizes = [1], strides = [1]} : vector<16xi32> to vector<1xi32>
          %squeeze3A_339 = vector.extract %slice3A_338[0] : i32 from vector<1xi32>
          %get3A_340 = arith.constant 2 : i32
          %get3A_341 = arith.index_cast %get3A_340 : i32 to index
          %get3A_342 = arith.constant 0 : index
          %get3A_343 = tpu.vector_load %arg20[%get3A_341, %get3A_342] {strides = array<i32>} : memref<16x32xbf16, #tpu.memory_space<vmem>>, vector<32xbf16>,
          %get3A_344 = arith.index_cast %squeeze3A_339 : i32 to index
          %get3A_345 = arith.constant 0 : index
          %get3A_346 = tpu.vector_load %arg6[%get3A_344, %get3A_345] {strides = array<i32>} : memref<6264x32xbf16, #tpu.memory_space<vmem>>, vector<32xbf16>,
          %min3A_347 = arith.minimumf %get3A_346, %get3A_343 : vector<32xbf16>
          %swap3A_348 = arith.index_cast %squeeze3A_339 : i32 to index
          %swap3A_349 = arith.constant 0 : index
          %swap3A_350 = tpu.vector_load %arg6[%swap3A_348, %swap3A_349] {strides = array<i32>} : memref<6264x32xbf16, #tpu.memory_space<vmem>>, vector<32xbf16>,
          tpu.vector_store %arg6[%swap3A_348, %swap3A_349], %min3A_347 {strides = array<i32>} : memref<6264x32xbf16, #tpu.memory_space<vmem>>, vector<32xbf16>,
          %slice3A_351 = vector.extract_strided_slice %get3A_314 {offsets = [3], sizes = [1], strides = [1]} : vector<16xi32> to vector<1xi32>
          %squeeze3A_352 = vector.extract %slice3A_351[0] : i32 from vector<1xi32>
          %get3A_353 = arith.constant 3 : i32
          %get3A_354 = arith.index_cast %get3A_353 : i32 to index
          %get3A_355 = arith.constant 0 : index
          %get3A_356 = tpu.vector_load %arg20[%get3A_354, %get3A_355] {strides = array<i32>} : memref<16x32xbf16, #tpu.memory_space<vmem>>, vector<32xbf16>,
          %get3A_357 = arith.index_cast %squeeze3A_352 : i32 to index
          %get3A_358 = arith.constant 0 : index
          %get3A_359 = tpu.vector_load %arg6[%get3A_357, %get3A_358] {strides = array<i32>} : memref<6264x32xbf16, #tpu.memory_space<vmem>>, vector<32xbf16>,
          %min3A_360 = arith.minimumf %get3A_359, %get3A_356 : vector<32xbf16>
          %swap3A_361 = arith.index_cast %squeeze3A_352 : i32 to index
          %swap3A_362 = arith.constant 0 : index
          %swap3A_363 = tpu.vector_load %arg6[%swap3A_361, %swap3A_362] {strides = array<i32>} : memref<6264x32xbf16, #tpu.memory_space<vmem>>, vector<32xbf16>,
          tpu.vector_store %arg6[%swap3A_361, %swap3A_362], %min3A_360 {strides = array<i32>} : memref<6264x32xbf16, #tpu.memory_space<vmem>>, vector<32xbf16>,
          %slice3A_364 = vector.extract_strided_slice %get3A_314 {offsets = [4], sizes = [1], strides = [1]} : vector<16xi32> to vector<1xi32>
          %squeeze3A_365 = vector.extract %slice3A_364[0] : i32 from vector<1xi32>
          %get3A_366 = arith.constant 4 : i32
          %get3A_367 = arith.index_cast %get3A_366 : i32 to index
          %get3A_368 = arith.constant 0 : index
          %get3A_369 = tpu.vector_load %arg20[%get3A_367, %get3A_368] {strides = array<i32>} : memref<16x32xbf16, #tpu.memory_space<vmem>>, vector<32xbf16>,
          %get3A_370 = arith.index_cast %squeeze3A_365 : i32 to index
          %get3A_371 = arith.constant 0 : index
          %get3A_372 = tpu.vector_load %arg6[%get3A_370, %get3A_371] {strides = array<i32>} : memref<6264x32xbf16, #tpu.memory_space<vmem>>, vector<32xbf16>,
          %min3A_373 = arith.minimumf %get3A_372, %get3A_369 : vector<32xbf16>
          %swap3A_374 = arith.index_cast %squeeze3A_365 : i32 to index
          %swap3A_375 = arith.constant 0 : index
          %swap3A_376 = tpu.vector_load %arg6[%swap3A_374, %swap3A_375] {strides = array<i32>} : memref<6264x32xbf16, #tpu.memory_space<vmem>>, vector<32xbf16>,
          tpu.vector_store %arg6[%swap3A_374, %swap3A_375], %min3A_373 {strides = array<i32>} : memref<6264x32xbf16, #tpu.memory_space<vmem>>, vector<32xbf16>,
          %slice3A_377 = vector.extract_strided_slice %get3A_314 {offsets = [5], sizes = [1], strides = [1]} : vector<16xi32> to vector<1xi32>
          %squeeze3A_378 = vector.extract %slice3A_377[0] : i32 from vector<1xi32>
          %get3A_379 = arith.constant 5 : i32
          %get3A_380 = arith.index_cast %get3A_379 : i32 to index
          %get3A_381 = arith.constant 0 : index
          %get3A_382 = tpu.vector_load %arg20[%get3A_380, %get3A_381] {strides = array<i32>} : memref<16x32xbf16, #tpu.memory_space<vmem>>, vector<32xbf16>,
          %get3A_383 = arith.index_cast %squeeze3A_378 : i32 to index
          %get3A_384 = arith.constant 0 : index
          %get3A_385 = tpu.vector_load %arg6[%get3A_383, %get3A_384] {strides = array<i32>} : memref<6264x32xbf16, #tpu.memory_space<vmem>>, vector<32xbf16>,
          %min3A_386 = arith.minimumf %get3A_385, %get3A_382 : vector<32xbf16>
          %swap3A_387 = arith.index_cast %squeeze3A_378 : i32 to index
          %swap3A_388 = arith.constant 0 : index
          %swap3A_389 = tpu.vector_load %arg6[%swap3A_387, %swap3A_388] {strides = array<i32>} : memref<6264x32xbf16, #tpu.memory_space<vmem>>, vector<32xbf16>,
          tpu.vector_store %arg6[%swap3A_387, %swap3A_388], %min3A_386 {strides = array<i32>} : memref<6264x32xbf16, #tpu.memory_space<vmem>>, vector<32xbf16>,
          %slice3A_390 = vector.extract_strided_slice %get3A_314 {offsets = [6], sizes = [1], strides = [1]} : vector<16xi32> to vector<1xi32>
          %squeeze3A_391 = vector.extract %slice3A_390[0] : i32 from vector<1xi32>
          %get3A_392 = arith.constant 6 : i32
          %get3A_393 = arith.index_cast %get3A_392 : i32 to index
          %get3A_394 = arith.constant 0 : index
          %get3A_395 = tpu.vector_load %arg20[%get3A_393, %get3A_394] {strides = array<i32>} : memref<16x32xbf16, #tpu.memory_space<vmem>>, vector<32xbf16>,
          %get3A_396 = arith.index_cast %squeeze3A_391 : i32 to index
          %get3A_397 = arith.constant 0 : index
          %get3A_398 = tpu.vector_load %arg6[%get3A_396, %get3A_397] {strides = array<i32>} : memref<6264x32xbf16, #tpu.memory_space<vmem>>, vector<32xbf16>,
          %min3A_399 = arith.minimumf %get3A_398, %get3A_395 : vector<32xbf16>
          %swap3A_400 = arith.index_cast %squeeze3A_391 : i32 to index
          %swap3A_401 = arith.constant 0 : index
          %swap3A_402 = tpu.vector_load %arg6[%swap3A_400, %swap3A_401] {strides = array<i32>} : memref<6264x32xbf16, #tpu.memory_space<vmem>>, vector<32xbf16>,
          tpu.vector_store %arg6[%swap3A_400, %swap3A_401], %min3A_399 {strides = array<i32>} : memref<6264x32xbf16, #tpu.memory_space<vmem>>, vector<32xbf16>,
          %slice3A_403 = vector.extract_strided_slice %get3A_314 {offsets = [7], sizes = [1], strides = [1]} : vector<16xi32> to vector<1xi32>
          %squeeze3A_404 = vector.extract %slice3A_403[0] : i32 from vector<1xi32>
          %get3A_405 = arith.constant 7 : i32
          %get3A_406 = arith.index_cast %get3A_405 : i32 to index
          %get3A_407 = arith.constant 0 : index
          %get3A_408 = tpu.vector_load %arg20[%get3A_406, %get3A_407] {strides = array<i32>} : memref<16x32xbf16, #tpu.memory_space<vmem>>, vector<32xbf16>,
          %get3A_409 = arith.index_cast %squeeze3A_404 : i32 to index
          %get3A_410 = arith.constant 0 : index
          %get3A_411 = tpu.vector_load %arg6[%get3A_409, %get3A_410] {strides = array<i32>} : memref<6264x32xbf16, #tpu.memory_space<vmem>>, vector<32xbf16>,
          %min3A_412 = arith.minimumf %get3A_411, %get3A_408 : vector<32xbf16>
          %swap3A_413 = arith.index_cast %squeeze3A_404 : i32 to index
          %swap3A_414 = arith.constant 0 : index
          %swap3A_415 = tpu.vector_load %arg6[%swap3A_413, %swap3A_414] {strides = array<i32>} : memref<6264x32xbf16, #tpu.memory_space<vmem>>, vector<32xbf16>,
          tpu.vector_store %arg6[%swap3A_413, %swap3A_414], %min3A_412 {strides = array<i32>} : memref<6264x32xbf16, #tpu.memory_space<vmem>>, vector<32xbf16>,
          %slice3A_416 = vector.extract_strided_slice %get3A_314 {offsets = [8], sizes = [1], strides = [1]} : vector<16xi32> to vector<1xi32>
          %squeeze3A_417 = vector.extract %slice3A_416[0] : i32 from vector<1xi32>
          %get3A_418 = arith.constant 8 : i32
          %get3A_419 = arith.index_cast %get3A_418 : i32 to index
          %get3A_420 = arith.constant 0 : index
          %get3A_421 = tpu.vector_load %arg20[%get3A_419, %get3A_420] {strides = array<i32>} : memref<16x32xbf16, #tpu.memory_space<vmem>>, vector<32xbf16>,
          %get3A_422 = arith.index_cast %squeeze3A_417 : i32 to index
          %get3A_423 = arith.constant 0 : index
          %get3A_424 = tpu.vector_load %arg6[%get3A_422, %get3A_423] {strides = array<i32>} : memref<6264x32xbf16, #tpu.memory_space<vmem>>, vector<32xbf16>,
          %min3A_425 = arith.minimumf %get3A_424, %get3A_421 : vector<32xbf16>
          %swap3A_426 = arith.index_cast %squeeze3A_417 : i32 to index
          %swap3A_427 = arith.constant 0 : index
          %swap3A_428 = tpu.vector_load %arg6[%swap3A_426, %swap3A_427] {strides = array<i32>} : memref<6264x32xbf16, #tpu.memory_space<vmem>>, vector<32xbf16>,
          tpu.vector_store %arg6[%swap3A_426, %swap3A_427], %min3A_425 {strides = array<i32>} : memref<6264x32xbf16, #tpu.memory_space<vmem>>, vector<32xbf16>,
          %slice3A_429 = vector.extract_strided_slice %get3A_314 {offsets = [9], sizes = [1], strides = [1]} : vector<16xi32> to vector<1xi32>
          %squeeze3A_430 = vector.extract %slice3A_429[0] : i32 from vector<1xi32>
          %get3A_431 = arith.constant 9 : i32
          %get3A_432 = arith.index_cast %get3A_431 : i32 to index
          %get3A_433 = arith.constant 0 : index
          %get3A_434 = tpu.vector_load %arg20[%get3A_432, %get3A_433] {strides = array<i32>} : memref<16x32xbf16, #tpu.memory_space<vmem>>, vector<32xbf16>,
          %get3A_435 = arith.index_cast %squeeze3A_430 : i32 to index
          %get3A_436 = arith.constant 0 : index
          %get3A_437 = tpu.vector_load %arg6[%get3A_435, %get3A_436] {strides = array<i32>} : memref<6264x32xbf16, #tpu.memory_space<vmem>>, vector<32xbf16>,
          %min3A_438 = arith.minimumf %get3A_437, %get3A_434 : vector<32xbf16>
          %swap3A_439 = arith.index_cast %squeeze3A_430 : i32 to index
          %swap3A_440 = arith.constant 0 : index
          %swap3A_441 = tpu.vector_load %arg6[%swap3A_439, %swap3A_440] {strides = array<i32>} : memref<6264x32xbf16, #tpu.memory_space<vmem>>, vector<32xbf16>,
          tpu.vector_store %arg6[%swap3A_439, %swap3A_440], %min3A_438 {strides = array<i32>} : memref<6264x32xbf16, #tpu.memory_space<vmem>>, vector<32xbf16>,
          %slice3A_442 = vector.extract_strided_slice %get3A_314 {offsets = [10], sizes = [1], strides = [1]} : vector<16xi32> to vector<1xi32>
          %squeeze3A_443 = vector.extract %slice3A_442[0] : i32 from vector<1xi32>
          %get3A_444 = arith.constant 10 : i32
          %get3A_445 = arith.index_cast %get3A_444 : i32 to index
          %get3A_446 = arith.constant 0 : index
          %get3A_447 = tpu.vector_load %arg20[%get3A_445, %get3A_446] {strides = array<i32>} : memref<16x32xbf16, #tpu.memory_space<vmem>>, vector<32xbf16>,
          %get3A_448 = arith.index_cast %squeeze3A_443 : i32 to index
          %get3A_449 = arith.constant 0 : index
          %get3A_450 = tpu.vector_load %arg6[%get3A_448, %get3A_449] {strides = array<i32>} : memref<6264x32xbf16, #tpu.memory_space<vmem>>, vector<32xbf16>,
          %min3A_451 = arith.minimumf %get3A_450, %get3A_447 : vector<32xbf16>
          %swap3A_452 = arith.index_cast %squeeze3A_443 : i32 to index
          %swap3A_453 = arith.constant 0 : index
          %swap3A_454 = tpu.vector_load %arg6[%swap3A_452, %swap3A_453] {strides = array<i32>} : memref<6264x32xbf16, #tpu.memory_space<vmem>>, vector<32xbf16>,
          tpu.vector_store %arg6[%swap3A_452, %swap3A_453], %min3A_451 {strides = array<i32>} : memref<6264x32xbf16, #tpu.memory_space<vmem>>, vector<32xbf16>,
          %slice3A_455 = vector.extract_strided_slice %get3A_314 {offsets = [11], sizes = [1], strides = [1]} : vector<16xi32> to vector<1xi32>
          %squeeze3A_456 = vector.extract %slice3A_455[0] : i32 from vector<1xi32>
          %get3A_457 = arith.constant 11 : i32
          %get3A_458 = arith.index_cast %get3A_457 : i32 to index
          %get3A_459 = arith.constant 0 : index
          %get3A_460 = tpu.vector_load %arg20[%get3A_458, %get3A_459] {strides = array<i32>} : memref<16x32xbf16, #tpu.memory_space<vmem>>, vector<32xbf16>,
          %get3A_461 = arith.index_cast %squeeze3A_456 : i32 to index
          %get3A_462 = arith.constant 0 : index
          %get3A_463 = tpu.vector_load %arg6[%get3A_461, %get3A_462] {strides = array<i32>} : memref<6264x32xbf16, #tpu.memory_space<vmem>>, vector<32xbf16>,
          %min3A_464 = arith.minimumf %get3A_463, %get3A_460 : vector<32xbf16>
          %swap3A_465 = arith.index_cast %squeeze3A_456 : i32 to index
          %swap3A_466 = arith.constant 0 : index
          %swap3A_467 = tpu.vector_load %arg6[%swap3A_465, %swap3A_466] {strides = array<i32>} : memref<6264x32xbf16, #tpu.memory_space<vmem>>, vector<32xbf16>,
          tpu.vector_store %arg6[%swap3A_465, %swap3A_466], %min3A_464 {strides = array<i32>} : memref<6264x32xbf16, #tpu.memory_space<vmem>>, vector<32xbf16>,
          %slice3A_468 = vector.extract_strided_slice %get3A_314 {offsets = [12], sizes = [1], strides = [1]} : vector<16xi32> to vector<1xi32>
          %squeeze3A_469 = vector.extract %slice3A_468[0] : i32 from vector<1xi32>
          %get3A_470 = arith.constant 12 : i32
          %get3A_471 = arith.index_cast %get3A_470 : i32 to index
          %get3A_472 = arith.constant 0 : index
          %get3A_473 = tpu.vector_load %arg20[%get3A_471, %get3A_472] {strides = array<i32>} : memref<16x32xbf16, #tpu.memory_space<vmem>>, vector<32xbf16>,
          %get3A_474 = arith.index_cast %squeeze3A_469 : i32 to index
          %get3A_475 = arith.constant 0 : index
          %get3A_476 = tpu.vector_load %arg6[%get3A_474, %get3A_475] {strides = array<i32>} : memref<6264x32xbf16, #tpu.memory_space<vmem>>, vector<32xbf16>,
          %min3A_477 = arith.minimumf %get3A_476, %get3A_473 : vector<32xbf16>
          %swap3A_478 = arith.index_cast %squeeze3A_469 : i32 to index
          %swap3A_479 = arith.constant 0 : index
          %swap3A_480 = tpu.vector_load %arg6[%swap3A_478, %swap3A_479] {strides = array<i32>} : memref<6264x32xbf16, #tpu.memory_space<vmem>>, vector<32xbf16>,
          tpu.vector_store %arg6[%swap3A_478, %swap3A_479], %min3A_477 {strides = array<i32>} : memref<6264x32xbf16, #tpu.memory_space<vmem>>, vector<32xbf16>,
          %slice3A_481 = vector.extract_strided_slice %get3A_314 {offsets = [13], sizes = [1], strides = [1]} : vector<16xi32> to vector<1xi32>
          %squeeze3A_482 = vector.extract %slice3A_481[0] : i32 from vector<1xi32>
          %get3A_483 = arith.constant 13 : i32
          %get3A_484 = arith.index_cast %get3A_483 : i32 to index
          %get3A_485 = arith.constant 0 : index
          %get3A_486 = tpu.vector_load %arg20[%get3A_484, %get3A_485] {strides = array<i32>} : memref<16x32xbf16, #tpu.memory_space<vmem>>, vector<32xbf16>,
          %get3A_487 = arith.index_cast %squeeze3A_482 : i32 to index
          %get3A_488 = arith.constant 0 : index
          %get3A_489 = tpu.vector_load %arg6[%get3A_487, %get3A_488] {strides = array<i32>} : memref<6264x32xbf16, #tpu.memory_space<vmem>>, vector<32xbf16>,
          %min3A_490 = arith.minimumf %get3A_489, %get3A_486 : vector<32xbf16>
          %swap3A_491 = arith.index_cast %squeeze3A_482 : i32 to index
          %swap3A_492 = arith.constant 0 : index
          %swap3A_493 = tpu.vector_load %arg6[%swap3A_491, %swap3A_492] {strides = array<i32>} : memref<6264x32xbf16, #tpu.memory_space<vmem>>, vector<32xbf16>,
          tpu.vector_store %arg6[%swap3A_491, %swap3A_492], %min3A_490 {strides = array<i32>} : memref<6264x32xbf16, #tpu.memory_space<vmem>>, vector<32xbf16>,
          %slice3A_494 = vector.extract_strided_slice %get3A_314 {offsets = [14], sizes = [1], strides = [1]} : vector<16xi32> to vector<1xi32>
          %squeeze3A_495 = vector.extract %slice3A_494[0] : i32 from vector<1xi32>
          %get3A_496 = arith.constant 14 : i32
          %get3A_497 = arith.index_cast %get3A_496 : i32 to index
          %get3A_498 = arith.constant 0 : index
          %get3A_499 = tpu.vector_load %arg20[%get3A_497, %get3A_498] {strides = array<i32>} : memref<16x32xbf16, #tpu.memory_space<vmem>>, vector<32xbf16>,
          %get3A_500 = arith.index_cast %squeeze3A_495 : i32 to index
          %get3A_501 = arith.constant 0 : index
          %get3A_502 = tpu.vector_load %arg6[%get3A_500, %get3A_501] {strides = array<i32>} : memref<6264x32xbf16, #tpu.memory_space<vmem>>, vector<32xbf16>,
          %min3A_503 = arith.minimumf %get3A_502, %get3A_499 : vector<32xbf16>
          %swap3A_504 = arith.index_cast %squeeze3A_495 : i32 to index
          %swap3A_505 = arith.constant 0 : index
          %swap3A_506 = tpu.vector_load %arg6[%swap3A_504, %swap3A_505] {strides = array<i32>} : memref<6264x32xbf16, #tpu.memory_space<vmem>>, vector<32xbf16>,
          tpu.vector_store %arg6[%swap3A_504, %swap3A_505], %min3A_503 {strides = array<i32>} : memref<6264x32xbf16, #tpu.memory_space<vmem>>, vector<32xbf16>,
          %slice3A_507 = vector.extract_strided_slice %get3A_314 {offsets = [15], sizes = [1], strides = [1]} : vector<16xi32> to vector<1xi32>
          %squeeze3A_508 = vector.extract %slice3A_507[0] : i32 from vector<1xi32>
          %get3A_509 = arith.constant 15 : i32
          %get3A_510 = arith.index_cast %get3A_509 : i32 to index
          %get3A_511 = arith.constant 0 : index
          %get3A_512 = tpu.vector_load %arg20[%get3A_510, %get3A_511] {strides = array<i32>} : memref<16x32xbf16, #tpu.memory_space<vmem>>, vector<32xbf16>,
          %get3A_513 = arith.index_cast %squeeze3A_508 : i32 to index
          %get3A_514 = arith.constant 0 : index
          %get3A_515 = tpu.vector_load %arg6[%get3A_513, %get3A_514] {strides = array<i32>} : memref<6264x32xbf16, #tpu.memory_space<vmem>>, vector<32xbf16>,
          %min3A_516 = arith.minimumf %get3A_515, %get3A_512 : vector<32xbf16>
          %swap3A_517 = arith.index_cast %squeeze3A_508 : i32 to index
          %swap3A_518 = arith.constant 0 : index
          %swap3A_519 = tpu.vector_load %arg6[%swap3A_517, %swap3A_518] {strides = array<i32>} : memref<6264x32xbf16, #tpu.memory_space<vmem>>, vector<32xbf16>,
          tpu.vector_store %arg6[%swap3A_517, %swap3A_518], %min3A_516 {strides = array<i32>} : memref<6264x32xbf16, #tpu.memory_space<vmem>>, vector<32xbf16>,
          %add3A_520 = arith.constant 4 : i32
          %add3A_521 = arith.addi %add3A_287, %add3A_520 : i32
          %lt3A_522 = arith.cmpi slt, %add3A_521, %select_n3A_156 : i32
          %convert_element_type3A_523 = arith.extui %lt3A_522 : i1 to i32
          %cond3A_524 = arith.constant 0 : i32
          %cond3A_525 = arith.cmpi ne, %convert_element_type3A_523, %cond3A_524 : i32
          scf.if %cond3A_525 {
            %add3A_526 = arith.constant 4 : i32
            %add3A_527 = arith.addi %add3A_287, %add3A_526 : i32
            %mul3A_528 = arith.constant 16 : i32
            %mul3A_529 = arith.muli %add3A_527, %mul3A_528 : i32
            %get3A_530 = arith.index_cast %mul3A_529 : i32 to index
            %get3A_531 = tpu.vector_load %arg14[%get3A_530] {strides = array<i32>} : memref<2416xi32, #tpu.memory_space<vmem>>, vector<16xi32>,
            %swap3A_532 = arith.constant 0 : index
            %swap3A_533 = tpu.vector_load %arg16[%swap3A_532] {strides = array<i32>} : memref<16xi32, #tpu.memory_space<vmem>>, vector<16xi32>,
            tpu.vector_store %arg16[%swap3A_532], %get3A_531 {strides = array<i32>} : memref<16xi32, #tpu.memory_space<vmem>>, vector<16xi32>,
            %dma_start3A_534 = arith.constant 0 : i32
            %dma_start3A_535 = arith.constant 0 : i32
            %dma_start3A_536 = tpu.memref_slice %arg2[%dma_start3A_534, %dma_start3A_535] : memref<100000x32xbf16, #tpu.memory_space<hbm>> -> memref<100000x32xbf16, #tpu.memory_space<hbm>>
            tpu.enqueue_indirect_dma source(%dma_start3A_536 : memref<100000x32xbf16, #tpu.memory_space<hbm>>) target(%arg20 : memref<16x32xbf16, #tpu.memory_space<vmem>>) offsets(%arg16 : memref<16xi32, #tpu.memory_space<vmem>>) semaphore(%arg26 : memref<!tpu.dma_semaphore, #tpu.memory_space<semaphore_mem>>)
          } else {
          }
        } else {
        }
        %mul3A_292 = arith.constant 4 : i32
        %mul3A_293 = arith.muli %mul3A_292, %while3A_274 : i32
        %add3A_294 = arith.constant 2 : i32
        %add3A_295 = arith.addi %mul3A_293, %add3A_294 : i32
        %lt3A_296 = arith.cmpi slt, %add3A_295, %select_n3A_156 : i32
        %convert_element_type3A_297 = arith.extui %lt3A_296 : i1 to i32
        %cond3A_298 = arith.constant 0 : i32
        %cond3A_299 = arith.cmpi ne, %convert_element_type3A_297, %cond3A_298 : i32
        scf.if %cond3A_299 {
          %dma_wait3A_309 = arith.constant 0 : i32
          %dma_wait3A_310 = arith.constant 0 : i32
          %dma_wait3A_311 = tpu.memref_slice %arg2[%dma_wait3A_309, %dma_wait3A_310] : memref<100000x32xbf16, #tpu.memory_space<hbm>> -> memref<100000x32xbf16, #tpu.memory_space<hbm>>
          tpu.wait_indirect_dma semaphore(%arg27 : memref<!tpu.dma_semaphore, #tpu.memory_space<semaphore_mem>>) src(%dma_wait3A_311 : memref<100000x32xbf16, #tpu.memory_space<hbm>>) dst(%arg21 : memref<16x32xbf16, #tpu.memory_space<vmem>>)
          %mul3A_312 = arith.constant 16 : i32
          %mul3A_313 = arith.muli %add3A_295, %mul3A_312 : i32
          %get3A = arith.index_cast %mul3A_313 : i32 to index
          %get3A_314 = tpu.vector_load %arg13[%get3A] {strides = array<i32>} : memref<2416xi32, #tpu.memory_space<vmem>>, vector<16xi32>,
          %slice3A = vector.extract_strided_slice %get3A_314 {offsets = [0], sizes = [1], strides = [1]} : vector<16xi32> to vector<1xi32>
          %squeeze3A = vector.extract %slice3A[0] : i32 from vector<1xi32>
          %get3A_315 = arith.constant 0 : i32
          %get3A_316 = arith.index_cast %get3A_315 : i32 to index
          %get3A_317 = arith.constant 0 : index
          %get3A_318 = tpu.vector_load %arg21[%get3A_316, %get3A_317] {strides = array<i32>} : memref<16x32xbf16, #tpu.memory_space<vmem>>, vector<32xbf16>,
          %get3A_319 = arith.index_cast %squeeze3A : i32 to index
          %get3A_320 = arith.constant 0 : index
          %get3A_321 = tpu.vector_load %arg6[%get3A_319, %get3A_320] {strides = array<i32>} : memref<6264x32xbf16, #tpu.memory_space<vmem>>, vector<32xbf16>,
          %min3A = arith.minimumf %get3A_321, %get3A_318 : vector<32xbf16>
          %swap3A_322 = arith.index_cast %squeeze3A : i32 to index
          %swap3A_323 = arith.constant 0 : index
          %swap3A_324 = tpu.vector_load %arg6[%swap3A_322, %swap3A_323] {strides = array<i32>} : memref<6264x32xbf16, #tpu.memory_space<vmem>>, vector<32xbf16>,
          tpu.vector_store %arg6[%swap3A_322, %swap3A_323], %min3A {strides = array<i32>} : memref<6264x32xbf16, #tpu.memory_space<vmem>>, vector<32xbf16>,
          %slice3A_325 = vector.extract_strided_slice %get3A_314 {offsets = [1], sizes = [1], strides = [1]} : vector<16xi32> to vector<1xi32>
          %squeeze3A_326 = vector.extract %slice3A_325[0] : i32 from vector<1xi32>
          %get3A_327 = arith.constant 1 : i32
          %get3A_328 = arith.index_cast %get3A_327 : i32 to index
          %get3A_329 = arith.constant 0 : index
          %get3A_330 = tpu.vector_load %arg21[%get3A_328, %get3A_329] {strides = array<i32>} : memref<16x32xbf16, #tpu.memory_space<vmem>>, vector<32xbf16>,
          %get3A_331 = arith.index_cast %squeeze3A_326 : i32 to index
          %get3A_332 = arith.constant 0 : index
          %get3A_333 = tpu.vector_load %arg6[%get3A_331, %get3A_332] {strides = array<i32>} : memref<6264x32xbf16, #tpu.memory_space<vmem>>, vector<32xbf16>,
          %min3A_334 = arith.minimumf %get3A_333, %get3A_330 : vector<32xbf16>
          %swap3A_335 = arith.index_cast %squeeze3A_326 : i32 to index
          %swap3A_336 = arith.constant 0 : index
          %swap3A_337 = tpu.vector_load %arg6[%swap3A_335, %swap3A_336] {strides = array<i32>} : memref<6264x32xbf16, #tpu.memory_space<vmem>>, vector<32xbf16>,
          tpu.vector_store %arg6[%swap3A_335, %swap3A_336], %min3A_334 {strides = array<i32>} : memref<6264x32xbf16, #tpu.memory_space<vmem>>, vector<32xbf16>,
          %slice3A_338 = vector.extract_strided_slice %get3A_314 {offsets = [2], sizes = [1], strides = [1]} : vector<16xi32> to vector<1xi32>
          %squeeze3A_339 = vector.extract %slice3A_338[0] : i32 from vector<1xi32>
          %get3A_340 = arith.constant 2 : i32
          %get3A_341 = arith.index_cast %get3A_340 : i32 to index
          %get3A_342 = arith.constant 0 : index
          %get3A_343 = tpu.vector_load %arg21[%get3A_341, %get3A_342] {strides = array<i32>} : memref<16x32xbf16, #tpu.memory_space<vmem>>, vector<32xbf16>,
          %get3A_344 = arith.index_cast %squeeze3A_339 : i32 to index
          %get3A_345 = arith.constant 0 : index
          %get3A_346 = tpu.vector_load %arg6[%get3A_344, %get3A_345] {strides = array<i32>} : memref<6264x32xbf16, #tpu.memory_space<vmem>>, vector<32xbf16>,
          %min3A_347 = arith.minimumf %get3A_346, %get3A_343 : vector<32xbf16>
          %swap3A_348 = arith.index_cast %squeeze3A_339 : i32 to index
          %swap3A_349 = arith.constant 0 : index
          %swap3A_350 = tpu.vector_load %arg6[%swap3A_348, %swap3A_349] {strides = array<i32>} : memref<6264x32xbf16, #tpu.memory_space<vmem>>, vector<32xbf16>,
          tpu.vector_store %arg6[%swap3A_348, %swap3A_349], %min3A_347 {strides = array<i32>} : memref<6264x32xbf16, #tpu.memory_space<vmem>>, vector<32xbf16>,
          %slice3A_351 = vector.extract_strided_slice %get3A_314 {offsets = [3], sizes = [1], strides = [1]} : vector<16xi32> to vector<1xi32>
          %squeeze3A_352 = vector.extract %slice3A_351[0] : i32 from vector<1xi32>
          %get3A_353 = arith.constant 3 : i32
          %get3A_354 = arith.index_cast %get3A_353 : i32 to index
          %get3A_355 = arith.constant 0 : index
          %get3A_356 = tpu.vector_load %arg21[%get3A_354, %get3A_355] {strides = array<i32>} : memref<16x32xbf16, #tpu.memory_space<vmem>>, vector<32xbf16>,
          %get3A_357 = arith.index_cast %squeeze3A_352 : i32 to index
          %get3A_358 = arith.constant 0 : index
          %get3A_359 = tpu.vector_load %arg6[%get3A_357, %get3A_358] {strides = array<i32>} : memref<6264x32xbf16, #tpu.memory_space<vmem>>, vector<32xbf16>,
          %min3A_360 = arith.minimumf %get3A_359, %get3A_356 : vector<32xbf16>
          %swap3A_361 = arith.index_cast %squeeze3A_352 : i32 to index
          %swap3A_362 = arith.constant 0 : index
          %swap3A_363 = tpu.vector_load %arg6[%swap3A_361, %swap3A_362] {strides = array<i32>} : memref<6264x32xbf16, #tpu.memory_space<vmem>>, vector<32xbf16>,
          tpu.vector_store %arg6[%swap3A_361, %swap3A_362], %min3A_360 {strides = array<i32>} : memref<6264x32xbf16, #tpu.memory_space<vmem>>, vector<32xbf16>,
          %slice3A_364 = vector.extract_strided_slice %get3A_314 {offsets = [4], sizes = [1], strides = [1]} : vector<16xi32> to vector<1xi32>
          %squeeze3A_365 = vector.extract %slice3A_364[0] : i32 from vector<1xi32>
          %get3A_366 = arith.constant 4 : i32
          %get3A_367 = arith.index_cast %get3A_366 : i32 to index
          %get3A_368 = arith.constant 0 : index
          %get3A_369 = tpu.vector_load %arg21[%get3A_367, %get3A_368] {strides = array<i32>} : memref<16x32xbf16, #tpu.memory_space<vmem>>, vector<32xbf16>,
          %get3A_370 = arith.index_cast %squeeze3A_365 : i32 to index
          %get3A_371 = arith.constant 0 : index
          %get3A_372 = tpu.vector_load %arg6[%get3A_370, %get3A_371] {strides = array<i32>} : memref<6264x32xbf16, #tpu.memory_space<vmem>>, vector<32xbf16>,
          %min3A_373 = arith.minimumf %get3A_372, %get3A_369 : vector<32xbf16>
          %swap3A_374 = arith.index_cast %squeeze3A_365 : i32 to index
          %swap3A_375 = arith.constant 0 : index
          %swap3A_376 = tpu.vector_load %arg6[%swap3A_374, %swap3A_375] {strides = array<i32>} : memref<6264x32xbf16, #tpu.memory_space<vmem>>, vector<32xbf16>,
          tpu.vector_store %arg6[%swap3A_374, %swap3A_375], %min3A_373 {strides = array<i32>} : memref<6264x32xbf16, #tpu.memory_space<vmem>>, vector<32xbf16>,
          %slice3A_377 = vector.extract_strided_slice %get3A_314 {offsets = [5], sizes = [1], strides = [1]} : vector<16xi32> to vector<1xi32>
          %squeeze3A_378 = vector.extract %slice3A_377[0] : i32 from vector<1xi32>
          %get3A_379 = arith.constant 5 : i32
          %get3A_380 = arith.index_cast %get3A_379 : i32 to index
          %get3A_381 = arith.constant 0 : index
          %get3A_382 = tpu.vector_load %arg21[%get3A_380, %get3A_381] {strides = array<i32>} : memref<16x32xbf16, #tpu.memory_space<vmem>>, vector<32xbf16>,
          %get3A_383 = arith.index_cast %squeeze3A_378 : i32 to index
          %get3A_384 = arith.constant 0 : index
          %get3A_385 = tpu.vector_load %arg6[%get3A_383, %get3A_384] {strides = array<i32>} : memref<6264x32xbf16, #tpu.memory_space<vmem>>, vector<32xbf16>,
          %min3A_386 = arith.minimumf %get3A_385, %get3A_382 : vector<32xbf16>
          %swap3A_387 = arith.index_cast %squeeze3A_378 : i32 to index
          %swap3A_388 = arith.constant 0 : index
          %swap3A_389 = tpu.vector_load %arg6[%swap3A_387, %swap3A_388] {strides = array<i32>} : memref<6264x32xbf16, #tpu.memory_space<vmem>>, vector<32xbf16>,
          tpu.vector_store %arg6[%swap3A_387, %swap3A_388], %min3A_386 {strides = array<i32>} : memref<6264x32xbf16, #tpu.memory_space<vmem>>, vector<32xbf16>,
          %slice3A_390 = vector.extract_strided_slice %get3A_314 {offsets = [6], sizes = [1], strides = [1]} : vector<16xi32> to vector<1xi32>
          %squeeze3A_391 = vector.extract %slice3A_390[0] : i32 from vector<1xi32>
          %get3A_392 = arith.constant 6 : i32
          %get3A_393 = arith.index_cast %get3A_392 : i32 to index
          %get3A_394 = arith.constant 0 : index
          %get3A_395 = tpu.vector_load %arg21[%get3A_393, %get3A_394] {strides = array<i32>} : memref<16x32xbf16, #tpu.memory_space<vmem>>, vector<32xbf16>,
          %get3A_396 = arith.index_cast %squeeze3A_391 : i32 to index
          %get3A_397 = arith.constant 0 : index
          %get3A_398 = tpu.vector_load %arg6[%get3A_396, %get3A_397] {strides = array<i32>} : memref<6264x32xbf16, #tpu.memory_space<vmem>>, vector<32xbf16>,
          %min3A_399 = arith.minimumf %get3A_398, %get3A_395 : vector<32xbf16>
          %swap3A_400 = arith.index_cast %squeeze3A_391 : i32 to index
          %swap3A_401 = arith.constant 0 : index
          %swap3A_402 = tpu.vector_load %arg6[%swap3A_400, %swap3A_401] {strides = array<i32>} : memref<6264x32xbf16, #tpu.memory_space<vmem>>, vector<32xbf16>,
          tpu.vector_store %arg6[%swap3A_400, %swap3A_401], %min3A_399 {strides = array<i32>} : memref<6264x32xbf16, #tpu.memory_space<vmem>>, vector<32xbf16>,
          %slice3A_403 = vector.extract_strided_slice %get3A_314 {offsets = [7], sizes = [1], strides = [1]} : vector<16xi32> to vector<1xi32>
          %squeeze3A_404 = vector.extract %slice3A_403[0] : i32 from vector<1xi32>
          %get3A_405 = arith.constant 7 : i32
          %get3A_406 = arith.index_cast %get3A_405 : i32 to index
          %get3A_407 = arith.constant 0 : index
          %get3A_408 = tpu.vector_load %arg21[%get3A_406, %get3A_407] {strides = array<i32>} : memref<16x32xbf16, #tpu.memory_space<vmem>>, vector<32xbf16>,
          %get3A_409 = arith.index_cast %squeeze3A_404 : i32 to index
          %get3A_410 = arith.constant 0 : index
          %get3A_411 = tpu.vector_load %arg6[%get3A_409, %get3A_410] {strides = array<i32>} : memref<6264x32xbf16, #tpu.memory_space<vmem>>, vector<32xbf16>,
          %min3A_412 = arith.minimumf %get3A_411, %get3A_408 : vector<32xbf16>
          %swap3A_413 = arith.index_cast %squeeze3A_404 : i32 to index
          %swap3A_414 = arith.constant 0 : index
          %swap3A_415 = tpu.vector_load %arg6[%swap3A_413, %swap3A_414] {strides = array<i32>} : memref<6264x32xbf16, #tpu.memory_space<vmem>>, vector<32xbf16>,
          tpu.vector_store %arg6[%swap3A_413, %swap3A_414], %min3A_412 {strides = array<i32>} : memref<6264x32xbf16, #tpu.memory_space<vmem>>, vector<32xbf16>,
          %slice3A_416 = vector.extract_strided_slice %get3A_314 {offsets = [8], sizes = [1], strides = [1]} : vector<16xi32> to vector<1xi32>
          %squeeze3A_417 = vector.extract %slice3A_416[0] : i32 from vector<1xi32>
          %get3A_418 = arith.constant 8 : i32
          %get3A_419 = arith.index_cast %get3A_418 : i32 to index
          %get3A_420 = arith.constant 0 : index
          %get3A_421 = tpu.vector_load %arg21[%get3A_419, %get3A_420] {strides = array<i32>} : memref<16x32xbf16, #tpu.memory_space<vmem>>, vector<32xbf16>,
          %get3A_422 = arith.index_cast %squeeze3A_417 : i32 to index
          %get3A_423 = arith.constant 0 : index
          %get3A_424 = tpu.vector_load %arg6[%get3A_422, %get3A_423] {strides = array<i32>} : memref<6264x32xbf16, #tpu.memory_space<vmem>>, vector<32xbf16>,
          %min3A_425 = arith.minimumf %get3A_424, %get3A_421 : vector<32xbf16>
          %swap3A_426 = arith.index_cast %squeeze3A_417 : i32 to index
          %swap3A_427 = arith.constant 0 : index
          %swap3A_428 = tpu.vector_load %arg6[%swap3A_426, %swap3A_427] {strides = array<i32>} : memref<6264x32xbf16, #tpu.memory_space<vmem>>, vector<32xbf16>,
          tpu.vector_store %arg6[%swap3A_426, %swap3A_427], %min3A_425 {strides = array<i32>} : memref<6264x32xbf16, #tpu.memory_space<vmem>>, vector<32xbf16>,
          %slice3A_429 = vector.extract_strided_slice %get3A_314 {offsets = [9], sizes = [1], strides = [1]} : vector<16xi32> to vector<1xi32>
          %squeeze3A_430 = vector.extract %slice3A_429[0] : i32 from vector<1xi32>
          %get3A_431 = arith.constant 9 : i32
          %get3A_432 = arith.index_cast %get3A_431 : i32 to index
          %get3A_433 = arith.constant 0 : index
          %get3A_434 = tpu.vector_load %arg21[%get3A_432, %get3A_433] {strides = array<i32>} : memref<16x32xbf16, #tpu.memory_space<vmem>>, vector<32xbf16>,
          %get3A_435 = arith.index_cast %squeeze3A_430 : i32 to index
          %get3A_436 = arith.constant 0 : index
          %get3A_437 = tpu.vector_load %arg6[%get3A_435, %get3A_436] {strides = array<i32>} : memref<6264x32xbf16, #tpu.memory_space<vmem>>, vector<32xbf16>,
          %min3A_438 = arith.minimumf %get3A_437, %get3A_434 : vector<32xbf16>
          %swap3A_439 = arith.index_cast %squeeze3A_430 : i32 to index
          %swap3A_440 = arith.constant 0 : index
          %swap3A_441 = tpu.vector_load %arg6[%swap3A_439, %swap3A_440] {strides = array<i32>} : memref<6264x32xbf16, #tpu.memory_space<vmem>>, vector<32xbf16>,
          tpu.vector_store %arg6[%swap3A_439, %swap3A_440], %min3A_438 {strides = array<i32>} : memref<6264x32xbf16, #tpu.memory_space<vmem>>, vector<32xbf16>,
          %slice3A_442 = vector.extract_strided_slice %get3A_314 {offsets = [10], sizes = [1], strides = [1]} : vector<16xi32> to vector<1xi32>
          %squeeze3A_443 = vector.extract %slice3A_442[0] : i32 from vector<1xi32>
          %get3A_444 = arith.constant 10 : i32
          %get3A_445 = arith.index_cast %get3A_444 : i32 to index
          %get3A_446 = arith.constant 0 : index
          %get3A_447 = tpu.vector_load %arg21[%get3A_445, %get3A_446] {strides = array<i32>} : memref<16x32xbf16, #tpu.memory_space<vmem>>, vector<32xbf16>,
          %get3A_448 = arith.index_cast %squeeze3A_443 : i32 to index
          %get3A_449 = arith.constant 0 : index
          %get3A_450 = tpu.vector_load %arg6[%get3A_448, %get3A_449] {strides = array<i32>} : memref<6264x32xbf16, #tpu.memory_space<vmem>>, vector<32xbf16>,
          %min3A_451 = arith.minimumf %get3A_450, %get3A_447 : vector<32xbf16>
          %swap3A_452 = arith.index_cast %squeeze3A_443 : i32 to index
          %swap3A_453 = arith.constant 0 : index
          %swap3A_454 = tpu.vector_load %arg6[%swap3A_452, %swap3A_453] {strides = array<i32>} : memref<6264x32xbf16, #tpu.memory_space<vmem>>, vector<32xbf16>,
          tpu.vector_store %arg6[%swap3A_452, %swap3A_453], %min3A_451 {strides = array<i32>} : memref<6264x32xbf16, #tpu.memory_space<vmem>>, vector<32xbf16>,
          %slice3A_455 = vector.extract_strided_slice %get3A_314 {offsets = [11], sizes = [1], strides = [1]} : vector<16xi32> to vector<1xi32>
          %squeeze3A_456 = vector.extract %slice3A_455[0] : i32 from vector<1xi32>
          %get3A_457 = arith.constant 11 : i32
          %get3A_458 = arith.index_cast %get3A_457 : i32 to index
          %get3A_459 = arith.constant 0 : index
          %get3A_460 = tpu.vector_load %arg21[%get3A_458, %get3A_459] {strides = array<i32>} : memref<16x32xbf16, #tpu.memory_space<vmem>>, vector<32xbf16>,
          %get3A_461 = arith.index_cast %squeeze3A_456 : i32 to index
          %get3A_462 = arith.constant 0 : index
          %get3A_463 = tpu.vector_load %arg6[%get3A_461, %get3A_462] {strides = array<i32>} : memref<6264x32xbf16, #tpu.memory_space<vmem>>, vector<32xbf16>,
          %min3A_464 = arith.minimumf %get3A_463, %get3A_460 : vector<32xbf16>
          %swap3A_465 = arith.index_cast %squeeze3A_456 : i32 to index
          %swap3A_466 = arith.constant 0 : index
          %swap3A_467 = tpu.vector_load %arg6[%swap3A_465, %swap3A_466] {strides = array<i32>} : memref<6264x32xbf16, #tpu.memory_space<vmem>>, vector<32xbf16>,
          tpu.vector_store %arg6[%swap3A_465, %swap3A_466], %min3A_464 {strides = array<i32>} : memref<6264x32xbf16, #tpu.memory_space<vmem>>, vector<32xbf16>,
          %slice3A_468 = vector.extract_strided_slice %get3A_314 {offsets = [12], sizes = [1], strides = [1]} : vector<16xi32> to vector<1xi32>
          %squeeze3A_469 = vector.extract %slice3A_468[0] : i32 from vector<1xi32>
          %get3A_470 = arith.constant 12 : i32
          %get3A_471 = arith.index_cast %get3A_470 : i32 to index
          %get3A_472 = arith.constant 0 : index
          %get3A_473 = tpu.vector_load %arg21[%get3A_471, %get3A_472] {strides = array<i32>} : memref<16x32xbf16, #tpu.memory_space<vmem>>, vector<32xbf16>,
          %get3A_474 = arith.index_cast %squeeze3A_469 : i32 to index
          %get3A_475 = arith.constant 0 : index
          %get3A_476 = tpu.vector_load %arg6[%get3A_474, %get3A_475] {strides = array<i32>} : memref<6264x32xbf16, #tpu.memory_space<vmem>>, vector<32xbf16>,
          %min3A_477 = arith.minimumf %get3A_476, %get3A_473 : vector<32xbf16>
          %swap3A_478 = arith.index_cast %squeeze3A_469 : i32 to index
          %swap3A_479 = arith.constant 0 : index
          %swap3A_480 = tpu.vector_load %arg6[%swap3A_478, %swap3A_479] {strides = array<i32>} : memref<6264x32xbf16, #tpu.memory_space<vmem>>, vector<32xbf16>,
          tpu.vector_store %arg6[%swap3A_478, %swap3A_479], %min3A_477 {strides = array<i32>} : memref<6264x32xbf16, #tpu.memory_space<vmem>>, vector<32xbf16>,
          %slice3A_481 = vector.extract_strided_slice %get3A_314 {offsets = [13], sizes = [1], strides = [1]} : vector<16xi32> to vector<1xi32>
          %squeeze3A_482 = vector.extract %slice3A_481[0] : i32 from vector<1xi32>
          %get3A_483 = arith.constant 13 : i32
          %get3A_484 = arith.index_cast %get3A_483 : i32 to index
          %get3A_485 = arith.constant 0 : index
          %get3A_486 = tpu.vector_load %arg21[%get3A_484, %get3A_485] {strides = array<i32>} : memref<16x32xbf16, #tpu.memory_space<vmem>>, vector<32xbf16>,
          %get3A_487 = arith.index_cast %squeeze3A_482 : i32 to index
          %get3A_488 = arith.constant 0 : index
          %get3A_489 = tpu.vector_load %arg6[%get3A_487, %get3A_488] {strides = array<i32>} : memref<6264x32xbf16, #tpu.memory_space<vmem>>, vector<32xbf16>,
          %min3A_490 = arith.minimumf %get3A_489, %get3A_486 : vector<32xbf16>
          %swap3A_491 = arith.index_cast %squeeze3A_482 : i32 to index
          %swap3A_492 = arith.constant 0 : index
          %swap3A_493 = tpu.vector_load %arg6[%swap3A_491, %swap3A_492] {strides = array<i32>} : memref<6264x32xbf16, #tpu.memory_space<vmem>>, vector<32xbf16>,
          tpu.vector_store %arg6[%swap3A_491, %swap3A_492], %min3A_490 {strides = array<i32>} : memref<6264x32xbf16, #tpu.memory_space<vmem>>, vector<32xbf16>,
          %slice3A_494 = vector.extract_strided_slice %get3A_314 {offsets = [14], sizes = [1], strides = [1]} : vector<16xi32> to vector<1xi32>
          %squeeze3A_495 = vector.extract %slice3A_494[0] : i32 from vector<1xi32>
          %get3A_496 = arith.constant 14 : i32
          %get3A_497 = arith.index_cast %get3A_496 : i32 to index
          %get3A_498 = arith.constant 0 : index
          %get3A_499 = tpu.vector_load %arg21[%get3A_497, %get3A_498] {strides = array<i32>} : memref<16x32xbf16, #tpu.memory_space<vmem>>, vector<32xbf16>,
          %get3A_500 = arith.index_cast %squeeze3A_495 : i32 to index
          %get3A_501 = arith.constant 0 : index
          %get3A_502 = tpu.vector_load %arg6[%get3A_500, %get3A_501] {strides = array<i32>} : memref<6264x32xbf16, #tpu.memory_space<vmem>>, vector<32xbf16>,
          %min3A_503 = arith.minimumf %get3A_502, %get3A_499 : vector<32xbf16>
          %swap3A_504 = arith.index_cast %squeeze3A_495 : i32 to index
          %swap3A_505 = arith.constant 0 : index
          %swap3A_506 = tpu.vector_load %arg6[%swap3A_504, %swap3A_505] {strides = array<i32>} : memref<6264x32xbf16, #tpu.memory_space<vmem>>, vector<32xbf16>,
          tpu.vector_store %arg6[%swap3A_504, %swap3A_505], %min3A_503 {strides = array<i32>} : memref<6264x32xbf16, #tpu.memory_space<vmem>>, vector<32xbf16>,
          %slice3A_507 = vector.extract_strided_slice %get3A_314 {offsets = [15], sizes = [1], strides = [1]} : vector<16xi32> to vector<1xi32>
          %squeeze3A_508 = vector.extract %slice3A_507[0] : i32 from vector<1xi32>
          %get3A_509 = arith.constant 15 : i32
          %get3A_510 = arith.index_cast %get3A_509 : i32 to index
          %get3A_511 = arith.constant 0 : index
          %get3A_512 = tpu.vector_load %arg21[%get3A_510, %get3A_511] {strides = array<i32>} : memref<16x32xbf16, #tpu.memory_space<vmem>>, vector<32xbf16>,
          %get3A_513 = arith.index_cast %squeeze3A_508 : i32 to index
          %get3A_514 = arith.constant 0 : index
          %get3A_515 = tpu.vector_load %arg6[%get3A_513, %get3A_514] {strides = array<i32>} : memref<6264x32xbf16, #tpu.memory_space<vmem>>, vector<32xbf16>,
          %min3A_516 = arith.minimumf %get3A_515, %get3A_512 : vector<32xbf16>
          %swap3A_517 = arith.index_cast %squeeze3A_508 : i32 to index
          %swap3A_518 = arith.constant 0 : index
          %swap3A_519 = tpu.vector_load %arg6[%swap3A_517, %swap3A_518] {strides = array<i32>} : memref<6264x32xbf16, #tpu.memory_space<vmem>>, vector<32xbf16>,
          tpu.vector_store %arg6[%swap3A_517, %swap3A_518], %min3A_516 {strides = array<i32>} : memref<6264x32xbf16, #tpu.memory_space<vmem>>, vector<32xbf16>,
          %add3A_520 = arith.constant 4 : i32
          %add3A_521 = arith.addi %add3A_295, %add3A_520 : i32
          %lt3A_522 = arith.cmpi slt, %add3A_521, %select_n3A_156 : i32
          %convert_element_type3A_523 = arith.extui %lt3A_522 : i1 to i32
          %cond3A_524 = arith.constant 0 : i32
          %cond3A_525 = arith.cmpi ne, %convert_element_type3A_523, %cond3A_524 : i32
          scf.if %cond3A_525 {
            %add3A_526 = arith.constant 4 : i32
            %add3A_527 = arith.addi %add3A_295, %add3A_526 : i32
            %mul3A_528 = arith.constant 16 : i32
            %mul3A_529 = arith.muli %add3A_527, %mul3A_528 : i32
            %get3A_530 = arith.index_cast %mul3A_529 : i32 to index
            %get3A_531 = tpu.vector_load %arg14[%get3A_530] {strides = array<i32>} : memref<2416xi32, #tpu.memory_space<vmem>>, vector<16xi32>,
            %swap3A_532 = arith.constant 0 : index
            %swap3A_533 = tpu.vector_load %arg17[%swap3A_532] {strides = array<i32>} : memref<16xi32, #tpu.memory_space<vmem>>, vector<16xi32>,
            tpu.vector_store %arg17[%swap3A_532], %get3A_531 {strides = array<i32>} : memref<16xi32, #tpu.memory_space<vmem>>, vector<16xi32>,
            %dma_start3A_534 = arith.constant 0 : i32
            %dma_start3A_535 = arith.constant 0 : i32
            %dma_start3A_536 = tpu.memref_slice %arg2[%dma_start3A_534, %dma_start3A_535] : memref<100000x32xbf16, #tpu.memory_space<hbm>> -> memref<100000x32xbf16, #tpu.memory_space<hbm>>
            tpu.enqueue_indirect_dma source(%dma_start3A_536 : memref<100000x32xbf16, #tpu.memory_space<hbm>>) target(%arg21 : memref<16x32xbf16, #tpu.memory_space<vmem>>) offsets(%arg17 : memref<16xi32, #tpu.memory_space<vmem>>) semaphore(%arg27 : memref<!tpu.dma_semaphore, #tpu.memory_space<semaphore_mem>>)
          } else {
          }
        } else {
        }
        %mul3A_300 = arith.constant 4 : i32
        %mul3A_301 = arith.muli %mul3A_300, %while3A_274 : i32
        %add3A_302 = arith.constant 3 : i32
        %add3A_303 = arith.addi %mul3A_301, %add3A_302 : i32
        %lt3A_304 = arith.cmpi slt, %add3A_303, %select_n3A_156 : i32
        %convert_element_type3A_305 = arith.extui %lt3A_304 : i1 to i32
        %cond3A_306 = arith.constant 0 : i32
        %cond3A_307 = arith.cmpi ne, %convert_element_type3A_305, %cond3A_306 : i32
        scf.if %cond3A_307 {
          %dma_wait3A_309 = arith.constant 0 : i32
          %dma_wait3A_310 = arith.constant 0 : i32
          %dma_wait3A_311 = tpu.memref_slice %arg2[%dma_wait3A_309, %dma_wait3A_310] : memref<100000x32xbf16, #tpu.memory_space<hbm>> -> memref<100000x32xbf16, #tpu.memory_space<hbm>>
          tpu.wait_indirect_dma semaphore(%arg28 : memref<!tpu.dma_semaphore, #tpu.memory_space<semaphore_mem>>) src(%dma_wait3A_311 : memref<100000x32xbf16, #tpu.memory_space<hbm>>) dst(%arg22 : memref<16x32xbf16, #tpu.memory_space<vmem>>)
          %mul3A_312 = arith.constant 16 : i32
          %mul3A_313 = arith.muli %add3A_303, %mul3A_312 : i32
          %get3A = arith.index_cast %mul3A_313 : i32 to index
          %get3A_314 = tpu.vector_load %arg13[%get3A] {strides = array<i32>} : memref<2416xi32, #tpu.memory_space<vmem>>, vector<16xi32>,
          %slice3A = vector.extract_strided_slice %get3A_314 {offsets = [0], sizes = [1], strides = [1]} : vector<16xi32> to vector<1xi32>
          %squeeze3A = vector.extract %slice3A[0] : i32 from vector<1xi32>
          %get3A_315 = arith.constant 0 : i32
          %get3A_316 = arith.index_cast %get3A_315 : i32 to index
          %get3A_317 = arith.constant 0 : index
          %get3A_318 = tpu.vector_load %arg22[%get3A_316, %get3A_317] {strides = array<i32>} : memref<16x32xbf16, #tpu.memory_space<vmem>>, vector<32xbf16>,
          %get3A_319 = arith.index_cast %squeeze3A : i32 to index
          %get3A_320 = arith.constant 0 : index
          %get3A_321 = tpu.vector_load %arg6[%get3A_319, %get3A_320] {strides = array<i32>} : memref<6264x32xbf16, #tpu.memory_space<vmem>>, vector<32xbf16>,
          %min3A = arith.minimumf %get3A_321, %get3A_318 : vector<32xbf16>
          %swap3A_322 = arith.index_cast %squeeze3A : i32 to index
          %swap3A_323 = arith.constant 0 : index
          %swap3A_324 = tpu.vector_load %arg6[%swap3A_322, %swap3A_323] {strides = array<i32>} : memref<6264x32xbf16, #tpu.memory_space<vmem>>, vector<32xbf16>,
          tpu.vector_store %arg6[%swap3A_322, %swap3A_323], %min3A {strides = array<i32>} : memref<6264x32xbf16, #tpu.memory_space<vmem>>, vector<32xbf16>,
          %slice3A_325 = vector.extract_strided_slice %get3A_314 {offsets = [1], sizes = [1], strides = [1]} : vector<16xi32> to vector<1xi32>
          %squeeze3A_326 = vector.extract %slice3A_325[0] : i32 from vector<1xi32>
          %get3A_327 = arith.constant 1 : i32
          %get3A_328 = arith.index_cast %get3A_327 : i32 to index
          %get3A_329 = arith.constant 0 : index
          %get3A_330 = tpu.vector_load %arg22[%get3A_328, %get3A_329] {strides = array<i32>} : memref<16x32xbf16, #tpu.memory_space<vmem>>, vector<32xbf16>,
          %get3A_331 = arith.index_cast %squeeze3A_326 : i32 to index
          %get3A_332 = arith.constant 0 : index
          %get3A_333 = tpu.vector_load %arg6[%get3A_331, %get3A_332] {strides = array<i32>} : memref<6264x32xbf16, #tpu.memory_space<vmem>>, vector<32xbf16>,
          %min3A_334 = arith.minimumf %get3A_333, %get3A_330 : vector<32xbf16>
          %swap3A_335 = arith.index_cast %squeeze3A_326 : i32 to index
          %swap3A_336 = arith.constant 0 : index
          %swap3A_337 = tpu.vector_load %arg6[%swap3A_335, %swap3A_336] {strides = array<i32>} : memref<6264x32xbf16, #tpu.memory_space<vmem>>, vector<32xbf16>,
          tpu.vector_store %arg6[%swap3A_335, %swap3A_336], %min3A_334 {strides = array<i32>} : memref<6264x32xbf16, #tpu.memory_space<vmem>>, vector<32xbf16>,
          %slice3A_338 = vector.extract_strided_slice %get3A_314 {offsets = [2], sizes = [1], strides = [1]} : vector<16xi32> to vector<1xi32>
          %squeeze3A_339 = vector.extract %slice3A_338[0] : i32 from vector<1xi32>
          %get3A_340 = arith.constant 2 : i32
          %get3A_341 = arith.index_cast %get3A_340 : i32 to index
          %get3A_342 = arith.constant 0 : index
          %get3A_343 = tpu.vector_load %arg22[%get3A_341, %get3A_342] {strides = array<i32>} : memref<16x32xbf16, #tpu.memory_space<vmem>>, vector<32xbf16>,
          %get3A_344 = arith.index_cast %squeeze3A_339 : i32 to index
          %get3A_345 = arith.constant 0 : index
          %get3A_346 = tpu.vector_load %arg6[%get3A_344, %get3A_345] {strides = array<i32>} : memref<6264x32xbf16, #tpu.memory_space<vmem>>, vector<32xbf16>,
          %min3A_347 = arith.minimumf %get3A_346, %get3A_343 : vector<32xbf16>
          %swap3A_348 = arith.index_cast %squeeze3A_339 : i32 to index
          %swap3A_349 = arith.constant 0 : index
          %swap3A_350 = tpu.vector_load %arg6[%swap3A_348, %swap3A_349] {strides = array<i32>} : memref<6264x32xbf16, #tpu.memory_space<vmem>>, vector<32xbf16>,
          tpu.vector_store %arg6[%swap3A_348, %swap3A_349], %min3A_347 {strides = array<i32>} : memref<6264x32xbf16, #tpu.memory_space<vmem>>, vector<32xbf16>,
          %slice3A_351 = vector.extract_strided_slice %get3A_314 {offsets = [3], sizes = [1], strides = [1]} : vector<16xi32> to vector<1xi32>
          %squeeze3A_352 = vector.extract %slice3A_351[0] : i32 from vector<1xi32>
          %get3A_353 = arith.constant 3 : i32
          %get3A_354 = arith.index_cast %get3A_353 : i32 to index
          %get3A_355 = arith.constant 0 : index
          %get3A_356 = tpu.vector_load %arg22[%get3A_354, %get3A_355] {strides = array<i32>} : memref<16x32xbf16, #tpu.memory_space<vmem>>, vector<32xbf16>,
          %get3A_357 = arith.index_cast %squeeze3A_352 : i32 to index
          %get3A_358 = arith.constant 0 : index
          %get3A_359 = tpu.vector_load %arg6[%get3A_357, %get3A_358] {strides = array<i32>} : memref<6264x32xbf16, #tpu.memory_space<vmem>>, vector<32xbf16>,
          %min3A_360 = arith.minimumf %get3A_359, %get3A_356 : vector<32xbf16>
          %swap3A_361 = arith.index_cast %squeeze3A_352 : i32 to index
          %swap3A_362 = arith.constant 0 : index
          %swap3A_363 = tpu.vector_load %arg6[%swap3A_361, %swap3A_362] {strides = array<i32>} : memref<6264x32xbf16, #tpu.memory_space<vmem>>, vector<32xbf16>,
          tpu.vector_store %arg6[%swap3A_361, %swap3A_362], %min3A_360 {strides = array<i32>} : memref<6264x32xbf16, #tpu.memory_space<vmem>>, vector<32xbf16>,
          %slice3A_364 = vector.extract_strided_slice %get3A_314 {offsets = [4], sizes = [1], strides = [1]} : vector<16xi32> to vector<1xi32>
          %squeeze3A_365 = vector.extract %slice3A_364[0] : i32 from vector<1xi32>
          %get3A_366 = arith.constant 4 : i32
          %get3A_367 = arith.index_cast %get3A_366 : i32 to index
          %get3A_368 = arith.constant 0 : index
          %get3A_369 = tpu.vector_load %arg22[%get3A_367, %get3A_368] {strides = array<i32>} : memref<16x32xbf16, #tpu.memory_space<vmem>>, vector<32xbf16>,
          %get3A_370 = arith.index_cast %squeeze3A_365 : i32 to index
          %get3A_371 = arith.constant 0 : index
          %get3A_372 = tpu.vector_load %arg6[%get3A_370, %get3A_371] {strides = array<i32>} : memref<6264x32xbf16, #tpu.memory_space<vmem>>, vector<32xbf16>,
          %min3A_373 = arith.minimumf %get3A_372, %get3A_369 : vector<32xbf16>
          %swap3A_374 = arith.index_cast %squeeze3A_365 : i32 to index
          %swap3A_375 = arith.constant 0 : index
          %swap3A_376 = tpu.vector_load %arg6[%swap3A_374, %swap3A_375] {strides = array<i32>} : memref<6264x32xbf16, #tpu.memory_space<vmem>>, vector<32xbf16>,
          tpu.vector_store %arg6[%swap3A_374, %swap3A_375], %min3A_373 {strides = array<i32>} : memref<6264x32xbf16, #tpu.memory_space<vmem>>, vector<32xbf16>,
          %slice3A_377 = vector.extract_strided_slice %get3A_314 {offsets = [5], sizes = [1], strides = [1]} : vector<16xi32> to vector<1xi32>
          %squeeze3A_378 = vector.extract %slice3A_377[0] : i32 from vector<1xi32>
          %get3A_379 = arith.constant 5 : i32
          %get3A_380 = arith.index_cast %get3A_379 : i32 to index
          %get3A_381 = arith.constant 0 : index
          %get3A_382 = tpu.vector_load %arg22[%get3A_380, %get3A_381] {strides = array<i32>} : memref<16x32xbf16, #tpu.memory_space<vmem>>, vector<32xbf16>,
          %get3A_383 = arith.index_cast %squeeze3A_378 : i32 to index
          %get3A_384 = arith.constant 0 : index
          %get3A_385 = tpu.vector_load %arg6[%get3A_383, %get3A_384] {strides = array<i32>} : memref<6264x32xbf16, #tpu.memory_space<vmem>>, vector<32xbf16>,
          %min3A_386 = arith.minimumf %get3A_385, %get3A_382 : vector<32xbf16>
          %swap3A_387 = arith.index_cast %squeeze3A_378 : i32 to index
          %swap3A_388 = arith.constant 0 : index
          %swap3A_389 = tpu.vector_load %arg6[%swap3A_387, %swap3A_388] {strides = array<i32>} : memref<6264x32xbf16, #tpu.memory_space<vmem>>, vector<32xbf16>,
          tpu.vector_store %arg6[%swap3A_387, %swap3A_388], %min3A_386 {strides = array<i32>} : memref<6264x32xbf16, #tpu.memory_space<vmem>>, vector<32xbf16>,
          %slice3A_390 = vector.extract_strided_slice %get3A_314 {offsets = [6], sizes = [1], strides = [1]} : vector<16xi32> to vector<1xi32>
          %squeeze3A_391 = vector.extract %slice3A_390[0] : i32 from vector<1xi32>
          %get3A_392 = arith.constant 6 : i32
          %get3A_393 = arith.index_cast %get3A_392 : i32 to index
          %get3A_394 = arith.constant 0 : index
          %get3A_395 = tpu.vector_load %arg22[%get3A_393, %get3A_394] {strides = array<i32>} : memref<16x32xbf16, #tpu.memory_space<vmem>>, vector<32xbf16>,
          %get3A_396 = arith.index_cast %squeeze3A_391 : i32 to index
          %get3A_397 = arith.constant 0 : index
          %get3A_398 = tpu.vector_load %arg6[%get3A_396, %get3A_397] {strides = array<i32>} : memref<6264x32xbf16, #tpu.memory_space<vmem>>, vector<32xbf16>,
          %min3A_399 = arith.minimumf %get3A_398, %get3A_395 : vector<32xbf16>
          %swap3A_400 = arith.index_cast %squeeze3A_391 : i32 to index
          %swap3A_401 = arith.constant 0 : index
          %swap3A_402 = tpu.vector_load %arg6[%swap3A_400, %swap3A_401] {strides = array<i32>} : memref<6264x32xbf16, #tpu.memory_space<vmem>>, vector<32xbf16>,
          tpu.vector_store %arg6[%swap3A_400, %swap3A_401], %min3A_399 {strides = array<i32>} : memref<6264x32xbf16, #tpu.memory_space<vmem>>, vector<32xbf16>,
          %slice3A_403 = vector.extract_strided_slice %get3A_314 {offsets = [7], sizes = [1], strides = [1]} : vector<16xi32> to vector<1xi32>
          %squeeze3A_404 = vector.extract %slice3A_403[0] : i32 from vector<1xi32>
          %get3A_405 = arith.constant 7 : i32
          %get3A_406 = arith.index_cast %get3A_405 : i32 to index
          %get3A_407 = arith.constant 0 : index
          %get3A_408 = tpu.vector_load %arg22[%get3A_406, %get3A_407] {strides = array<i32>} : memref<16x32xbf16, #tpu.memory_space<vmem>>, vector<32xbf16>,
          %get3A_409 = arith.index_cast %squeeze3A_404 : i32 to index
          %get3A_410 = arith.constant 0 : index
          %get3A_411 = tpu.vector_load %arg6[%get3A_409, %get3A_410] {strides = array<i32>} : memref<6264x32xbf16, #tpu.memory_space<vmem>>, vector<32xbf16>,
          %min3A_412 = arith.minimumf %get3A_411, %get3A_408 : vector<32xbf16>
          %swap3A_413 = arith.index_cast %squeeze3A_404 : i32 to index
          %swap3A_414 = arith.constant 0 : index
          %swap3A_415 = tpu.vector_load %arg6[%swap3A_413, %swap3A_414] {strides = array<i32>} : memref<6264x32xbf16, #tpu.memory_space<vmem>>, vector<32xbf16>,
          tpu.vector_store %arg6[%swap3A_413, %swap3A_414], %min3A_412 {strides = array<i32>} : memref<6264x32xbf16, #tpu.memory_space<vmem>>, vector<32xbf16>,
          %slice3A_416 = vector.extract_strided_slice %get3A_314 {offsets = [8], sizes = [1], strides = [1]} : vector<16xi32> to vector<1xi32>
          %squeeze3A_417 = vector.extract %slice3A_416[0] : i32 from vector<1xi32>
          %get3A_418 = arith.constant 8 : i32
          %get3A_419 = arith.index_cast %get3A_418 : i32 to index
          %get3A_420 = arith.constant 0 : index
          %get3A_421 = tpu.vector_load %arg22[%get3A_419, %get3A_420] {strides = array<i32>} : memref<16x32xbf16, #tpu.memory_space<vmem>>, vector<32xbf16>,
          %get3A_422 = arith.index_cast %squeeze3A_417 : i32 to index
          %get3A_423 = arith.constant 0 : index
          %get3A_424 = tpu.vector_load %arg6[%get3A_422, %get3A_423] {strides = array<i32>} : memref<6264x32xbf16, #tpu.memory_space<vmem>>, vector<32xbf16>,
          %min3A_425 = arith.minimumf %get3A_424, %get3A_421 : vector<32xbf16>
          %swap3A_426 = arith.index_cast %squeeze3A_417 : i32 to index
          %swap3A_427 = arith.constant 0 : index
          %swap3A_428 = tpu.vector_load %arg6[%swap3A_426, %swap3A_427] {strides = array<i32>} : memref<6264x32xbf16, #tpu.memory_space<vmem>>, vector<32xbf16>,
          tpu.vector_store %arg6[%swap3A_426, %swap3A_427], %min3A_425 {strides = array<i32>} : memref<6264x32xbf16, #tpu.memory_space<vmem>>, vector<32xbf16>,
          %slice3A_429 = vector.extract_strided_slice %get3A_314 {offsets = [9], sizes = [1], strides = [1]} : vector<16xi32> to vector<1xi32>
          %squeeze3A_430 = vector.extract %slice3A_429[0] : i32 from vector<1xi32>
          %get3A_431 = arith.constant 9 : i32
          %get3A_432 = arith.index_cast %get3A_431 : i32 to index
          %get3A_433 = arith.constant 0 : index
          %get3A_434 = tpu.vector_load %arg22[%get3A_432, %get3A_433] {strides = array<i32>} : memref<16x32xbf16, #tpu.memory_space<vmem>>, vector<32xbf16>,
          %get3A_435 = arith.index_cast %squeeze3A_430 : i32 to index
          %get3A_436 = arith.constant 0 : index
          %get3A_437 = tpu.vector_load %arg6[%get3A_435, %get3A_436] {strides = array<i32>} : memref<6264x32xbf16, #tpu.memory_space<vmem>>, vector<32xbf16>,
          %min3A_438 = arith.minimumf %get3A_437, %get3A_434 : vector<32xbf16>
          %swap3A_439 = arith.index_cast %squeeze3A_430 : i32 to index
          %swap3A_440 = arith.constant 0 : index
          %swap3A_441 = tpu.vector_load %arg6[%swap3A_439, %swap3A_440] {strides = array<i32>} : memref<6264x32xbf16, #tpu.memory_space<vmem>>, vector<32xbf16>,
          tpu.vector_store %arg6[%swap3A_439, %swap3A_440], %min3A_438 {strides = array<i32>} : memref<6264x32xbf16, #tpu.memory_space<vmem>>, vector<32xbf16>,
          %slice3A_442 = vector.extract_strided_slice %get3A_314 {offsets = [10], sizes = [1], strides = [1]} : vector<16xi32> to vector<1xi32>
          %squeeze3A_443 = vector.extract %slice3A_442[0] : i32 from vector<1xi32>
          %get3A_444 = arith.constant 10 : i32
          %get3A_445 = arith.index_cast %get3A_444 : i32 to index
          %get3A_446 = arith.constant 0 : index
          %get3A_447 = tpu.vector_load %arg22[%get3A_445, %get3A_446] {strides = array<i32>} : memref<16x32xbf16, #tpu.memory_space<vmem>>, vector<32xbf16>,
          %get3A_448 = arith.index_cast %squeeze3A_443 : i32 to index
          %get3A_449 = arith.constant 0 : index
          %get3A_450 = tpu.vector_load %arg6[%get3A_448, %get3A_449] {strides = array<i32>} : memref<6264x32xbf16, #tpu.memory_space<vmem>>, vector<32xbf16>,
          %min3A_451 = arith.minimumf %get3A_450, %get3A_447 : vector<32xbf16>
          %swap3A_452 = arith.index_cast %squeeze3A_443 : i32 to index
          %swap3A_453 = arith.constant 0 : index
          %swap3A_454 = tpu.vector_load %arg6[%swap3A_452, %swap3A_453] {strides = array<i32>} : memref<6264x32xbf16, #tpu.memory_space<vmem>>, vector<32xbf16>,
          tpu.vector_store %arg6[%swap3A_452, %swap3A_453], %min3A_451 {strides = array<i32>} : memref<6264x32xbf16, #tpu.memory_space<vmem>>, vector<32xbf16>,
          %slice3A_455 = vector.extract_strided_slice %get3A_314 {offsets = [11], sizes = [1], strides = [1]} : vector<16xi32> to vector<1xi32>
          %squeeze3A_456 = vector.extract %slice3A_455[0] : i32 from vector<1xi32>
          %get3A_457 = arith.constant 11 : i32
          %get3A_458 = arith.index_cast %get3A_457 : i32 to index
          %get3A_459 = arith.constant 0 : index
          %get3A_460 = tpu.vector_load %arg22[%get3A_458, %get3A_459] {strides = array<i32>} : memref<16x32xbf16, #tpu.memory_space<vmem>>, vector<32xbf16>,
          %get3A_461 = arith.index_cast %squeeze3A_456 : i32 to index
          %get3A_462 = arith.constant 0 : index
          %get3A_463 = tpu.vector_load %arg6[%get3A_461, %get3A_462] {strides = array<i32>} : memref<6264x32xbf16, #tpu.memory_space<vmem>>, vector<32xbf16>,
          %min3A_464 = arith.minimumf %get3A_463, %get3A_460 : vector<32xbf16>
          %swap3A_465 = arith.index_cast %squeeze3A_456 : i32 to index
          %swap3A_466 = arith.constant 0 : index
          %swap3A_467 = tpu.vector_load %arg6[%swap3A_465, %swap3A_466] {strides = array<i32>} : memref<6264x32xbf16, #tpu.memory_space<vmem>>, vector<32xbf16>,
          tpu.vector_store %arg6[%swap3A_465, %swap3A_466], %min3A_464 {strides = array<i32>} : memref<6264x32xbf16, #tpu.memory_space<vmem>>, vector<32xbf16>,
          %slice3A_468 = vector.extract_strided_slice %get3A_314 {offsets = [12], sizes = [1], strides = [1]} : vector<16xi32> to vector<1xi32>
          %squeeze3A_469 = vector.extract %slice3A_468[0] : i32 from vector<1xi32>
          %get3A_470 = arith.constant 12 : i32
          %get3A_471 = arith.index_cast %get3A_470 : i32 to index
          %get3A_472 = arith.constant 0 : index
          %get3A_473 = tpu.vector_load %arg22[%get3A_471, %get3A_472] {strides = array<i32>} : memref<16x32xbf16, #tpu.memory_space<vmem>>, vector<32xbf16>,
          %get3A_474 = arith.index_cast %squeeze3A_469 : i32 to index
          %get3A_475 = arith.constant 0 : index
          %get3A_476 = tpu.vector_load %arg6[%get3A_474, %get3A_475] {strides = array<i32>} : memref<6264x32xbf16, #tpu.memory_space<vmem>>, vector<32xbf16>,
          %min3A_477 = arith.minimumf %get3A_476, %get3A_473 : vector<32xbf16>
          %swap3A_478 = arith.index_cast %squeeze3A_469 : i32 to index
          %swap3A_479 = arith.constant 0 : index
          %swap3A_480 = tpu.vector_load %arg6[%swap3A_478, %swap3A_479] {strides = array<i32>} : memref<6264x32xbf16, #tpu.memory_space<vmem>>, vector<32xbf16>,
          tpu.vector_store %arg6[%swap3A_478, %swap3A_479], %min3A_477 {strides = array<i32>} : memref<6264x32xbf16, #tpu.memory_space<vmem>>, vector<32xbf16>,
          %slice3A_481 = vector.extract_strided_slice %get3A_314 {offsets = [13], sizes = [1], strides = [1]} : vector<16xi32> to vector<1xi32>
          %squeeze3A_482 = vector.extract %slice3A_481[0] : i32 from vector<1xi32>
          %get3A_483 = arith.constant 13 : i32
          %get3A_484 = arith.index_cast %get3A_483 : i32 to index
          %get3A_485 = arith.constant 0 : index
          %get3A_486 = tpu.vector_load %arg22[%get3A_484, %get3A_485] {strides = array<i32>} : memref<16x32xbf16, #tpu.memory_space<vmem>>, vector<32xbf16>,
          %get3A_487 = arith.index_cast %squeeze3A_482 : i32 to index
          %get3A_488 = arith.constant 0 : index
          %get3A_489 = tpu.vector_load %arg6[%get3A_487, %get3A_488] {strides = array<i32>} : memref<6264x32xbf16, #tpu.memory_space<vmem>>, vector<32xbf16>,
          %min3A_490 = arith.minimumf %get3A_489, %get3A_486 : vector<32xbf16>
          %swap3A_491 = arith.index_cast %squeeze3A_482 : i32 to index
          %swap3A_492 = arith.constant 0 : index
          %swap3A_493 = tpu.vector_load %arg6[%swap3A_491, %swap3A_492] {strides = array<i32>} : memref<6264x32xbf16, #tpu.memory_space<vmem>>, vector<32xbf16>,
          tpu.vector_store %arg6[%swap3A_491, %swap3A_492], %min3A_490 {strides = array<i32>} : memref<6264x32xbf16, #tpu.memory_space<vmem>>, vector<32xbf16>,
          %slice3A_494 = vector.extract_strided_slice %get3A_314 {offsets = [14], sizes = [1], strides = [1]} : vector<16xi32> to vector<1xi32>
          %squeeze3A_495 = vector.extract %slice3A_494[0] : i32 from vector<1xi32>
          %get3A_496 = arith.constant 14 : i32
          %get3A_497 = arith.index_cast %get3A_496 : i32 to index
          %get3A_498 = arith.constant 0 : index
          %get3A_499 = tpu.vector_load %arg22[%get3A_497, %get3A_498] {strides = array<i32>} : memref<16x32xbf16, #tpu.memory_space<vmem>>, vector<32xbf16>,
          %get3A_500 = arith.index_cast %squeeze3A_495 : i32 to index
          %get3A_501 = arith.constant 0 : index
          %get3A_502 = tpu.vector_load %arg6[%get3A_500, %get3A_501] {strides = array<i32>} : memref<6264x32xbf16, #tpu.memory_space<vmem>>, vector<32xbf16>,
          %min3A_503 = arith.minimumf %get3A_502, %get3A_499 : vector<32xbf16>
          %swap3A_504 = arith.index_cast %squeeze3A_495 : i32 to index
          %swap3A_505 = arith.constant 0 : index
          %swap3A_506 = tpu.vector_load %arg6[%swap3A_504, %swap3A_505] {strides = array<i32>} : memref<6264x32xbf16, #tpu.memory_space<vmem>>, vector<32xbf16>,
          tpu.vector_store %arg6[%swap3A_504, %swap3A_505], %min3A_503 {strides = array<i32>} : memref<6264x32xbf16, #tpu.memory_space<vmem>>, vector<32xbf16>,
          %slice3A_507 = vector.extract_strided_slice %get3A_314 {offsets = [15], sizes = [1], strides = [1]} : vector<16xi32> to vector<1xi32>
          %squeeze3A_508 = vector.extract %slice3A_507[0] : i32 from vector<1xi32>
          %get3A_509 = arith.constant 15 : i32
          %get3A_510 = arith.index_cast %get3A_509 : i32 to index
          %get3A_511 = arith.constant 0 : index
          %get3A_512 = tpu.vector_load %arg22[%get3A_510, %get3A_511] {strides = array<i32>} : memref<16x32xbf16, #tpu.memory_space<vmem>>, vector<32xbf16>,
          %get3A_513 = arith.index_cast %squeeze3A_508 : i32 to index
          %get3A_514 = arith.constant 0 : index
          %get3A_515 = tpu.vector_load %arg6[%get3A_513, %get3A_514] {strides = array<i32>} : memref<6264x32xbf16, #tpu.memory_space<vmem>>, vector<32xbf16>,
          %min3A_516 = arith.minimumf %get3A_515, %get3A_512 : vector<32xbf16>
          %swap3A_517 = arith.index_cast %squeeze3A_508 : i32 to index
          %swap3A_518 = arith.constant 0 : index
          %swap3A_519 = tpu.vector_load %arg6[%swap3A_517, %swap3A_518] {strides = array<i32>} : memref<6264x32xbf16, #tpu.memory_space<vmem>>, vector<32xbf16>,
          tpu.vector_store %arg6[%swap3A_517, %swap3A_518], %min3A_516 {strides = array<i32>} : memref<6264x32xbf16, #tpu.memory_space<vmem>>, vector<32xbf16>,
          %add3A_520 = arith.constant 4 : i32
          %add3A_521 = arith.addi %add3A_303, %add3A_520 : i32
          %lt3A_522 = arith.cmpi slt, %add3A_521, %select_n3A_156 : i32
          %convert_element_type3A_523 = arith.extui %lt3A_522 : i1 to i32
          %cond3A_524 = arith.constant 0 : i32
          %cond3A_525 = arith.cmpi ne, %convert_element_type3A_523, %cond3A_524 : i32
          scf.if %cond3A_525 {
            %add3A_526 = arith.constant 4 : i32
            %add3A_527 = arith.addi %add3A_303, %add3A_526 : i32
            %mul3A_528 = arith.constant 16 : i32
            %mul3A_529 = arith.muli %add3A_527, %mul3A_528 : i32
            %get3A_530 = arith.index_cast %mul3A_529 : i32 to index
            %get3A_531 = tpu.vector_load %arg14[%get3A_530] {strides = array<i32>} : memref<2416xi32, #tpu.memory_space<vmem>>, vector<16xi32>,
            %swap3A_532 = arith.constant 0 : index
            %swap3A_533 = tpu.vector_load %arg18[%swap3A_532] {strides = array<i32>} : memref<16xi32, #tpu.memory_space<vmem>>, vector<16xi32>,
            tpu.vector_store %arg18[%swap3A_532], %get3A_531 {strides = array<i32>} : memref<16xi32, #tpu.memory_space<vmem>>, vector<16xi32>,
            %dma_start3A_534 = arith.constant 0 : i32
            %dma_start3A_535 = arith.constant 0 : i32
            %dma_start3A_536 = tpu.memref_slice %arg2[%dma_start3A_534, %dma_start3A_535] : memref<100000x32xbf16, #tpu.memory_space<hbm>> -> memref<100000x32xbf16, #tpu.memory_space<hbm>>
            tpu.enqueue_indirect_dma source(%dma_start3A_536 : memref<100000x32xbf16, #tpu.memory_space<hbm>>) target(%arg22 : memref<16x32xbf16, #tpu.memory_space<vmem>>) offsets(%arg18 : memref<16xi32, #tpu.memory_space<vmem>>) semaphore(%arg28 : memref<!tpu.dma_semaphore, #tpu.memory_space<semaphore_mem>>)
          } else {
          }
        } else {
        }
        %while3A_308 = arith.constant 0 : i32
        scf.yield %while3A_308 : i32
      }
      %while3A_265 = arith.constant 1 : i32
      %while3A_266 = scf.for %while3A_274 = %while3A_262 to %while3A_258 step %while3A_265 iter_args(%while3A_275 = %while3A_264) -> (i32)  : i32 {
        %mul3A_276 = arith.constant 4 : i32
        %mul3A_277 = arith.muli %mul3A_276, %while3A_274 : i32
        %add3A_278 = arith.constant 0 : i32
        %add3A_279 = arith.addi %mul3A_277, %add3A_278 : i32
        %lt3A_280 = arith.cmpi slt, %add3A_279, %select_n3A_156 : i32
        %convert_element_type3A_281 = arith.extui %lt3A_280 : i1 to i32
        %cond3A_282 = arith.constant 0 : i32
        %cond3A_283 = arith.cmpi ne, %convert_element_type3A_281, %cond3A_282 : i32
        scf.if %cond3A_283 {
          %dma_wait3A_309 = arith.constant 0 : i32
          %dma_wait3A_310 = arith.constant 0 : i32
          %dma_wait3A_311 = tpu.memref_slice %arg2[%dma_wait3A_309, %dma_wait3A_310] : memref<100000x32xbf16, #tpu.memory_space<hbm>> -> memref<100000x32xbf16, #tpu.memory_space<hbm>>
          tpu.wait_indirect_dma semaphore(%arg25 : memref<!tpu.dma_semaphore, #tpu.memory_space<semaphore_mem>>) src(%dma_wait3A_311 : memref<100000x32xbf16, #tpu.memory_space<hbm>>) dst(%arg19 : memref<16x32xbf16, #tpu.memory_space<vmem>>)
          %mul3A_312 = arith.constant 16 : i32
          %mul3A_313 = arith.muli %add3A_279, %mul3A_312 : i32
          %get3A = arith.index_cast %mul3A_313 : i32 to index
          %get3A_314 = tpu.vector_load %arg13[%get3A] {strides = array<i32>} : memref<2416xi32, #tpu.memory_space<vmem>>, vector<16xi32>,
          %slice3A = vector.extract_strided_slice %get3A_314 {offsets = [0], sizes = [1], strides = [1]} : vector<16xi32> to vector<1xi32>
          %squeeze3A = vector.extract %slice3A[0] : i32 from vector<1xi32>
          %get3A_315 = arith.constant 0 : i32
          %get3A_316 = arith.index_cast %get3A_315 : i32 to index
          %get3A_317 = arith.constant 0 : index
          %get3A_318 = tpu.vector_load %arg19[%get3A_316, %get3A_317] {strides = array<i32>} : memref<16x32xbf16, #tpu.memory_space<vmem>>, vector<32xbf16>,
          %get3A_319 = arith.index_cast %squeeze3A : i32 to index
          %get3A_320 = arith.constant 0 : index
          %get3A_321 = tpu.vector_load %arg6[%get3A_319, %get3A_320] {strides = array<i32>} : memref<6264x32xbf16, #tpu.memory_space<vmem>>, vector<32xbf16>,
          %min3A = arith.minimumf %get3A_321, %get3A_318 : vector<32xbf16>
          %swap3A_322 = arith.index_cast %squeeze3A : i32 to index
          %swap3A_323 = arith.constant 0 : index
          %swap3A_324 = tpu.vector_load %arg6[%swap3A_322, %swap3A_323] {strides = array<i32>} : memref<6264x32xbf16, #tpu.memory_space<vmem>>, vector<32xbf16>,
          tpu.vector_store %arg6[%swap3A_322, %swap3A_323], %min3A {strides = array<i32>} : memref<6264x32xbf16, #tpu.memory_space<vmem>>, vector<32xbf16>,
          %slice3A_325 = vector.extract_strided_slice %get3A_314 {offsets = [1], sizes = [1], strides = [1]} : vector<16xi32> to vector<1xi32>
          %squeeze3A_326 = vector.extract %slice3A_325[0] : i32 from vector<1xi32>
          %get3A_327 = arith.constant 1 : i32
          %get3A_328 = arith.index_cast %get3A_327 : i32 to index
          %get3A_329 = arith.constant 0 : index
          %get3A_330 = tpu.vector_load %arg19[%get3A_328, %get3A_329] {strides = array<i32>} : memref<16x32xbf16, #tpu.memory_space<vmem>>, vector<32xbf16>,
          %get3A_331 = arith.index_cast %squeeze3A_326 : i32 to index
          %get3A_332 = arith.constant 0 : index
          %get3A_333 = tpu.vector_load %arg6[%get3A_331, %get3A_332] {strides = array<i32>} : memref<6264x32xbf16, #tpu.memory_space<vmem>>, vector<32xbf16>,
          %min3A_334 = arith.minimumf %get3A_333, %get3A_330 : vector<32xbf16>
          %swap3A_335 = arith.index_cast %squeeze3A_326 : i32 to index
          %swap3A_336 = arith.constant 0 : index
          %swap3A_337 = tpu.vector_load %arg6[%swap3A_335, %swap3A_336] {strides = array<i32>} : memref<6264x32xbf16, #tpu.memory_space<vmem>>, vector<32xbf16>,
          tpu.vector_store %arg6[%swap3A_335, %swap3A_336], %min3A_334 {strides = array<i32>} : memref<6264x32xbf16, #tpu.memory_space<vmem>>, vector<32xbf16>,
          %slice3A_338 = vector.extract_strided_slice %get3A_314 {offsets = [2], sizes = [1], strides = [1]} : vector<16xi32> to vector<1xi32>
          %squeeze3A_339 = vector.extract %slice3A_338[0] : i32 from vector<1xi32>
          %get3A_340 = arith.constant 2 : i32
          %get3A_341 = arith.index_cast %get3A_340 : i32 to index
          %get3A_342 = arith.constant 0 : index
          %get3A_343 = tpu.vector_load %arg19[%get3A_341, %get3A_342] {strides = array<i32>} : memref<16x32xbf16, #tpu.memory_space<vmem>>, vector<32xbf16>,
          %get3A_344 = arith.index_cast %squeeze3A_339 : i32 to index
          %get3A_345 = arith.constant 0 : index
          %get3A_346 = tpu.vector_load %arg6[%get3A_344, %get3A_345] {strides = array<i32>} : memref<6264x32xbf16, #tpu.memory_space<vmem>>, vector<32xbf16>,
          %min3A_347 = arith.minimumf %get3A_346, %get3A_343 : vector<32xbf16>
          %swap3A_348 = arith.index_cast %squeeze3A_339 : i32 to index
          %swap3A_349 = arith.constant 0 : index
          %swap3A_350 = tpu.vector_load %arg6[%swap3A_348, %swap3A_349] {strides = array<i32>} : memref<6264x32xbf16, #tpu.memory_space<vmem>>, vector<32xbf16>,
          tpu.vector_store %arg6[%swap3A_348, %swap3A_349], %min3A_347 {strides = array<i32>} : memref<6264x32xbf16, #tpu.memory_space<vmem>>, vector<32xbf16>,
          %slice3A_351 = vector.extract_strided_slice %get3A_314 {offsets = [3], sizes = [1], strides = [1]} : vector<16xi32> to vector<1xi32>
          %squeeze3A_352 = vector.extract %slice3A_351[0] : i32 from vector<1xi32>
          %get3A_353 = arith.constant 3 : i32
          %get3A_354 = arith.index_cast %get3A_353 : i32 to index
          %get3A_355 = arith.constant 0 : index
          %get3A_356 = tpu.vector_load %arg19[%get3A_354, %get3A_355] {strides = array<i32>} : memref<16x32xbf16, #tpu.memory_space<vmem>>, vector<32xbf16>,
          %get3A_357 = arith.index_cast %squeeze3A_352 : i32 to index
          %get3A_358 = arith.constant 0 : index
          %get3A_359 = tpu.vector_load %arg6[%get3A_357, %get3A_358] {strides = array<i32>} : memref<6264x32xbf16, #tpu.memory_space<vmem>>, vector<32xbf16>,
          %min3A_360 = arith.minimumf %get3A_359, %get3A_356 : vector<32xbf16>
          %swap3A_361 = arith.index_cast %squeeze3A_352 : i32 to index
          %swap3A_362 = arith.constant 0 : index
          %swap3A_363 = tpu.vector_load %arg6[%swap3A_361, %swap3A_362] {strides = array<i32>} : memref<6264x32xbf16, #tpu.memory_space<vmem>>, vector<32xbf16>,
          tpu.vector_store %arg6[%swap3A_361, %swap3A_362], %min3A_360 {strides = array<i32>} : memref<6264x32xbf16, #tpu.memory_space<vmem>>, vector<32xbf16>,
          %slice3A_364 = vector.extract_strided_slice %get3A_314 {offsets = [4], sizes = [1], strides = [1]} : vector<16xi32> to vector<1xi32>
          %squeeze3A_365 = vector.extract %slice3A_364[0] : i32 from vector<1xi32>
          %get3A_366 = arith.constant 4 : i32
          %get3A_367 = arith.index_cast %get3A_366 : i32 to index
          %get3A_368 = arith.constant 0 : index
          %get3A_369 = tpu.vector_load %arg19[%get3A_367, %get3A_368] {strides = array<i32>} : memref<16x32xbf16, #tpu.memory_space<vmem>>, vector<32xbf16>,
          %get3A_370 = arith.index_cast %squeeze3A_365 : i32 to index
          %get3A_371 = arith.constant 0 : index
          %get3A_372 = tpu.vector_load %arg6[%get3A_370, %get3A_371] {strides = array<i32>} : memref<6264x32xbf16, #tpu.memory_space<vmem>>, vector<32xbf16>,
          %min3A_373 = arith.minimumf %get3A_372, %get3A_369 : vector<32xbf16>
          %swap3A_374 = arith.index_cast %squeeze3A_365 : i32 to index
          %swap3A_375 = arith.constant 0 : index
          %swap3A_376 = tpu.vector_load %arg6[%swap3A_374, %swap3A_375] {strides = array<i32>} : memref<6264x32xbf16, #tpu.memory_space<vmem>>, vector<32xbf16>,
          tpu.vector_store %arg6[%swap3A_374, %swap3A_375], %min3A_373 {strides = array<i32>} : memref<6264x32xbf16, #tpu.memory_space<vmem>>, vector<32xbf16>,
          %slice3A_377 = vector.extract_strided_slice %get3A_314 {offsets = [5], sizes = [1], strides = [1]} : vector<16xi32> to vector<1xi32>
          %squeeze3A_378 = vector.extract %slice3A_377[0] : i32 from vector<1xi32>
          %get3A_379 = arith.constant 5 : i32
          %get3A_380 = arith.index_cast %get3A_379 : i32 to index
          %get3A_381 = arith.constant 0 : index
          %get3A_382 = tpu.vector_load %arg19[%get3A_380, %get3A_381] {strides = array<i32>} : memref<16x32xbf16, #tpu.memory_space<vmem>>, vector<32xbf16>,
          %get3A_383 = arith.index_cast %squeeze3A_378 : i32 to index
          %get3A_384 = arith.constant 0 : index
          %get3A_385 = tpu.vector_load %arg6[%get3A_383, %get3A_384] {strides = array<i32>} : memref<6264x32xbf16, #tpu.memory_space<vmem>>, vector<32xbf16>,
          %min3A_386 = arith.minimumf %get3A_385, %get3A_382 : vector<32xbf16>
          %swap3A_387 = arith.index_cast %squeeze3A_378 : i32 to index
          %swap3A_388 = arith.constant 0 : index
          %swap3A_389 = tpu.vector_load %arg6[%swap3A_387, %swap3A_388] {strides = array<i32>} : memref<6264x32xbf16, #tpu.memory_space<vmem>>, vector<32xbf16>,
          tpu.vector_store %arg6[%swap3A_387, %swap3A_388], %min3A_386 {strides = array<i32>} : memref<6264x32xbf16, #tpu.memory_space<vmem>>, vector<32xbf16>,
          %slice3A_390 = vector.extract_strided_slice %get3A_314 {offsets = [6], sizes = [1], strides = [1]} : vector<16xi32> to vector<1xi32>
          %squeeze3A_391 = vector.extract %slice3A_390[0] : i32 from vector<1xi32>
          %get3A_392 = arith.constant 6 : i32
          %get3A_393 = arith.index_cast %get3A_392 : i32 to index
          %get3A_394 = arith.constant 0 : index
          %get3A_395 = tpu.vector_load %arg19[%get3A_393, %get3A_394] {strides = array<i32>} : memref<16x32xbf16, #tpu.memory_space<vmem>>, vector<32xbf16>,
          %get3A_396 = arith.index_cast %squeeze3A_391 : i32 to index
          %get3A_397 = arith.constant 0 : index
          %get3A_398 = tpu.vector_load %arg6[%get3A_396, %get3A_397] {strides = array<i32>} : memref<6264x32xbf16, #tpu.memory_space<vmem>>, vector<32xbf16>,
          %min3A_399 = arith.minimumf %get3A_398, %get3A_395 : vector<32xbf16>
          %swap3A_400 = arith.index_cast %squeeze3A_391 : i32 to index
          %swap3A_401 = arith.constant 0 : index
          %swap3A_402 = tpu.vector_load %arg6[%swap3A_400, %swap3A_401] {strides = array<i32>} : memref<6264x32xbf16, #tpu.memory_space<vmem>>, vector<32xbf16>,
          tpu.vector_store %arg6[%swap3A_400, %swap3A_401], %min3A_399 {strides = array<i32>} : memref<6264x32xbf16, #tpu.memory_space<vmem>>, vector<32xbf16>,
          %slice3A_403 = vector.extract_strided_slice %get3A_314 {offsets = [7], sizes = [1], strides = [1]} : vector<16xi32> to vector<1xi32>
          %squeeze3A_404 = vector.extract %slice3A_403[0] : i32 from vector<1xi32>
          %get3A_405 = arith.constant 7 : i32
          %get3A_406 = arith.index_cast %get3A_405 : i32 to index
          %get3A_407 = arith.constant 0 : index
          %get3A_408 = tpu.vector_load %arg19[%get3A_406, %get3A_407] {strides = array<i32>} : memref<16x32xbf16, #tpu.memory_space<vmem>>, vector<32xbf16>,
          %get3A_409 = arith.index_cast %squeeze3A_404 : i32 to index
          %get3A_410 = arith.constant 0 : index
          %get3A_411 = tpu.vector_load %arg6[%get3A_409, %get3A_410] {strides = array<i32>} : memref<6264x32xbf16, #tpu.memory_space<vmem>>, vector<32xbf16>,
          %min3A_412 = arith.minimumf %get3A_411, %get3A_408 : vector<32xbf16>
          %swap3A_413 = arith.index_cast %squeeze3A_404 : i32 to index
          %swap3A_414 = arith.constant 0 : index
          %swap3A_415 = tpu.vector_load %arg6[%swap3A_413, %swap3A_414] {strides = array<i32>} : memref<6264x32xbf16, #tpu.memory_space<vmem>>, vector<32xbf16>,
          tpu.vector_store %arg6[%swap3A_413, %swap3A_414], %min3A_412 {strides = array<i32>} : memref<6264x32xbf16, #tpu.memory_space<vmem>>, vector<32xbf16>,
          %slice3A_416 = vector.extract_strided_slice %get3A_314 {offsets = [8], sizes = [1], strides = [1]} : vector<16xi32> to vector<1xi32>
          %squeeze3A_417 = vector.extract %slice3A_416[0] : i32 from vector<1xi32>
          %get3A_418 = arith.constant 8 : i32
          %get3A_419 = arith.index_cast %get3A_418 : i32 to index
          %get3A_420 = arith.constant 0 : index
          %get3A_421 = tpu.vector_load %arg19[%get3A_419, %get3A_420] {strides = array<i32>} : memref<16x32xbf16, #tpu.memory_space<vmem>>, vector<32xbf16>,
          %get3A_422 = arith.index_cast %squeeze3A_417 : i32 to index
          %get3A_423 = arith.constant 0 : index
          %get3A_424 = tpu.vector_load %arg6[%get3A_422, %get3A_423] {strides = array<i32>} : memref<6264x32xbf16, #tpu.memory_space<vmem>>, vector<32xbf16>,
          %min3A_425 = arith.minimumf %get3A_424, %get3A_421 : vector<32xbf16>
          %swap3A_426 = arith.index_cast %squeeze3A_417 : i32 to index
          %swap3A_427 = arith.constant 0 : index
          %swap3A_428 = tpu.vector_load %arg6[%swap3A_426, %swap3A_427] {strides = array<i32>} : memref<6264x32xbf16, #tpu.memory_space<vmem>>, vector<32xbf16>,
          tpu.vector_store %arg6[%swap3A_426, %swap3A_427], %min3A_425 {strides = array<i32>} : memref<6264x32xbf16, #tpu.memory_space<vmem>>, vector<32xbf16>,
          %slice3A_429 = vector.extract_strided_slice %get3A_314 {offsets = [9], sizes = [1], strides = [1]} : vector<16xi32> to vector<1xi32>
          %squeeze3A_430 = vector.extract %slice3A_429[0] : i32 from vector<1xi32>
          %get3A_431 = arith.constant 9 : i32
          %get3A_432 = arith.index_cast %get3A_431 : i32 to index
          %get3A_433 = arith.constant 0 : index
          %get3A_434 = tpu.vector_load %arg19[%get3A_432, %get3A_433] {strides = array<i32>} : memref<16x32xbf16, #tpu.memory_space<vmem>>, vector<32xbf16>,
          %get3A_435 = arith.index_cast %squeeze3A_430 : i32 to index
          %get3A_436 = arith.constant 0 : index
          %get3A_437 = tpu.vector_load %arg6[%get3A_435, %get3A_436] {strides = array<i32>} : memref<6264x32xbf16, #tpu.memory_space<vmem>>, vector<32xbf16>,
          %min3A_438 = arith.minimumf %get3A_437, %get3A_434 : vector<32xbf16>
          %swap3A_439 = arith.index_cast %squeeze3A_430 : i32 to index
          %swap3A_440 = arith.constant 0 : index
          %swap3A_441 = tpu.vector_load %arg6[%swap3A_439, %swap3A_440] {strides = array<i32>} : memref<6264x32xbf16, #tpu.memory_space<vmem>>, vector<32xbf16>,
          tpu.vector_store %arg6[%swap3A_439, %swap3A_440], %min3A_438 {strides = array<i32>} : memref<6264x32xbf16, #tpu.memory_space<vmem>>, vector<32xbf16>,
          %slice3A_442 = vector.extract_strided_slice %get3A_314 {offsets = [10], sizes = [1], strides = [1]} : vector<16xi32> to vector<1xi32>
          %squeeze3A_443 = vector.extract %slice3A_442[0] : i32 from vector<1xi32>
          %get3A_444 = arith.constant 10 : i32
          %get3A_445 = arith.index_cast %get3A_444 : i32 to index
          %get3A_446 = arith.constant 0 : index
          %get3A_447 = tpu.vector_load %arg19[%get3A_445, %get3A_446] {strides = array<i32>} : memref<16x32xbf16, #tpu.memory_space<vmem>>, vector<32xbf16>,
          %get3A_448 = arith.index_cast %squeeze3A_443 : i32 to index
          %get3A_449 = arith.constant 0 : index
          %get3A_450 = tpu.vector_load %arg6[%get3A_448, %get3A_449] {strides = array<i32>} : memref<6264x32xbf16, #tpu.memory_space<vmem>>, vector<32xbf16>,
          %min3A_451 = arith.minimumf %get3A_450, %get3A_447 : vector<32xbf16>
          %swap3A_452 = arith.index_cast %squeeze3A_443 : i32 to index
          %swap3A_453 = arith.constant 0 : index
          %swap3A_454 = tpu.vector_load %arg6[%swap3A_452, %swap3A_453] {strides = array<i32>} : memref<6264x32xbf16, #tpu.memory_space<vmem>>, vector<32xbf16>,
          tpu.vector_store %arg6[%swap3A_452, %swap3A_453], %min3A_451 {strides = array<i32>} : memref<6264x32xbf16, #tpu.memory_space<vmem>>, vector<32xbf16>,
          %slice3A_455 = vector.extract_strided_slice %get3A_314 {offsets = [11], sizes = [1], strides = [1]} : vector<16xi32> to vector<1xi32>
          %squeeze3A_456 = vector.extract %slice3A_455[0] : i32 from vector<1xi32>
          %get3A_457 = arith.constant 11 : i32
          %get3A_458 = arith.index_cast %get3A_457 : i32 to index
          %get3A_459 = arith.constant 0 : index
          %get3A_460 = tpu.vector_load %arg19[%get3A_458, %get3A_459] {strides = array<i32>} : memref<16x32xbf16, #tpu.memory_space<vmem>>, vector<32xbf16>,
          %get3A_461 = arith.index_cast %squeeze3A_456 : i32 to index
          %get3A_462 = arith.constant 0 : index
          %get3A_463 = tpu.vector_load %arg6[%get3A_461, %get3A_462] {strides = array<i32>} : memref<6264x32xbf16, #tpu.memory_space<vmem>>, vector<32xbf16>,
          %min3A_464 = arith.minimumf %get3A_463, %get3A_460 : vector<32xbf16>
          %swap3A_465 = arith.index_cast %squeeze3A_456 : i32 to index
          %swap3A_466 = arith.constant 0 : index
          %swap3A_467 = tpu.vector_load %arg6[%swap3A_465, %swap3A_466] {strides = array<i32>} : memref<6264x32xbf16, #tpu.memory_space<vmem>>, vector<32xbf16>,
          tpu.vector_store %arg6[%swap3A_465, %swap3A_466], %min3A_464 {strides = array<i32>} : memref<6264x32xbf16, #tpu.memory_space<vmem>>, vector<32xbf16>,
          %slice3A_468 = vector.extract_strided_slice %get3A_314 {offsets = [12], sizes = [1], strides = [1]} : vector<16xi32> to vector<1xi32>
          %squeeze3A_469 = vector.extract %slice3A_468[0] : i32 from vector<1xi32>
          %get3A_470 = arith.constant 12 : i32
          %get3A_471 = arith.index_cast %get3A_470 : i32 to index
          %get3A_472 = arith.constant 0 : index
          %get3A_473 = tpu.vector_load %arg19[%get3A_471, %get3A_472] {strides = array<i32>} : memref<16x32xbf16, #tpu.memory_space<vmem>>, vector<32xbf16>,
          %get3A_474 = arith.index_cast %squeeze3A_469 : i32 to index
          %get3A_475 = arith.constant 0 : index
          %get3A_476 = tpu.vector_load %arg6[%get3A_474, %get3A_475] {strides = array<i32>} : memref<6264x32xbf16, #tpu.memory_space<vmem>>, vector<32xbf16>,
          %min3A_477 = arith.minimumf %get3A_476, %get3A_473 : vector<32xbf16>
          %swap3A_478 = arith.index_cast %squeeze3A_469 : i32 to index
          %swap3A_479 = arith.constant 0 : index
          %swap3A_480 = tpu.vector_load %arg6[%swap3A_478, %swap3A_479] {strides = array<i32>} : memref<6264x32xbf16, #tpu.memory_space<vmem>>, vector<32xbf16>,
          tpu.vector_store %arg6[%swap3A_478, %swap3A_479], %min3A_477 {strides = array<i32>} : memref<6264x32xbf16, #tpu.memory_space<vmem>>, vector<32xbf16>,
          %slice3A_481 = vector.extract_strided_slice %get3A_314 {offsets = [13], sizes = [1], strides = [1]} : vector<16xi32> to vector<1xi32>
          %squeeze3A_482 = vector.extract %slice3A_481[0] : i32 from vector<1xi32>
          %get3A_483 = arith.constant 13 : i32
          %get3A_484 = arith.index_cast %get3A_483 : i32 to index
          %get3A_485 = arith.constant 0 : index
          %get3A_486 = tpu.vector_load %arg19[%get3A_484, %get3A_485] {strides = array<i32>} : memref<16x32xbf16, #tpu.memory_space<vmem>>, vector<32xbf16>,
          %get3A_487 = arith.index_cast %squeeze3A_482 : i32 to index
          %get3A_488 = arith.constant 0 : index
          %get3A_489 = tpu.vector_load %arg6[%get3A_487, %get3A_488] {strides = array<i32>} : memref<6264x32xbf16, #tpu.memory_space<vmem>>, vector<32xbf16>,
          %min3A_490 = arith.minimumf %get3A_489, %get3A_486 : vector<32xbf16>
          %swap3A_491 = arith.index_cast %squeeze3A_482 : i32 to index
          %swap3A_492 = arith.constant 0 : index
          %swap3A_493 = tpu.vector_load %arg6[%swap3A_491, %swap3A_492] {strides = array<i32>} : memref<6264x32xbf16, #tpu.memory_space<vmem>>, vector<32xbf16>,
          tpu.vector_store %arg6[%swap3A_491, %swap3A_492], %min3A_490 {strides = array<i32>} : memref<6264x32xbf16, #tpu.memory_space<vmem>>, vector<32xbf16>,
          %slice3A_494 = vector.extract_strided_slice %get3A_314 {offsets = [14], sizes = [1], strides = [1]} : vector<16xi32> to vector<1xi32>
          %squeeze3A_495 = vector.extract %slice3A_494[0] : i32 from vector<1xi32>
          %get3A_496 = arith.constant 14 : i32
          %get3A_497 = arith.index_cast %get3A_496 : i32 to index
          %get3A_498 = arith.constant 0 : index
          %get3A_499 = tpu.vector_load %arg19[%get3A_497, %get3A_498] {strides = array<i32>} : memref<16x32xbf16, #tpu.memory_space<vmem>>, vector<32xbf16>,
          %get3A_500 = arith.index_cast %squeeze3A_495 : i32 to index
          %get3A_501 = arith.constant 0 : index
          %get3A_502 = tpu.vector_load %arg6[%get3A_500, %get3A_501] {strides = array<i32>} : memref<6264x32xbf16, #tpu.memory_space<vmem>>, vector<32xbf16>,
          %min3A_503 = arith.minimumf %get3A_502, %get3A_499 : vector<32xbf16>
          %swap3A_504 = arith.index_cast %squeeze3A_495 : i32 to index
          %swap3A_505 = arith.constant 0 : index
          %swap3A_506 = tpu.vector_load %arg6[%swap3A_504, %swap3A_505] {strides = array<i32>} : memref<6264x32xbf16, #tpu.memory_space<vmem>>, vector<32xbf16>,
          tpu.vector_store %arg6[%swap3A_504, %swap3A_505], %min3A_503 {strides = array<i32>} : memref<6264x32xbf16, #tpu.memory_space<vmem>>, vector<32xbf16>,
          %slice3A_507 = vector.extract_strided_slice %get3A_314 {offsets = [15], sizes = [1], strides = [1]} : vector<16xi32> to vector<1xi32>
          %squeeze3A_508 = vector.extract %slice3A_507[0] : i32 from vector<1xi32>
          %get3A_509 = arith.constant 15 : i32
          %get3A_510 = arith.index_cast %get3A_509 : i32 to index
          %get3A_511 = arith.constant 0 : index
          %get3A_512 = tpu.vector_load %arg19[%get3A_510, %get3A_511] {strides = array<i32>} : memref<16x32xbf16, #tpu.memory_space<vmem>>, vector<32xbf16>,
          %get3A_513 = arith.index_cast %squeeze3A_508 : i32 to index
          %get3A_514 = arith.constant 0 : index
          %get3A_515 = tpu.vector_load %arg6[%get3A_513, %get3A_514] {strides = array<i32>} : memref<6264x32xbf16, #tpu.memory_space<vmem>>, vector<32xbf16>,
          %min3A_516 = arith.minimumf %get3A_515, %get3A_512 : vector<32xbf16>
          %swap3A_517 = arith.index_cast %squeeze3A_508 : i32 to index
          %swap3A_518 = arith.constant 0 : index
          %swap3A_519 = tpu.vector_load %arg6[%swap3A_517, %swap3A_518] {strides = array<i32>} : memref<6264x32xbf16, #tpu.memory_space<vmem>>, vector<32xbf16>,
          tpu.vector_store %arg6[%swap3A_517, %swap3A_518], %min3A_516 {strides = array<i32>} : memref<6264x32xbf16, #tpu.memory_space<vmem>>, vector<32xbf16>,
          %add3A_520 = arith.constant 4 : i32
          %add3A_521 = arith.addi %add3A_279, %add3A_520 : i32
          %lt3A_522 = arith.cmpi slt, %add3A_521, %select_n3A_156 : i32
          %convert_element_type3A_523 = arith.extui %lt3A_522 : i1 to i32
          %cond3A_524 = arith.constant 0 : i32
          %cond3A_525 = arith.cmpi ne, %convert_element_type3A_523, %cond3A_524 : i32
          scf.if %cond3A_525 {
            %add3A_526 = arith.constant 4 : i32
            %add3A_527 = arith.addi %add3A_279, %add3A_526 : i32
            %mul3A_528 = arith.constant 16 : i32
            %mul3A_529 = arith.muli %add3A_527, %mul3A_528 : i32
            %get3A_530 = arith.index_cast %mul3A_529 : i32 to index
            %get3A_531 = tpu.vector_load %arg14[%get3A_530] {strides = array<i32>} : memref<2416xi32, #tpu.memory_space<vmem>>, vector<16xi32>,
            %swap3A_532 = arith.constant 0 : index
            %swap3A_533 = tpu.vector_load %arg15[%swap3A_532] {strides = array<i32>} : memref<16xi32, #tpu.memory_space<vmem>>, vector<16xi32>,
            tpu.vector_store %arg15[%swap3A_532], %get3A_531 {strides = array<i32>} : memref<16xi32, #tpu.memory_space<vmem>>, vector<16xi32>,
            %dma_start3A_534 = arith.constant 0 : i32
            %dma_start3A_535 = arith.constant 0 : i32
            %dma_start3A_536 = tpu.memref_slice %arg2[%dma_start3A_534, %dma_start3A_535] : memref<100000x32xbf16, #tpu.memory_space<hbm>> -> memref<100000x32xbf16, #tpu.memory_space<hbm>>
            tpu.enqueue_indirect_dma source(%dma_start3A_536 : memref<100000x32xbf16, #tpu.memory_space<hbm>>) target(%arg19 : memref<16x32xbf16, #tpu.memory_space<vmem>>) offsets(%arg15 : memref<16xi32, #tpu.memory_space<vmem>>) semaphore(%arg25 : memref<!tpu.dma_semaphore, #tpu.memory_space<semaphore_mem>>)
          } else {
          }
        } else {
        }
        %mul3A_284 = arith.constant 4 : i32
        %mul3A_285 = arith.muli %mul3A_284, %while3A_274 : i32
        %add3A_286 = arith.constant 1 : i32
        %add3A_287 = arith.addi %mul3A_285, %add3A_286 : i32
        %lt3A_288 = arith.cmpi slt, %add3A_287, %select_n3A_156 : i32
        %convert_element_type3A_289 = arith.extui %lt3A_288 : i1 to i32
        %cond3A_290 = arith.constant 0 : i32
        %cond3A_291 = arith.cmpi ne, %convert_element_type3A_289, %cond3A_290 : i32
        scf.if %cond3A_291 {
          %dma_wait3A_309 = arith.constant 0 : i32
          %dma_wait3A_310 = arith.constant 0 : i32
          %dma_wait3A_311 = tpu.memref_slice %arg2[%dma_wait3A_309, %dma_wait3A_310] : memref<100000x32xbf16, #tpu.memory_space<hbm>> -> memref<100000x32xbf16, #tpu.memory_space<hbm>>
          tpu.wait_indirect_dma semaphore(%arg26 : memref<!tpu.dma_semaphore, #tpu.memory_space<semaphore_mem>>) src(%dma_wait3A_311 : memref<100000x32xbf16, #tpu.memory_space<hbm>>) dst(%arg20 : memref<16x32xbf16, #tpu.memory_space<vmem>>)
          %mul3A_312 = arith.constant 16 : i32
          %mul3A_313 = arith.muli %add3A_287, %mul3A_312 : i32
          %get3A = arith.index_cast %mul3A_313 : i32 to index
          %get3A_314 = tpu.vector_load %arg13[%get3A] {strides = array<i32>} : memref<2416xi32, #tpu.memory_space<vmem>>, vector<16xi32>,
          %slice3A = vector.extract_strided_slice %get3A_314 {offsets = [0], sizes = [1], strides = [1]} : vector<16xi32> to vector<1xi32>
          %squeeze3A = vector.extract %slice3A[0] : i32 from vector<1xi32>
          %get3A_315 = arith.constant 0 : i32
          %get3A_316 = arith.index_cast %get3A_315 : i32 to index
          %get3A_317 = arith.constant 0 : index
          %get3A_318 = tpu.vector_load %arg20[%get3A_316, %get3A_317] {strides = array<i32>} : memref<16x32xbf16, #tpu.memory_space<vmem>>, vector<32xbf16>,
          %get3A_319 = arith.index_cast %squeeze3A : i32 to index
          %get3A_320 = arith.constant 0 : index
          %get3A_321 = tpu.vector_load %arg6[%get3A_319, %get3A_320] {strides = array<i32>} : memref<6264x32xbf16, #tpu.memory_space<vmem>>, vector<32xbf16>,
          %min3A = arith.minimumf %get3A_321, %get3A_318 : vector<32xbf16>
          %swap3A_322 = arith.index_cast %squeeze3A : i32 to index
          %swap3A_323 = arith.constant 0 : index
          %swap3A_324 = tpu.vector_load %arg6[%swap3A_322, %swap3A_323] {strides = array<i32>} : memref<6264x32xbf16, #tpu.memory_space<vmem>>, vector<32xbf16>,
          tpu.vector_store %arg6[%swap3A_322, %swap3A_323], %min3A {strides = array<i32>} : memref<6264x32xbf16, #tpu.memory_space<vmem>>, vector<32xbf16>,
          %slice3A_325 = vector.extract_strided_slice %get3A_314 {offsets = [1], sizes = [1], strides = [1]} : vector<16xi32> to vector<1xi32>
          %squeeze3A_326 = vector.extract %slice3A_325[0] : i32 from vector<1xi32>
          %get3A_327 = arith.constant 1 : i32
          %get3A_328 = arith.index_cast %get3A_327 : i32 to index
          %get3A_329 = arith.constant 0 : index
          %get3A_330 = tpu.vector_load %arg20[%get3A_328, %get3A_329] {strides = array<i32>} : memref<16x32xbf16, #tpu.memory_space<vmem>>, vector<32xbf16>,
          %get3A_331 = arith.index_cast %squeeze3A_326 : i32 to index
          %get3A_332 = arith.constant 0 : index
          %get3A_333 = tpu.vector_load %arg6[%get3A_331, %get3A_332] {strides = array<i32>} : memref<6264x32xbf16, #tpu.memory_space<vmem>>, vector<32xbf16>,
          %min3A_334 = arith.minimumf %get3A_333, %get3A_330 : vector<32xbf16>
          %swap3A_335 = arith.index_cast %squeeze3A_326 : i32 to index
          %swap3A_336 = arith.constant 0 : index
          %swap3A_337 = tpu.vector_load %arg6[%swap3A_335, %swap3A_336] {strides = array<i32>} : memref<6264x32xbf16, #tpu.memory_space<vmem>>, vector<32xbf16>,
          tpu.vector_store %arg6[%swap3A_335, %swap3A_336], %min3A_334 {strides = array<i32>} : memref<6264x32xbf16, #tpu.memory_space<vmem>>, vector<32xbf16>,
          %slice3A_338 = vector.extract_strided_slice %get3A_314 {offsets = [2], sizes = [1], strides = [1]} : vector<16xi32> to vector<1xi32>
          %squeeze3A_339 = vector.extract %slice3A_338[0] : i32 from vector<1xi32>
          %get3A_340 = arith.constant 2 : i32
          %get3A_341 = arith.index_cast %get3A_340 : i32 to index
          %get3A_342 = arith.constant 0 : index
          %get3A_343 = tpu.vector_load %arg20[%get3A_341, %get3A_342] {strides = array<i32>} : memref<16x32xbf16, #tpu.memory_space<vmem>>, vector<32xbf16>,
          %get3A_344 = arith.index_cast %squeeze3A_339 : i32 to index
          %get3A_345 = arith.constant 0 : index
          %get3A_346 = tpu.vector_load %arg6[%get3A_344, %get3A_345] {strides = array<i32>} : memref<6264x32xbf16, #tpu.memory_space<vmem>>, vector<32xbf16>,
          %min3A_347 = arith.minimumf %get3A_346, %get3A_343 : vector<32xbf16>
          %swap3A_348 = arith.index_cast %squeeze3A_339 : i32 to index
          %swap3A_349 = arith.constant 0 : index
          %swap3A_350 = tpu.vector_load %arg6[%swap3A_348, %swap3A_349] {strides = array<i32>} : memref<6264x32xbf16, #tpu.memory_space<vmem>>, vector<32xbf16>,
          tpu.vector_store %arg6[%swap3A_348, %swap3A_349], %min3A_347 {strides = array<i32>} : memref<6264x32xbf16, #tpu.memory_space<vmem>>, vector<32xbf16>,
          %slice3A_351 = vector.extract_strided_slice %get3A_314 {offsets = [3], sizes = [1], strides = [1]} : vector<16xi32> to vector<1xi32>
          %squeeze3A_352 = vector.extract %slice3A_351[0] : i32 from vector<1xi32>
          %get3A_353 = arith.constant 3 : i32
          %get3A_354 = arith.index_cast %get3A_353 : i32 to index
          %get3A_355 = arith.constant 0 : index
          %get3A_356 = tpu.vector_load %arg20[%get3A_354, %get3A_355] {strides = array<i32>} : memref<16x32xbf16, #tpu.memory_space<vmem>>, vector<32xbf16>,
          %get3A_357 = arith.index_cast %squeeze3A_352 : i32 to index
          %get3A_358 = arith.constant 0 : index
          %get3A_359 = tpu.vector_load %arg6[%get3A_357, %get3A_358] {strides = array<i32>} : memref<6264x32xbf16, #tpu.memory_space<vmem>>, vector<32xbf16>,
          %min3A_360 = arith.minimumf %get3A_359, %get3A_356 : vector<32xbf16>
          %swap3A_361 = arith.index_cast %squeeze3A_352 : i32 to index
          %swap3A_362 = arith.constant 0 : index
          %swap3A_363 = tpu.vector_load %arg6[%swap3A_361, %swap3A_362] {strides = array<i32>} : memref<6264x32xbf16, #tpu.memory_space<vmem>>, vector<32xbf16>,
          tpu.vector_store %arg6[%swap3A_361, %swap3A_362], %min3A_360 {strides = array<i32>} : memref<6264x32xbf16, #tpu.memory_space<vmem>>, vector<32xbf16>,
          %slice3A_364 = vector.extract_strided_slice %get3A_314 {offsets = [4], sizes = [1], strides = [1]} : vector<16xi32> to vector<1xi32>
          %squeeze3A_365 = vector.extract %slice3A_364[0] : i32 from vector<1xi32>
          %get3A_366 = arith.constant 4 : i32
          %get3A_367 = arith.index_cast %get3A_366 : i32 to index
          %get3A_368 = arith.constant 0 : index
          %get3A_369 = tpu.vector_load %arg20[%get3A_367, %get3A_368] {strides = array<i32>} : memref<16x32xbf16, #tpu.memory_space<vmem>>, vector<32xbf16>,
          %get3A_370 = arith.index_cast %squeeze3A_365 : i32 to index
          %get3A_371 = arith.constant 0 : index
          %get3A_372 = tpu.vector_load %arg6[%get3A_370, %get3A_371] {strides = array<i32>} : memref<6264x32xbf16, #tpu.memory_space<vmem>>, vector<32xbf16>,
          %min3A_373 = arith.minimumf %get3A_372, %get3A_369 : vector<32xbf16>
          %swap3A_374 = arith.index_cast %squeeze3A_365 : i32 to index
          %swap3A_375 = arith.constant 0 : index
          %swap3A_376 = tpu.vector_load %arg6[%swap3A_374, %swap3A_375] {strides = array<i32>} : memref<6264x32xbf16, #tpu.memory_space<vmem>>, vector<32xbf16>,
          tpu.vector_store %arg6[%swap3A_374, %swap3A_375], %min3A_373 {strides = array<i32>} : memref<6264x32xbf16, #tpu.memory_space<vmem>>, vector<32xbf16>,
          %slice3A_377 = vector.extract_strided_slice %get3A_314 {offsets = [5], sizes = [1], strides = [1]} : vector<16xi32> to vector<1xi32>
          %squeeze3A_378 = vector.extract %slice3A_377[0] : i32 from vector<1xi32>
          %get3A_379 = arith.constant 5 : i32
          %get3A_380 = arith.index_cast %get3A_379 : i32 to index
          %get3A_381 = arith.constant 0 : index
          %get3A_382 = tpu.vector_load %arg20[%get3A_380, %get3A_381] {strides = array<i32>} : memref<16x32xbf16, #tpu.memory_space<vmem>>, vector<32xbf16>,
          %get3A_383 = arith.index_cast %squeeze3A_378 : i32 to index
          %get3A_384 = arith.constant 0 : index
          %get3A_385 = tpu.vector_load %arg6[%get3A_383, %get3A_384] {strides = array<i32>} : memref<6264x32xbf16, #tpu.memory_space<vmem>>, vector<32xbf16>,
          %min3A_386 = arith.minimumf %get3A_385, %get3A_382 : vector<32xbf16>
          %swap3A_387 = arith.index_cast %squeeze3A_378 : i32 to index
          %swap3A_388 = arith.constant 0 : index
          %swap3A_389 = tpu.vector_load %arg6[%swap3A_387, %swap3A_388] {strides = array<i32>} : memref<6264x32xbf16, #tpu.memory_space<vmem>>, vector<32xbf16>,
          tpu.vector_store %arg6[%swap3A_387, %swap3A_388], %min3A_386 {strides = array<i32>} : memref<6264x32xbf16, #tpu.memory_space<vmem>>, vector<32xbf16>,
          %slice3A_390 = vector.extract_strided_slice %get3A_314 {offsets = [6], sizes = [1], strides = [1]} : vector<16xi32> to vector<1xi32>
          %squeeze3A_391 = vector.extract %slice3A_390[0] : i32 from vector<1xi32>
          %get3A_392 = arith.constant 6 : i32
          %get3A_393 = arith.index_cast %get3A_392 : i32 to index
          %get3A_394 = arith.constant 0 : index
          %get3A_395 = tpu.vector_load %arg20[%get3A_393, %get3A_394] {strides = array<i32>} : memref<16x32xbf16, #tpu.memory_space<vmem>>, vector<32xbf16>,
          %get3A_396 = arith.index_cast %squeeze3A_391 : i32 to index
          %get3A_397 = arith.constant 0 : index
          %get3A_398 = tpu.vector_load %arg6[%get3A_396, %get3A_397] {strides = array<i32>} : memref<6264x32xbf16, #tpu.memory_space<vmem>>, vector<32xbf16>,
          %min3A_399 = arith.minimumf %get3A_398, %get3A_395 : vector<32xbf16>
          %swap3A_400 = arith.index_cast %squeeze3A_391 : i32 to index
          %swap3A_401 = arith.constant 0 : index
          %swap3A_402 = tpu.vector_load %arg6[%swap3A_400, %swap3A_401] {strides = array<i32>} : memref<6264x32xbf16, #tpu.memory_space<vmem>>, vector<32xbf16>,
          tpu.vector_store %arg6[%swap3A_400, %swap3A_401], %min3A_399 {strides = array<i32>} : memref<6264x32xbf16, #tpu.memory_space<vmem>>, vector<32xbf16>,
          %slice3A_403 = vector.extract_strided_slice %get3A_314 {offsets = [7], sizes = [1], strides = [1]} : vector<16xi32> to vector<1xi32>
          %squeeze3A_404 = vector.extract %slice3A_403[0] : i32 from vector<1xi32>
          %get3A_405 = arith.constant 7 : i32
          %get3A_406 = arith.index_cast %get3A_405 : i32 to index
          %get3A_407 = arith.constant 0 : index
          %get3A_408 = tpu.vector_load %arg20[%get3A_406, %get3A_407] {strides = array<i32>} : memref<16x32xbf16, #tpu.memory_space<vmem>>, vector<32xbf16>,
          %get3A_409 = arith.index_cast %squeeze3A_404 : i32 to index
          %get3A_410 = arith.constant 0 : index
          %get3A_411 = tpu.vector_load %arg6[%get3A_409, %get3A_410] {strides = array<i32>} : memref<6264x32xbf16, #tpu.memory_space<vmem>>, vector<32xbf16>,
          %min3A_412 = arith.minimumf %get3A_411, %get3A_408 : vector<32xbf16>
          %swap3A_413 = arith.index_cast %squeeze3A_404 : i32 to index
          %swap3A_414 = arith.constant 0 : index
          %swap3A_415 = tpu.vector_load %arg6[%swap3A_413, %swap3A_414] {strides = array<i32>} : memref<6264x32xbf16, #tpu.memory_space<vmem>>, vector<32xbf16>,
          tpu.vector_store %arg6[%swap3A_413, %swap3A_414], %min3A_412 {strides = array<i32>} : memref<6264x32xbf16, #tpu.memory_space<vmem>>, vector<32xbf16>,
          %slice3A_416 = vector.extract_strided_slice %get3A_314 {offsets = [8], sizes = [1], strides = [1]} : vector<16xi32> to vector<1xi32>
          %squeeze3A_417 = vector.extract %slice3A_416[0] : i32 from vector<1xi32>
          %get3A_418 = arith.constant 8 : i32
          %get3A_419 = arith.index_cast %get3A_418 : i32 to index
          %get3A_420 = arith.constant 0 : index
          %get3A_421 = tpu.vector_load %arg20[%get3A_419, %get3A_420] {strides = array<i32>} : memref<16x32xbf16, #tpu.memory_space<vmem>>, vector<32xbf16>,
          %get3A_422 = arith.index_cast %squeeze3A_417 : i32 to index
          %get3A_423 = arith.constant 0 : index
          %get3A_424 = tpu.vector_load %arg6[%get3A_422, %get3A_423] {strides = array<i32>} : memref<6264x32xbf16, #tpu.memory_space<vmem>>, vector<32xbf16>,
          %min3A_425 = arith.minimumf %get3A_424, %get3A_421 : vector<32xbf16>
          %swap3A_426 = arith.index_cast %squeeze3A_417 : i32 to index
          %swap3A_427 = arith.constant 0 : index
          %swap3A_428 = tpu.vector_load %arg6[%swap3A_426, %swap3A_427] {strides = array<i32>} : memref<6264x32xbf16, #tpu.memory_space<vmem>>, vector<32xbf16>,
          tpu.vector_store %arg6[%swap3A_426, %swap3A_427], %min3A_425 {strides = array<i32>} : memref<6264x32xbf16, #tpu.memory_space<vmem>>, vector<32xbf16>,
          %slice3A_429 = vector.extract_strided_slice %get3A_314 {offsets = [9], sizes = [1], strides = [1]} : vector<16xi32> to vector<1xi32>
          %squeeze3A_430 = vector.extract %slice3A_429[0] : i32 from vector<1xi32>
          %get3A_431 = arith.constant 9 : i32
          %get3A_432 = arith.index_cast %get3A_431 : i32 to index
          %get3A_433 = arith.constant 0 : index
          %get3A_434 = tpu.vector_load %arg20[%get3A_432, %get3A_433] {strides = array<i32>} : memref<16x32xbf16, #tpu.memory_space<vmem>>, vector<32xbf16>,
          %get3A_435 = arith.index_cast %squeeze3A_430 : i32 to index
          %get3A_436 = arith.constant 0 : index
          %get3A_437 = tpu.vector_load %arg6[%get3A_435, %get3A_436] {strides = array<i32>} : memref<6264x32xbf16, #tpu.memory_space<vmem>>, vector<32xbf16>,
          %min3A_438 = arith.minimumf %get3A_437, %get3A_434 : vector<32xbf16>
          %swap3A_439 = arith.index_cast %squeeze3A_430 : i32 to index
          %swap3A_440 = arith.constant 0 : index
          %swap3A_441 = tpu.vector_load %arg6[%swap3A_439, %swap3A_440] {strides = array<i32>} : memref<6264x32xbf16, #tpu.memory_space<vmem>>, vector<32xbf16>,
          tpu.vector_store %arg6[%swap3A_439, %swap3A_440], %min3A_438 {strides = array<i32>} : memref<6264x32xbf16, #tpu.memory_space<vmem>>, vector<32xbf16>,
          %slice3A_442 = vector.extract_strided_slice %get3A_314 {offsets = [10], sizes = [1], strides = [1]} : vector<16xi32> to vector<1xi32>
          %squeeze3A_443 = vector.extract %slice3A_442[0] : i32 from vector<1xi32>
          %get3A_444 = arith.constant 10 : i32
          %get3A_445 = arith.index_cast %get3A_444 : i32 to index
          %get3A_446 = arith.constant 0 : index
          %get3A_447 = tpu.vector_load %arg20[%get3A_445, %get3A_446] {strides = array<i32>} : memref<16x32xbf16, #tpu.memory_space<vmem>>, vector<32xbf16>,
          %get3A_448 = arith.index_cast %squeeze3A_443 : i32 to index
          %get3A_449 = arith.constant 0 : index
          %get3A_450 = tpu.vector_load %arg6[%get3A_448, %get3A_449] {strides = array<i32>} : memref<6264x32xbf16, #tpu.memory_space<vmem>>, vector<32xbf16>,
          %min3A_451 = arith.minimumf %get3A_450, %get3A_447 : vector<32xbf16>
          %swap3A_452 = arith.index_cast %squeeze3A_443 : i32 to index
          %swap3A_453 = arith.constant 0 : index
          %swap3A_454 = tpu.vector_load %arg6[%swap3A_452, %swap3A_453] {strides = array<i32>} : memref<6264x32xbf16, #tpu.memory_space<vmem>>, vector<32xbf16>,
          tpu.vector_store %arg6[%swap3A_452, %swap3A_453], %min3A_451 {strides = array<i32>} : memref<6264x32xbf16, #tpu.memory_space<vmem>>, vector<32xbf16>,
          %slice3A_455 = vector.extract_strided_slice %get3A_314 {offsets = [11], sizes = [1], strides = [1]} : vector<16xi32> to vector<1xi32>
          %squeeze3A_456 = vector.extract %slice3A_455[0] : i32 from vector<1xi32>
          %get3A_457 = arith.constant 11 : i32
          %get3A_458 = arith.index_cast %get3A_457 : i32 to index
          %get3A_459 = arith.constant 0 : index
          %get3A_460 = tpu.vector_load %arg20[%get3A_458, %get3A_459] {strides = array<i32>} : memref<16x32xbf16, #tpu.memory_space<vmem>>, vector<32xbf16>,
          %get3A_461 = arith.index_cast %squeeze3A_456 : i32 to index
          %get3A_462 = arith.constant 0 : index
          %get3A_463 = tpu.vector_load %arg6[%get3A_461, %get3A_462] {strides = array<i32>} : memref<6264x32xbf16, #tpu.memory_space<vmem>>, vector<32xbf16>,
          %min3A_464 = arith.minimumf %get3A_463, %get3A_460 : vector<32xbf16>
          %swap3A_465 = arith.index_cast %squeeze3A_456 : i32 to index
          %swap3A_466 = arith.constant 0 : index
          %swap3A_467 = tpu.vector_load %arg6[%swap3A_465, %swap3A_466] {strides = array<i32>} : memref<6264x32xbf16, #tpu.memory_space<vmem>>, vector<32xbf16>,
          tpu.vector_store %arg6[%swap3A_465, %swap3A_466], %min3A_464 {strides = array<i32>} : memref<6264x32xbf16, #tpu.memory_space<vmem>>, vector<32xbf16>,
          %slice3A_468 = vector.extract_strided_slice %get3A_314 {offsets = [12], sizes = [1], strides = [1]} : vector<16xi32> to vector<1xi32>
          %squeeze3A_469 = vector.extract %slice3A_468[0] : i32 from vector<1xi32>
          %get3A_470 = arith.constant 12 : i32
          %get3A_471 = arith.index_cast %get3A_470 : i32 to index
          %get3A_472 = arith.constant 0 : index
          %get3A_473 = tpu.vector_load %arg20[%get3A_471, %get3A_472] {strides = array<i32>} : memref<16x32xbf16, #tpu.memory_space<vmem>>, vector<32xbf16>,
          %get3A_474 = arith.index_cast %squeeze3A_469 : i32 to index
          %get3A_475 = arith.constant 0 : index
          %get3A_476 = tpu.vector_load %arg6[%get3A_474, %get3A_475] {strides = array<i32>} : memref<6264x32xbf16, #tpu.memory_space<vmem>>, vector<32xbf16>,
          %min3A_477 = arith.minimumf %get3A_476, %get3A_473 : vector<32xbf16>
          %swap3A_478 = arith.index_cast %squeeze3A_469 : i32 to index
          %swap3A_479 = arith.constant 0 : index
          %swap3A_480 = tpu.vector_load %arg6[%swap3A_478, %swap3A_479] {strides = array<i32>} : memref<6264x32xbf16, #tpu.memory_space<vmem>>, vector<32xbf16>,
          tpu.vector_store %arg6[%swap3A_478, %swap3A_479], %min3A_477 {strides = array<i32>} : memref<6264x32xbf16, #tpu.memory_space<vmem>>, vector<32xbf16>,
          %slice3A_481 = vector.extract_strided_slice %get3A_314 {offsets = [13], sizes = [1], strides = [1]} : vector<16xi32> to vector<1xi32>
          %squeeze3A_482 = vector.extract %slice3A_481[0] : i32 from vector<1xi32>
          %get3A_483 = arith.constant 13 : i32
          %get3A_484 = arith.index_cast %get3A_483 : i32 to index
          %get3A_485 = arith.constant 0 : index
          %get3A_486 = tpu.vector_load %arg20[%get3A_484, %get3A_485] {strides = array<i32>} : memref<16x32xbf16, #tpu.memory_space<vmem>>, vector<32xbf16>,
          %get3A_487 = arith.index_cast %squeeze3A_482 : i32 to index
          %get3A_488 = arith.constant 0 : index
          %get3A_489 = tpu.vector_load %arg6[%get3A_487, %get3A_488] {strides = array<i32>} : memref<6264x32xbf16, #tpu.memory_space<vmem>>, vector<32xbf16>,
          %min3A_490 = arith.minimumf %get3A_489, %get3A_486 : vector<32xbf16>
          %swap3A_491 = arith.index_cast %squeeze3A_482 : i32 to index
          %swap3A_492 = arith.constant 0 : index
          %swap3A_493 = tpu.vector_load %arg6[%swap3A_491, %swap3A_492] {strides = array<i32>} : memref<6264x32xbf16, #tpu.memory_space<vmem>>, vector<32xbf16>,
          tpu.vector_store %arg6[%swap3A_491, %swap3A_492], %min3A_490 {strides = array<i32>} : memref<6264x32xbf16, #tpu.memory_space<vmem>>, vector<32xbf16>,
          %slice3A_494 = vector.extract_strided_slice %get3A_314 {offsets = [14], sizes = [1], strides = [1]} : vector<16xi32> to vector<1xi32>
          %squeeze3A_495 = vector.extract %slice3A_494[0] : i32 from vector<1xi32>
          %get3A_496 = arith.constant 14 : i32
          %get3A_497 = arith.index_cast %get3A_496 : i32 to index
          %get3A_498 = arith.constant 0 : index
          %get3A_499 = tpu.vector_load %arg20[%get3A_497, %get3A_498] {strides = array<i32>} : memref<16x32xbf16, #tpu.memory_space<vmem>>, vector<32xbf16>,
          %get3A_500 = arith.index_cast %squeeze3A_495 : i32 to index
          %get3A_501 = arith.constant 0 : index
          %get3A_502 = tpu.vector_load %arg6[%get3A_500, %get3A_501] {strides = array<i32>} : memref<6264x32xbf16, #tpu.memory_space<vmem>>, vector<32xbf16>,
          %min3A_503 = arith.minimumf %get3A_502, %get3A_499 : vector<32xbf16>
          %swap3A_504 = arith.index_cast %squeeze3A_495 : i32 to index
          %swap3A_505 = arith.constant 0 : index
          %swap3A_506 = tpu.vector_load %arg6[%swap3A_504, %swap3A_505] {strides = array<i32>} : memref<6264x32xbf16, #tpu.memory_space<vmem>>, vector<32xbf16>,
          tpu.vector_store %arg6[%swap3A_504, %swap3A_505], %min3A_503 {strides = array<i32>} : memref<6264x32xbf16, #tpu.memory_space<vmem>>, vector<32xbf16>,
          %slice3A_507 = vector.extract_strided_slice %get3A_314 {offsets = [15], sizes = [1], strides = [1]} : vector<16xi32> to vector<1xi32>
          %squeeze3A_508 = vector.extract %slice3A_507[0] : i32 from vector<1xi32>
          %get3A_509 = arith.constant 15 : i32
          %get3A_510 = arith.index_cast %get3A_509 : i32 to index
          %get3A_511 = arith.constant 0 : index
          %get3A_512 = tpu.vector_load %arg20[%get3A_510, %get3A_511] {strides = array<i32>} : memref<16x32xbf16, #tpu.memory_space<vmem>>, vector<32xbf16>,
          %get3A_513 = arith.index_cast %squeeze3A_508 : i32 to index
          %get3A_514 = arith.constant 0 : index
          %get3A_515 = tpu.vector_load %arg6[%get3A_513, %get3A_514] {strides = array<i32>} : memref<6264x32xbf16, #tpu.memory_space<vmem>>, vector<32xbf16>,
          %min3A_516 = arith.minimumf %get3A_515, %get3A_512 : vector<32xbf16>
          %swap3A_517 = arith.index_cast %squeeze3A_508 : i32 to index
          %swap3A_518 = arith.constant 0 : index
          %swap3A_519 = tpu.vector_load %arg6[%swap3A_517, %swap3A_518] {strides = array<i32>} : memref<6264x32xbf16, #tpu.memory_space<vmem>>, vector<32xbf16>,
          tpu.vector_store %arg6[%swap3A_517, %swap3A_518], %min3A_516 {strides = array<i32>} : memref<6264x32xbf16, #tpu.memory_space<vmem>>, vector<32xbf16>,
          %add3A_520 = arith.constant 4 : i32
          %add3A_521 = arith.addi %add3A_287, %add3A_520 : i32
          %lt3A_522 = arith.cmpi slt, %add3A_521, %select_n3A_156 : i32
          %convert_element_type3A_523 = arith.extui %lt3A_522 : i1 to i32
          %cond3A_524 = arith.constant 0 : i32
          %cond3A_525 = arith.cmpi ne, %convert_element_type3A_523, %cond3A_524 : i32
          scf.if %cond3A_525 {
            %add3A_526 = arith.constant 4 : i32
            %add3A_527 = arith.addi %add3A_287, %add3A_526 : i32
            %mul3A_528 = arith.constant 16 : i32
            %mul3A_529 = arith.muli %add3A_527, %mul3A_528 : i32
            %get3A_530 = arith.index_cast %mul3A_529 : i32 to index
            %get3A_531 = tpu.vector_load %arg14[%get3A_530] {strides = array<i32>} : memref<2416xi32, #tpu.memory_space<vmem>>, vector<16xi32>,
            %swap3A_532 = arith.constant 0 : index
            %swap3A_533 = tpu.vector_load %arg16[%swap3A_532] {strides = array<i32>} : memref<16xi32, #tpu.memory_space<vmem>>, vector<16xi32>,
            tpu.vector_store %arg16[%swap3A_532], %get3A_531 {strides = array<i32>} : memref<16xi32, #tpu.memory_space<vmem>>, vector<16xi32>,
            %dma_start3A_534 = arith.constant 0 : i32
            %dma_start3A_535 = arith.constant 0 : i32
            %dma_start3A_536 = tpu.memref_slice %arg2[%dma_start3A_534, %dma_start3A_535] : memref<100000x32xbf16, #tpu.memory_space<hbm>> -> memref<100000x32xbf16, #tpu.memory_space<hbm>>
            tpu.enqueue_indirect_dma source(%dma_start3A_536 : memref<100000x32xbf16, #tpu.memory_space<hbm>>) target(%arg20 : memref<16x32xbf16, #tpu.memory_space<vmem>>) offsets(%arg16 : memref<16xi32, #tpu.memory_space<vmem>>) semaphore(%arg26 : memref<!tpu.dma_semaphore, #tpu.memory_space<semaphore_mem>>)
          } else {
          }
        } else {
        }
        %mul3A_292 = arith.constant 4 : i32
        %mul3A_293 = arith.muli %mul3A_292, %while3A_274 : i32
        %add3A_294 = arith.constant 2 : i32
        %add3A_295 = arith.addi %mul3A_293, %add3A_294 : i32
        %lt3A_296 = arith.cmpi slt, %add3A_295, %select_n3A_156 : i32
        %convert_element_type3A_297 = arith.extui %lt3A_296 : i1 to i32
        %cond3A_298 = arith.constant 0 : i32
        %cond3A_299 = arith.cmpi ne, %convert_element_type3A_297, %cond3A_298 : i32
        scf.if %cond3A_299 {
          %dma_wait3A_309 = arith.constant 0 : i32
          %dma_wait3A_310 = arith.constant 0 : i32
          %dma_wait3A_311 = tpu.memref_slice %arg2[%dma_wait3A_309, %dma_wait3A_310] : memref<100000x32xbf16, #tpu.memory_space<hbm>> -> memref<100000x32xbf16, #tpu.memory_space<hbm>>
          tpu.wait_indirect_dma semaphore(%arg27 : memref<!tpu.dma_semaphore, #tpu.memory_space<semaphore_mem>>) src(%dma_wait3A_311 : memref<100000x32xbf16, #tpu.memory_space<hbm>>) dst(%arg21 : memref<16x32xbf16, #tpu.memory_space<vmem>>)
          %mul3A_312 = arith.constant 16 : i32
          %mul3A_313 = arith.muli %add3A_295, %mul3A_312 : i32
          %get3A = arith.index_cast %mul3A_313 : i32 to index
          %get3A_314 = tpu.vector_load %arg13[%get3A] {strides = array<i32>} : memref<2416xi32, #tpu.memory_space<vmem>>, vector<16xi32>,
          %slice3A = vector.extract_strided_slice %get3A_314 {offsets = [0], sizes = [1], strides = [1]} : vector<16xi32> to vector<1xi32>
          %squeeze3A = vector.extract %slice3A[0] : i32 from vector<1xi32>
          %get3A_315 = arith.constant 0 : i32
          %get3A_316 = arith.index_cast %get3A_315 : i32 to index
          %get3A_317 = arith.constant 0 : index
          %get3A_318 = tpu.vector_load %arg21[%get3A_316, %get3A_317] {strides = array<i32>} : memref<16x32xbf16, #tpu.memory_space<vmem>>, vector<32xbf16>,
          %get3A_319 = arith.index_cast %squeeze3A : i32 to index
          %get3A_320 = arith.constant 0 : index
          %get3A_321 = tpu.vector_load %arg6[%get3A_319, %get3A_320] {strides = array<i32>} : memref<6264x32xbf16, #tpu.memory_space<vmem>>, vector<32xbf16>,
          %min3A = arith.minimumf %get3A_321, %get3A_318 : vector<32xbf16>
          %swap3A_322 = arith.index_cast %squeeze3A : i32 to index
          %swap3A_323 = arith.constant 0 : index
          %swap3A_324 = tpu.vector_load %arg6[%swap3A_322, %swap3A_323] {strides = array<i32>} : memref<6264x32xbf16, #tpu.memory_space<vmem>>, vector<32xbf16>,
          tpu.vector_store %arg6[%swap3A_322, %swap3A_323], %min3A {strides = array<i32>} : memref<6264x32xbf16, #tpu.memory_space<vmem>>, vector<32xbf16>,
          %slice3A_325 = vector.extract_strided_slice %get3A_314 {offsets = [1], sizes = [1], strides = [1]} : vector<16xi32> to vector<1xi32>
          %squeeze3A_326 = vector.extract %slice3A_325[0] : i32 from vector<1xi32>
          %get3A_327 = arith.constant 1 : i32
          %get3A_328 = arith.index_cast %get3A_327 : i32 to index
          %get3A_329 = arith.constant 0 : index
          %get3A_330 = tpu.vector_load %arg21[%get3A_328, %get3A_329] {strides = array<i32>} : memref<16x32xbf16, #tpu.memory_space<vmem>>, vector<32xbf16>,
          %get3A_331 = arith.index_cast %squeeze3A_326 : i32 to index
          %get3A_332 = arith.constant 0 : index
          %get3A_333 = tpu.vector_load %arg6[%get3A_331, %get3A_332] {strides = array<i32>} : memref<6264x32xbf16, #tpu.memory_space<vmem>>, vector<32xbf16>,
          %min3A_334 = arith.minimumf %get3A_333, %get3A_330 : vector<32xbf16>
          %swap3A_335 = arith.index_cast %squeeze3A_326 : i32 to index
          %swap3A_336 = arith.constant 0 : index
          %swap3A_337 = tpu.vector_load %arg6[%swap3A_335, %swap3A_336] {strides = array<i32>} : memref<6264x32xbf16, #tpu.memory_space<vmem>>, vector<32xbf16>,
          tpu.vector_store %arg6[%swap3A_335, %swap3A_336], %min3A_334 {strides = array<i32>} : memref<6264x32xbf16, #tpu.memory_space<vmem>>, vector<32xbf16>,
          %slice3A_338 = vector.extract_strided_slice %get3A_314 {offsets = [2], sizes = [1], strides = [1]} : vector<16xi32> to vector<1xi32>
          %squeeze3A_339 = vector.extract %slice3A_338[0] : i32 from vector<1xi32>
          %get3A_340 = arith.constant 2 : i32
          %get3A_341 = arith.index_cast %get3A_340 : i32 to index
          %get3A_342 = arith.constant 0 : index
          %get3A_343 = tpu.vector_load %arg21[%get3A_341, %get3A_342] {strides = array<i32>} : memref<16x32xbf16, #tpu.memory_space<vmem>>, vector<32xbf16>,
          %get3A_344 = arith.index_cast %squeeze3A_339 : i32 to index
          %get3A_345 = arith.constant 0 : index
          %get3A_346 = tpu.vector_load %arg6[%get3A_344, %get3A_345] {strides = array<i32>} : memref<6264x32xbf16, #tpu.memory_space<vmem>>, vector<32xbf16>,
          %min3A_347 = arith.minimumf %get3A_346, %get3A_343 : vector<32xbf16>
          %swap3A_348 = arith.index_cast %squeeze3A_339 : i32 to index
          %swap3A_349 = arith.constant 0 : index
          %swap3A_350 = tpu.vector_load %arg6[%swap3A_348, %swap3A_349] {strides = array<i32>} : memref<6264x32xbf16, #tpu.memory_space<vmem>>, vector<32xbf16>,
          tpu.vector_store %arg6[%swap3A_348, %swap3A_349], %min3A_347 {strides = array<i32>} : memref<6264x32xbf16, #tpu.memory_space<vmem>>, vector<32xbf16>,
          %slice3A_351 = vector.extract_strided_slice %get3A_314 {offsets = [3], sizes = [1], strides = [1]} : vector<16xi32> to vector<1xi32>
          %squeeze3A_352 = vector.extract %slice3A_351[0] : i32 from vector<1xi32>
          %get3A_353 = arith.constant 3 : i32
          %get3A_354 = arith.index_cast %get3A_353 : i32 to index
          %get3A_355 = arith.constant 0 : index
          %get3A_356 = tpu.vector_load %arg21[%get3A_354, %get3A_355] {strides = array<i32>} : memref<16x32xbf16, #tpu.memory_space<vmem>>, vector<32xbf16>,
          %get3A_357 = arith.index_cast %squeeze3A_352 : i32 to index
          %get3A_358 = arith.constant 0 : index
          %get3A_359 = tpu.vector_load %arg6[%get3A_357, %get3A_358] {strides = array<i32>} : memref<6264x32xbf16, #tpu.memory_space<vmem>>, vector<32xbf16>,
          %min3A_360 = arith.minimumf %get3A_359, %get3A_356 : vector<32xbf16>
          %swap3A_361 = arith.index_cast %squeeze3A_352 : i32 to index
          %swap3A_362 = arith.constant 0 : index
          %swap3A_363 = tpu.vector_load %arg6[%swap3A_361, %swap3A_362] {strides = array<i32>} : memref<6264x32xbf16, #tpu.memory_space<vmem>>, vector<32xbf16>,
          tpu.vector_store %arg6[%swap3A_361, %swap3A_362], %min3A_360 {strides = array<i32>} : memref<6264x32xbf16, #tpu.memory_space<vmem>>, vector<32xbf16>,
          %slice3A_364 = vector.extract_strided_slice %get3A_314 {offsets = [4], sizes = [1], strides = [1]} : vector<16xi32> to vector<1xi32>
          %squeeze3A_365 = vector.extract %slice3A_364[0] : i32 from vector<1xi32>
          %get3A_366 = arith.constant 4 : i32
          %get3A_367 = arith.index_cast %get3A_366 : i32 to index
          %get3A_368 = arith.constant 0 : index
          %get3A_369 = tpu.vector_load %arg21[%get3A_367, %get3A_368] {strides = array<i32>} : memref<16x32xbf16, #tpu.memory_space<vmem>>, vector<32xbf16>,
          %get3A_370 = arith.index_cast %squeeze3A_365 : i32 to index
          %get3A_371 = arith.constant 0 : index
          %get3A_372 = tpu.vector_load %arg6[%get3A_370, %get3A_371] {strides = array<i32>} : memref<6264x32xbf16, #tpu.memory_space<vmem>>, vector<32xbf16>,
          %min3A_373 = arith.minimumf %get3A_372, %get3A_369 : vector<32xbf16>
          %swap3A_374 = arith.index_cast %squeeze3A_365 : i32 to index
          %swap3A_375 = arith.constant 0 : index
          %swap3A_376 = tpu.vector_load %arg6[%swap3A_374, %swap3A_375] {strides = array<i32>} : memref<6264x32xbf16, #tpu.memory_space<vmem>>, vector<32xbf16>,
          tpu.vector_store %arg6[%swap3A_374, %swap3A_375], %min3A_373 {strides = array<i32>} : memref<6264x32xbf16, #tpu.memory_space<vmem>>, vector<32xbf16>,
          %slice3A_377 = vector.extract_strided_slice %get3A_314 {offsets = [5], sizes = [1], strides = [1]} : vector<16xi32> to vector<1xi32>
          %squeeze3A_378 = vector.extract %slice3A_377[0] : i32 from vector<1xi32>
          %get3A_379 = arith.constant 5 : i32
          %get3A_380 = arith.index_cast %get3A_379 : i32 to index
          %get3A_381 = arith.constant 0 : index
          %get3A_382 = tpu.vector_load %arg21[%get3A_380, %get3A_381] {strides = array<i32>} : memref<16x32xbf16, #tpu.memory_space<vmem>>, vector<32xbf16>,
          %get3A_383 = arith.index_cast %squeeze3A_378 : i32 to index
          %get3A_384 = arith.constant 0 : index
          %get3A_385 = tpu.vector_load %arg6[%get3A_383, %get3A_384] {strides = array<i32>} : memref<6264x32xbf16, #tpu.memory_space<vmem>>, vector<32xbf16>,
          %min3A_386 = arith.minimumf %get3A_385, %get3A_382 : vector<32xbf16>
          %swap3A_387 = arith.index_cast %squeeze3A_378 : i32 to index
          %swap3A_388 = arith.constant 0 : index
          %swap3A_389 = tpu.vector_load %arg6[%swap3A_387, %swap3A_388] {strides = array<i32>} : memref<6264x32xbf16, #tpu.memory_space<vmem>>, vector<32xbf16>,
          tpu.vector_store %arg6[%swap3A_387, %swap3A_388], %min3A_386 {strides = array<i32>} : memref<6264x32xbf16, #tpu.memory_space<vmem>>, vector<32xbf16>,
          %slice3A_390 = vector.extract_strided_slice %get3A_314 {offsets = [6], sizes = [1], strides = [1]} : vector<16xi32> to vector<1xi32>
          %squeeze3A_391 = vector.extract %slice3A_390[0] : i32 from vector<1xi32>
          %get3A_392 = arith.constant 6 : i32
          %get3A_393 = arith.index_cast %get3A_392 : i32 to index
          %get3A_394 = arith.constant 0 : index
          %get3A_395 = tpu.vector_load %arg21[%get3A_393, %get3A_394] {strides = array<i32>} : memref<16x32xbf16, #tpu.memory_space<vmem>>, vector<32xbf16>,
          %get3A_396 = arith.index_cast %squeeze3A_391 : i32 to index
          %get3A_397 = arith.constant 0 : index
          %get3A_398 = tpu.vector_load %arg6[%get3A_396, %get3A_397] {strides = array<i32>} : memref<6264x32xbf16, #tpu.memory_space<vmem>>, vector<32xbf16>,
          %min3A_399 = arith.minimumf %get3A_398, %get3A_395 : vector<32xbf16>
          %swap3A_400 = arith.index_cast %squeeze3A_391 : i32 to index
          %swap3A_401 = arith.constant 0 : index
          %swap3A_402 = tpu.vector_load %arg6[%swap3A_400, %swap3A_401] {strides = array<i32>} : memref<6264x32xbf16, #tpu.memory_space<vmem>>, vector<32xbf16>,
          tpu.vector_store %arg6[%swap3A_400, %swap3A_401], %min3A_399 {strides = array<i32>} : memref<6264x32xbf16, #tpu.memory_space<vmem>>, vector<32xbf16>,
          %slice3A_403 = vector.extract_strided_slice %get3A_314 {offsets = [7], sizes = [1], strides = [1]} : vector<16xi32> to vector<1xi32>
          %squeeze3A_404 = vector.extract %slice3A_403[0] : i32 from vector<1xi32>
          %get3A_405 = arith.constant 7 : i32
          %get3A_406 = arith.index_cast %get3A_405 : i32 to index
          %get3A_407 = arith.constant 0 : index
          %get3A_408 = tpu.vector_load %arg21[%get3A_406, %get3A_407] {strides = array<i32>} : memref<16x32xbf16, #tpu.memory_space<vmem>>, vector<32xbf16>,
          %get3A_409 = arith.index_cast %squeeze3A_404 : i32 to index
          %get3A_410 = arith.constant 0 : index
          %get3A_411 = tpu.vector_load %arg6[%get3A_409, %get3A_410] {strides = array<i32>} : memref<6264x32xbf16, #tpu.memory_space<vmem>>, vector<32xbf16>,
          %min3A_412 = arith.minimumf %get3A_411, %get3A_408 : vector<32xbf16>
          %swap3A_413 = arith.index_cast %squeeze3A_404 : i32 to index
          %swap3A_414 = arith.constant 0 : index
          %swap3A_415 = tpu.vector_load %arg6[%swap3A_413, %swap3A_414] {strides = array<i32>} : memref<6264x32xbf16, #tpu.memory_space<vmem>>, vector<32xbf16>,
          tpu.vector_store %arg6[%swap3A_413, %swap3A_414], %min3A_412 {strides = array<i32>} : memref<6264x32xbf16, #tpu.memory_space<vmem>>, vector<32xbf16>,
          %slice3A_416 = vector.extract_strided_slice %get3A_314 {offsets = [8], sizes = [1], strides = [1]} : vector<16xi32> to vector<1xi32>
          %squeeze3A_417 = vector.extract %slice3A_416[0] : i32 from vector<1xi32>
          %get3A_418 = arith.constant 8 : i32
          %get3A_419 = arith.index_cast %get3A_418 : i32 to index
          %get3A_420 = arith.constant 0 : index
          %get3A_421 = tpu.vector_load %arg21[%get3A_419, %get3A_420] {strides = array<i32>} : memref<16x32xbf16, #tpu.memory_space<vmem>>, vector<32xbf16>,
          %get3A_422 = arith.index_cast %squeeze3A_417 : i32 to index
          %get3A_423 = arith.constant 0 : index
          %get3A_424 = tpu.vector_load %arg6[%get3A_422, %get3A_423] {strides = array<i32>} : memref<6264x32xbf16, #tpu.memory_space<vmem>>, vector<32xbf16>,
          %min3A_425 = arith.minimumf %get3A_424, %get3A_421 : vector<32xbf16>
          %swap3A_426 = arith.index_cast %squeeze3A_417 : i32 to index
          %swap3A_427 = arith.constant 0 : index
          %swap3A_428 = tpu.vector_load %arg6[%swap3A_426, %swap3A_427] {strides = array<i32>} : memref<6264x32xbf16, #tpu.memory_space<vmem>>, vector<32xbf16>,
          tpu.vector_store %arg6[%swap3A_426, %swap3A_427], %min3A_425 {strides = array<i32>} : memref<6264x32xbf16, #tpu.memory_space<vmem>>, vector<32xbf16>,
          %slice3A_429 = vector.extract_strided_slice %get3A_314 {offsets = [9], sizes = [1], strides = [1]} : vector<16xi32> to vector<1xi32>
          %squeeze3A_430 = vector.extract %slice3A_429[0] : i32 from vector<1xi32>
          %get3A_431 = arith.constant 9 : i32
          %get3A_432 = arith.index_cast %get3A_431 : i32 to index
          %get3A_433 = arith.constant 0 : index
          %get3A_434 = tpu.vector_load %arg21[%get3A_432, %get3A_433] {strides = array<i32>} : memref<16x32xbf16, #tpu.memory_space<vmem>>, vector<32xbf16>,
          %get3A_435 = arith.index_cast %squeeze3A_430 : i32 to index
          %get3A_436 = arith.constant 0 : index
          %get3A_437 = tpu.vector_load %arg6[%get3A_435, %get3A_436] {strides = array<i32>} : memref<6264x32xbf16, #tpu.memory_space<vmem>>, vector<32xbf16>,
          %min3A_438 = arith.minimumf %get3A_437, %get3A_434 : vector<32xbf16>
          %swap3A_439 = arith.index_cast %squeeze3A_430 : i32 to index
          %swap3A_440 = arith.constant 0 : index
          %swap3A_441 = tpu.vector_load %arg6[%swap3A_439, %swap3A_440] {strides = array<i32>} : memref<6264x32xbf16, #tpu.memory_space<vmem>>, vector<32xbf16>,
          tpu.vector_store %arg6[%swap3A_439, %swap3A_440], %min3A_438 {strides = array<i32>} : memref<6264x32xbf16, #tpu.memory_space<vmem>>, vector<32xbf16>,
          %slice3A_442 = vector.extract_strided_slice %get3A_314 {offsets = [10], sizes = [1], strides = [1]} : vector<16xi32> to vector<1xi32>
          %squeeze3A_443 = vector.extract %slice3A_442[0] : i32 from vector<1xi32>
          %get3A_444 = arith.constant 10 : i32
          %get3A_445 = arith.index_cast %get3A_444 : i32 to index
          %get3A_446 = arith.constant 0 : index
          %get3A_447 = tpu.vector_load %arg21[%get3A_445, %get3A_446] {strides = array<i32>} : memref<16x32xbf16, #tpu.memory_space<vmem>>, vector<32xbf16>,
          %get3A_448 = arith.index_cast %squeeze3A_443 : i32 to index
          %get3A_449 = arith.constant 0 : index
          %get3A_450 = tpu.vector_load %arg6[%get3A_448, %get3A_449] {strides = array<i32>} : memref<6264x32xbf16, #tpu.memory_space<vmem>>, vector<32xbf16>,
          %min3A_451 = arith.minimumf %get3A_450, %get3A_447 : vector<32xbf16>
          %swap3A_452 = arith.index_cast %squeeze3A_443 : i32 to index
          %swap3A_453 = arith.constant 0 : index
          %swap3A_454 = tpu.vector_load %arg6[%swap3A_452, %swap3A_453] {strides = array<i32>} : memref<6264x32xbf16, #tpu.memory_space<vmem>>, vector<32xbf16>,
          tpu.vector_store %arg6[%swap3A_452, %swap3A_453], %min3A_451 {strides = array<i32>} : memref<6264x32xbf16, #tpu.memory_space<vmem>>, vector<32xbf16>,
          %slice3A_455 = vector.extract_strided_slice %get3A_314 {offsets = [11], sizes = [1], strides = [1]} : vector<16xi32> to vector<1xi32>
          %squeeze3A_456 = vector.extract %slice3A_455[0] : i32 from vector<1xi32>
          %get3A_457 = arith.constant 11 : i32
          %get3A_458 = arith.index_cast %get3A_457 : i32 to index
          %get3A_459 = arith.constant 0 : index
          %get3A_460 = tpu.vector_load %arg21[%get3A_458, %get3A_459] {strides = array<i32>} : memref<16x32xbf16, #tpu.memory_space<vmem>>, vector<32xbf16>,
          %get3A_461 = arith.index_cast %squeeze3A_456 : i32 to index
          %get3A_462 = arith.constant 0 : index
          %get3A_463 = tpu.vector_load %arg6[%get3A_461, %get3A_462] {strides = array<i32>} : memref<6264x32xbf16, #tpu.memory_space<vmem>>, vector<32xbf16>,
          %min3A_464 = arith.minimumf %get3A_463, %get3A_460 : vector<32xbf16>
          %swap3A_465 = arith.index_cast %squeeze3A_456 : i32 to index
          %swap3A_466 = arith.constant 0 : index
          %swap3A_467 = tpu.vector_load %arg6[%swap3A_465, %swap3A_466] {strides = array<i32>} : memref<6264x32xbf16, #tpu.memory_space<vmem>>, vector<32xbf16>,
          tpu.vector_store %arg6[%swap3A_465, %swap3A_466], %min3A_464 {strides = array<i32>} : memref<6264x32xbf16, #tpu.memory_space<vmem>>, vector<32xbf16>,
          %slice3A_468 = vector.extract_strided_slice %get3A_314 {offsets = [12], sizes = [1], strides = [1]} : vector<16xi32> to vector<1xi32>
          %squeeze3A_469 = vector.extract %slice3A_468[0] : i32 from vector<1xi32>
          %get3A_470 = arith.constant 12 : i32
          %get3A_471 = arith.index_cast %get3A_470 : i32 to index
          %get3A_472 = arith.constant 0 : index
          %get3A_473 = tpu.vector_load %arg21[%get3A_471, %get3A_472] {strides = array<i32>} : memref<16x32xbf16, #tpu.memory_space<vmem>>, vector<32xbf16>,
          %get3A_474 = arith.index_cast %squeeze3A_469 : i32 to index
          %get3A_475 = arith.constant 0 : index
          %get3A_476 = tpu.vector_load %arg6[%get3A_474, %get3A_475] {strides = array<i32>} : memref<6264x32xbf16, #tpu.memory_space<vmem>>, vector<32xbf16>,
          %min3A_477 = arith.minimumf %get3A_476, %get3A_473 : vector<32xbf16>
          %swap3A_478 = arith.index_cast %squeeze3A_469 : i32 to index
          %swap3A_479 = arith.constant 0 : index
          %swap3A_480 = tpu.vector_load %arg6[%swap3A_478, %swap3A_479] {strides = array<i32>} : memref<6264x32xbf16, #tpu.memory_space<vmem>>, vector<32xbf16>,
          tpu.vector_store %arg6[%swap3A_478, %swap3A_479], %min3A_477 {strides = array<i32>} : memref<6264x32xbf16, #tpu.memory_space<vmem>>, vector<32xbf16>,
          %slice3A_481 = vector.extract_strided_slice %get3A_314 {offsets = [13], sizes = [1], strides = [1]} : vector<16xi32> to vector<1xi32>
          %squeeze3A_482 = vector.extract %slice3A_481[0] : i32 from vector<1xi32>
          %get3A_483 = arith.constant 13 : i32
          %get3A_484 = arith.index_cast %get3A_483 : i32 to index
          %get3A_485 = arith.constant 0 : index
          %get3A_486 = tpu.vector_load %arg21[%get3A_484, %get3A_485] {strides = array<i32>} : memref<16x32xbf16, #tpu.memory_space<vmem>>, vector<32xbf16>,
          %get3A_487 = arith.index_cast %squeeze3A_482 : i32 to index
          %get3A_488 = arith.constant 0 : index
          %get3A_489 = tpu.vector_load %arg6[%get3A_487, %get3A_488] {strides = array<i32>} : memref<6264x32xbf16, #tpu.memory_space<vmem>>, vector<32xbf16>,
          %min3A_490 = arith.minimumf %get3A_489, %get3A_486 : vector<32xbf16>
          %swap3A_491 = arith.index_cast %squeeze3A_482 : i32 to index
          %swap3A_492 = arith.constant 0 : index
          %swap3A_493 = tpu.vector_load %arg6[%swap3A_491, %swap3A_492] {strides = array<i32>} : memref<6264x32xbf16, #tpu.memory_space<vmem>>, vector<32xbf16>,
          tpu.vector_store %arg6[%swap3A_491, %swap3A_492], %min3A_490 {strides = array<i32>} : memref<6264x32xbf16, #tpu.memory_space<vmem>>, vector<32xbf16>,
          %slice3A_494 = vector.extract_strided_slice %get3A_314 {offsets = [14], sizes = [1], strides = [1]} : vector<16xi32> to vector<1xi32>
          %squeeze3A_495 = vector.extract %slice3A_494[0] : i32 from vector<1xi32>
          %get3A_496 = arith.constant 14 : i32
          %get3A_497 = arith.index_cast %get3A_496 : i32 to index
          %get3A_498 = arith.constant 0 : index
          %get3A_499 = tpu.vector_load %arg21[%get3A_497, %get3A_498] {strides = array<i32>} : memref<16x32xbf16, #tpu.memory_space<vmem>>, vector<32xbf16>,
          %get3A_500 = arith.index_cast %squeeze3A_495 : i32 to index
          %get3A_501 = arith.constant 0 : index
          %get3A_502 = tpu.vector_load %arg6[%get3A_500, %get3A_501] {strides = array<i32>} : memref<6264x32xbf16, #tpu.memory_space<vmem>>, vector<32xbf16>,
          %min3A_503 = arith.minimumf %get3A_502, %get3A_499 : vector<32xbf16>
          %swap3A_504 = arith.index_cast %squeeze3A_495 : i32 to index
          %swap3A_505 = arith.constant 0 : index
          %swap3A_506 = tpu.vector_load %arg6[%swap3A_504, %swap3A_505] {strides = array<i32>} : memref<6264x32xbf16, #tpu.memory_space<vmem>>, vector<32xbf16>,
          tpu.vector_store %arg6[%swap3A_504, %swap3A_505], %min3A_503 {strides = array<i32>} : memref<6264x32xbf16, #tpu.memory_space<vmem>>, vector<32xbf16>,
          %slice3A_507 = vector.extract_strided_slice %get3A_314 {offsets = [15], sizes = [1], strides = [1]} : vector<16xi32> to vector<1xi32>
          %squeeze3A_508 = vector.extract %slice3A_507[0] : i32 from vector<1xi32>
          %get3A_509 = arith.constant 15 : i32
          %get3A_510 = arith.index_cast %get3A_509 : i32 to index
          %get3A_511 = arith.constant 0 : index
          %get3A_512 = tpu.vector_load %arg21[%get3A_510, %get3A_511] {strides = array<i32>} : memref<16x32xbf16, #tpu.memory_space<vmem>>, vector<32xbf16>,
          %get3A_513 = arith.index_cast %squeeze3A_508 : i32 to index
          %get3A_514 = arith.constant 0 : index
          %get3A_515 = tpu.vector_load %arg6[%get3A_513, %get3A_514] {strides = array<i32>} : memref<6264x32xbf16, #tpu.memory_space<vmem>>, vector<32xbf16>,
          %min3A_516 = arith.minimumf %get3A_515, %get3A_512 : vector<32xbf16>
          %swap3A_517 = arith.index_cast %squeeze3A_508 : i32 to index
          %swap3A_518 = arith.constant 0 : index
          %swap3A_519 = tpu.vector_load %arg6[%swap3A_517, %swap3A_518] {strides = array<i32>} : memref<6264x32xbf16, #tpu.memory_space<vmem>>, vector<32xbf16>,
          tpu.vector_store %arg6[%swap3A_517, %swap3A_518], %min3A_516 {strides = array<i32>} : memref<6264x32xbf16, #tpu.memory_space<vmem>>, vector<32xbf16>,
          %add3A_520 = arith.constant 4 : i32
          %add3A_521 = arith.addi %add3A_295, %add3A_520 : i32
          %lt3A_522 = arith.cmpi slt, %add3A_521, %select_n3A_156 : i32
          %convert_element_type3A_523 = arith.extui %lt3A_522 : i1 to i32
          %cond3A_524 = arith.constant 0 : i32
          %cond3A_525 = arith.cmpi ne, %convert_element_type3A_523, %cond3A_524 : i32
          scf.if %cond3A_525 {
            %add3A_526 = arith.constant 4 : i32
            %add3A_527 = arith.addi %add3A_295, %add3A_526 : i32
            %mul3A_528 = arith.constant 16 : i32
            %mul3A_529 = arith.muli %add3A_527, %mul3A_528 : i32
            %get3A_530 = arith.index_cast %mul3A_529 : i32 to index
            %get3A_531 = tpu.vector_load %arg14[%get3A_530] {strides = array<i32>} : memref<2416xi32, #tpu.memory_space<vmem>>, vector<16xi32>,
            %swap3A_532 = arith.constant 0 : index
            %swap3A_533 = tpu.vector_load %arg17[%swap3A_532] {strides = array<i32>} : memref<16xi32, #tpu.memory_space<vmem>>, vector<16xi32>,
            tpu.vector_store %arg17[%swap3A_532], %get3A_531 {strides = array<i32>} : memref<16xi32, #tpu.memory_space<vmem>>, vector<16xi32>,
            %dma_start3A_534 = arith.constant 0 : i32
            %dma_start3A_535 = arith.constant 0 : i32
            %dma_start3A_536 = tpu.memref_slice %arg2[%dma_start3A_534, %dma_start3A_535] : memref<100000x32xbf16, #tpu.memory_space<hbm>> -> memref<100000x32xbf16, #tpu.memory_space<hbm>>
            tpu.enqueue_indirect_dma source(%dma_start3A_536 : memref<100000x32xbf16, #tpu.memory_space<hbm>>) target(%arg21 : memref<16x32xbf16, #tpu.memory_space<vmem>>) offsets(%arg17 : memref<16xi32, #tpu.memory_space<vmem>>) semaphore(%arg27 : memref<!tpu.dma_semaphore, #tpu.memory_space<semaphore_mem>>)
          } else {
          }
        } else {
        }
        %mul3A_300 = arith.constant 4 : i32
        %mul3A_301 = arith.muli %mul3A_300, %while3A_274 : i32
        %add3A_302 = arith.constant 3 : i32
        %add3A_303 = arith.addi %mul3A_301, %add3A_302 : i32
        %lt3A_304 = arith.cmpi slt, %add3A_303, %select_n3A_156 : i32
        %convert_element_type3A_305 = arith.extui %lt3A_304 : i1 to i32
        %cond3A_306 = arith.constant 0 : i32
        %cond3A_307 = arith.cmpi ne, %convert_element_type3A_305, %cond3A_306 : i32
        scf.if %cond3A_307 {
          %dma_wait3A_309 = arith.constant 0 : i32
          %dma_wait3A_310 = arith.constant 0 : i32
          %dma_wait3A_311 = tpu.memref_slice %arg2[%dma_wait3A_309, %dma_wait3A_310] : memref<100000x32xbf16, #tpu.memory_space<hbm>> -> memref<100000x32xbf16, #tpu.memory_space<hbm>>
          tpu.wait_indirect_dma semaphore(%arg28 : memref<!tpu.dma_semaphore, #tpu.memory_space<semaphore_mem>>) src(%dma_wait3A_311 : memref<100000x32xbf16, #tpu.memory_space<hbm>>) dst(%arg22 : memref<16x32xbf16, #tpu.memory_space<vmem>>)
          %mul3A_312 = arith.constant 16 : i32
          %mul3A_313 = arith.muli %add3A_303, %mul3A_312 : i32
          %get3A = arith.index_cast %mul3A_313 : i32 to index
          %get3A_314 = tpu.vector_load %arg13[%get3A] {strides = array<i32>} : memref<2416xi32, #tpu.memory_space<vmem>>, vector<16xi32>,
          %slice3A = vector.extract_strided_slice %get3A_314 {offsets = [0], sizes = [1], strides = [1]} : vector<16xi32> to vector<1xi32>
          %squeeze3A = vector.extract %slice3A[0] : i32 from vector<1xi32>
          %get3A_315 = arith.constant 0 : i32
          %get3A_316 = arith.index_cast %get3A_315 : i32 to index
          %get3A_317 = arith.constant 0 : index
          %get3A_318 = tpu.vector_load %arg22[%get3A_316, %get3A_317] {strides = array<i32>} : memref<16x32xbf16, #tpu.memory_space<vmem>>, vector<32xbf16>,
          %get3A_319 = arith.index_cast %squeeze3A : i32 to index
          %get3A_320 = arith.constant 0 : index
          %get3A_321 = tpu.vector_load %arg6[%get3A_319, %get3A_320] {strides = array<i32>} : memref<6264x32xbf16, #tpu.memory_space<vmem>>, vector<32xbf16>,
          %min3A = arith.minimumf %get3A_321, %get3A_318 : vector<32xbf16>
          %swap3A_322 = arith.index_cast %squeeze3A : i32 to index
          %swap3A_323 = arith.constant 0 : index
          %swap3A_324 = tpu.vector_load %arg6[%swap3A_322, %swap3A_323] {strides = array<i32>} : memref<6264x32xbf16, #tpu.memory_space<vmem>>, vector<32xbf16>,
          tpu.vector_store %arg6[%swap3A_322, %swap3A_323], %min3A {strides = array<i32>} : memref<6264x32xbf16, #tpu.memory_space<vmem>>, vector<32xbf16>,
          %slice3A_325 = vector.extract_strided_slice %get3A_314 {offsets = [1], sizes = [1], strides = [1]} : vector<16xi32> to vector<1xi32>
          %squeeze3A_326 = vector.extract %slice3A_325[0] : i32 from vector<1xi32>
          %get3A_327 = arith.constant 1 : i32
          %get3A_328 = arith.index_cast %get3A_327 : i32 to index
          %get3A_329 = arith.constant 0 : index
          %get3A_330 = tpu.vector_load %arg22[%get3A_328, %get3A_329] {strides = array<i32>} : memref<16x32xbf16, #tpu.memory_space<vmem>>, vector<32xbf16>,
          %get3A_331 = arith.index_cast %squeeze3A_326 : i32 to index
          %get3A_332 = arith.constant 0 : index
          %get3A_333 = tpu.vector_load %arg6[%get3A_331, %get3A_332] {strides = array<i32>} : memref<6264x32xbf16, #tpu.memory_space<vmem>>, vector<32xbf16>,
          %min3A_334 = arith.minimumf %get3A_333, %get3A_330 : vector<32xbf16>
          %swap3A_335 = arith.index_cast %squeeze3A_326 : i32 to index
          %swap3A_336 = arith.constant 0 : index
          %swap3A_337 = tpu.vector_load %arg6[%swap3A_335, %swap3A_336] {strides = array<i32>} : memref<6264x32xbf16, #tpu.memory_space<vmem>>, vector<32xbf16>,
          tpu.vector_store %arg6[%swap3A_335, %swap3A_336], %min3A_334 {strides = array<i32>} : memref<6264x32xbf16, #tpu.memory_space<vmem>>, vector<32xbf16>,
          %slice3A_338 = vector.extract_strided_slice %get3A_314 {offsets = [2], sizes = [1], strides = [1]} : vector<16xi32> to vector<1xi32>
          %squeeze3A_339 = vector.extract %slice3A_338[0] : i32 from vector<1xi32>
          %get3A_340 = arith.constant 2 : i32
          %get3A_341 = arith.index_cast %get3A_340 : i32 to index
          %get3A_342 = arith.constant 0 : index
          %get3A_343 = tpu.vector_load %arg22[%get3A_341, %get3A_342] {strides = array<i32>} : memref<16x32xbf16, #tpu.memory_space<vmem>>, vector<32xbf16>,
          %get3A_344 = arith.index_cast %squeeze3A_339 : i32 to index
          %get3A_345 = arith.constant 0 : index
          %get3A_346 = tpu.vector_load %arg6[%get3A_344, %get3A_345] {strides = array<i32>} : memref<6264x32xbf16, #tpu.memory_space<vmem>>, vector<32xbf16>,
          %min3A_347 = arith.minimumf %get3A_346, %get3A_343 : vector<32xbf16>
          %swap3A_348 = arith.index_cast %squeeze3A_339 : i32 to index
          %swap3A_349 = arith.constant 0 : index
          %swap3A_350 = tpu.vector_load %arg6[%swap3A_348, %swap3A_349] {strides = array<i32>} : memref<6264x32xbf16, #tpu.memory_space<vmem>>, vector<32xbf16>,
          tpu.vector_store %arg6[%swap3A_348, %swap3A_349], %min3A_347 {strides = array<i32>} : memref<6264x32xbf16, #tpu.memory_space<vmem>>, vector<32xbf16>,
          %slice3A_351 = vector.extract_strided_slice %get3A_314 {offsets = [3], sizes = [1], strides = [1]} : vector<16xi32> to vector<1xi32>
          %squeeze3A_352 = vector.extract %slice3A_351[0] : i32 from vector<1xi32>
          %get3A_353 = arith.constant 3 : i32
          %get3A_354 = arith.index_cast %get3A_353 : i32 to index
          %get3A_355 = arith.constant 0 : index
          %get3A_356 = tpu.vector_load %arg22[%get3A_354, %get3A_355] {strides = array<i32>} : memref<16x32xbf16, #tpu.memory_space<vmem>>, vector<32xbf16>,
          %get3A_357 = arith.index_cast %squeeze3A_352 : i32 to index
          %get3A_358 = arith.constant 0 : index
          %get3A_359 = tpu.vector_load %arg6[%get3A_357, %get3A_358] {strides = array<i32>} : memref<6264x32xbf16, #tpu.memory_space<vmem>>, vector<32xbf16>,
          %min3A_360 = arith.minimumf %get3A_359, %get3A_356 : vector<32xbf16>
          %swap3A_361 = arith.index_cast %squeeze3A_352 : i32 to index
          %swap3A_362 = arith.constant 0 : index
          %swap3A_363 = tpu.vector_load %arg6[%swap3A_361, %swap3A_362] {strides = array<i32>} : memref<6264x32xbf16, #tpu.memory_space<vmem>>, vector<32xbf16>,
          tpu.vector_store %arg6[%swap3A_361, %swap3A_362], %min3A_360 {strides = array<i32>} : memref<6264x32xbf16, #tpu.memory_space<vmem>>, vector<32xbf16>,
          %slice3A_364 = vector.extract_strided_slice %get3A_314 {offsets = [4], sizes = [1], strides = [1]} : vector<16xi32> to vector<1xi32>
          %squeeze3A_365 = vector.extract %slice3A_364[0] : i32 from vector<1xi32>
          %get3A_366 = arith.constant 4 : i32
          %get3A_367 = arith.index_cast %get3A_366 : i32 to index
          %get3A_368 = arith.constant 0 : index
          %get3A_369 = tpu.vector_load %arg22[%get3A_367, %get3A_368] {strides = array<i32>} : memref<16x32xbf16, #tpu.memory_space<vmem>>, vector<32xbf16>,
          %get3A_370 = arith.index_cast %squeeze3A_365 : i32 to index
          %get3A_371 = arith.constant 0 : index
          %get3A_372 = tpu.vector_load %arg6[%get3A_370, %get3A_371] {strides = array<i32>} : memref<6264x32xbf16, #tpu.memory_space<vmem>>, vector<32xbf16>,
          %min3A_373 = arith.minimumf %get3A_372, %get3A_369 : vector<32xbf16>
          %swap3A_374 = arith.index_cast %squeeze3A_365 : i32 to index
          %swap3A_375 = arith.constant 0 : index
          %swap3A_376 = tpu.vector_load %arg6[%swap3A_374, %swap3A_375] {strides = array<i32>} : memref<6264x32xbf16, #tpu.memory_space<vmem>>, vector<32xbf16>,
          tpu.vector_store %arg6[%swap3A_374, %swap3A_375], %min3A_373 {strides = array<i32>} : memref<6264x32xbf16, #tpu.memory_space<vmem>>, vector<32xbf16>,
          %slice3A_377 = vector.extract_strided_slice %get3A_314 {offsets = [5], sizes = [1], strides = [1]} : vector<16xi32> to vector<1xi32>
          %squeeze3A_378 = vector.extract %slice3A_377[0] : i32 from vector<1xi32>
          %get3A_379 = arith.constant 5 : i32
          %get3A_380 = arith.index_cast %get3A_379 : i32 to index
          %get3A_381 = arith.constant 0 : index
          %get3A_382 = tpu.vector_load %arg22[%get3A_380, %get3A_381] {strides = array<i32>} : memref<16x32xbf16, #tpu.memory_space<vmem>>, vector<32xbf16>,
          %get3A_383 = arith.index_cast %squeeze3A_378 : i32 to index
          %get3A_384 = arith.constant 0 : index
          %get3A_385 = tpu.vector_load %arg6[%get3A_383, %get3A_384] {strides = array<i32>} : memref<6264x32xbf16, #tpu.memory_space<vmem>>, vector<32xbf16>,
          %min3A_386 = arith.minimumf %get3A_385, %get3A_382 : vector<32xbf16>
          %swap3A_387 = arith.index_cast %squeeze3A_378 : i32 to index
          %swap3A_388 = arith.constant 0 : index
          %swap3A_389 = tpu.vector_load %arg6[%swap3A_387, %swap3A_388] {strides = array<i32>} : memref<6264x32xbf16, #tpu.memory_space<vmem>>, vector<32xbf16>,
          tpu.vector_store %arg6[%swap3A_387, %swap3A_388], %min3A_386 {strides = array<i32>} : memref<6264x32xbf16, #tpu.memory_space<vmem>>, vector<32xbf16>,
          %slice3A_390 = vector.extract_strided_slice %get3A_314 {offsets = [6], sizes = [1], strides = [1]} : vector<16xi32> to vector<1xi32>
          %squeeze3A_391 = vector.extract %slice3A_390[0] : i32 from vector<1xi32>
          %get3A_392 = arith.constant 6 : i32
          %get3A_393 = arith.index_cast %get3A_392 : i32 to index
          %get3A_394 = arith.constant 0 : index
          %get3A_395 = tpu.vector_load %arg22[%get3A_393, %get3A_394] {strides = array<i32>} : memref<16x32xbf16, #tpu.memory_space<vmem>>, vector<32xbf16>,
          %get3A_396 = arith.index_cast %squeeze3A_391 : i32 to index
          %get3A_397 = arith.constant 0 : index
          %get3A_398 = tpu.vector_load %arg6[%get3A_396, %get3A_397] {strides = array<i32>} : memref<6264x32xbf16, #tpu.memory_space<vmem>>, vector<32xbf16>,
          %min3A_399 = arith.minimumf %get3A_398, %get3A_395 : vector<32xbf16>
          %swap3A_400 = arith.index_cast %squeeze3A_391 : i32 to index
          %swap3A_401 = arith.constant 0 : index
          %swap3A_402 = tpu.vector_load %arg6[%swap3A_400, %swap3A_401] {strides = array<i32>} : memref<6264x32xbf16, #tpu.memory_space<vmem>>, vector<32xbf16>,
          tpu.vector_store %arg6[%swap3A_400, %swap3A_401], %min3A_399 {strides = array<i32>} : memref<6264x32xbf16, #tpu.memory_space<vmem>>, vector<32xbf16>,
          %slice3A_403 = vector.extract_strided_slice %get3A_314 {offsets = [7], sizes = [1], strides = [1]} : vector<16xi32> to vector<1xi32>
          %squeeze3A_404 = vector.extract %slice3A_403[0] : i32 from vector<1xi32>
          %get3A_405 = arith.constant 7 : i32
          %get3A_406 = arith.index_cast %get3A_405 : i32 to index
          %get3A_407 = arith.constant 0 : index
          %get3A_408 = tpu.vector_load %arg22[%get3A_406, %get3A_407] {strides = array<i32>} : memref<16x32xbf16, #tpu.memory_space<vmem>>, vector<32xbf16>,
          %get3A_409 = arith.index_cast %squeeze3A_404 : i32 to index
          %get3A_410 = arith.constant 0 : index
          %get3A_411 = tpu.vector_load %arg6[%get3A_409, %get3A_410] {strides = array<i32>} : memref<6264x32xbf16, #tpu.memory_space<vmem>>, vector<32xbf16>,
          %min3A_412 = arith.minimumf %get3A_411, %get3A_408 : vector<32xbf16>
          %swap3A_413 = arith.index_cast %squeeze3A_404 : i32 to index
          %swap3A_414 = arith.constant 0 : index
          %swap3A_415 = tpu.vector_load %arg6[%swap3A_413, %swap3A_414] {strides = array<i32>} : memref<6264x32xbf16, #tpu.memory_space<vmem>>, vector<32xbf16>,
          tpu.vector_store %arg6[%swap3A_413, %swap3A_414], %min3A_412 {strides = array<i32>} : memref<6264x32xbf16, #tpu.memory_space<vmem>>, vector<32xbf16>,
          %slice3A_416 = vector.extract_strided_slice %get3A_314 {offsets = [8], sizes = [1], strides = [1]} : vector<16xi32> to vector<1xi32>
          %squeeze3A_417 = vector.extract %slice3A_416[0] : i32 from vector<1xi32>
          %get3A_418 = arith.constant 8 : i32
          %get3A_419 = arith.index_cast %get3A_418 : i32 to index
          %get3A_420 = arith.constant 0 : index
          %get3A_421 = tpu.vector_load %arg22[%get3A_419, %get3A_420] {strides = array<i32>} : memref<16x32xbf16, #tpu.memory_space<vmem>>, vector<32xbf16>,
          %get3A_422 = arith.index_cast %squeeze3A_417 : i32 to index
          %get3A_423 = arith.constant 0 : index
          %get3A_424 = tpu.vector_load %arg6[%get3A_422, %get3A_423] {strides = array<i32>} : memref<6264x32xbf16, #tpu.memory_space<vmem>>, vector<32xbf16>,
          %min3A_425 = arith.minimumf %get3A_424, %get3A_421 : vector<32xbf16>
          %swap3A_426 = arith.index_cast %squeeze3A_417 : i32 to index
          %swap3A_427 = arith.constant 0 : index
          %swap3A_428 = tpu.vector_load %arg6[%swap3A_426, %swap3A_427] {strides = array<i32>} : memref<6264x32xbf16, #tpu.memory_space<vmem>>, vector<32xbf16>,
          tpu.vector_store %arg6[%swap3A_426, %swap3A_427], %min3A_425 {strides = array<i32>} : memref<6264x32xbf16, #tpu.memory_space<vmem>>, vector<32xbf16>,
          %slice3A_429 = vector.extract_strided_slice %get3A_314 {offsets = [9], sizes = [1], strides = [1]} : vector<16xi32> to vector<1xi32>
          %squeeze3A_430 = vector.extract %slice3A_429[0] : i32 from vector<1xi32>
          %get3A_431 = arith.constant 9 : i32
          %get3A_432 = arith.index_cast %get3A_431 : i32 to index
          %get3A_433 = arith.constant 0 : index
          %get3A_434 = tpu.vector_load %arg22[%get3A_432, %get3A_433] {strides = array<i32>} : memref<16x32xbf16, #tpu.memory_space<vmem>>, vector<32xbf16>,
          %get3A_435 = arith.index_cast %squeeze3A_430 : i32 to index
          %get3A_436 = arith.constant 0 : index
          %get3A_437 = tpu.vector_load %arg6[%get3A_435, %get3A_436] {strides = array<i32>} : memref<6264x32xbf16, #tpu.memory_space<vmem>>, vector<32xbf16>,
          %min3A_438 = arith.minimumf %get3A_437, %get3A_434 : vector<32xbf16>
          %swap3A_439 = arith.index_cast %squeeze3A_430 : i32 to index
          %swap3A_440 = arith.constant 0 : index
          %swap3A_441 = tpu.vector_load %arg6[%swap3A_439, %swap3A_440] {strides = array<i32>} : memref<6264x32xbf16, #tpu.memory_space<vmem>>, vector<32xbf16>,
          tpu.vector_store %arg6[%swap3A_439, %swap3A_440], %min3A_438 {strides = array<i32>} : memref<6264x32xbf16, #tpu.memory_space<vmem>>, vector<32xbf16>,
          %slice3A_442 = vector.extract_strided_slice %get3A_314 {offsets = [10], sizes = [1], strides = [1]} : vector<16xi32> to vector<1xi32>
          %squeeze3A_443 = vector.extract %slice3A_442[0] : i32 from vector<1xi32>
          %get3A_444 = arith.constant 10 : i32
          %get3A_445 = arith.index_cast %get3A_444 : i32 to index
          %get3A_446 = arith.constant 0 : index
          %get3A_447 = tpu.vector_load %arg22[%get3A_445, %get3A_446] {strides = array<i32>} : memref<16x32xbf16, #tpu.memory_space<vmem>>, vector<32xbf16>,
          %get3A_448 = arith.index_cast %squeeze3A_443 : i32 to index
          %get3A_449 = arith.constant 0 : index
          %get3A_450 = tpu.vector_load %arg6[%get3A_448, %get3A_449] {strides = array<i32>} : memref<6264x32xbf16, #tpu.memory_space<vmem>>, vector<32xbf16>,
          %min3A_451 = arith.minimumf %get3A_450, %get3A_447 : vector<32xbf16>
          %swap3A_452 = arith.index_cast %squeeze3A_443 : i32 to index
          %swap3A_453 = arith.constant 0 : index
          %swap3A_454 = tpu.vector_load %arg6[%swap3A_452, %swap3A_453] {strides = array<i32>} : memref<6264x32xbf16, #tpu.memory_space<vmem>>, vector<32xbf16>,
          tpu.vector_store %arg6[%swap3A_452, %swap3A_453], %min3A_451 {strides = array<i32>} : memref<6264x32xbf16, #tpu.memory_space<vmem>>, vector<32xbf16>,
          %slice3A_455 = vector.extract_strided_slice %get3A_314 {offsets = [11], sizes = [1], strides = [1]} : vector<16xi32> to vector<1xi32>
          %squeeze3A_456 = vector.extract %slice3A_455[0] : i32 from vector<1xi32>
          %get3A_457 = arith.constant 11 : i32
          %get3A_458 = arith.index_cast %get3A_457 : i32 to index
          %get3A_459 = arith.constant 0 : index
          %get3A_460 = tpu.vector_load %arg22[%get3A_458, %get3A_459] {strides = array<i32>} : memref<16x32xbf16, #tpu.memory_space<vmem>>, vector<32xbf16>,
          %get3A_461 = arith.index_cast %squeeze3A_456 : i32 to index
          %get3A_462 = arith.constant 0 : index
          %get3A_463 = tpu.vector_load %arg6[%get3A_461, %get3A_462] {strides = array<i32>} : memref<6264x32xbf16, #tpu.memory_space<vmem>>, vector<32xbf16>,
          %min3A_464 = arith.minimumf %get3A_463, %get3A_460 : vector<32xbf16>
          %swap3A_465 = arith.index_cast %squeeze3A_456 : i32 to index
          %swap3A_466 = arith.constant 0 : index
          %swap3A_467 = tpu.vector_load %arg6[%swap3A_465, %swap3A_466] {strides = array<i32>} : memref<6264x32xbf16, #tpu.memory_space<vmem>>, vector<32xbf16>,
          tpu.vector_store %arg6[%swap3A_465, %swap3A_466], %min3A_464 {strides = array<i32>} : memref<6264x32xbf16, #tpu.memory_space<vmem>>, vector<32xbf16>,
          %slice3A_468 = vector.extract_strided_slice %get3A_314 {offsets = [12], sizes = [1], strides = [1]} : vector<16xi32> to vector<1xi32>
          %squeeze3A_469 = vector.extract %slice3A_468[0] : i32 from vector<1xi32>
          %get3A_470 = arith.constant 12 : i32
          %get3A_471 = arith.index_cast %get3A_470 : i32 to index
          %get3A_472 = arith.constant 0 : index
          %get3A_473 = tpu.vector_load %arg22[%get3A_471, %get3A_472] {strides = array<i32>} : memref<16x32xbf16, #tpu.memory_space<vmem>>, vector<32xbf16>,
          %get3A_474 = arith.index_cast %squeeze3A_469 : i32 to index
          %get3A_475 = arith.constant 0 : index
          %get3A_476 = tpu.vector_load %arg6[%get3A_474, %get3A_475] {strides = array<i32>} : memref<6264x32xbf16, #tpu.memory_space<vmem>>, vector<32xbf16>,
          %min3A_477 = arith.minimumf %get3A_476, %get3A_473 : vector<32xbf16>
          %swap3A_478 = arith.index_cast %squeeze3A_469 : i32 to index
          %swap3A_479 = arith.constant 0 : index
          %swap3A_480 = tpu.vector_load %arg6[%swap3A_478, %swap3A_479] {strides = array<i32>} : memref<6264x32xbf16, #tpu.memory_space<vmem>>, vector<32xbf16>,
          tpu.vector_store %arg6[%swap3A_478, %swap3A_479], %min3A_477 {strides = array<i32>} : memref<6264x32xbf16, #tpu.memory_space<vmem>>, vector<32xbf16>,
          %slice3A_481 = vector.extract_strided_slice %get3A_314 {offsets = [13], sizes = [1], strides = [1]} : vector<16xi32> to vector<1xi32>
          %squeeze3A_482 = vector.extract %slice3A_481[0] : i32 from vector<1xi32>
          %get3A_483 = arith.constant 13 : i32
          %get3A_484 = arith.index_cast %get3A_483 : i32 to index
          %get3A_485 = arith.constant 0 : index
          %get3A_486 = tpu.vector_load %arg22[%get3A_484, %get3A_485] {strides = array<i32>} : memref<16x32xbf16, #tpu.memory_space<vmem>>, vector<32xbf16>,
          %get3A_487 = arith.index_cast %squeeze3A_482 : i32 to index
          %get3A_488 = arith.constant 0 : index
          %get3A_489 = tpu.vector_load %arg6[%get3A_487, %get3A_488] {strides = array<i32>} : memref<6264x32xbf16, #tpu.memory_space<vmem>>, vector<32xbf16>,
          %min3A_490 = arith.minimumf %get3A_489, %get3A_486 : vector<32xbf16>
          %swap3A_491 = arith.index_cast %squeeze3A_482 : i32 to index
          %swap3A_492 = arith.constant 0 : index
          %swap3A_493 = tpu.vector_load %arg6[%swap3A_491, %swap3A_492] {strides = array<i32>} : memref<6264x32xbf16, #tpu.memory_space<vmem>>, vector<32xbf16>,
          tpu.vector_store %arg6[%swap3A_491, %swap3A_492], %min3A_490 {strides = array<i32>} : memref<6264x32xbf16, #tpu.memory_space<vmem>>, vector<32xbf16>,
          %slice3A_494 = vector.extract_strided_slice %get3A_314 {offsets = [14], sizes = [1], strides = [1]} : vector<16xi32> to vector<1xi32>
          %squeeze3A_495 = vector.extract %slice3A_494[0] : i32 from vector<1xi32>
          %get3A_496 = arith.constant 14 : i32
          %get3A_497 = arith.index_cast %get3A_496 : i32 to index
          %get3A_498 = arith.constant 0 : index
          %get3A_499 = tpu.vector_load %arg22[%get3A_497, %get3A_498] {strides = array<i32>} : memref<16x32xbf16, #tpu.memory_space<vmem>>, vector<32xbf16>,
          %get3A_500 = arith.index_cast %squeeze3A_495 : i32 to index
          %get3A_501 = arith.constant 0 : index
          %get3A_502 = tpu.vector_load %arg6[%get3A_500, %get3A_501] {strides = array<i32>} : memref<6264x32xbf16, #tpu.memory_space<vmem>>, vector<32xbf16>,
          %min3A_503 = arith.minimumf %get3A_502, %get3A_499 : vector<32xbf16>
          %swap3A_504 = arith.index_cast %squeeze3A_495 : i32 to index
          %swap3A_505 = arith.constant 0 : index
          %swap3A_506 = tpu.vector_load %arg6[%swap3A_504, %swap3A_505] {strides = array<i32>} : memref<6264x32xbf16, #tpu.memory_space<vmem>>, vector<32xbf16>,
          tpu.vector_store %arg6[%swap3A_504, %swap3A_505], %min3A_503 {strides = array<i32>} : memref<6264x32xbf16, #tpu.memory_space<vmem>>, vector<32xbf16>,
          %slice3A_507 = vector.extract_strided_slice %get3A_314 {offsets = [15], sizes = [1], strides = [1]} : vector<16xi32> to vector<1xi32>
          %squeeze3A_508 = vector.extract %slice3A_507[0] : i32 from vector<1xi32>
          %get3A_509 = arith.constant 15 : i32
          %get3A_510 = arith.index_cast %get3A_509 : i32 to index
          %get3A_511 = arith.constant 0 : index
          %get3A_512 = tpu.vector_load %arg22[%get3A_510, %get3A_511] {strides = array<i32>} : memref<16x32xbf16, #tpu.memory_space<vmem>>, vector<32xbf16>,
          %get3A_513 = arith.index_cast %squeeze3A_508 : i32 to index
          %get3A_514 = arith.constant 0 : index
          %get3A_515 = tpu.vector_load %arg6[%get3A_513, %get3A_514] {strides = array<i32>} : memref<6264x32xbf16, #tpu.memory_space<vmem>>, vector<32xbf16>,
          %min3A_516 = arith.minimumf %get3A_515, %get3A_512 : vector<32xbf16>
          %swap3A_517 = arith.index_cast %squeeze3A_508 : i32 to index
          %swap3A_518 = arith.constant 0 : index
          %swap3A_519 = tpu.vector_load %arg6[%swap3A_517, %swap3A_518] {strides = array<i32>} : memref<6264x32xbf16, #tpu.memory_space<vmem>>, vector<32xbf16>,
          tpu.vector_store %arg6[%swap3A_517, %swap3A_518], %min3A_516 {strides = array<i32>} : memref<6264x32xbf16, #tpu.memory_space<vmem>>, vector<32xbf16>,
          %add3A_520 = arith.constant 4 : i32
          %add3A_521 = arith.addi %add3A_303, %add3A_520 : i32
          %lt3A_522 = arith.cmpi slt, %add3A_521, %select_n3A_156 : i32
          %convert_element_type3A_523 = arith.extui %lt3A_522 : i1 to i32
          %cond3A_524 = arith.constant 0 : i32
          %cond3A_525 = arith.cmpi ne, %convert_element_type3A_523, %cond3A_524 : i32
          scf.if %cond3A_525 {
            %add3A_526 = arith.constant 4 : i32
            %add3A_527 = arith.addi %add3A_303, %add3A_526 : i32
            %mul3A_528 = arith.constant 16 : i32
            %mul3A_529 = arith.muli %add3A_527, %mul3A_528 : i32
            %get3A_530 = arith.index_cast %mul3A_529 : i32 to index
            %get3A_531 = tpu.vector_load %arg14[%get3A_530] {strides = array<i32>} : memref<2416xi32, #tpu.memory_space<vmem>>, vector<16xi32>,
            %swap3A_532 = arith.constant 0 : index
            %swap3A_533 = tpu.vector_load %arg18[%swap3A_532] {strides = array<i32>} : memref<16xi32, #tpu.memory_space<vmem>>, vector<16xi32>,
            tpu.vector_store %arg18[%swap3A_532], %get3A_531 {strides = array<i32>} : memref<16xi32, #tpu.memory_space<vmem>>, vector<16xi32>,
            %dma_start3A_534 = arith.constant 0 : i32
            %dma_start3A_535 = arith.constant 0 : i32
            %dma_start3A_536 = tpu.memref_slice %arg2[%dma_start3A_534, %dma_start3A_535] : memref<100000x32xbf16, #tpu.memory_space<hbm>> -> memref<100000x32xbf16, #tpu.memory_space<hbm>>
            tpu.enqueue_indirect_dma source(%dma_start3A_536 : memref<100000x32xbf16, #tpu.memory_space<hbm>>) target(%arg22 : memref<16x32xbf16, #tpu.memory_space<vmem>>) offsets(%arg18 : memref<16xi32, #tpu.memory_space<vmem>>) semaphore(%arg28 : memref<!tpu.dma_semaphore, #tpu.memory_space<semaphore_mem>>)
          } else {
          }
        } else {
        }
        %while3A_308 = arith.constant 0 : i32
        scf.yield %while3A_308 : i32
      }
      %add3A_267 = arith.constant 1 : i32
      %add3A_268 = arith.addi %add3A_99, %add3A_267 : i32
      %lt3A_269 = arith.constant 334 : i32
      %lt3A_270 = arith.cmpi slt, %add3A_268, %lt3A_269 : i32
      %convert_element_type3A_271 = arith.extui %lt3A_270 : i1 to i32
      %cond3A_272 = arith.constant 0 : i32
      %cond3A_273 = arith.cmpi ne, %convert_element_type3A_271, %cond3A_272 : i32
      scf.if %cond3A_273 {
        %gt3A_274 = arith.constant 0 : i32
        %gt3A_275 = arith.cmpi sgt, %cond3A_228, %gt3A_274 : i32
        %convert_element_type3A_276 = arith.extui %gt3A_275 : i1 to i32
        %cond3A_277 = arith.constant 0 : i32
        %cond3A_278 = arith.cmpi ne, %convert_element_type3A_276, %cond3A_277 : i32
        scf.if %cond3A_278 {
          %get3A = arith.constant 0 : index
          %get3A_294 = tpu.vector_load %arg12[%get3A] {strides = array<i32>} : memref<2416xi32, #tpu.memory_space<vmem>>, vector<16xi32>,
          %swap3A_295 = arith.constant 0 : index
          %swap3A_296 = tpu.vector_load %arg15[%swap3A_295] {strides = array<i32>} : memref<16xi32, #tpu.memory_space<vmem>>, vector<16xi32>,
          tpu.vector_store %arg15[%swap3A_295], %get3A_294 {strides = array<i32>} : memref<16xi32, #tpu.memory_space<vmem>>, vector<16xi32>,
          %dma_start3A_297 = arith.constant 0 : i32
          %dma_start3A_298 = arith.constant 0 : i32
          %dma_start3A_299 = tpu.memref_slice %arg2[%dma_start3A_297, %dma_start3A_298] : memref<100000x32xbf16, #tpu.memory_space<hbm>> -> memref<100000x32xbf16, #tpu.memory_space<hbm>>
          tpu.enqueue_indirect_dma source(%dma_start3A_299 : memref<100000x32xbf16, #tpu.memory_space<hbm>>) target(%arg19 : memref<16x32xbf16, #tpu.memory_space<vmem>>) offsets(%arg15 : memref<16xi32, #tpu.memory_space<vmem>>) semaphore(%arg25 : memref<!tpu.dma_semaphore, #tpu.memory_space<semaphore_mem>>)
        } else {
        }
        %gt3A_279 = arith.constant 1 : i32
        %gt3A_280 = arith.cmpi sgt, %cond3A_228, %gt3A_279 : i32
        %convert_element_type3A_281 = arith.extui %gt3A_280 : i1 to i32
        %cond3A_282 = arith.constant 0 : i32
        %cond3A_283 = arith.cmpi ne, %convert_element_type3A_281, %cond3A_282 : i32
        scf.if %cond3A_283 {
          %get3A = arith.constant 16 : index
          %get3A_294 = tpu.vector_load %arg12[%get3A] {strides = array<i32>} : memref<2416xi32, #tpu.memory_space<vmem>>, vector<16xi32>,
          %swap3A_295 = arith.constant 0 : index
          %swap3A_296 = tpu.vector_load %arg16[%swap3A_295] {strides = array<i32>} : memref<16xi32, #tpu.memory_space<vmem>>, vector<16xi32>,
          tpu.vector_store %arg16[%swap3A_295], %get3A_294 {strides = array<i32>} : memref<16xi32, #tpu.memory_space<vmem>>, vector<16xi32>,
          %dma_start3A_297 = arith.constant 0 : i32
          %dma_start3A_298 = arith.constant 0 : i32
          %dma_start3A_299 = tpu.memref_slice %arg2[%dma_start3A_297, %dma_start3A_298] : memref<100000x32xbf16, #tpu.memory_space<hbm>> -> memref<100000x32xbf16, #tpu.memory_space<hbm>>
          tpu.enqueue_indirect_dma source(%dma_start3A_299 : memref<100000x32xbf16, #tpu.memory_space<hbm>>) target(%arg20 : memref<16x32xbf16, #tpu.memory_space<vmem>>) offsets(%arg16 : memref<16xi32, #tpu.memory_space<vmem>>) semaphore(%arg26 : memref<!tpu.dma_semaphore, #tpu.memory_space<semaphore_mem>>)
        } else {
        }
        %gt3A_284 = arith.constant 2 : i32
        %gt3A_285 = arith.cmpi sgt, %cond3A_228, %gt3A_284 : i32
        %convert_element_type3A_286 = arith.extui %gt3A_285 : i1 to i32
        %cond3A_287 = arith.constant 0 : i32
        %cond3A_288 = arith.cmpi ne, %convert_element_type3A_286, %cond3A_287 : i32
        scf.if %cond3A_288 {
          %get3A = arith.constant 32 : index
          %get3A_294 = tpu.vector_load %arg12[%get3A] {strides = array<i32>} : memref<2416xi32, #tpu.memory_space<vmem>>, vector<16xi32>,
          %swap3A_295 = arith.constant 0 : index
          %swap3A_296 = tpu.vector_load %arg17[%swap3A_295] {strides = array<i32>} : memref<16xi32, #tpu.memory_space<vmem>>, vector<16xi32>,
          tpu.vector_store %arg17[%swap3A_295], %get3A_294 {strides = array<i32>} : memref<16xi32, #tpu.memory_space<vmem>>, vector<16xi32>,
          %dma_start3A_297 = arith.constant 0 : i32
          %dma_start3A_298 = arith.constant 0 : i32
          %dma_start3A_299 = tpu.memref_slice %arg2[%dma_start3A_297, %dma_start3A_298] : memref<100000x32xbf16, #tpu.memory_space<hbm>> -> memref<100000x32xbf16, #tpu.memory_space<hbm>>
          tpu.enqueue_indirect_dma source(%dma_start3A_299 : memref<100000x32xbf16, #tpu.memory_space<hbm>>) target(%arg21 : memref<16x32xbf16, #tpu.memory_space<vmem>>) offsets(%arg17 : memref<16xi32, #tpu.memory_space<vmem>>) semaphore(%arg27 : memref<!tpu.dma_semaphore, #tpu.memory_space<semaphore_mem>>)
        } else {
        }
        %gt3A_289 = arith.constant 3 : i32
        %gt3A_290 = arith.cmpi sgt, %cond3A_228, %gt3A_289 : i32
        %convert_element_type3A_291 = arith.extui %gt3A_290 : i1 to i32
        %cond3A_292 = arith.constant 0 : i32
        %cond3A_293 = arith.cmpi ne, %convert_element_type3A_291, %cond3A_292 : i32
        scf.if %cond3A_293 {
          %get3A = arith.constant 48 : index
          %get3A_294 = tpu.vector_load %arg12[%get3A] {strides = array<i32>} : memref<2416xi32, #tpu.memory_space<vmem>>, vector<16xi32>,
          %swap3A_295 = arith.constant 0 : index
          %swap3A_296 = tpu.vector_load %arg18[%swap3A_295] {strides = array<i32>} : memref<16xi32, #tpu.memory_space<vmem>>, vector<16xi32>,
          tpu.vector_store %arg18[%swap3A_295], %get3A_294 {strides = array<i32>} : memref<16xi32, #tpu.memory_space<vmem>>, vector<16xi32>,
          %dma_start3A_297 = arith.constant 0 : i32
          %dma_start3A_298 = arith.constant 0 : i32
          %dma_start3A_299 = tpu.memref_slice %arg2[%dma_start3A_297, %dma_start3A_298] : memref<100000x32xbf16, #tpu.memory_space<hbm>> -> memref<100000x32xbf16, #tpu.memory_space<hbm>>
          tpu.enqueue_indirect_dma source(%dma_start3A_299 : memref<100000x32xbf16, #tpu.memory_space<hbm>>) target(%arg22 : memref<16x32xbf16, #tpu.memory_space<vmem>>) offsets(%arg18 : memref<16xi32, #tpu.memory_space<vmem>>) semaphore(%arg28 : memref<!tpu.dma_semaphore, #tpu.memory_space<semaphore_mem>>)
        } else {
        }
      } else {
      }
      scf.yield %cond3A_228 : i32
    }
    %scan3A_91 = arith.constant 167 : i32
    "tpu.region"() ({
      %run_scoped3A = tpu.sem_alloc : memref<!tpu.dma_semaphore, #tpu.memory_space<semaphore_mem>>
      %dma_start3A_94 = arith.constant 0 : i32
      %dma_start3A_95 = arith.constant 0 : i32
      %dma_start3A_96 = tpu.memref_slice %arg6[%dma_start3A_94, %dma_start3A_95] : memref<6264x32xbf16, #tpu.memory_space<vmem>> -> memref<6256x32xbf16, #tpu.memory_space<vmem>>
      %dma_start3A_97 = arith.constant 0 : i32
      %dma_start3A_98 = tpu.memref_slice %arg5[%mul3A_6, %dma_start3A_97] : memref<200192x32xbf16, #tpu.memory_space<hbm>> -> memref<6256x32xbf16, #tpu.memory_space<hbm>>
      %dma_start3A_99 = arith.constant 0 : i32
      %dma_start3A_100 = tpu.memref_slice %arg5[%mul3A_6, %dma_start3A_99] : memref<200192x32xbf16, #tpu.memory_space<hbm>> -> memref<6256x32xbf16, #tpu.memory_space<hbm>>
      %dma_start3A_101 = arith.constant 0 : i32
      %dma_start3A_102 = arith.constant 0 : i32
      %dma_start3A_103 = tpu.memref_slice %arg6[%dma_start3A_101, %dma_start3A_102] : memref<6264x32xbf16, #tpu.memory_space<vmem>> -> memref<6256x32xbf16, #tpu.memory_space<vmem>>
      tpu.enqueue_dma source(%dma_start3A_103 : memref<6256x32xbf16, #tpu.memory_space<vmem>>) target(%dma_start3A_100 : memref<6256x32xbf16, #tpu.memory_space<hbm>>) target_semaphore(%run_scoped3A : memref<!tpu.dma_semaphore, #tpu.memory_space<semaphore_mem>>)
      %dma_wait3A_104 = arith.constant 0 : i32
      %dma_wait3A_105 = arith.constant 0 : i32
      %dma_wait3A_106 = tpu.memref_slice %arg6[%dma_wait3A_104, %dma_wait3A_105] : memref<6264x32xbf16, #tpu.memory_space<vmem>> -> memref<6256x32xbf16, #tpu.memory_space<vmem>>
      %dma_wait3A_107 = arith.constant 0 : i32
      %dma_wait3A_108 = tpu.memref_slice %arg5[%mul3A_6, %dma_wait3A_107] : memref<200192x32xbf16, #tpu.memory_space<hbm>> -> memref<6256x32xbf16, #tpu.memory_space<hbm>>
      %dma_wait3A_109 = arith.constant 0 : i32
      %dma_wait3A_110 = tpu.memref_slice %arg5[%mul3A_6, %dma_wait3A_109] : memref<200192x32xbf16, #tpu.memory_space<hbm>> -> memref<6256x32xbf16, #tpu.memory_space<hbm>>
      %dma_wait3A_111 = arith.constant 0 : i32
      %dma_wait3A_112 = arith.constant 0 : i32
      %dma_wait3A_113 = tpu.memref_slice %arg6[%dma_wait3A_111, %dma_wait3A_112] : memref<6264x32xbf16, #tpu.memory_space<vmem>> -> memref<6256x32xbf16, #tpu.memory_space<vmem>>
      tpu.wait_dma2 semaphore(%run_scoped3A : memref<!tpu.dma_semaphore, #tpu.memory_space<semaphore_mem>>) src(%dma_wait3A_113 : memref<6256x32xbf16, #tpu.memory_space<vmem>>) dst(%dma_wait3A_110 : memref<6256x32xbf16, #tpu.memory_space<hbm>>)
      tpu.yield
    }) : () -> ()
    %scan3A_92 = arith.constant 0 : i32
    %scan3A_93 = arith.constant 1 : i32
    return
  }
}

</mosaic_0001>

<sc_bundles>
// kernel: _segmin_sc_call.3.cloned.1.call-start
scs
__scs_entry_jumppad:
0x0: {  	(pc) =	sbr.rel $0x88, $3  }
0x1: {  	(tag) =	ssettag $0x0;
	lr =	simm.s32 $0x1  }
0x2: {  	[smem:$0x3F9E] =	sst lr;
	_ =	strace $0xD0000000  }
0x3: {  	_ = 	snop  }
0x4: {  	_ = 	snop  }
0x5: {  	_ = 	snop  }
0x6: {  	_ = 	snop  }
0x7: {  	_ = 	snop  }
__scs_overlays_trampoline_lowered:
0x8: {  	[smem:$0x3FAD] =	sst s0  }
0x9: {  	[smem:$0x3FAE] =	sst s1  }
0xa: {  	[smem:$0x3FAF] =	sst s2  }
0xb: {  	[smem:$0x3FB0] =	sst s3  }
0xc: {  	[smem:$0x3FB1] =	sst s4  }
0xd: {  	[smem:$0x3FB2] =	sst s5  }
0xe: {  	[smem:$0x3FB3] =	sst s6  }
0xf: {  	[smem:$0x3FB4] =	sst s7  }
0x10: {  	[smem:$0x3FB5] =	sst s8  }
0x11: {  	[smem:$0x3FB6] =	sst s9;
	s0 =	simm.s32 @!p0 $0x0  }
0x12: {  	s1 =	sld [smem:$0x3F9C];
	s0 =	simm.s32 @p0 $0x1  }
0x13: {  	[smem:$0x3FB7] =	sst s0;
	s0 =	simm.s32 @!p1 $0x0  }
0x14: {  	s2 =	sld [smem:$0x3F9B];
	s0 =	simm.s32 @p1 $0x1  }
0x15: {  	[smem:$0x3FB8] =	sst s0;
	s0 =	simm.s32 @!p2 $0x0  }
0x16: {  	s3 =	sld [smem:$0x3FDB];
	s0 =	simm.s32 @p2 $0x1  }
0x17: {  	s4 =	simm.s32 $0x1BF5;
	[smem:$0x3FBA] =	sst s0  }
0x18: {  	s0 =	sld [smem:$0x3F9D];
	_ =	swait.ge [sflag:s4], $0x0  }
0x19: {  	s7 =	sld [smem:$0x3F9E]  }
0x1a: {  	s8 =	sadd.s32 $0xFFFFE003, lr  }
0x1b: {  	s9 =	sadd.s32 $0xFFFFFEF7, lr;
	s5 =	simm.s32 $0xFFFFFFFF;
	p2 =	slt.u32 s8, $0xFFFFF086  }
0x1c: {  	p1 =	slt.u32 s9, $0xF7A;
	s5 =	simm.s32 @!p2 $0x0  }
0x1d: {  	s5 =	simm.s32 @p1 $0x1;
	p0 =	seq.s32 s7, s2  }
0x1e: {  	s7 =	smul.u32 @!p0 $0xF7A, s2;
	p2 =	seq.s32 @!p0 s5, $0x0  }
0x1f: {  	s9 =	smul.u32 $0xF7A, s1;
	s8 =	simm.s32 @!p0 $0x1BF5;
	p2 =	por !p2, p0  }
0x20: {  	[sflag:s8] =	ssyncset.s32 @!p0 $0xFFFFF086;
	s6 =	sadd.s32 @!p0 s3, s7;
	s7 =	simm.s32 @!p0 $0x108  }
0x21: {  	s3 =	sadd.s32 s3, s9;
	s6 =	sadd.s32 @!p0 $0x88, s6;
	s7 =	simm.s32 @p2 $0x1082  }
0x22: {  	[simem:s7], [sflag:s8] =	dma.local @!p0 [hbm:s6], $0xF7A  }
0x23: {  	s9 =	sor.u32 $0xD0000000, s2;
	s6 =	simm.s32 $0x108;
	_ =	swait.ge @!p0 [sflag:s8], $0x0  }
0x24: {  	s3 =	sadd.s32 $0x88, s3;
	s6 =	simm.s32 @!p1 $0x1082;
	[sflag:s4] =	ssyncset.s32 $0xFFFFF086  }
0x25: {  	[simem:s6], [sflag:s4] =	dma.local [hbm:s3], $0xF7A  }
0x26: {  	[smem:$0x3F9E] =	sst s1;
	(tag) =	ssettag s2;
	_ =	strace s9  }
0x27: {  	s1 =	sld [smem:$0x3FAE]  }
0x28: {  	s2 =	sld [smem:$0x3FAF]  }
0x29: {  	s4 =	sld [smem:$0x3FB1]  }
0x2a: {  	p0 =	seq.s32 s5, $0x0;
	s5 =	sld [smem:$0x3FB2]  }
0x2b: {  	s6 =	sld [smem:$0x3FB3]  }
0x2c: {  	s7 =	sld [smem:$0x3FB4]  }
0x2d: {  	s3 =	simm.s32 $0x108;
	s8 =	sld [smem:$0x3FB5]  }
0x2e: {  	s3 =	simm.s32 @!p0 $0x1082;
	s9 =	sld [smem:$0x3FB6]  }
0x2f: {  	lr =	sadd.s32 s0, s3;
	s0 =	sld [smem:$0x3FAD]  }
0x30: {  	s3 =	sld [smem:$0x3FB0]  }
0x31: {  	[smem:$0x3FB9] =	sst s10  }
0x32: {  	s10 =	sld [smem:$0x3FB7];
	_ =	sdelay $0x3  }
0x33: {  	p0 =	seq.s32 s10, $0x1;
	s10 =	sld [smem:$0x3FB9];
	_ =	sdelay $0x3  }
0x34: {  	[smem:$0x3FB9] =	sst s10  }
0x35: {  	s10 =	sld [smem:$0x3FB8];
	_ =	sdelay $0x3  }
0x36: {  	p1 =	seq.s32 s10, $0x1;
	s10 =	sld [smem:$0x3FB9];
	_ =	sdelay $0x3  }
0x37: {  	[smem:$0x3FB9] =	sst s10  }
0x38: {  	s10 =	sld [smem:$0x3FBA]  }
0x39: {  	_ = 	snop;
	(pc) =	sbr.ind lr, $3  }
0x3a: {  	_ = 	snop  }
0x3b: {  	_ = 	snop  }
0x3c: {  	p2 =	seq.s32 s10, $0x1;
	s10 =	sld [smem:$0x3FB9]  }
0x3d: {  	_ =	shalt  }
0x3e: {  	_ =	shalt  }
0x3f: {  	_ =	shalt  }
0x40: {  	_ =	shalt  }
0x41: {  	_ =	shalt  }
0x42: {  	_ =	shalt  }
0x43: {  	_ =	shalt  }
0x44: {  	_ =	shalt  }
0x45: {  	_ =	shalt  }
0x46: {  	_ =	shalt  }
0x47: {  	_ =	shalt  }
0x48: {  	_ =	shalt  }
0x49: {  	_ =	shalt  }
0x4a: {  	_ =	shalt  }
0x4b: {  	_ =	shalt  }
0x4c: {  	_ =	shalt  }
0x4d: {  	_ =	shalt  }
0x4e: {  	_ =	shalt  }
0x4f: {  	_ =	shalt  }
0x50: {  	_ =	shalt  }
0x51: {  	_ =	shalt  }
0x52: {  	_ =	shalt  }
0x53: {  	_ =	shalt  }
0x54: {  	_ =	shalt  }
0x55: {  	_ =	shalt  }
0x56: {  	_ =	shalt  }
0x57: {  	_ =	shalt  }
0x58: {  	_ =	shalt  }
0x59: {  	_ =	shalt  }
0x5a: {  	_ =	shalt  }
0x5b: {  	_ =	shalt  }
0x5c: {  	_ =	shalt  }
0x5d: {  	_ =	shalt  }
0x5e: {  	_ =	shalt  }
0x5f: {  	_ =	shalt  }
0x60: {  	_ =	shalt  }
0x61: {  	_ =	shalt  }
0x62: {  	_ =	shalt  }
0x63: {  	_ =	shalt  }
0x64: {  	_ =	shalt  }
0x65: {  	_ =	shalt  }
0x66: {  	_ =	shalt  }
0x67: {  	_ =	shalt  }
0x68: {  	_ =	shalt  }
0x69: {  	_ =	shalt  }
0x6a: {  	_ =	shalt  }
0x6b: {  	_ =	shalt  }
0x6c: {  	_ =	shalt  }
0x6d: {  	_ =	shalt  }
0x6e: {  	_ =	shalt  }
0x6f: {  	_ =	shalt  }
0x70: {  	_ =	shalt  }
0x71: {  	_ =	shalt  }
0x72: {  	_ =	shalt  }
0x73: {  	_ =	shalt  }
0x74: {  	_ =	shalt  }
0x75: {  	_ =	shalt  }
0x76: {  	_ =	shalt  }
0x77: {  	_ =	shalt  }
0x78: {  	_ =	shalt  }
0x79: {  	_ =	shalt  }
0x7a: {  	_ =	shalt  }
0x7b: {  	_ =	shalt  }
0x7c: {  	_ =	shalt  }
0x7d: {  	_ =	shalt  }
0x7e: {  	_ =	shalt  }
0x7f: {  	_ =	shalt  }
0x80: {  	_ =	shalt  }
0x81: {  	_ =	shalt  }
0x82: {  	_ =	shalt  }
0x83: {  	_ =	shalt  }
0x84: {  	_ =	shalt  }
0x85: {  	_ =	shalt  }
0x86: {  	_ =	shalt  }
0x87: {  	_ =	shalt  }
.Lfunc_end0:
.L_simem_size_0:
called_computation_lowered:
.L_overlay_start_0:
0x88: {  	s2 =	sld [smem:$0x3FD9]  }
0x89: {  	s3 =	sld [smem:$0x3FFE];
	_ =	sdelay $0x1  }
0x8a: {  	s1 =	srdreg.scid  }
0x8b: {  	s0 =	sand.u32 $0x1, s1  }
0x8c: {  	s17 =	sshll.u32 s0, $0xA;
	s2 =	sadd.s32 s3, s2  }
0x8d: {  	s2 =	sadd.s32 s2, s17  }
0x8e: {  	[smem:$0x3FC5] =	sst s2  }
0x8f: {  	_ = 	snop  }
0x90: {  	s2 =	sld [smem:$0x3FD0];
	(tm) =	ssettm $0x1  }
0x91: {  	s18 =	sld [smem:$0x3FFB];
	_ =	sdelay $0x3  }
0x92: {  	_ =	strace s18  }
0x93: {  	s3 =	sld [smem:$0x3FFC];
	_ =	sdelay $0x3  }
0x94: {  	_ =	strace s3  }
0x95: {  	s3 =	sld [smem:$0x3FFD];
	_ =	sdelay $0x3  }
0x96: {  	_ =	strace s3  }
0x97: {  	_ =	strace $0x8FFFFFFF  }
0x98: {  	s19 =	sld [smem:$0x3FDB];
	_ =	sdelay $0x1  }
0x99: {  	s4 =	simm.s32 $_scs_section_size  }
0x9a: {  	s5 =	simm.s32 $_size__tile_overlayer_lowered;
	s6 =	simm.s32 $_tile_overlayer_lowered  }
0x9b: {  	s22 =	simm.s32 $0x1BFF;
	s21 =	sshll.u32 s6, $0x1;
	s3 =	sadd.s32 s4, s19  }
0x9c: {  	s7 =	simm.s32 $0x0;
	s20 =	sshll.u32 s5, $0x1;
	s5 =	sadd.s32 s21, s3  }
0x9d: {  	[timem:s7], [sflag:s22] =	dma.local [hbm:s5], s20  }
0x9e: {  	_ =	swait.ge [sflag:s22], s20  }
0x9f: {  	s4 =	ssub.s32 $0x0, s20;
	[sflag:s22] =	ssyncset.done $0x0  }
0xa0: {  	[sflag:s22] =	ssyncadd.s32 s4;
	_ =	sdelay $0x1  }
0xa1: {  	s23 =	simm.s32 $0x1B8B  }
0xa2: {  	_ =	swait.ge [sflag:s23], $0x1  }
0xa3: {  	[sflag:s23] =	ssyncset.done $0x0  }
0xa4: {  	s25 =	simm.s32 $0x1B8E;
	s24 =	sld [smem:$0x3FFE];
	[sflag:s23] =	ssyncadd.s32 $0xFFFFFFFF  }
0xa5: {  	s26 =	simm.s32 $execute0_lowered;
	[smem:$0x3FD2] =	sst s25  }
0xa6: {  	s5 =	sshll.u32 s26, $0x1;
	_ =	strace $0x80000046;
	[dreg:$0x1] =	wrdreg $0xFFFFFFFF  }
0xa7: {  	s28 =	simm.s32 $_size_execute0_lowered;
	s3 =	sadd.s32 s3, s5;
	[dreg:$0x0] =	wrdreg $0x0  }
0xa8: {  	s5 =	sshll.u32 s28, $0x1;
	[dreg:$0x2] =	wrdreg s3  }
0xa9: {  	[dreg:$0x3] =	wrdreg s5  }
0xaa: {  	[dreg:$0x4] =	wrdreg $0xC0  }
0xab: {  	_ =	task [dreg:s7], $0x5FFFF  }
0xac: {  	[dreg:$0x1] =	wrdreg $0xFFFFFFFF  }
0xad: {  	[dreg:$0x0] =	wrdreg $0x60  }
0xae: {  	[dreg:$0x2] =	wrdreg s2  }
0xaf: {  	[dreg:$0x3] =	wrdreg s24  }
0xb0: {  	[dreg:$0x4] =	wrdreg $0x9  }
0xb1: {  	_ =	task.clear_ibuf [dreg:s7], $0x5FFFF;
	_ =	strace $0x90000046  }
0xb2: {  	s29 =	simm.s32 $0x9;
	_ =	strace $0x80000048  }
0xb3: {  	_ =	swait.ge [sflag:s29], $0x1  }
0xb4: {  	[sflag:s29] =	ssyncadd.s32 $0xFFFFFFFF  }
0xb5: {  	_ =	strace $0x90000048  }
0xb6: {  	_ =	sfence  }
0xb7: {  	s30 =	sld [smem:$0x0];
	_ =	sdelay $0x2  }
0xb8: {  	s31 =	sshll.u32 s1, $0xD;
	s1 =	sshrl.u32 s1, $0x2  }
0xb9: {  	s3 =	sand.u32 $0x4000, s31;
	s1 =	sadd.s32 s1, s30  }
0xba: {  	s0 =	sor.u32 s3, s0;
	s1 =	sshll.u32 s1, $0x11  }
0xbb: {  	s0 =	sor.u32 s1, s0  }
0xbc: {  	s0 =	sadd.s32 $0x8F2B, s0  }
0xbd: {  	[sflag:s0] =	ssyncadd.remote.s32 $0x1  }
0xbe: {  	_ =	sfence.sel $0xFFFF  }
0xbf: {  	[dreg:$0x0] =	wrdreg $0xFFFFFFFF;
	(pc) =	sbr.abs _section_cstart, $3  }
0xc0: {  	[dreg:$0x1] =	wrdreg $0xFFFFFFFF  }
0xc1: {  	_ =	task.clear_ibuf [dreg:s7], $0x2FFFF;
	_ =	strace $0x9FFFFFFF  }
0xc2: {  	(tm) =	ssettm $0x7FFFFFFF  }
0xc3: {  	_ =	shalt  }
tec
execute0_lowered:
.L_overlay_start_1:
0x0: {  	(tag) =	ssettag $0x1  }
0x1: {  	s2 =	rddreg [dreg:$0x0];
	s1 =	srdreg.scid  }
0x2: {  	s0 =	stileid.u32;
	s7 =	rddreg [dreg:$0x1]  }
0x3: {  	s3 =	simm.s32 $0x0;
	s11 =	simm.s32 $0x190E0;
	s12 =	simm.s32 $0x19A40  }
0x4: {  	s13 =	simm.s32 $0x1A3A0;
	s14 =	simm.s32 $0x1;
	s15 =	simm.s32 $0x2  }
0x5: {  	s17 =	simm.s32 $0x4;
	s18 =	simm.s32 $0x5;
	s19 =	simm.s32 $0x6  }
0x6: {  	s20 =	simm.s32 $0x7;
	s5 =	sand.u32 $0x1, s1;
	s4 =	sshll.u32 s0, $0x1  }
0x7: {  	s21 =	simm.s32 $0x0;
	[smem:$0x7FF] =	sst s3;
	s6 =	sor.u32 s5, s4  }
.Ltmp0:
0x8: {  	_ =	strace $0x80000047;
	s4 =	sadd.s32 $0x800, s7;
	(pc) =	sbr.rel .LBB2_1-.Ltmp0, $4  }
0x9: {  	s9 =	ssub.s32 $0x2, s5;
	s5 =	sadd.s32 $0x19000, s7;
	s8 =	smul.u32 $0x30E0, s6  }
0xa: {  	s10 =	sshrl.u32 s9, $0x1;
	s16 =	smul.u32 $0x1870, s6;
	s6 =	sadd.s32 $0x1912C, s7  }
0xb: {  	v1 =	vimm.bf16 $3.0040e+38;
	s9 =	ssub.s32 s9, s10;
	s8 =	sadd.s32 s8, s7;
	s7 =	sadd.s32 $0x92C, s7  }
0xc: {  	v2 =	vimm.s32 $0x1870;
	v3 =	vimm.s32 $0x0;
	s9 =	smax.u32 s9, $0x1;
	v0 =	vmov s16;
	s16 =	simm.s32 $0x3;
	s8 =	sadd.s32 $0x31800, s8  }
.LBB2_37:
0xd: {  	s21 =	sadd.s32 $0x1, s21  }
0xe: {  	p0 =	sne.s32 s21, s9  }
.Ltmp1:
0xf: {  	_ = 	snop;
	(pc) =	sbr.rel @!p0 .LBB2_38-.Ltmp1, $4  }
0x10: {  	[hbm4b:s8+s3] =	stream.linear.scatter [tilespmem:s3], [sflag:$0x7], $0x18700, $0x38;
	[tilespmem:$0x1D700] =	vst v63  }
0x11: {  	_ =	swait.ge [sflag:s20], $0x18700  }
0x12: {  	[sflag:s20] =	ssyncset.done $0x0  }
0x13: {  	[sflag:s20] =	ssyncadd.s32 $0xFFFE7900  }
.LBB2_1:
0x14: {  	s0 =	simm.s32 $0x18780  }
0x15: {  	[tilespmem:s0], [sflag:$0x1] =	stream.linear.gather [hbm4b:s5+s3], $0x960, $0x38;
	[tilespmem:$0x1D700] =	vst v63  }
0x16: {  	s23 =	simm.s32 $0x100;
	s22 =	simm.s32 $0x0  }
0x17: {  	[tilespmem:s11], [sflag:$0x1] =	stream.linear.gather [hbm4b:s4+s3], $0x960, $0x38;
	[tilespmem:$0x1D700] =	vst v63  }
.LBB2_2:
0x18: {  	p0 =	sne.s32 s23, $0x61D00;
	[tilespmem:s22+$0x30] =	vst v1;
	s24 =	smov.u32 s23;
	s23 =	sadd.s32 $0x100, s23  }
.Ltmp2:
0x19: {  	[tilespmem:s22+$0x20] =	vst v1;
	(pc) =	sbr.rel @p0 .LBB2_2-.Ltmp2, $3  }
0x1a: {  	[tilespmem:s22+$0x0] =	vst v1  }
0x1b: {  	[tilespmem:s22+$0x10] =	vst v1;
	_ =	sdelay $0x1  }
0x1c: {  	s22 =	sshra.s32 s24, $0x2  }
0x1d: {  	[tilespmem:s22+$0x30] =	vst v1  }
0x1e: {  	[tilespmem:s22+$0x20] =	vst v1  }
0x1f: {  	[tilespmem:s22+$0x0] =	vst v1  }
0x20: {  	[tilespmem:s22+$0x10] =	vst v1;
	s30 =	simm.s32 $0x0  }
0x21: {  	[tilespmem:s12], [sflag:$0x2] =	stream.linear.gather [hbm4b:s6+s30], $0x960, $0x38;
	[tilespmem:$0x1D700] =	vst v63  }
0x22: {  	_ = 	snop  }
0x23: {  	[tilespmem:s13], [sflag:$0x2] =	stream.linear.gather [hbm4b:s7+s30], $0x960, $0x38;
	[tilespmem:$0x1D700] =	vst v63  }
0x24: {  	_ =	swait.ge [sflag:s14], $0x960  }
0x25: {  	[sflag:s14] =	ssyncset.done $0x0  }
0x26: {  	[sflag:s14] =	ssyncadd.s32 $0xFFFFF6A0  }
0x27: {  	_ =	swait.ge [sflag:s14], $0x960  }
0x28: {  	[sflag:s14] =	ssyncset.done $0x0  }
0x29: {  	s23 =	simm.s32 $0x0;
	[sflag:s14] =	ssyncadd.s32 $0xFFFFF6A0  }
0x2a: {  	v4 =	vld [tilespmem:s23+$0x18780];
	_ =	sdelay $0x2  }
0x2b: {  	v5 =	vld [tilespmem:s23+$0x190E0];
	_ =	sdelay $0x1  }
0x2c: {  	v4 =	vsub.s32 v4, v0  }
0x2d: {  	vm0 =	vlt.u32 v4, $0x1870  }
0x2e: {  	[tilespmem:s30+$0x1AD00] =	vst.msk vm0, v4;
	v4 =	vmpcnt.ones.xlane vm0  }
0x2f: {  	[tilespmem:s30+$0x1B670] =	vst.msk vm0, v5  }
0x30: {  	v5 =	vld [tilespmem:s23+$0x18790];
	(v2sf) =	vpush v4, $0x0;
	_ =	sdelay $0x4  }
0x31: {  	v4 =	vsub.s32 v5, v0  }
0x32: {  	vm15 =	vlt.u32 v4, $0x1870  }
0x33: {  	v5 =	vmpcnt.ones.xlane vm15;
	_ =	sdelay $0x1  }
0x34: {  	(v2sf) =	vpush v5, $0x0;
	_ =	sdelay $0x3  }
0x35: {  	v5 =	vld [tilespmem:s23+$0x190F0];
	_ =	sdelay $0x1  }
0x36: {  	s31 =	spop (v2sf)  }
0x37: {  	s24 =	sadd.s32 $0x0, s31  }
0x38: {  	[tilespmem:s24+$0x1AD00] =	vst.msk vm15, v4  }
0x39: {  	s22 =	simm.s32 $0x20;
	[tilespmem:s24+$0x1B670] =	vst.msk vm15, v5  }
0x3a: {  	v5 =	vld [tilespmem:s22+$0x18780];
	_ =	sdelay $0x3  }
0x3b: {  	v4 =	vld [tilespmem:s22+$0x190E0]  }
0x3c: {  	s23 =	simm.s32 $0x100;
	v5 =	vsub.s32 v5, v0;
	s25 =	spop (v2sf)  }
.LBB2_4:
0x3d: {  	p0 =	sne.s32 s23, $0x2500  }
0x3e: {  	vm0 =	vlt.u32 v5, $0x1870;
	s24 =	sadd.s32 s24, s25;
	s25 =	smov.u32 s23;
	s23 =	sadd.s32 $0x80, s23  }
0x3f: {  	[tilespmem:s24+$0x1AD00] =	vst.msk vm0, v5;
	v5 =	vmpcnt.ones.xlane vm0  }
0x40: {  	[tilespmem:s24+$0x1B670] =	vst.msk vm0, v4  }
0x41: {  	v4 =	vld [tilespmem:s22+$0x18790];
	(v2sf) =	vpush v5, $0x0;
	_ =	sdelay $0x4  }
0x42: {  	v4 =	vsub.s32 v4, v0  }
0x43: {  	vm0 =	vlt.u32 v4, $0x1870  }
0x44: {  	v5 =	vmpcnt.ones.xlane vm0;
	_ =	sdelay $0x1  }
0x45: {  	(v2sf) =	vpush v5, $0x0;
	_ =	sdelay $0x3  }
0x46: {  	v5 =	vld [tilespmem:s22+$0x190F0];
	_ =	sdelay $0x1  }
0x47: {  	s22 =	spop (v2sf)  }
0x48: {  	s24 =	sadd.s32 s24, s22  }
0x49: {  	[tilespmem:s24+$0x1AD00] =	vst.msk vm0, v4  }
0x4a: {  	s22 =	sshra.s32 s25, $0x2;
	[tilespmem:s24+$0x1B670] =	vst.msk vm0, v5  }
0x4b: {  	v5 =	vld [tilespmem:s22+$0x18780]  }
.Ltmp3:
0x4c: {  	(pc) =	sbr.rel @p0 .LBB2_4-.Ltmp3, $3  }
0x4d: {  	_ = 	snop  }
0x4e: {  	v4 =	vld [tilespmem:s22+$0x190E0];
	_ =	sdelay $0x1  }
0x4f: {  	v5 =	vsub.s32 v5, v0;
	s25 =	spop (v2sf)  }
0x50: {  	vm0 =	vlt.u32 v5, $0x1870;
	s23 =	sadd.s32 s24, s25  }
0x51: {  	[tilespmem:s23+$0x1AD00] =	vst.msk vm0, v5  }
0x52: {  	[tilespmem:s23+$0x1B670] =	vst.msk vm0, v4  }
0x53: {  	v4 =	vld [tilespmem:s22+$0x18790];
	_ =	sdelay $0x4  }
0x54: {  	v4 =	vsub.s32 v4, v0  }
0x55: {  	v5 =	vmpcnt.ones.xlane vm0;
	vm15 =	vlt.u32 v4, $0x1870  }
0x56: {  	v6 =	vmpcnt.ones.xlane vm15  }
0x57: {  	(v2sf) =	vpush v5, $0x0  }
0x58: {  	(v2sf) =	vpush v6, $0x0;
	_ =	sdelay $0xd  }
0x59: {  	s25 =	spop (v2sf)  }
0x5a: {  	s23 =	sadd.s32 s23, s25;
	s26 =	spop (v2sf)  }
0x5b: {  	s28 =	sadd.s32 s23, s26  }
0x5c: {  	v5 =	vld [tilespmem:s22+$0x190F0];
	s29 =	sadd.s32 $0xF, s28  }
0x5d: {  	s30 =	sand.u32 $0xF, s29  }
0x5e: {  	s31 =	sshra.s32 s29, $0x1F;
	p1 =	slt.s32 s29, $0x1;
	p0 =	sne.s32 s30, $0x0  }
0x5f: {  	s24 =	sshrl.u32 s31, $0x1C;
	p0 =	por !p1, !p0  }
0x60: {  	[tilespmem:s23+$0x1AD00] =	vst.msk vm15, v4;
	s22 =	sadd.s32 s24, s29;
	s24 =	simm.s32 $0x1;
	p0 =	por !p0, !p0  }
0x61: {  	[tilespmem:s23+$0x1B670] =	vst.msk vm15, v5;
	s22 =	sshra.s32 s22, $0x4;
	s24 =	simm.s32 @!p0 $0x0  }
0x62: {  	[tilespmem:s28+$0x1AD00] =	vst v2;
	s24 =	ssub.s32 s22, s24  }
0x63: {  	[tilespmem:s28+$0x1B670] =	vst v3;
	p0 =	slt.s32 s24, $0x1  }
0x64: {  	v4 =	vld @!p0 [tilespmem:$0x1B670];
	_ =	sdelay $0x3  }
0x65: {  	s22 =	simm.s32 @!p0 $0x10;
	p1 =	seq.s32 @!p0 s24, $0x1  }
0x66: {  	s23 =	simm.s32 @!p0 $0x1D2C0;
	s25 =	simm.s32 @!p0 $0x1D300;
	p2 =	por p1, p0;
	[tilespmem:$0x1D2C0] =	vst @!p0 v4  }
0x67: {  	[tilespmem:s25], [sflag:$0x3] =	stream.indirect.gather @!p0 [hbm4b:s2+s22], $0x10, s23, s22, $0xb8;
	[tilespmem:$0x1D700] =	vst v63  }
0x68: {  	v4 =	vld @!p2 [tilespmem:$0x1B680];
	_ =	sdelay $0x1  }
0x69: {  	p3 =	slt.u32 @!p2 s24, $0x3  }
0x6a: {  	p4 =	por @!p0 p3, p1  }
0x6b: {  	p4 =	por p4, p0  }
0x6c: {  	s22 =	simm.s32 @!p2 $0x10;
	s23 =	simm.s32 @!p2 $0x1D2D0;
	s25 =	simm.s32 @!p2 $0x1D400;
	[tilespmem:$0x1D2D0] =	vst @!p2 v4  }
0x6d: {  	[tilespmem:s25], [sflag:$0x4] =	stream.indirect.gather @!p2 [hbm4b:s2+s22], $0x10, s23, s22, $0xb8;
	[tilespmem:$0x1D700] =	vst v63  }
0x6e: {  	v4 =	vld @!p4 [tilespmem:$0x1B690];
	_ =	sdelay $0x4  }
0x6f: {  	s22 =	simm.s32 @!p4 $0x10;
	s23 =	simm.s32 @!p4 $0x1D2E0;
	s25 =	simm.s32 @!p4 $0x1D500;
	[tilespmem:$0x1D2E0] =	vst @!p4 v4  }
0x70: {  	[tilespmem:s25], [sflag:$0x5] =	stream.indirect.gather @!p4 [hbm4b:s2+s22], $0x10, s23, s22, $0xb8;
	[tilespmem:$0x1D700] =	vst v63  }
0x71: {  	p4 =	seq.s32 @!p4 s24, $0x3  }
0x72: {  	p2 =	por @!p2 p4, p3  }
0x73: {  	p1 =	por @!p0 p2, p1  }
0x74: {  	p0 =	por p1, p0  }
0x75: {  	v4 =	vld @!p0 [tilespmem:$0x1B6A0];
	_ =	sdelay $0x2  }
.Ltmp4:
0x76: {  	_ = 	snop;
	(pc) =	sbr.rel .LBB2_6-.Ltmp4, $4  }
0x77: {  	_ = 	snop  }
0x78: {  	s22 =	simm.s32 @!p0 $0x10;
	s23 =	simm.s32 @!p0 $0x1D2F0;
	s25 =	simm.s32 @!p0 $0x1D600;
	[tilespmem:$0x1D2F0] =	vst @!p0 v4  }
0x79: {  	[tilespmem:s25], [sflag:$0x6] =	stream.indirect.gather @!p0 [hbm4b:s2+s22], $0x10, s23, s22, $0xb8;
	[tilespmem:$0x1D700] =	vst v63  }
0x7a: {  	s22 =	simm.s32 $0x0;
	s23 =	simm.s32 $0x0  }
.LBB2_36:
0x7b: {  	s23 =	sadd.s32 $0x1, s23  }
0x7c: {  	p0 =	sne.s32 s23, $0xA7  }
.Ltmp5:
0x7d: {  	_ = 	snop;
	(pc) =	sbr.rel @!p0 .LBB2_37-.Ltmp5, $1  }
0x7e: {  	_ =	sdelay $0x3  }
.LBB2_6:
0x7f: {  	_ =	swait.ge [sflag:s15], $0x960;
	p0 =	seq.s32 s23, $0xA6  }
0x80: {  	[sflag:s15] =	ssyncset.done $0x0;
	s25 =	smul.u32 @!p0 $0x12C0, s23  }
0x81: {  	[sflag:s15] =	ssyncadd.s32 $0xFFFFF6A0  }
0x82: {  	_ =	swait.ge [sflag:s15], $0x960;
	s25 =	sshrl.u32 @!p0 s25, $0x3  }
0x83: {  	s28 =	simm.s32 @!p0 $0x0;
	[sflag:s15] =	ssyncset.done $0x0;
	s25 =	sadd.s32 @!p0 $0x258, s25  }
0x84: {  	s29 =	simm.s32 @!p0 $0x18780;
	[sflag:s15] =	ssyncadd.s32 $0xFFFFF6A0;
	s26 =	sadd.s32 @!p0 s5, s25  }
0x85: {  	[tilespmem:s29], [sflag:$0x1] =	stream.linear.gather @!p0 [hbm4b:s26+s28], $0x960, $0x38;
	[tilespmem:$0x1D700] =	vst v63  }
0x86: {  	s30 =	simm.s32 $0x0;
	s25 =	sadd.s32 @!p0 s4, s25;
	s26 =	simm.s32 @!p0 $0x190E0  }
0x87: {  	[tilespmem:s26], [sflag:$0x1] =	stream.linear.gather @!p0 [hbm4b:s25+s28], $0x960, $0x38;
	[tilespmem:$0x1D700] =	vst v63  }
0x88: {  	v4 =	vld [tilespmem:s30+$0x19A40];
	_ =	sdelay $0x2  }
0x89: {  	v5 =	vld [tilespmem:s30+$0x1A3A0];
	_ =	sdelay $0x1  }
0x8a: {  	v4 =	vsub.s32 v4, v0  }
0x8b: {  	vm0 =	vlt.u32 v4, $0x1870  }
0x8c: {  	[tilespmem:s22+$0x1BFE0] =	vst.msk vm0, v4;
	v4 =	vmpcnt.ones.xlane vm0  }
0x8d: {  	[tilespmem:s22+$0x1C950] =	vst.msk vm0, v5  }
0x8e: {  	v5 =	vld [tilespmem:s30+$0x19A50];
	(v2sf) =	vpush v4, $0x0;
	_ =	sdelay $0x4  }
0x8f: {  	v4 =	vsub.s32 v5, v0  }
0x90: {  	vm15 =	vlt.u32 v4, $0x1870  }
0x91: {  	v5 =	vmpcnt.ones.xlane vm15;
	_ =	sdelay $0x1  }
0x92: {  	(v2sf) =	vpush v5, $0x0;
	_ =	sdelay $0x3  }
0x93: {  	v5 =	vld [tilespmem:s30+$0x1A3B0];
	_ =	sdelay $0x1  }
0x94: {  	s31 =	spop (v2sf)  }
0x95: {  	s28 =	sadd.s32 $0x0, s31  }
0x96: {  	[tilespmem:s28+$0x1BFE0] =	vst.msk vm15, v4  }
0x97: {  	s26 =	simm.s32 $0x20;
	[tilespmem:s28+$0x1C950] =	vst.msk vm15, v5  }
0x98: {  	v5 =	vld [tilespmem:s26+$0x19A40];
	_ =	sdelay $0x3  }
0x99: {  	v4 =	vld [tilespmem:s26+$0x1A3A0]  }
0x9a: {  	s25 =	simm.s32 $0x100;
	v5 =	vsub.s32 v5, v0;
	s29 =	spop (v2sf)  }
.LBB2_7:
0x9b: {  	p1 =	sne.s32 s25, $0x2500  }
0x9c: {  	vm0 =	vlt.u32 v5, $0x1870;
	s28 =	sadd.s32 s28, s29;
	s29 =	smov.u32 s25;
	s25 =	sadd.s32 $0x80, s25  }
0x9d: {  	[tilespmem:s28+$0x1BFE0] =	vst.msk vm0, v5;
	v5 =	vmpcnt.ones.xlane vm0  }
0x9e: {  	[tilespmem:s28+$0x1C950] =	vst.msk vm0, v4  }
0x9f: {  	v4 =	vld [tilespmem:s26+$0x19A50];
	(v2sf) =	vpush v5, $0x0;
	_ =	sdelay $0x4  }
0xa0: {  	v4 =	vsub.s32 v4, v0  }
0xa1: {  	vm0 =	vlt.u32 v4, $0x1870  }
0xa2: {  	v5 =	vmpcnt.ones.xlane vm0;
	_ =	sdelay $0x1  }
0xa3: {  	(v2sf) =	vpush v5, $0x0;
	_ =	sdelay $0x3  }
0xa4: {  	v5 =	vld [tilespmem:s26+$0x1A3B0];
	_ =	sdelay $0x1  }
0xa5: {  	s26 =	spop (v2sf)  }
0xa6: {  	s28 =	sadd.s32 s28, s26  }
0xa7: {  	[tilespmem:s28+$0x1BFE0] =	vst.msk vm0, v4  }
0xa8: {  	s26 =	sshra.s32 s29, $0x2;
	[tilespmem:s28+$0x1C950] =	vst.msk vm0, v5  }
0xa9: {  	v5 =	vld [tilespmem:s26+$0x19A40]  }
.Ltmp6:
0xaa: {  	(pc) =	sbr.rel @p1 .LBB2_7-.Ltmp6, $3  }
0xab: {  	_ = 	snop  }
0xac: {  	v4 =	vld [tilespmem:s26+$0x1A3A0];
	_ =	sdelay $0x1  }
0xad: {  	v5 =	vsub.s32 v5, v0;
	s29 =	spop (v2sf)  }
0xae: {  	vm0 =	vlt.u32 v5, $0x1870;
	s25 =	sadd.s32 s28, s29  }
0xaf: {  	[tilespmem:s25+$0x1BFE0] =	vst.msk vm0, v5  }
0xb0: {  	[tilespmem:s25+$0x1C950] =	vst.msk vm0, v4  }
0xb1: {  	v4 =	vld [tilespmem:s26+$0x19A50];
	_ =	sdelay $0x4  }
0xb2: {  	v4 =	vsub.s32 v4, v0  }
0xb3: {  	v5 =	vmpcnt.ones.xlane vm0;
	vm15 =	vlt.u32 v4, $0x1870  }
0xb4: {  	v6 =	vmpcnt.ones.xlane vm15  }
0xb5: {  	(v2sf) =	vpush v5, $0x0  }
0xb6: {  	(v2sf) =	vpush v6, $0x0;
	_ =	sdelay $0xd  }
0xb7: {  	s28 =	spop (v2sf)  }
0xb8: {  	s30 =	sadd.s32 $0x3, s24;
	s28 =	sadd.s32 s25, s28;
	s31 =	spop (v2sf)  }
0xb9: {  	v5 =	vld [tilespmem:s26+$0x1A3B0];
	s0 =	sadd.s32 s28, s31;
	s31 =	sand.u32 $0x3, s30  }
0xba: {  	p2 =	slt.s32 s24, $0xFFFFFFFE;
	s10 =	sshra.s32 s30, $0x1F;
	p1 =	sne.s32 s31, $0x0  }
0xbb: {  	s31 =	sshrl.u32 s10, $0x1E;
	p1 =	por !p2, !p1  }
0xbc: {  	s26 =	sadd.s32 s31, s30;
	s30 =	simm.s32 $0x1;
	p1 =	por !p1, !p1  }
0xbd: {  	[tilespmem:s28+$0x1BFE0] =	vst.msk vm15, v4;
	s26 =	sshra.s32 s26, $0x2;
	s30 =	simm.s32 @!p1 $0x0  }
0xbe: {  	[tilespmem:s28+$0x1C950] =	vst.msk vm15, v5;
	s28 =	ssub.s32 s26, s30  }
0xbf: {  	s25 =	sadd.s32 $0xF, s0;
	p2 =	slt.s32 s28, $0x1  }
.Ltmp7:
0xc0: {  	s1 =	sand.u32 $0xF, s25;
	(pc) =	sbr.rel @p2 .LBB2_19-.Ltmp7, $4  }
0xc1: {  	p6 =	slt.s32 s25, $0x1;
	p3 =	sne.s32 s1, $0x0  }
0xc2: {  	p1 =	por !p6, !p3  }
0xc3: {  	[tilespmem:s0+$0x1BFE0] =	vst v2;
	p1 =	por !p1, !p1;
	s26 =	simm.s32 $0x1  }
0xc4: {  	[tilespmem:s0+$0x1C950] =	vst v3;
	s26 =	simm.s32 @!p1 $0x0  }
.Ltmp8:
0xc5: {  	(pc) =	sbr.rel .LBB2_10-.Ltmp8, $2  }
0xc6: {  	_ =	sdelay $0x2  }
0xc7: {  	s29 =	simm.s32 $0x3;
	s30 =	simm.s32 $0x1B6E0;
	s31 =	simm.s32 $0x1AD20  }
.LBB2_18:
0xc8: {  	s28 =	sadd.s32 $0xFFFFFFFF, s28  }
0xc9: {  	p1 =	sne.s32 s28, $0x0  }
.Ltmp9:
0xca: {  	_ = 	snop;
	(pc) =	sbr.rel @!p1 .LBB2_19-.Ltmp9, $2  }
0xcb: {  	_ =	sdelay $0x2  }
0xcc: {  	s29 =	sadd.s32 $0x4, s29;
	s30 =	sadd.s32 $0x40, s30;
	s31 =	sadd.s32 $0x40, s31  }
.LBB2_10:
0xcd: {  	s1 =	sadd.s32 $0xFFFFFFFD, s29  }
0xce: {  	p1 =	sge.s32 s1, s24  }
.Ltmp10:
0xcf: {  	_ = 	snop;
	(pc) =	sbr.rel @p1 .LBB2_12-.Ltmp10, $1  }
0xd0: {  	_ =	sdelay $0x3  }
0xd1: {  	_ =	swait.ge [sflag:s16], $0x100  }
0xd2: {  	[sflag:s16] =	ssyncset.done $0x0  }
0xd3: {  	[sflag:s16] =	ssyncadd.s32 $0xFFFFFF00  }
0xd4: {  	v4 =	vld [tilespmem:s31+$0xFFFFFFE0];
	_ =	sdelay $0x4  }
0xd5: {  	v4 =	vshll.u32 v4, $0x6  }
0xd6: {  	v4 =	vshra.s32 v4, $0x2  }
0xd7: {  	(v2sf) =	vpush v4, $0x0;
	_ =	sdelay $0x7  }
0xd8: {  	(v2sf) =	vpush v4, $0x1;
	_ =	sdelay $0x6  }
0xd9: {  	v5 =	vld [tilespmem:$0x1D300];
	s1 =	spop (v2sf)  }
0xda: {  	(v2sf) =	vpush v4, $0x2;
	v6 =	vld [tilespmem:s1+$0x0];
	_ =	sdelay $0x4  }
0xdb: {  	v5 =	vmin.bf16 v6, v5  }
0xdc: {  	[tilespmem:s1+$0x0] =	vst v5  }
0xdd: {  	s10 =	spop (v2sf);
	v5 =	vld [tilespmem:$0x1D310]  }
0xde: {  	(v2sf) =	vpush v4, $0x3;
	v51 =	vld [tilespmem:s10+$0x0];
	_ =	sdelay $0x4  }
0xdf: {  	v5 =	vmin.bf16 v51, v5  }
0xe0: {  	[tilespmem:s10+$0x0] =	vst v5  }
0xe1: {  	v5 =	vld [tilespmem:$0x1D320];
	s0 =	spop (v2sf)  }
0xe2: {  	(v2sf) =	vpush v4, $0x4;
	v52 =	vld [tilespmem:s0+$0x0];
	_ =	sdelay $0x4  }
0xe3: {  	v5 =	vmin.bf16 v52, v5  }
0xe4: {  	[tilespmem:s0+$0x0] =	vst v5  }
0xe5: {  	s10 =	spop (v2sf);
	v5 =	vld [tilespmem:$0x1D330]  }
0xe6: {  	(v2sf) =	vpush v4, $0x5;
	v53 =	vld [tilespmem:s10+$0x0];
	_ =	sdelay $0x4  }
0xe7: {  	v5 =	vmin.bf16 v53, v5  }
0xe8: {  	[tilespmem:s10+$0x0] =	vst v5  }
0xe9: {  	v5 =	vld [tilespmem:$0x1D340];
	s0 =	spop (v2sf)  }
0xea: {  	(v2sf) =	vpush v4, $0x6;
	v54 =	vld [tilespmem:s0+$0x0];
	_ =	sdelay $0x4  }
0xeb: {  	v5 =	vmin.bf16 v54, v5  }
0xec: {  	[tilespmem:s0+$0x0] =	vst v5  }
0xed: {  	s10 =	spop (v2sf);
	v5 =	vld [tilespmem:$0x1D350]  }
0xee: {  	(v2sf) =	vpush v4, $0x7;
	v55 =	vld [tilespmem:s10+$0x0];
	_ =	sdelay $0x4  }
0xef: {  	v5 =	vmin.bf16 v55, v5  }
0xf0: {  	[tilespmem:s10+$0x0] =	vst v5  }
0xf1: {  	v5 =	vld [tilespmem:$0x1D360];
	s0 =	spop (v2sf)  }
0xf2: {  	(v2sf) =	vpush v4, $0x8;
	v56 =	vld [tilespmem:s0+$0x0];
	_ =	sdelay $0x4  }
0xf3: {  	v5 =	vmin.bf16 v56, v5  }
0xf4: {  	[tilespmem:s0+$0x0] =	vst v5  }
0xf5: {  	s10 =	spop (v2sf);
	v5 =	vld [tilespmem:$0x1D370]  }
0xf6: {  	(v2sf) =	vpush v4, $0x9;
	v57 =	vld [tilespmem:s10+$0x0];
	_ =	sdelay $0x4  }
0xf7: {  	v5 =	vmin.bf16 v57, v5  }
0xf8: {  	[tilespmem:s10+$0x0] =	vst v5  }
0xf9: {  	v5 =	vld [tilespmem:$0x1D380];
	s0 =	spop (v2sf)  }
0xfa: {  	(v2sf) =	vpush v4, $0xA;
	v58 =	vld [tilespmem:s0+$0x0];
	_ =	sdelay $0x4  }
0xfb: {  	v5 =	vmin.bf16 v58, v5  }
0xfc: {  	[tilespmem:s0+$0x0] =	vst v5  }
0xfd: {  	s10 =	spop (v2sf);
	v5 =	vld [tilespmem:$0x1D390]  }
0xfe: {  	(v2sf) =	vpush v4, $0xB;
	v59 =	vld [tilespmem:s10+$0x0];
	_ =	sdelay $0x4  }
0xff: {  	v5 =	vmin.bf16 v59, v5  }
0x100: {  	[tilespmem:s10+$0x0] =	vst v5  }
0x101: {  	v5 =	vld [tilespmem:$0x1D3A0];
	s0 =	spop (v2sf)  }
0x102: {  	(v2sf) =	vpush v4, $0xC;
	v60 =	vld [tilespmem:s0+$0x0];
	_ =	sdelay $0x4  }
0x103: {  	v5 =	vmin.bf16 v60, v5  }
0x104: {  	[tilespmem:s0+$0x0] =	vst v5  }
0x105: {  	s10 =	spop (v2sf);
	v5 =	vld [tilespmem:$0x1D3B0]  }
0x106: {  	(v2sf) =	vpush v4, $0xD;
	v61 =	vld [tilespmem:s10+$0x0];
	_ =	sdelay $0x4  }
0x107: {  	v5 =	vmin.bf16 v61, v5  }
0x108: {  	[tilespmem:s10+$0x0] =	vst v5  }
0x109: {  	v5 =	vld [tilespmem:$0x1D3C0];
	s0 =	spop (v2sf)  }
0x10a: {  	(v2sf) =	vpush v4, $0xE;
	v62 =	vld [tilespmem:s0+$0x0];
	_ =	sdelay $0x4  }
0x10b: {  	v5 =	vmin.bf16 v62, v5  }
0x10c: {  	[tilespmem:s0+$0x0] =	vst v5  }
0x10d: {  	s10 =	spop (v2sf);
	v5 =	vld [tilespmem:$0x1D3D0]  }
0x10e: {  	(v2sf) =	vpush v4, $0xF;
	v63 =	vld [tilespmem:s10+$0x0];
	_ =	sdelay $0x4  }
0x10f: {  	v4 =	vmin.bf16 v63, v5  }
0x110: {  	[tilespmem:s10+$0x0] =	vst v4  }
0x111: {  	s0 =	spop (v2sf);
	v4 =	vld [tilespmem:$0x1D3E0]  }
0x112: {  	v5 =	vld [tilespmem:s0+$0x0];
	_ =	sdelay $0x4  }
0x113: {  	v4 =	vmin.bf16 v5, v4  }
0x114: {  	[tilespmem:s0+$0x0] =	vst v4  }
0x115: {  	s10 =	spop (v2sf);
	v4 =	vld [tilespmem:$0x1D3F0]  }
0x116: {  	v5 =	vld [tilespmem:s10+$0x0];
	_ =	sdelay $0x4  }
0x117: {  	s0 =	sadd.s32 $0x1, s29;
	v4 =	vmin.bf16 v5, v4  }
0x118: {  	p1 =	sge.s32 s0, s24;
	[tilespmem:s10+$0x0] =	vst v4  }
0x119: {  	v4 =	vld @!p1 [tilespmem:s30+$0xFFFFFFD0];
	_ =	sdelay $0x4  }
0x11a: {  	s0 =	simm.s32 @!p1 $0x10;
	s1 =	simm.s32 @!p1 $0x1D2C0;
	s10 =	simm.s32 @!p1 $0x1D300;
	[tilespmem:$0x1D2C0] =	vst @!p1 v4  }
0x11b: {  	[tilespmem:s10], [sflag:$0x3] =	stream.indirect.gather @!p1 [hbm4b:s2+s0], $0x10, s1, s0, $0xb8;
	[tilespmem:$0x1D700] =	vst v63  }
.LBB2_12:
0x11c: {  	s0 =	sadd.s32 $0xFFFFFFFE, s29  }
0x11d: {  	p1 =	sge.s32 s0, s24  }
.Ltmp11:
0x11e: {  	_ = 	snop;
	(pc) =	sbr.rel @p1 .LBB2_14-.Ltmp11, $1  }
0x11f: {  	_ =	sdelay $0x3  }
0x120: {  	_ =	swait.ge [sflag:s17], $0x100  }
0x121: {  	[sflag:s17] =	ssyncset.done $0x0  }
0x122: {  	[sflag:s17] =	ssyncadd.s32 $0xFFFFFF00  }
0x123: {  	v4 =	vld [tilespmem:s31+$0xFFFFFFF0];
	_ =	sdelay $0x4  }
0x124: {  	v4 =	vshll.u32 v4, $0x6  }
0x125: {  	v4 =	vshra.s32 v4, $0x2  }
0x126: {  	(v2sf) =	vpush v4, $0x0;
	_ =	sdelay $0x7  }
0x127: {  	(v2sf) =	vpush v4, $0x1;
	_ =	sdelay $0x6  }
0x128: {  	v5 =	vld [tilespmem:$0x1D400];
	s0 =	spop (v2sf)  }
0x129: {  	(v2sf) =	vpush v4, $0x2;
	v6 =	vld [tilespmem:s0+$0x0];
	_ =	sdelay $0x4  }
0x12a: {  	v5 =	vmin.bf16 v6, v5  }
0x12b: {  	[tilespmem:s0+$0x0] =	vst v5  }
0x12c: {  	s10 =	spop (v2sf);
	v5 =	vld [tilespmem:$0x1D410]  }
0x12d: {  	(v2sf) =	vpush v4, $0x3;
	v51 =	vld [tilespmem:s10+$0x0];
	_ =	sdelay $0x4  }
0x12e: {  	v5 =	vmin.bf16 v51, v5  }
0x12f: {  	[tilespmem:s10+$0x0] =	vst v5  }
0x130: {  	v5 =	vld [tilespmem:$0x1D420];
	s1 =	spop (v2sf)  }
0x131: {  	(v2sf) =	vpush v4, $0x4;
	v52 =	vld [tilespmem:s1+$0x0];
	_ =	sdelay $0x4  }
0x132: {  	v5 =	vmin.bf16 v52, v5  }
0x133: {  	[tilespmem:s1+$0x0] =	vst v5  }
0x134: {  	s10 =	spop (v2sf);
	v5 =	vld [tilespmem:$0x1D430]  }
0x135: {  	(v2sf) =	vpush v4, $0x5;
	v53 =	vld [tilespmem:s10+$0x0];
	_ =	sdelay $0x4  }
0x136: {  	v5 =	vmin.bf16 v53, v5  }
0x137: {  	[tilespmem:s10+$0x0] =	vst v5  }
0x138: {  	v5 =	vld [tilespmem:$0x1D440];
	s1 =	spop (v2sf)  }
0x139: {  	(v2sf) =	vpush v4, $0x6;
	v54 =	vld [tilespmem:s1+$0x0];
	_ =	sdelay $0x4  }
0x13a: {  	v5 =	vmin.bf16 v54, v5  }
0x13b: {  	[tilespmem:s1+$0x0] =	vst v5  }
0x13c: {  	s10 =	spop (v2sf);
	v5 =	vld [tilespmem:$0x1D450]  }
0x13d: {  	(v2sf) =	vpush v4, $0x7;
	v55 =	vld [tilespmem:s10+$0x0];
	_ =	sdelay $0x4  }
0x13e: {  	v5 =	vmin.bf16 v55, v5  }
0x13f: {  	[tilespmem:s10+$0x0] =	vst v5  }
0x140: {  	v5 =	vld [tilespmem:$0x1D460];
	s1 =	spop (v2sf)  }
0x141: {  	(v2sf) =	vpush v4, $0x8;
	v56 =	vld [tilespmem:s1+$0x0];
	_ =	sdelay $0x4  }
0x142: {  	v5 =	vmin.bf16 v56, v5  }
0x143: {  	[tilespmem:s1+$0x0] =	vst v5  }
0x144: {  	s10 =	spop (v2sf);
	v5 =	vld [tilespmem:$0x1D470]  }
0x145: {  	(v2sf) =	vpush v4, $0x9;
	v57 =	vld [tilespmem:s10+$0x0];
	_ =	sdelay $0x4  }
0x146: {  	v5 =	vmin.bf16 v57, v5  }
0x147: {  	[tilespmem:s10+$0x0] =	vst v5  }
0x148: {  	v5 =	vld [tilespmem:$0x1D480];
	s1 =	spop (v2sf)  }
0x149: {  	(v2sf) =	vpush v4, $0xA;
	v58 =	vld [tilespmem:s1+$0x0];
	_ =	sdelay $0x4  }
0x14a: {  	v5 =	vmin.bf16 v58, v5  }
0x14b: {  	[tilespmem:s1+$0x0] =	vst v5  }
0x14c: {  	s10 =	spop (v2sf);
	v5 =	vld [tilespmem:$0x1D490]  }
0x14d: {  	(v2sf) =	vpush v4, $0xB;
	v59 =	vld [tilespmem:s10+$0x0];
	_ =	sdelay $0x4  }
0x14e: {  	v5 =	vmin.bf16 v59, v5  }
0x14f: {  	[tilespmem:s10+$0x0] =	vst v5  }
0x150: {  	v5 =	vld [tilespmem:$0x1D4A0];
	s1 =	spop (v2sf)  }
0x151: {  	(v2sf) =	vpush v4, $0xC;
	v60 =	vld [tilespmem:s1+$0x0];
	_ =	sdelay $0x4  }
0x152: {  	v5 =	vmin.bf16 v60, v5  }
0x153: {  	[tilespmem:s1+$0x0] =	vst v5  }
0x154: {  	s10 =	spop (v2sf);
	v5 =	vld [tilespmem:$0x1D4B0]  }
0x155: {  	(v2sf) =	vpush v4, $0xD;
	v61 =	vld [tilespmem:s10+$0x0];
	_ =	sdelay $0x4  }
0x156: {  	v5 =	vmin.bf16 v61, v5  }
0x157: {  	[tilespmem:s10+$0x0] =	vst v5  }
0x158: {  	v5 =	vld [tilespmem:$0x1D4C0];
	s1 =	spop (v2sf)  }
0x159: {  	(v2sf) =	vpush v4, $0xE;
	v62 =	vld [tilespmem:s1+$0x0];
	_ =	sdelay $0x4  }
0x15a: {  	v5 =	vmin.bf16 v62, v5  }
0x15b: {  	[tilespmem:s1+$0x0] =	vst v5  }
0x15c: {  	s10 =	spop (v2sf);
	v5 =	vld [tilespmem:$0x1D4D0]  }
0x15d: {  	(v2sf) =	vpush v4, $0xF;
	v63 =	vld [tilespmem:s10+$0x0];
	_ =	sdelay $0x4  }
0x15e: {  	v4 =	vmin.bf16 v63, v5  }
0x15f: {  	[tilespmem:s10+$0x0] =	vst v4  }
0x160: {  	s1 =	spop (v2sf);
	v4 =	vld [tilespmem:$0x1D4E0]  }
0x161: {  	v5 =	vld [tilespmem:s1+$0x0];
	_ =	sdelay $0x4  }
0x162: {  	v4 =	vmin.bf16 v5, v4  }
0x163: {  	[tilespmem:s1+$0x0] =	vst v4  }
0x164: {  	s10 =	spop (v2sf);
	v4 =	vld [tilespmem:$0x1D4F0]  }
0x165: {  	v5 =	vld [tilespmem:s10+$0x0];
	_ =	sdelay $0x4  }
0x166: {  	s1 =	sadd.s32 $0x2, s29;
	v4 =	vmin.bf16 v5, v4  }
0x167: {  	p1 =	sge.s32 s1, s24;
	[tilespmem:s10+$0x0] =	vst v4  }
0x168: {  	v4 =	vld @!p1 [tilespmem:s30+$0xFFFFFFE0];
	_ =	sdelay $0x4  }
0x169: {  	s0 =	simm.s32 @!p1 $0x10;
	s1 =	simm.s32 @!p1 $0x1D2D0;
	s10 =	simm.s32 @!p1 $0x1D400;
	[tilespmem:$0x1D2D0] =	vst @!p1 v4  }
0x16a: {  	[tilespmem:s10], [sflag:$0x4] =	stream.indirect.gather @!p1 [hbm4b:s2+s0], $0x10, s1, s0, $0xb8;
	[tilespmem:$0x1D700] =	vst v63  }
.LBB2_14:
0x16b: {  	s0 =	sadd.s32 $0xFFFFFFFF, s29  }
0x16c: {  	p1 =	sge.s32 s0, s24  }
.Ltmp12:
0x16d: {  	_ = 	snop;
	(pc) =	sbr.rel @p1 .LBB2_16-.Ltmp12, $1  }
0x16e: {  	_ =	sdelay $0x3  }
0x16f: {  	_ =	swait.ge [sflag:s18], $0x100  }
0x170: {  	[sflag:s18] =	ssyncset.done $0x0  }
0x171: {  	[sflag:s18] =	ssyncadd.s32 $0xFFFFFF00  }
0x172: {  	v4 =	vld [tilespmem:s31+$0x0];
	_ =	sdelay $0x4  }
0x173: {  	v4 =	vshll.u32 v4, $0x6  }
0x174: {  	v4 =	vshra.s32 v4, $0x2  }
0x175: {  	(v2sf) =	vpush v4, $0x0;
	_ =	sdelay $0x7  }
0x176: {  	(v2sf) =	vpush v4, $0x1;
	_ =	sdelay $0x6  }
0x177: {  	v5 =	vld [tilespmem:$0x1D500];
	s0 =	spop (v2sf)  }
0x178: {  	(v2sf) =	vpush v4, $0x2;
	v6 =	vld [tilespmem:s0+$0x0];
	_ =	sdelay $0x4  }
0x179: {  	v5 =	vmin.bf16 v6, v5  }
0x17a: {  	[tilespmem:s0+$0x0] =	vst v5  }
0x17b: {  	s10 =	spop (v2sf);
	v5 =	vld [tilespmem:$0x1D510]  }
0x17c: {  	(v2sf) =	vpush v4, $0x3;
	v51 =	vld [tilespmem:s10+$0x0];
	_ =	sdelay $0x4  }
0x17d: {  	v5 =	vmin.bf16 v51, v5  }
0x17e: {  	[tilespmem:s10+$0x0] =	vst v5  }
0x17f: {  	v5 =	vld [tilespmem:$0x1D520];
	s1 =	spop (v2sf)  }
0x180: {  	(v2sf) =	vpush v4, $0x4;
	v52 =	vld [tilespmem:s1+$0x0];
	_ =	sdelay $0x4  }
0x181: {  	v5 =	vmin.bf16 v52, v5  }
0x182: {  	[tilespmem:s1+$0x0] =	vst v5  }
0x183: {  	s10 =	spop (v2sf);
	v5 =	vld [tilespmem:$0x1D530]  }
0x184: {  	(v2sf) =	vpush v4, $0x5;
	v53 =	vld [tilespmem:s10+$0x0];
	_ =	sdelay $0x4  }
0x185: {  	v5 =	vmin.bf16 v53, v5  }
0x186: {  	[tilespmem:s10+$0x0] =	vst v5  }
0x187: {  	v5 =	vld [tilespmem:$0x1D540];
	s1 =	spop (v2sf)  }
0x188: {  	(v2sf) =	vpush v4, $0x6;
	v54 =	vld [tilespmem:s1+$0x0];
	_ =	sdelay $0x4  }
0x189: {  	v5 =	vmin.bf16 v54, v5  }
0x18a: {  	[tilespmem:s1+$0x0] =	vst v5  }
0x18b: {  	s10 =	spop (v2sf);
	v5 =	vld [tilespmem:$0x1D550]  }
0x18c: {  	(v2sf) =	vpush v4, $0x7;
	v55 =	vld [tilespmem:s10+$0x0];
	_ =	sdelay $0x4  }
0x18d: {  	v5 =	vmin.bf16 v55, v5  }
0x18e: {  	[tilespmem:s10+$0x0] =	vst v5  }
0x18f: {  	v5 =	vld [tilespmem:$0x1D560];
	s1 =	spop (v2sf)  }
0x190: {  	(v2sf) =	vpush v4, $0x8;
	v56 =	vld [tilespmem:s1+$0x0];
	_ =	sdelay $0x4  }
0x191: {  	v5 =	vmin.bf16 v56, v5  }
0x192: {  	[tilespmem:s1+$0x0] =	vst v5  }
0x193: {  	s10 =	spop (v2sf);
	v5 =	vld [tilespmem:$0x1D570]  }
0x194: {  	(v2sf) =	vpush v4, $0x9;
	v57 =	vld [tilespmem:s10+$0x0];
	_ =	sdelay $0x4  }
0x195: {  	v5 =	vmin.bf16 v57, v5  }
0x196: {  	[tilespmem:s10+$0x0] =	vst v5  }
0x197: {  	v5 =	vld [tilespmem:$0x1D580];
	s1 =	spop (v2sf)  }
0x198: {  	(v2sf) =	vpush v4, $0xA;
	v58 =	vld [tilespmem:s1+$0x0];
	_ =	sdelay $0x4  }
0x199: {  	v5 =	vmin.bf16 v58, v5  }
0x19a: {  	[tilespmem:s1+$0x0] =	vst v5  }
0x19b: {  	s10 =	spop (v2sf);
	v5 =	vld [tilespmem:$0x1D590]  }
0x19c: {  	(v2sf) =	vpush v4, $0xB;
	v59 =	vld [tilespmem:s10+$0x0];
	_ =	sdelay $0x4  }
0x19d: {  	v5 =	vmin.bf16 v59, v5  }
0x19e: {  	[tilespmem:s10+$0x0] =	vst v5  }
0x19f: {  	v5 =	vld [tilespmem:$0x1D5A0];
	s1 =	spop (v2sf)  }
0x1a0: {  	(v2sf) =	vpush v4, $0xC;
	v60 =	vld [tilespmem:s1+$0x0];
	_ =	sdelay $0x4  }
0x1a1: {  	v5 =	vmin.bf16 v60, v5  }
0x1a2: {  	[tilespmem:s1+$0x0] =	vst v5  }
0x1a3: {  	s10 =	spop (v2sf);
	v5 =	vld [tilespmem:$0x1D5B0]  }
0x1a4: {  	(v2sf) =	vpush v4, $0xD;
	v61 =	vld [tilespmem:s10+$0x0];
	_ =	sdelay $0x4  }
0x1a5: {  	v5 =	vmin.bf16 v61, v5  }
0x1a6: {  	[tilespmem:s10+$0x0] =	vst v5  }
0x1a7: {  	v5 =	vld [tilespmem:$0x1D5C0];
	s1 =	spop (v2sf)  }
0x1a8: {  	(v2sf) =	vpush v4, $0xE;
	v62 =	vld [tilespmem:s1+$0x0];
	_ =	sdelay $0x4  }
0x1a9: {  	v5 =	vmin.bf16 v62, v5  }
0x1aa: {  	[tilespmem:s1+$0x0] =	vst v5  }
0x1ab: {  	s10 =	spop (v2sf);
	v5 =	vld [tilespmem:$0x1D5D0]  }
0x1ac: {  	(v2sf) =	vpush v4, $0xF;
	v63 =	vld [tilespmem:s10+$0x0];
	_ =	sdelay $0x4  }
0x1ad: {  	v4 =	vmin.bf16 v63, v5  }
0x1ae: {  	[tilespmem:s10+$0x0] =	vst v4  }
0x1af: {  	s1 =	spop (v2sf);
	v4 =	vld [tilespmem:$0x1D5E0]  }
0x1b0: {  	v5 =	vld [tilespmem:s1+$0x0];
	_ =	sdelay $0x4  }
0x1b1: {  	v4 =	vmin.bf16 v5, v4  }
0x1b2: {  	[tilespmem:s1+$0x0] =	vst v4  }
0x1b3: {  	s10 =	spop (v2sf);
	v4 =	vld [tilespmem:$0x1D5F0]  }
0x1b4: {  	v5 =	vld [tilespmem:s10+$0x0];
	_ =	sdelay $0x4  }
0x1b5: {  	s1 =	sadd.s32 $0x3, s29;
	v4 =	vmin.bf16 v5, v4  }
0x1b6: {  	p1 =	sge.s32 s1, s24;
	[tilespmem:s10+$0x0] =	vst v4  }
0x1b7: {  	v4 =	vld @!p1 [tilespmem:s30+$0xFFFFFFF0];
	_ =	sdelay $0x4  }
0x1b8: {  	s0 =	simm.s32 @!p1 $0x10;
	s1 =	simm.s32 @!p1 $0x1D2E0;
	s10 =	simm.s32 @!p1 $0x1D500;
	[tilespmem:$0x1D2E0] =	vst @!p1 v4  }
0x1b9: {  	[tilespmem:s10], [sflag:$0x5] =	stream.indirect.gather @!p1 [hbm4b:s2+s0], $0x10, s1, s0, $0xb8;
	[tilespmem:$0x1D700] =	vst v63  }
.LBB2_16:
0x1ba: {  	p1 =	sge.s32 s29, s24  }
.Ltmp13:
0x1bb: {  	_ = 	snop;
	(pc) =	sbr.rel @p1 .LBB2_18-.Ltmp13, $1  }
0x1bc: {  	_ =	sdelay $0x3  }
0x1bd: {  	_ =	swait.ge [sflag:s19], $0x100  }
0x1be: {  	[sflag:s19] =	ssyncset.done $0x0  }
0x1bf: {  	[sflag:s19] =	ssyncadd.s32 $0xFFFFFF00  }
0x1c0: {  	v4 =	vld [tilespmem:s31+$0x10];
	_ =	sdelay $0x4  }
0x1c1: {  	v4 =	vshll.u32 v4, $0x6  }
0x1c2: {  	v4 =	vshra.s32 v4, $0x2  }
0x1c3: {  	(v2sf) =	vpush v4, $0x0;
	_ =	sdelay $0x7  }
0x1c4: {  	(v2sf) =	vpush v4, $0x1;
	_ =	sdelay $0x6  }
0x1c5: {  	v5 =	vld [tilespmem:$0x1D600];
	s0 =	spop (v2sf)  }
0x1c6: {  	(v2sf) =	vpush v4, $0x2;
	v6 =	vld [tilespmem:s0+$0x0];
	_ =	sdelay $0x4  }
0x1c7: {  	v5 =	vmin.bf16 v6, v5  }
0x1c8: {  	[tilespmem:s0+$0x0] =	vst v5  }
0x1c9: {  	s10 =	spop (v2sf);
	v5 =	vld [tilespmem:$0x1D610]  }
0x1ca: {  	(v2sf) =	vpush v4, $0x3;
	v51 =	vld [tilespmem:s10+$0x0];
	_ =	sdelay $0x4  }
0x1cb: {  	v5 =	vmin.bf16 v51, v5  }
0x1cc: {  	[tilespmem:s10+$0x0] =	vst v5  }
0x1cd: {  	v5 =	vld [tilespmem:$0x1D620];
	s1 =	spop (v2sf)  }
0x1ce: {  	(v2sf) =	vpush v4, $0x4;
	v52 =	vld [tilespmem:s1+$0x0];
	_ =	sdelay $0x4  }
0x1cf: {  	v5 =	vmin.bf16 v52, v5  }
0x1d0: {  	[tilespmem:s1+$0x0] =	vst v5  }
0x1d1: {  	s10 =	spop (v2sf);
	v5 =	vld [tilespmem:$0x1D630]  }
0x1d2: {  	(v2sf) =	vpush v4, $0x5;
	v53 =	vld [tilespmem:s10+$0x0];
	_ =	sdelay $0x4  }
0x1d3: {  	v5 =	vmin.bf16 v53, v5  }
0x1d4: {  	[tilespmem:s10+$0x0] =	vst v5  }
0x1d5: {  	v5 =	vld [tilespmem:$0x1D640];
	s1 =	spop (v2sf)  }
0x1d6: {  	(v2sf) =	vpush v4, $0x6;
	v54 =	vld [tilespmem:s1+$0x0];
	_ =	sdelay $0x4  }
0x1d7: {  	v5 =	vmin.bf16 v54, v5  }
0x1d8: {  	[tilespmem:s1+$0x0] =	vst v5  }
0x1d9: {  	s10 =	spop (v2sf);
	v5 =	vld [tilespmem:$0x1D650]  }
0x1da: {  	(v2sf) =	vpush v4, $0x7;
	v55 =	vld [tilespmem:s10+$0x0];
	_ =	sdelay $0x4  }
0x1db: {  	v5 =	vmin.bf16 v55, v5  }
0x1dc: {  	[tilespmem:s10+$0x0] =	vst v5  }
0x1dd: {  	v5 =	vld [tilespmem:$0x1D660];
	s1 =	spop (v2sf)  }
0x1de: {  	(v2sf) =	vpush v4, $0x8;
	v56 =	vld [tilespmem:s1+$0x0];
	_ =	sdelay $0x4  }
0x1df: {  	v5 =	vmin.bf16 v56, v5  }
0x1e0: {  	[tilespmem:s1+$0x0] =	vst v5  }
0x1e1: {  	s10 =	spop (v2sf);
	v5 =	vld [tilespmem:$0x1D670]  }
0x1e2: {  	(v2sf) =	vpush v4, $0x9;
	v57 =	vld [tilespmem:s10+$0x0];
	_ =	sdelay $0x4  }
0x1e3: {  	v5 =	vmin.bf16 v57, v5  }
0x1e4: {  	[tilespmem:s10+$0x0] =	vst v5  }
0x1e5: {  	v5 =	vld [tilespmem:$0x1D680];
	s1 =	spop (v2sf)  }
0x1e6: {  	(v2sf) =	vpush v4, $0xA;
	v58 =	vld [tilespmem:s1+$0x0];
	_ =	sdelay $0x4  }
0x1e7: {  	v5 =	vmin.bf16 v58, v5  }
0x1e8: {  	[tilespmem:s1+$0x0] =	vst v5  }
0x1e9: {  	s10 =	spop (v2sf);
	v5 =	vld [tilespmem:$0x1D690]  }
0x1ea: {  	(v2sf) =	vpush v4, $0xB;
	v59 =	vld [tilespmem:s10+$0x0];
	_ =	sdelay $0x4  }
0x1eb: {  	v5 =	vmin.bf16 v59, v5  }
0x1ec: {  	[tilespmem:s10+$0x0] =	vst v5  }
0x1ed: {  	v5 =	vld [tilespmem:$0x1D6A0];
	s1 =	spop (v2sf)  }
0x1ee: {  	(v2sf) =	vpush v4, $0xC;
	v60 =	vld [tilespmem:s1+$0x0];
	_ =	sdelay $0x4  }
0x1ef: {  	v5 =	vmin.bf16 v60, v5  }
0x1f0: {  	[tilespmem:s1+$0x0] =	vst v5  }
0x1f1: {  	s10 =	spop (v2sf);
	v5 =	vld [tilespmem:$0x1D6B0]  }
0x1f2: {  	(v2sf) =	vpush v4, $0xD;
	v61 =	vld [tilespmem:s10+$0x0];
	_ =	sdelay $0x4  }
0x1f3: {  	v5 =	vmin.bf16 v61, v5  }
0x1f4: {  	[tilespmem:s10+$0x0] =	vst v5  }
0x1f5: {  	v5 =	vld [tilespmem:$0x1D6C0];
	s1 =	spop (v2sf)  }
0x1f6: {  	(v2sf) =	vpush v4, $0xE;
	v62 =	vld [tilespmem:s1+$0x0];
	_ =	sdelay $0x4  }
0x1f7: {  	v5 =	vmin.bf16 v62, v5  }
0x1f8: {  	[tilespmem:s1+$0x0] =	vst v5  }
0x1f9: {  	s10 =	spop (v2sf);
	v5 =	vld [tilespmem:$0x1D6D0]  }
0x1fa: {  	(v2sf) =	vpush v4, $0xF;
	v63 =	vld [tilespmem:s10+$0x0];
	_ =	sdelay $0x4  }
0x1fb: {  	v4 =	vmin.bf16 v63, v5  }
0x1fc: {  	[tilespmem:s10+$0x0] =	vst v4  }
0x1fd: {  	s1 =	spop (v2sf);
	v4 =	vld [tilespmem:$0x1D6E0]  }
0x1fe: {  	v5 =	vld [tilespmem:s1+$0x0];
	_ =	sdelay $0x4  }
0x1ff: {  	v4 =	vmin.bf16 v5, v4  }
0x200: {  	[tilespmem:s1+$0x0] =	vst v4  }
0x201: {  	s10 =	spop (v2sf);
	v4 =	vld [tilespmem:$0x1D6F0]  }
0x202: {  	v5 =	vld [tilespmem:s10+$0x0];
	_ =	sdelay $0x4  }
0x203: {  	s1 =	sadd.s32 $0x4, s29;
	v4 =	vmin.bf16 v5, v4  }
0x204: {  	p1 =	sge.s32 s1, s24;
	[tilespmem:s10+$0x0] =	vst v4  }
0x205: {  	v4 =	vld @!p1 [tilespmem:s30+$0x0];
	_ =	sdelay $0x1  }
.Ltmp14:
0x206: {  	_ = 	snop;
	(pc) =	sbr.rel .LBB2_18-.Ltmp14, $3  }
0x207: {  	_ =	sdelay $0x1  }
0x208: {  	s0 =	simm.s32 @!p1 $0x10;
	s1 =	simm.s32 @!p1 $0x1D2F0;
	s10 =	simm.s32 @!p1 $0x1D600;
	[tilespmem:$0x1D2F0] =	vst @!p1 v4  }
0x209: {  	[tilespmem:s10], [sflag:$0x6] =	stream.indirect.gather @!p1 [hbm4b:s2+s0], $0x10, s1, s0, $0xb8;
	[tilespmem:$0x1D700] =	vst v63  }
.LBB2_19:
0x20a: {  	s0 =	sshra.s32 s25, $0x1F  }
0x20b: {  	s0 =	sshrl.u32 s0, $0x1C  }
0x20c: {  	s0 =	sadd.s32 s0, s25  }
0x20d: {  	s0 =	sshra.s32 s0, $0x4  }
0x20e: {  	s25 =	ssub.s32 s0, s26  }
0x20f: {  	p1 =	slt.s32 s25, $0x1  }
0x210: {  	v4 =	vld @!p1 [tilespmem:$0x1C950];
	_ =	sdelay $0x3  }
0x211: {  	s0 =	simm.s32 @!p1 $0x10;
	p2 =	seq.s32 @!p1 s25, $0x1  }
0x212: {  	s1 =	simm.s32 @!p1 $0x1D2C0;
	s10 =	simm.s32 @!p1 $0x1D300;
	p3 =	por p2, p1;
	[tilespmem:$0x1D2C0] =	vst @!p1 v4  }
0x213: {  	[tilespmem:s10], [sflag:$0x3] =	stream.indirect.gather @!p1 [hbm4b:s2+s0], $0x10, s1, s0, $0xb8;
	[tilespmem:$0x1D700] =	vst v63  }
0x214: {  	v4 =	vld @!p3 [tilespmem:$0x1C960];
	_ =	sdelay $0x1  }
0x215: {  	p4 =	slt.u32 @!p3 s25, $0x3  }
0x216: {  	p5 =	por @!p1 p4, p2  }
0x217: {  	p5 =	por p5, p1  }
0x218: {  	s0 =	simm.s32 @!p3 $0x10;
	s1 =	simm.s32 @!p3 $0x1D2D0;
	s10 =	simm.s32 @!p3 $0x1D400;
	[tilespmem:$0x1D2D0] =	vst @!p3 v4  }
0x219: {  	[tilespmem:s10], [sflag:$0x4] =	stream.indirect.gather @!p3 [hbm4b:s2+s0], $0x10, s1, s0, $0xb8;
	[tilespmem:$0x1D700] =	vst v63  }
0x21a: {  	v4 =	vld @!p5 [tilespmem:$0x1C970];
	_ =	sdelay $0x4  }
0x21b: {  	s0 =	simm.s32 @!p5 $0x10;
	s1 =	simm.s32 @!p5 $0x1D2E0;
	s10 =	simm.s32 @!p5 $0x1D500;
	[tilespmem:$0x1D2E0] =	vst @!p5 v4  }
0x21c: {  	[tilespmem:s10], [sflag:$0x5] =	stream.indirect.gather @!p5 [hbm4b:s2+s0], $0x10, s1, s0, $0xb8;
	[tilespmem:$0x1D700] =	vst v63  }
0x21d: {  	p5 =	seq.s32 @!p5 s25, $0x3  }
0x21e: {  	p3 =	por @!p3 p5, p4  }
0x21f: {  	p2 =	por @!p1 p3, p2  }
0x220: {  	p1 =	por p2, p1  }
0x221: {  	v4 =	vld @!p1 [tilespmem:$0x1C980];
	_ =	sdelay $0x1  }
.Ltmp15:
0x222: {  	_ = 	snop;
	(pc) =	sbr.rel @p0 .LBB2_23-.Ltmp15, $4  }
0x223: {  	_ = 	snop  }
0x224: {  	s24 =	simm.s32 $0x0  }
0x225: {  	s0 =	simm.s32 @!p1 $0x10;
	s1 =	simm.s32 @!p1 $0x1D2F0;
	s10 =	simm.s32 @!p1 $0x1D600;
	[tilespmem:$0x1D2F0] =	vst @!p1 v4  }
0x226: {  	[tilespmem:s10], [sflag:$0x6] =	stream.indirect.gather @!p1 [hbm4b:s2+s0], $0x10, s1, s0, $0xb8;
	[tilespmem:$0x1D700] =	vst v63  }
0x227: {  	s0 =	smul.u32 $0x12C0, s23;
	_ =	sdelay $0x1  }
0x228: {  	s0 =	sshrl.u32 s0, $0x3  }
0x229: {  	s0 =	sadd.s32 $0x384, s0  }
0x22a: {  	s10 =	simm.s32 $0x0;
	s1 =	sadd.s32 s5, s0  }
0x22b: {  	[tilespmem:s12], [sflag:$0x2] =	stream.linear.gather [hbm4b:s1+s10], $0x960, $0x38;
	[tilespmem:$0x1D700] =	vst v63  }
0x22c: {  	s0 =	sadd.s32 s4, s0  }
0x22d: {  	[tilespmem:s13], [sflag:$0x2] =	stream.linear.gather [hbm4b:s0+s10], $0x960, $0x38;
	[tilespmem:$0x1D700] =	vst v63  }
0x22e: {  	_ =	swait.ge [sflag:s14], $0x960  }
0x22f: {  	[sflag:s14] =	ssyncset.done $0x0  }
0x230: {  	[sflag:s14] =	ssyncadd.s32 $0xFFFFF6A0  }
0x231: {  	_ =	swait.ge [sflag:s14], $0x960  }
0x232: {  	[sflag:s14] =	ssyncset.done $0x0  }
0x233: {  	s30 =	simm.s32 $0x0;
	[sflag:s14] =	ssyncadd.s32 $0xFFFFF6A0  }
0x234: {  	v4 =	vld [tilespmem:s30+$0x18780];
	_ =	sdelay $0x2  }
0x235: {  	v5 =	vld [tilespmem:s30+$0x190E0];
	_ =	sdelay $0x1  }
0x236: {  	v4 =	vsub.s32 v4, v0  }
0x237: {  	vm0 =	vlt.u32 v4, $0x1870  }
0x238: {  	[tilespmem:s10+$0x1AD00] =	vst.msk vm0, v4;
	v4 =	vmpcnt.ones.xlane vm0  }
0x239: {  	[tilespmem:s10+$0x1B670] =	vst.msk vm0, v5  }
0x23a: {  	v5 =	vld [tilespmem:s30+$0x18790];
	(v2sf) =	vpush v4, $0x0;
	_ =	sdelay $0x4  }
0x23b: {  	v4 =	vsub.s32 v5, v0  }
0x23c: {  	vm15 =	vlt.u32 v4, $0x1870  }
0x23d: {  	v5 =	vmpcnt.ones.xlane vm15;
	_ =	sdelay $0x1  }
0x23e: {  	(v2sf) =	vpush v5, $0x0;
	_ =	sdelay $0x3  }
0x23f: {  	v5 =	vld [tilespmem:s30+$0x190F0];
	_ =	sdelay $0x1  }
0x240: {  	s31 =	spop (v2sf)  }
0x241: {  	s28 =	sadd.s32 $0x0, s31  }
0x242: {  	[tilespmem:s28+$0x1AD00] =	vst.msk vm15, v4  }
0x243: {  	s24 =	simm.s32 $0x20;
	[tilespmem:s28+$0x1B670] =	vst.msk vm15, v5  }
0x244: {  	v5 =	vld [tilespmem:s24+$0x18780];
	_ =	sdelay $0x3  }
0x245: {  	v4 =	vld [tilespmem:s24+$0x190E0]  }
0x246: {  	s26 =	simm.s32 $0x100;
	v5 =	vsub.s32 v5, v0;
	s29 =	spop (v2sf)  }
.LBB2_21:
0x247: {  	p1 =	sne.s32 s26, $0x2500  }
0x248: {  	vm0 =	vlt.u32 v5, $0x1870;
	s0 =	sadd.s32 s28, s29;
	s1 =	smov.u32 s26;
	s26 =	sadd.s32 $0x80, s26  }
0x249: {  	[tilespmem:s0+$0x1AD00] =	vst.msk vm0, v5;
	v5 =	vmpcnt.ones.xlane vm0  }
0x24a: {  	[tilespmem:s0+$0x1B670] =	vst.msk vm0, v4  }
0x24b: {  	v4 =	vld [tilespmem:s24+$0x18790];
	(v2sf) =	vpush v5, $0x0;
	_ =	sdelay $0x4  }
0x24c: {  	v4 =	vsub.s32 v4, v0  }
0x24d: {  	vm0 =	vlt.u32 v4, $0x1870  }
0x24e: {  	v5 =	vmpcnt.ones.xlane vm0;
	_ =	sdelay $0x1  }
0x24f: {  	(v2sf) =	vpush v5, $0x0;
	_ =	sdelay $0x3  }
0x250: {  	v5 =	vld [tilespmem:s24+$0x190F0];
	_ =	sdelay $0x1  }
0x251: {  	s10 =	spop (v2sf)  }
0x252: {  	s28 =	sadd.s32 s0, s10  }
0x253: {  	[tilespmem:s28+$0x1AD00] =	vst.msk vm0, v4  }
0x254: {  	s24 =	sshra.s32 s1, $0x2;
	[tilespmem:s28+$0x1B670] =	vst.msk vm0, v5  }
0x255: {  	v5 =	vld [tilespmem:s24+$0x18780]  }
.Ltmp16:
0x256: {  	(pc) =	sbr.rel @p1 .LBB2_21-.Ltmp16, $3  }
0x257: {  	_ = 	snop  }
0x258: {  	v4 =	vld [tilespmem:s24+$0x190E0];
	_ =	sdelay $0x1  }
0x259: {  	v5 =	vsub.s32 v5, v0;
	s29 =	spop (v2sf)  }
0x25a: {  	vm0 =	vlt.u32 v5, $0x1870;
	s0 =	sadd.s32 s28, s29  }
0x25b: {  	[tilespmem:s0+$0x1AD00] =	vst.msk vm0, v5  }
0x25c: {  	[tilespmem:s0+$0x1B670] =	vst.msk vm0, v4  }
0x25d: {  	v4 =	vld [tilespmem:s24+$0x18790];
	_ =	sdelay $0x4  }
0x25e: {  	v4 =	vsub.s32 v4, v0  }
0x25f: {  	v5 =	vmpcnt.ones.xlane vm0;
	vm15 =	vlt.u32 v4, $0x1870  }
0x260: {  	v6 =	vmpcnt.ones.xlane vm15  }
0x261: {  	(v2sf) =	vpush v5, $0x0  }
0x262: {  	(v2sf) =	vpush v6, $0x0;
	_ =	sdelay $0xd  }
0x263: {  	s1 =	spop (v2sf)  }
0x264: {  	s0 =	sadd.s32 s0, s1;
	s28 =	spop (v2sf)  }
0x265: {  	v5 =	vld [tilespmem:s24+$0x190F0];
	s1 =	sadd.s32 s0, s28  }
0x266: {  	s10 =	sadd.s32 $0xF, s1  }
0x267: {  	s29 =	sand.u32 $0xF, s10  }
0x268: {  	s30 =	sshra.s32 s10, $0x1F;
	p2 =	slt.s32 s10, $0x1;
	p1 =	sne.s32 s29, $0x0  }
0x269: {  	[tilespmem:s0+$0x1AD00] =	vst.msk vm15, v4;
	s24 =	sshrl.u32 s30, $0x1C;
	p1 =	por !p2, !p1  }
0x26a: {  	[tilespmem:s0+$0x1B670] =	vst.msk vm15, v5;
	s31 =	sadd.s32 s24, s10;
	s10 =	simm.s32 $0x1;
	p1 =	por !p1, !p1  }
0x26b: {  	[tilespmem:s1+$0x1AD00] =	vst v2;
	s0 =	sshra.s32 s31, $0x4;
	s10 =	simm.s32 @!p1 $0x0  }
0x26c: {  	[tilespmem:s1+$0x1B670] =	vst v3;
	s24 =	ssub.s32 s0, s10  }
.LBB2_23:
0x26d: {  	s0 =	sadd.s32 $0x3, s25  }
0x26e: {  	s1 =	sand.u32 $0x3, s0  }
0x26f: {  	p1 =	slt.s32 s25, $0xFFFFFFFE;
	p2 =	sne.s32 s1, $0x0  }
0x270: {  	s31 =	sshrl.u32 s0, $0x1E;
	p1 =	por !p1, !p2  }
0x271: {  	s0 =	sadd.s32 s31, s0;
	s1 =	simm.s32 $0x1;
	p1 =	por !p1, !p1  }
0x272: {  	s0 =	sshra.s32 s0, $0x2;
	s1 =	simm.s32 @!p1 $0x0  }
0x273: {  	s26 =	ssub.s32 s0, s1  }
0x274: {  	p1 =	slt.s32 s26, $0x1  }
.Ltmp17:
0x275: {  	_ = 	snop;
	(pc) =	sbr.rel @p1 .LBB2_34-.Ltmp17, $1  }
0x276: {  	_ =	sdelay $0x3  }
.Ltmp18:
0x277: {  	(pc) =	sbr.rel .LBB2_25-.Ltmp18, $2  }
0x278: {  	_ =	sdelay $0x2  }
0x279: {  	s28 =	simm.s32 $0x3;
	s29 =	simm.s32 $0x1C9C0;
	s30 =	simm.s32 $0x1C000  }
.LBB2_33:
0x27a: {  	s26 =	sadd.s32 $0xFFFFFFFF, s26  }
0x27b: {  	p1 =	sne.s32 s26, $0x0  }
.Ltmp19:
0x27c: {  	_ = 	snop;
	(pc) =	sbr.rel @!p1 .LBB2_34-.Ltmp19, $2  }
0x27d: {  	_ =	sdelay $0x2  }
0x27e: {  	s28 =	sadd.s32 $0x4, s28;
	s29 =	sadd.s32 $0x40, s29;
	s30 =	sadd.s32 $0x40, s30  }
.LBB2_25:
0x27f: {  	s0 =	sadd.s32 $0xFFFFFFFD, s28  }
0x280: {  	p1 =	sge.s32 s0, s25  }
.Ltmp20:
0x281: {  	_ = 	snop;
	(pc) =	sbr.rel @p1 .LBB2_27-.Ltmp20, $1  }
0x282: {  	_ =	sdelay $0x3  }
0x283: {  	_ =	swait.ge [sflag:s16], $0x100  }
0x284: {  	[sflag:s16] =	ssyncset.done $0x0  }
0x285: {  	[sflag:s16] =	ssyncadd.s32 $0xFFFFFF00  }
0x286: {  	v4 =	vld [tilespmem:s30+$0xFFFFFFE0];
	_ =	sdelay $0x4  }
0x287: {  	v4 =	vshll.u32 v4, $0x6  }
0x288: {  	v4 =	vshra.s32 v4, $0x2  }
0x289: {  	(v2sf) =	vpush v4, $0x0;
	_ =	sdelay $0x7  }
0x28a: {  	(v2sf) =	vpush v4, $0x1;
	_ =	sdelay $0x6  }
0x28b: {  	v5 =	vld [tilespmem:$0x1D300];
	s0 =	spop (v2sf)  }
0x28c: {  	(v2sf) =	vpush v4, $0x2;
	v6 =	vld [tilespmem:s0+$0x0];
	_ =	sdelay $0x4  }
0x28d: {  	v5 =	vmin.bf16 v6, v5  }
0x28e: {  	[tilespmem:s0+$0x0] =	vst v5  }
0x28f: {  	s1 =	spop (v2sf);
	v5 =	vld [tilespmem:$0x1D310]  }
0x290: {  	(v2sf) =	vpush v4, $0x3;
	v51 =	vld [tilespmem:s1+$0x0];
	_ =	sdelay $0x4  }
0x291: {  	v5 =	vmin.bf16 v51, v5  }
0x292: {  	[tilespmem:s1+$0x0] =	vst v5  }
0x293: {  	v5 =	vld [tilespmem:$0x1D320];
	s10 =	spop (v2sf)  }
0x294: {  	(v2sf) =	vpush v4, $0x4;
	v52 =	vld [tilespmem:s10+$0x0];
	_ =	sdelay $0x4  }
0x295: {  	v5 =	vmin.bf16 v52, v5  }
0x296: {  	[tilespmem:s10+$0x0] =	vst v5  }
0x297: {  	s31 =	spop (v2sf);
	v5 =	vld [tilespmem:$0x1D330]  }
0x298: {  	(v2sf) =	vpush v4, $0x5;
	v53 =	vld [tilespmem:s31+$0x0];
	_ =	sdelay $0x4  }
0x299: {  	v5 =	vmin.bf16 v53, v5  }
0x29a: {  	[tilespmem:s31+$0x0] =	vst v5  }
0x29b: {  	v5 =	vld [tilespmem:$0x1D340];
	s1 =	spop (v2sf)  }
0x29c: {  	(v2sf) =	vpush v4, $0x6;
	v54 =	vld [tilespmem:s1+$0x0];
	_ =	sdelay $0x4  }
0x29d: {  	v5 =	vmin.bf16 v54, v5  }
0x29e: {  	[tilespmem:s1+$0x0] =	vst v5  }
0x29f: {  	s10 =	spop (v2sf);
	v5 =	vld [tilespmem:$0x1D350]  }
0x2a0: {  	(v2sf) =	vpush v4, $0x7;
	v55 =	vld [tilespmem:s10+$0x0];
	_ =	sdelay $0x4  }
0x2a1: {  	v5 =	vmin.bf16 v55, v5  }
0x2a2: {  	[tilespmem:s10+$0x0] =	vst v5  }
0x2a3: {  	v5 =	vld [tilespmem:$0x1D360];
	s31 =	spop (v2sf)  }
0x2a4: {  	(v2sf) =	vpush v4, $0x8;
	v56 =	vld [tilespmem:s31+$0x0];
	_ =	sdelay $0x4  }
0x2a5: {  	v5 =	vmin.bf16 v56, v5  }
0x2a6: {  	[tilespmem:s31+$0x0] =	vst v5  }
0x2a7: {  	s1 =	spop (v2sf);
	v5 =	vld [tilespmem:$0x1D370]  }
0x2a8: {  	(v2sf) =	vpush v4, $0x9;
	v57 =	vld [tilespmem:s1+$0x0];
	_ =	sdelay $0x4  }
0x2a9: {  	v5 =	vmin.bf16 v57, v5  }
0x2aa: {  	[tilespmem:s1+$0x0] =	vst v5  }
0x2ab: {  	v5 =	vld [tilespmem:$0x1D380];
	s10 =	spop (v2sf)  }
0x2ac: {  	(v2sf) =	vpush v4, $0xA;
	v58 =	vld [tilespmem:s10+$0x0];
	_ =	sdelay $0x4  }
0x2ad: {  	v5 =	vmin.bf16 v58, v5  }
0x2ae: {  	[tilespmem:s10+$0x0] =	vst v5  }
0x2af: {  	s31 =	spop (v2sf);
	v5 =	vld [tilespmem:$0x1D390]  }
0x2b0: {  	(v2sf) =	vpush v4, $0xB;
	v59 =	vld [tilespmem:s31+$0x0];
	_ =	sdelay $0x4  }
0x2b1: {  	v5 =	vmin.bf16 v59, v5  }
0x2b2: {  	[tilespmem:s31+$0x0] =	vst v5  }
0x2b3: {  	v5 =	vld [tilespmem:$0x1D3A0];
	s1 =	spop (v2sf)  }
0x2b4: {  	(v2sf) =	vpush v4, $0xC;
	v60 =	vld [tilespmem:s1+$0x0];
	_ =	sdelay $0x4  }
0x2b5: {  	v5 =	vmin.bf16 v60, v5  }
0x2b6: {  	[tilespmem:s1+$0x0] =	vst v5  }
0x2b7: {  	s10 =	spop (v2sf);
	v5 =	vld [tilespmem:$0x1D3B0]  }
0x2b8: {  	(v2sf) =	vpush v4, $0xD;
	v61 =	vld [tilespmem:s10+$0x0];
	_ =	sdelay $0x4  }
0x2b9: {  	v5 =	vmin.bf16 v61, v5  }
0x2ba: {  	[tilespmem:s10+$0x0] =	vst v5  }
0x2bb: {  	v5 =	vld [tilespmem:$0x1D3C0];
	s31 =	spop (v2sf)  }
0x2bc: {  	(v2sf) =	vpush v4, $0xE;
	v62 =	vld [tilespmem:s31+$0x0];
	_ =	sdelay $0x4  }
0x2bd: {  	v5 =	vmin.bf16 v62, v5  }
0x2be: {  	[tilespmem:s31+$0x0] =	vst v5  }
0x2bf: {  	s1 =	spop (v2sf);
	v5 =	vld [tilespmem:$0x1D3D0]  }
0x2c0: {  	(v2sf) =	vpush v4, $0xF;
	v63 =	vld [tilespmem:s1+$0x0];
	_ =	sdelay $0x4  }
0x2c1: {  	v4 =	vmin.bf16 v63, v5  }
0x2c2: {  	[tilespmem:s1+$0x0] =	vst v4  }
0x2c3: {  	s10 =	spop (v2sf);
	v4 =	vld [tilespmem:$0x1D3E0]  }
0x2c4: {  	v5 =	vld [tilespmem:s10+$0x0];
	_ =	sdelay $0x4  }
0x2c5: {  	v4 =	vmin.bf16 v5, v4  }
0x2c6: {  	[tilespmem:s10+$0x0] =	vst v4  }
0x2c7: {  	s31 =	spop (v2sf);
	v4 =	vld [tilespmem:$0x1D3F0]  }
0x2c8: {  	v5 =	vld [tilespmem:s31+$0x0];
	_ =	sdelay $0x4  }
0x2c9: {  	s1 =	sadd.s32 $0x1, s28;
	v4 =	vmin.bf16 v5, v4  }
0x2ca: {  	p1 =	sge.s32 s1, s25;
	[tilespmem:s31+$0x0] =	vst v4  }
0x2cb: {  	v4 =	vld @!p1 [tilespmem:s29+$0xFFFFFFD0];
	_ =	sdelay $0x4  }
0x2cc: {  	s0 =	simm.s32 @!p1 $0x10;
	s1 =	simm.s32 @!p1 $0x1D2C0;
	s10 =	simm.s32 @!p1 $0x1D300;
	[tilespmem:$0x1D2C0] =	vst @!p1 v4  }
0x2cd: {  	[tilespmem:s10], [sflag:$0x3] =	stream.indirect.gather @!p1 [hbm4b:s2+s0], $0x10, s1, s0, $0xb8;
	[tilespmem:$0x1D700] =	vst v63  }
.LBB2_27:
0x2ce: {  	s0 =	sadd.s32 $0xFFFFFFFE, s28  }
0x2cf: {  	p1 =	sge.s32 s0, s25  }
.Ltmp21:
0x2d0: {  	_ = 	snop;
	(pc) =	sbr.rel @p1 .LBB2_29-.Ltmp21, $1  }
0x2d1: {  	_ =	sdelay $0x3  }
0x2d2: {  	_ =	swait.ge [sflag:s17], $0x100  }
0x2d3: {  	[sflag:s17] =	ssyncset.done $0x0  }
0x2d4: {  	[sflag:s17] =	ssyncadd.s32 $0xFFFFFF00  }
0x2d5: {  	v4 =	vld [tilespmem:s30+$0xFFFFFFF0];
	_ =	sdelay $0x4  }
0x2d6: {  	v4 =	vshll.u32 v4, $0x6  }
0x2d7: {  	v4 =	vshra.s32 v4, $0x2  }
0x2d8: {  	(v2sf) =	vpush v4, $0x0;
	_ =	sdelay $0x7  }
0x2d9: {  	(v2sf) =	vpush v4, $0x1;
	_ =	sdelay $0x6  }
0x2da: {  	v5 =	vld [tilespmem:$0x1D400];
	s0 =	spop (v2sf)  }
0x2db: {  	(v2sf) =	vpush v4, $0x2;
	v6 =	vld [tilespmem:s0+$0x0];
	_ =	sdelay $0x4  }
0x2dc: {  	v5 =	vmin.bf16 v6, v5  }
0x2dd: {  	[tilespmem:s0+$0x0] =	vst v5  }
0x2de: {  	s1 =	spop (v2sf);
	v5 =	vld [tilespmem:$0x1D410]  }
0x2df: {  	(v2sf) =	vpush v4, $0x3;
	v51 =	vld [tilespmem:s1+$0x0];
	_ =	sdelay $0x4  }
0x2e0: {  	v5 =	vmin.bf16 v51, v5  }
0x2e1: {  	[tilespmem:s1+$0x0] =	vst v5  }
0x2e2: {  	v5 =	vld [tilespmem:$0x1D420];
	s10 =	spop (v2sf)  }
0x2e3: {  	(v2sf) =	vpush v4, $0x4;
	v52 =	vld [tilespmem:s10+$0x0];
	_ =	sdelay $0x4  }
0x2e4: {  	v5 =	vmin.bf16 v52, v5  }
0x2e5: {  	[tilespmem:s10+$0x0] =	vst v5  }
0x2e6: {  	s31 =	spop (v2sf);
	v5 =	vld [tilespmem:$0x1D430]  }
0x2e7: {  	(v2sf) =	vpush v4, $0x5;
	v53 =	vld [tilespmem:s31+$0x0];
	_ =	sdelay $0x4  }
0x2e8: {  	v5 =	vmin.bf16 v53, v5  }
0x2e9: {  	[tilespmem:s31+$0x0] =	vst v5  }
0x2ea: {  	v5 =	vld [tilespmem:$0x1D440];
	s1 =	spop (v2sf)  }
0x2eb: {  	(v2sf) =	vpush v4, $0x6;
	v54 =	vld [tilespmem:s1+$0x0];
	_ =	sdelay $0x4  }
0x2ec: {  	v5 =	vmin.bf16 v54, v5  }
0x2ed: {  	[tilespmem:s1+$0x0] =	vst v5  }
0x2ee: {  	s10 =	spop (v2sf);
	v5 =	vld [tilespmem:$0x1D450]  }
0x2ef: {  	(v2sf) =	vpush v4, $0x7;
	v55 =	vld [tilespmem:s10+$0x0];
	_ =	sdelay $0x4  }
0x2f0: {  	v5 =	vmin.bf16 v55, v5  }
0x2f1: {  	[tilespmem:s10+$0x0] =	vst v5  }
0x2f2: {  	v5 =	vld [tilespmem:$0x1D460];
	s31 =	spop (v2sf)  }
0x2f3: {  	(v2sf) =	vpush v4, $0x8;
	v56 =	vld [tilespmem:s31+$0x0];
	_ =	sdelay $0x4  }
0x2f4: {  	v5 =	vmin.bf16 v56, v5  }
0x2f5: {  	[tilespmem:s31+$0x0] =	vst v5  }
0x2f6: {  	s1 =	spop (v2sf);
	v5 =	vld [tilespmem:$0x1D470]  }
0x2f7: {  	(v2sf) =	vpush v4, $0x9;
	v57 =	vld [tilespmem:s1+$0x0];
	_ =	sdelay $0x4  }
0x2f8: {  	v5 =	vmin.bf16 v57, v5  }
0x2f9: {  	[tilespmem:s1+$0x0] =	vst v5  }
0x2fa: {  	v5 =	vld [tilespmem:$0x1D480];
	s10 =	spop (v2sf)  }
0x2fb: {  	(v2sf) =	vpush v4, $0xA;
	v58 =	vld [tilespmem:s10+$0x0];
	_ =	sdelay $0x4  }
0x2fc: {  	v5 =	vmin.bf16 v58, v5  }
0x2fd: {  	[tilespmem:s10+$0x0] =	vst v5  }
0x2fe: {  	s31 =	spop (v2sf);
	v5 =	vld [tilespmem:$0x1D490]  }
0x2ff: {  	(v2sf) =	vpush v4, $0xB;
	v59 =	vld [tilespmem:s31+$0x0];
	_ =	sdelay $0x4  }
0x300: {  	v5 =	vmin.bf16 v59, v5  }
0x301: {  	[tilespmem:s31+$0x0] =	vst v5  }
0x302: {  	v5 =	vld [tilespmem:$0x1D4A0];
	s1 =	spop (v2sf)  }
0x303: {  	(v2sf) =	vpush v4, $0xC;
	v60 =	vld [tilespmem:s1+$0x0];
	_ =	sdelay $0x4  }
0x304: {  	v5 =	vmin.bf16 v60, v5  }
0x305: {  	[tilespmem:s1+$0x0] =	vst v5  }
0x306: {  	s10 =	spop (v2sf);
	v5 =	vld [tilespmem:$0x1D4B0]  }
0x307: {  	(v2sf) =	vpush v4, $0xD;
	v61 =	vld [tilespmem:s10+$0x0];
	_ =	sdelay $0x4  }
0x308: {  	v5 =	vmin.bf16 v61, v5  }
0x309: {  	[tilespmem:s10+$0x0] =	vst v5  }
0x30a: {  	v5 =	vld [tilespmem:$0x1D4C0];
	s31 =	spop (v2sf)  }
0x30b: {  	(v2sf) =	vpush v4, $0xE;
	v62 =	vld [tilespmem:s31+$0x0];
	_ =	sdelay $0x4  }
0x30c: {  	v5 =	vmin.bf16 v62, v5  }
0x30d: {  	[tilespmem:s31+$0x0] =	vst v5  }
0x30e: {  	s1 =	spop (v2sf);
	v5 =	vld [tilespmem:$0x1D4D0]  }
0x30f: {  	(v2sf) =	vpush v4, $0xF;
	v63 =	vld [tilespmem:s1+$0x0];
	_ =	sdelay $0x4  }
0x310: {  	v4 =	vmin.bf16 v63, v5  }
0x311: {  	[tilespmem:s1+$0x0] =	vst v4  }
0x312: {  	s10 =	spop (v2sf);
	v4 =	vld [tilespmem:$0x1D4E0]  }
0x313: {  	v5 =	vld [tilespmem:s10+$0x0];
	_ =	sdelay $0x4  }
0x314: {  	v4 =	vmin.bf16 v5, v4  }
0x315: {  	[tilespmem:s10+$0x0] =	vst v4  }
0x316: {  	s31 =	spop (v2sf);
	v4 =	vld [tilespmem:$0x1D4F0]  }
0x317: {  	v5 =	vld [tilespmem:s31+$0x0];
	_ =	sdelay $0x4  }
0x318: {  	s1 =	sadd.s32 $0x2, s28;
	v4 =	vmin.bf16 v5, v4  }
0x319: {  	p1 =	sge.s32 s1, s25;
	[tilespmem:s31+$0x0] =	vst v4  }
0x31a: {  	v4 =	vld @!p1 [tilespmem:s29+$0xFFFFFFE0];
	_ =	sdelay $0x4  }
0x31b: {  	s0 =	simm.s32 @!p1 $0x10;
	s1 =	simm.s32 @!p1 $0x1D2D0;
	s10 =	simm.s32 @!p1 $0x1D400;
	[tilespmem:$0x1D2D0] =	vst @!p1 v4  }
0x31c: {  	[tilespmem:s10], [sflag:$0x4] =	stream.indirect.gather @!p1 [hbm4b:s2+s0], $0x10, s1, s0, $0xb8;
	[tilespmem:$0x1D700] =	vst v63  }
.LBB2_29:
0x31d: {  	s0 =	sadd.s32 $0xFFFFFFFF, s28  }
0x31e: {  	p1 =	sge.s32 s0, s25  }
.Ltmp22:
0x31f: {  	_ = 	snop;
	(pc) =	sbr.rel @p1 .LBB2_31-.Ltmp22, $1  }
0x320: {  	_ =	sdelay $0x3  }
0x321: {  	_ =	swait.ge [sflag:s18], $0x100  }
0x322: {  	[sflag:s18] =	ssyncset.done $0x0  }
0x323: {  	[sflag:s18] =	ssyncadd.s32 $0xFFFFFF00  }
0x324: {  	v4 =	vld [tilespmem:s30+$0x0];
	_ =	sdelay $0x4  }
0x325: {  	v4 =	vshll.u32 v4, $0x6  }
0x326: {  	v4 =	vshra.s32 v4, $0x2  }
0x327: {  	(v2sf) =	vpush v4, $0x0;
	_ =	sdelay $0x7  }
0x328: {  	(v2sf) =	vpush v4, $0x1;
	_ =	sdelay $0x6  }
0x329: {  	v5 =	vld [tilespmem:$0x1D500];
	s0 =	spop (v2sf)  }
0x32a: {  	(v2sf) =	vpush v4, $0x2;
	v6 =	vld [tilespmem:s0+$0x0];
	_ =	sdelay $0x4  }
0x32b: {  	v5 =	vmin.bf16 v6, v5  }
0x32c: {  	[tilespmem:s0+$0x0] =	vst v5  }
0x32d: {  	s1 =	spop (v2sf);
	v5 =	vld [tilespmem:$0x1D510]  }
0x32e: {  	(v2sf) =	vpush v4, $0x3;
	v51 =	vld [tilespmem:s1+$0x0];
	_ =	sdelay $0x4  }
0x32f: {  	v5 =	vmin.bf16 v51, v5  }
0x330: {  	[tilespmem:s1+$0x0] =	vst v5  }
0x331: {  	v5 =	vld [tilespmem:$0x1D520];
	s10 =	spop (v2sf)  }
0x332: {  	(v2sf) =	vpush v4, $0x4;
	v52 =	vld [tilespmem:s10+$0x0];
	_ =	sdelay $0x4  }
0x333: {  	v5 =	vmin.bf16 v52, v5  }
0x334: {  	[tilespmem:s10+$0x0] =	vst v5  }
0x335: {  	s31 =	spop (v2sf);
	v5 =	vld [tilespmem:$0x1D530]  }
0x336: {  	(v2sf) =	vpush v4, $0x5;
	v53 =	vld [tilespmem:s31+$0x0];
	_ =	sdelay $0x4  }
0x337: {  	v5 =	vmin.bf16 v53, v5  }
0x338: {  	[tilespmem:s31+$0x0] =	vst v5  }
0x339: {  	v5 =	vld [tilespmem:$0x1D540];
	s1 =	spop (v2sf)  }
0x33a: {  	(v2sf) =	vpush v4, $0x6;
	v54 =	vld [tilespmem:s1+$0x0];
	_ =	sdelay $0x4  }
0x33b: {  	v5 =	vmin.bf16 v54, v5  }
0x33c: {  	[tilespmem:s1+$0x0] =	vst v5  }
0x33d: {  	s10 =	spop (v2sf);
	v5 =	vld [tilespmem:$0x1D550]  }
0x33e: {  	(v2sf) =	vpush v4, $0x7;
	v55 =	vld [tilespmem:s10+$0x0];
	_ =	sdelay $0x4  }
0x33f: {  	v5 =	vmin.bf16 v55, v5  }
0x340: {  	[tilespmem:s10+$0x0] =	vst v5  }
0x341: {  	v5 =	vld [tilespmem:$0x1D560];
	s31 =	spop (v2sf)  }
0x342: {  	(v2sf) =	vpush v4, $0x8;
	v56 =	vld [tilespmem:s31+$0x0];
	_ =	sdelay $0x4  }
0x343: {  	v5 =	vmin.bf16 v56, v5  }
0x344: {  	[tilespmem:s31+$0x0] =	vst v5  }
0x345: {  	s1 =	spop (v2sf);
	v5 =	vld [tilespmem:$0x1D570]  }
0x346: {  	(v2sf) =	vpush v4, $0x9;
	v57 =	vld [tilespmem:s1+$0x0];
	_ =	sdelay $0x4  }
0x347: {  	v5 =	vmin.bf16 v57, v5  }
0x348: {  	[tilespmem:s1+$0x0] =	vst v5  }
0x349: {  	v5 =	vld [tilespmem:$0x1D580];
	s10 =	spop (v2sf)  }
0x34a: {  	(v2sf) =	vpush v4, $0xA;
	v58 =	vld [tilespmem:s10+$0x0];
	_ =	sdelay $0x4  }
0x34b: {  	v5 =	vmin.bf16 v58, v5  }
0x34c: {  	[tilespmem:s10+$0x0] =	vst v5  }
0x34d: {  	s31 =	spop (v2sf);
	v5 =	vld [tilespmem:$0x1D590]  }
0x34e: {  	(v2sf) =	vpush v4, $0xB;
	v59 =	vld [tilespmem:s31+$0x0];
	_ =	sdelay $0x4  }
0x34f: {  	v5 =	vmin.bf16 v59, v5  }
0x350: {  	[tilespmem:s31+$0x0] =	vst v5  }
0x351: {  	v5 =	vld [tilespmem:$0x1D5A0];
	s1 =	spop (v2sf)  }
0x352: {  	(v2sf) =	vpush v4, $0xC;
	v60 =	vld [tilespmem:s1+$0x0];
	_ =	sdelay $0x4  }
0x353: {  	v5 =	vmin.bf16 v60, v5  }
0x354: {  	[tilespmem:s1+$0x0] =	vst v5  }
0x355: {  	s10 =	spop (v2sf);
	v5 =	vld [tilespmem:$0x1D5B0]  }
0x356: {  	(v2sf) =	vpush v4, $0xD;
	v61 =	vld [tilespmem:s10+$0x0];
	_ =	sdelay $0x4  }
0x357: {  	v5 =	vmin.bf16 v61, v5  }
0x358: {  	[tilespmem:s10+$0x0] =	vst v5  }
0x359: {  	v5 =	vld [tilespmem:$0x1D5C0];
	s31 =	spop (v2sf)  }
0x35a: {  	(v2sf) =	vpush v4, $0xE;
	v62 =	vld [tilespmem:s31+$0x0];
	_ =	sdelay $0x4  }
0x35b: {  	v5 =	vmin.bf16 v62, v5  }
0x35c: {  	[tilespmem:s31+$0x0] =	vst v5  }
0x35d: {  	s1 =	spop (v2sf);
	v5 =	vld [tilespmem:$0x1D5D0]  }
0x35e: {  	(v2sf) =	vpush v4, $0xF;
	v63 =	vld [tilespmem:s1+$0x0];
	_ =	sdelay $0x4  }
0x35f: {  	v4 =	vmin.bf16 v63, v5  }
0x360: {  	[tilespmem:s1+$0x0] =	vst v4  }
0x361: {  	s10 =	spop (v2sf);
	v4 =	vld [tilespmem:$0x1D5E0]  }
0x362: {  	v5 =	vld [tilespmem:s10+$0x0];
	_ =	sdelay $0x4  }
0x363: {  	v4 =	vmin.bf16 v5, v4  }
0x364: {  	[tilespmem:s10+$0x0] =	vst v4  }
0x365: {  	s31 =	spop (v2sf);
	v4 =	vld [tilespmem:$0x1D5F0]  }
0x366: {  	v5 =	vld [tilespmem:s31+$0x0];
	_ =	sdelay $0x4  }
0x367: {  	s1 =	sadd.s32 $0x3, s28;
	v4 =	vmin.bf16 v5, v4  }
0x368: {  	p1 =	sge.s32 s1, s25;
	[tilespmem:s31+$0x0] =	vst v4  }
0x369: {  	v4 =	vld @!p1 [tilespmem:s29+$0xFFFFFFF0];
	_ =	sdelay $0x4  }
0x36a: {  	s0 =	simm.s32 @!p1 $0x10;
	s1 =	simm.s32 @!p1 $0x1D2E0;
	s10 =	simm.s32 @!p1 $0x1D500;
	[tilespmem:$0x1D2E0] =	vst @!p1 v4  }
0x36b: {  	[tilespmem:s10], [sflag:$0x5] =	stream.indirect.gather @!p1 [hbm4b:s2+s0], $0x10, s1, s0, $0xb8;
	[tilespmem:$0x1D700] =	vst v63  }
.LBB2_31:
0x36c: {  	p1 =	sge.s32 s28, s25  }
.Ltmp23:
0x36d: {  	_ = 	snop;
	(pc) =	sbr.rel @p1 .LBB2_33-.Ltmp23, $1  }
0x36e: {  	_ =	sdelay $0x3  }
0x36f: {  	_ =	swait.ge [sflag:s19], $0x100  }
0x370: {  	[sflag:s19] =	ssyncset.done $0x0  }
0x371: {  	[sflag:s19] =	ssyncadd.s32 $0xFFFFFF00  }
0x372: {  	v4 =	vld [tilespmem:s30+$0x10];
	_ =	sdelay $0x4  }
0x373: {  	v4 =	vshll.u32 v4, $0x6  }
0x374: {  	v4 =	vshra.s32 v4, $0x2  }
0x375: {  	(v2sf) =	vpush v4, $0x0;
	_ =	sdelay $0x7  }
0x376: {  	(v2sf) =	vpush v4, $0x1;
	_ =	sdelay $0x6  }
0x377: {  	v5 =	vld [tilespmem:$0x1D600];
	s0 =	spop (v2sf)  }
0x378: {  	(v2sf) =	vpush v4, $0x2;
	v6 =	vld [tilespmem:s0+$0x0];
	_ =	sdelay $0x4  }
0x379: {  	v5 =	vmin.bf16 v6, v5  }
0x37a: {  	[tilespmem:s0+$0x0] =	vst v5  }
0x37b: {  	s1 =	spop (v2sf);
	v5 =	vld [tilespmem:$0x1D610]  }
0x37c: {  	(v2sf) =	vpush v4, $0x3;
	v51 =	vld [tilespmem:s1+$0x0];
	_ =	sdelay $0x4  }
0x37d: {  	v5 =	vmin.bf16 v51, v5  }
0x37e: {  	[tilespmem:s1+$0x0] =	vst v5  }
0x37f: {  	v5 =	vld [tilespmem:$0x1D620];
	s10 =	spop (v2sf)  }
0x380: {  	(v2sf) =	vpush v4, $0x4;
	v52 =	vld [tilespmem:s10+$0x0];
	_ =	sdelay $0x4  }
0x381: {  	v5 =	vmin.bf16 v52, v5  }
0x382: {  	[tilespmem:s10+$0x0] =	vst v5  }
0x383: {  	s31 =	spop (v2sf);
	v5 =	vld [tilespmem:$0x1D630]  }
0x384: {  	(v2sf) =	vpush v4, $0x5;
	v53 =	vld [tilespmem:s31+$0x0];
	_ =	sdelay $0x4  }
0x385: {  	v5 =	vmin.bf16 v53, v5  }
0x386: {  	[tilespmem:s31+$0x0] =	vst v5  }
0x387: {  	v5 =	vld [tilespmem:$0x1D640];
	s1 =	spop (v2sf)  }
0x388: {  	(v2sf) =	vpush v4, $0x6;
	v54 =	vld [tilespmem:s1+$0x0];
	_ =	sdelay $0x4  }
0x389: {  	v5 =	vmin.bf16 v54, v5  }
0x38a: {  	[tilespmem:s1+$0x0] =	vst v5  }
0x38b: {  	s10 =	spop (v2sf);
	v5 =	vld [tilespmem:$0x1D650]  }
0x38c: {  	(v2sf) =	vpush v4, $0x7;
	v55 =	vld [tilespmem:s10+$0x0];
	_ =	sdelay $0x4  }
0x38d: {  	v5 =	vmin.bf16 v55, v5  }
0x38e: {  	[tilespmem:s10+$0x0] =	vst v5  }
0x38f: {  	v5 =	vld [tilespmem:$0x1D660];
	s31 =	spop (v2sf)  }
0x390: {  	(v2sf) =	vpush v4, $0x8;
	v56 =	vld [tilespmem:s31+$0x0];
	_ =	sdelay $0x4  }
0x391: {  	v5 =	vmin.bf16 v56, v5  }
0x392: {  	[tilespmem:s31+$0x0] =	vst v5  }
0x393: {  	s1 =	spop (v2sf);
	v5 =	vld [tilespmem:$0x1D670]  }
0x394: {  	(v2sf) =	vpush v4, $0x9;
	v57 =	vld [tilespmem:s1+$0x0];
	_ =	sdelay $0x4  }
0x395: {  	v5 =	vmin.bf16 v57, v5  }
0x396: {  	[tilespmem:s1+$0x0] =	vst v5  }
0x397: {  	v5 =	vld [tilespmem:$0x1D680];
	s10 =	spop (v2sf)  }
0x398: {  	(v2sf) =	vpush v4, $0xA;
	v58 =	vld [tilespmem:s10+$0x0];
	_ =	sdelay $0x4  }
0x399: {  	v5 =	vmin.bf16 v58, v5  }
0x39a: {  	[tilespmem:s10+$0x0] =	vst v5  }
0x39b: {  	s31 =	spop (v2sf);
	v5 =	vld [tilespmem:$0x1D690]  }
0x39c: {  	(v2sf) =	vpush v4, $0xB;
	v59 =	vld [tilespmem:s31+$0x0];
	_ =	sdelay $0x4  }
0x39d: {  	v5 =	vmin.bf16 v59, v5  }
0x39e: {  	[tilespmem:s31+$0x0] =	vst v5  }
0x39f: {  	v5 =	vld [tilespmem:$0x1D6A0];
	s1 =	spop (v2sf)  }
0x3a0: {  	(v2sf) =	vpush v4, $0xC;
	v60 =	vld [tilespmem:s1+$0x0];
	_ =	sdelay $0x4  }
0x3a1: {  	v5 =	vmin.bf16 v60, v5  }
0x3a2: {  	[tilespmem:s1+$0x0] =	vst v5  }
0x3a3: {  	s10 =	spop (v2sf);
	v5 =	vld [tilespmem:$0x1D6B0]  }
0x3a4: {  	(v2sf) =	vpush v4, $0xD;
	v61 =	vld [tilespmem:s10+$0x0];
	_ =	sdelay $0x4  }
0x3a5: {  	v5 =	vmin.bf16 v61, v5  }
0x3a6: {  	[tilespmem:s10+$0x0] =	vst v5  }
0x3a7: {  	v5 =	vld [tilespmem:$0x1D6C0];
	s31 =	spop (v2sf)  }
0x3a8: {  	(v2sf) =	vpush v4, $0xE;
	v62 =	vld [tilespmem:s31+$0x0];
	_ =	sdelay $0x4  }
0x3a9: {  	v5 =	vmin.bf16 v62, v5  }
0x3aa: {  	[tilespmem:s31+$0x0] =	vst v5  }
0x3ab: {  	s1 =	spop (v2sf);
	v5 =	vld [tilespmem:$0x1D6D0]  }
0x3ac: {  	(v2sf) =	vpush v4, $0xF;
	v63 =	vld [tilespmem:s1+$0x0];
	_ =	sdelay $0x4  }
0x3ad: {  	v4 =	vmin.bf16 v63, v5  }
0x3ae: {  	[tilespmem:s1+$0x0] =	vst v4  }
0x3af: {  	s10 =	spop (v2sf);
	v4 =	vld [tilespmem:$0x1D6E0]  }
0x3b0: {  	v5 =	vld [tilespmem:s10+$0x0];
	_ =	sdelay $0x4  }
0x3b1: {  	v4 =	vmin.bf16 v5, v4  }
0x3b2: {  	[tilespmem:s10+$0x0] =	vst v4  }
0x3b3: {  	s31 =	spop (v2sf);
	v4 =	vld [tilespmem:$0x1D6F0]  }
0x3b4: {  	v5 =	vld [tilespmem:s31+$0x0];
	_ =	sdelay $0x4  }
0x3b5: {  	s1 =	sadd.s32 $0x4, s28;
	v4 =	vmin.bf16 v5, v4  }
0x3b6: {  	p1 =	sge.s32 s1, s25;
	[tilespmem:s31+$0x0] =	vst v4  }
0x3b7: {  	v4 =	vld @!p1 [tilespmem:s29+$0x0];
	_ =	sdelay $0x1  }
.Ltmp24:
0x3b8: {  	_ = 	snop;
	(pc) =	sbr.rel .LBB2_33-.Ltmp24, $3  }
0x3b9: {  	_ =	sdelay $0x1  }
0x3ba: {  	s0 =	simm.s32 @!p1 $0x10;
	s1 =	simm.s32 @!p1 $0x1D2F0;
	s10 =	simm.s32 @!p1 $0x1D600;
	[tilespmem:$0x1D2F0] =	vst @!p1 v4  }
0x3bb: {  	[tilespmem:s10], [sflag:$0x6] =	stream.indirect.gather @!p1 [hbm4b:s2+s0], $0x10, s1, s0, $0xb8;
	[tilespmem:$0x1D700] =	vst v63  }
.LBB2_34:
.Ltmp25:
0x3bc: {  	(pc) =	sbr.rel @p0 .LBB2_36-.Ltmp25, $1  }
0x3bd: {  	_ =	sdelay $0x3  }
0x3be: {  	p0 =	slt.s32 s24, $0x1  }
0x3bf: {  	v4 =	vld @!p0 [tilespmem:$0x1B670];
	_ =	sdelay $0x3  }
0x3c0: {  	s0 =	simm.s32 @!p0 $0x10;
	p1 =	slt.u32 @!p0 s24, $0x2  }
0x3c1: {  	s1 =	simm.s32 @!p0 $0x1D2C0;
	s10 =	simm.s32 @!p0 $0x1D300;
	p2 =	por p1, p0;
	[tilespmem:$0x1D2C0] =	vst @!p0 v4  }
0x3c2: {  	[tilespmem:s10], [sflag:$0x3] =	stream.indirect.gather @!p0 [hbm4b:s2+s0], $0x10, s1, s0, $0xb8;
	[tilespmem:$0x1D700] =	vst v63  }
0x3c3: {  	v4 =	vld @!p2 [tilespmem:$0x1B680];
	_ =	sdelay $0x1  }
0x3c4: {  	p3 =	seq.s32 @!p2 s24, $0x2  }
0x3c5: {  	p4 =	por @!p0 p3, p1  }
0x3c6: {  	p4 =	por p4, p0  }
0x3c7: {  	s0 =	simm.s32 @!p2 $0x10;
	s1 =	simm.s32 @!p2 $0x1D2D0;
	s10 =	simm.s32 @!p2 $0x1D400;
	[tilespmem:$0x1D2D0] =	vst @!p2 v4  }
0x3c8: {  	[tilespmem:s10], [sflag:$0x4] =	stream.indirect.gather @!p2 [hbm4b:s2+s0], $0x10, s1, s0, $0xb8;
	[tilespmem:$0x1D700] =	vst v63  }
0x3c9: {  	v4 =	vld @!p4 [tilespmem:$0x1B690];
	_ =	sdelay $0x4  }
0x3ca: {  	s0 =	simm.s32 @!p4 $0x10;
	s1 =	simm.s32 @!p4 $0x1D2E0;
	s10 =	simm.s32 @!p4 $0x1D500;
	[tilespmem:$0x1D2E0] =	vst @!p4 v4  }
0x3cb: {  	[tilespmem:s10], [sflag:$0x5] =	stream.indirect.gather @!p4 [hbm4b:s2+s0], $0x10, s1, s0, $0xb8;
	[tilespmem:$0x1D700] =	vst v63  }
0x3cc: {  	p4 =	slt.u32 @!p4 s24, $0x4  }
0x3cd: {  	p2 =	por @!p2 p4, p3  }
0x3ce: {  	p1 =	por @!p0 p2, p1  }
0x3cf: {  	p0 =	por p1, p0  }
0x3d0: {  	v4 =	vld @!p0 [tilespmem:$0x1B6A0];
	_ =	sdelay $0x1  }
.Ltmp26:
0x3d1: {  	_ = 	snop;
	(pc) =	sbr.rel .LBB2_36-.Ltmp26, $3  }
0x3d2: {  	_ =	sdelay $0x1  }
0x3d3: {  	s0 =	simm.s32 @!p0 $0x10;
	s1 =	simm.s32 @!p0 $0x1D2F0;
	s10 =	simm.s32 @!p0 $0x1D600;
	[tilespmem:$0x1D2F0] =	vst @!p0 v4  }
0x3d4: {  	[tilespmem:s10], [sflag:$0x6] =	stream.indirect.gather @!p0 [hbm4b:s2+s0], $0x10, s1, s0, $0xb8;
	[tilespmem:$0x1D700] =	vst v63  }
.LBB2_38:
0x3d5: {  	_ =	sfence.sel $0x180000  }
0x3d6: {  	[bflag:$0x0] =	sbarrier.arrive $0xFFFF  }
0x3d7: {  	_ =	strace $0x90000047  }
0x3d8: {  	s0 =	stileid.u32;
	[bflag:$0x2] =	sbarrier.arrive $0xFFFF  }
0x3d9: {  	p0 =	sne.s32 s0, $0x0;
	s0 =	rddreg [dreg:$0x2]  }
0x3da: {  	s0 =	sadd.s32 @!p0 $0x100000, s0  }
0x3db: {  	[sflag:s0] =	ssyncadd.tile.s32 @!p0 $0x1;
	_ =	shalt  }
.Lfunc_end2:
_tile_overlayer_lowered:
.L_overlay_start_2:
0x3dc: {  	(tag) =	ssettag $0x2  }
0x3dd: {  	s0 =	rddreg [dreg:$0x0];
	s2 =	stileid.u32  }
0x3de: {  	s1 =	rddreg [dreg:$0x1];
	p0 =	sne.s32 s2, $0x0  }
0x3df: {  	s3 =	rddreg [dreg:$0x2];
	[bflag:$0x3] =	sbarrier.arrive $0xFFFF;
	s2 =	simm.s32 @!p0 $0x1C07  }
0x3e0: {  	[timem:s3], [sflag:s2] =	dma.local @!p0 [hbm:s0], s1  }
0x3e1: {  	s0 =	simm.s32 @!p0 $0x7  }
0x3e2: {  	_ =	swait.ge @!p0 [sflag:s0], s1  }
0x3e3: {  	s1 =	ssub.s32 @!p0 $0x0, s1;
	[sflag:s0] =	ssyncset.done @!p0 $0x0  }
0x3e4: {  	[sflag:s0] =	ssyncadd.s32 @!p0 s1  }
0x3e5: {  	[bflag:$0x3] =	sbarrier.arrive $0xFFFF  }
0x3e6: {  	_ =	shalt  }

</sc_bundles>
